<compile_context>
chip_gen: v7x
topology: tpu7x:2x2x1
jax: 0.10.2.dev20260603
libtpu: 0.0.44.dev20260713+nightly
codegen_flags: <defaults>
</compile_context>

<pallas_src>
import jax
import jax.numpy as jnp
from jax import lax
from jax.experimental import pallas as pl
from jax.experimental.pallas import tpu as pltpu
from jax.experimental.pallas import tpu_sc as plsc

L = 16
D = 64
HW = 256
NTOK = HW + 1
EPS = 1e-5
NW = 32
BPW = 128


def _sc_body(cio, dirr, oT, cT, sT, dirtabT, out,
             oT_v, cT_v, sT_v, dirtabT_v, oct_v, strep, dirb, pidx2,
             outb, osem0, osem1):
    ix = lax.iota(jnp.int32, L)
    wid = lax.axis_index("s") * 2 + lax.axis_index("c")
    base_b = wid * BPW

    def full(x):
        return jnp.full((L,), x, dtype=jnp.int32)

    pltpu.sync_copy(oT, oT_v)
    pltpu.sync_copy(cT, cT_v)
    pltpu.sync_copy(sT, sT_v)
    pltpu.sync_copy(dirtabT, dirtabT_v)
    pltpu.sync_copy(dirr.at[pl.ds(base_b, BPW)], dirb)
    pltpu.sync_copy(cio.at[:, pl.ds(base_b, BPW)], pidx2)

    def build_oct(f, carry):
        cv = plsc.load_gather(cT_v, [f * 16 + ix])
        for i0 in range(16):
            osc = plsc.load_gather(oT_v, [full(f * 16 + i0)])
            plsc.store_scatter(oct_v, [f * 256 + i0 * 16 + ix], osc + cv)
        return carry
    lax.fori_loop(0, D, build_oct, 0)

    def build_strep(f, carry):
        sv = plsc.load_gather(sT_v, [f * 16 + ix])
        for r in range(16):
            plsc.store_scatter(strep, [full(f * 256 + r) + ix * 16], sv)
        return carry
    lax.fori_loop(0, D, build_strep, 0)

    def pos_step(it, carry):
        for k, osem in ((0, osem0), (1, osem1)):
            p = 2 * it + k
            koff = k * (D * BPW)

            @pl.when(jnp.logical_and(it >= 1, p - 2 < NTOK))
            def _wait_out():
                pltpu.make_async_copy(
                    outb.at[pl.ds(koff, D * BPW)],
                    out.at[pl.ds(((p - 2) * NW + wid) * (D * BPW), D * BPW)],
                    osem).wait()

            @pl.when(p < HW)
            def _tokens():
                pks = [plsc.load_gather(pidx2, [full(p), bg * L + ix])
                       for bg in range(8)]
                cis = [pk & 255 for pk in pks]
                sbs = [lax.shift_right_logical(pk, 8) * 16 + ix for pk in pks]

                def feat(fi, c2):
                    for u in range(8):
                        fo = fi * 8 + u
                        fo256 = full(fo * 256)
                        for bg in range(8):
                            x = (plsc.load_gather(oct_v, [fo256 + cis[bg]])
                                 + plsc.load_gather(strep, [fo256 + sbs[bg]]))
                            outb[pl.ds(koff + fo * BPW + bg * L, L)] = x
                    return c2
                lax.fori_loop(0, D // 8, feat, 0)

            @pl.when(p == HW)
            def _dir_row():
                dgs = [plsc.load_gather(dirb, [bg * L + ix])
                       for bg in range(8)]

                def featd(fi, c2):
                    for u in range(4):
                        fo = fi * 4 + u
                        fo4 = full(fo * 4)
                        for bg in range(8):
                            x = plsc.load_gather(dirtabT_v, [fo4 + dgs[bg]])
                            outb[pl.ds(koff + fo * BPW + bg * L, L)] = x
                    return c2
                lax.fori_loop(0, D // 4, featd, 0)

            @pl.when(p < NTOK)
            def _flush():
                pltpu.async_copy(
                    outb.at[pl.ds(koff, D * BPW)],
                    out.at[pl.ds((p * NW + wid) * (D * BPW), D * BPW)],
                    osem)
        return carry

    lax.fori_loop(0, (NTOK + 1) // 2 + 1, pos_step, 0)


def _tc_body(x_ref, pos_ref, g_ref, b_ref, o_ref):
    v = x_ref[...].reshape(NW, D, BPW)
    pos = pos_ref[...]
    v = v + pos.reshape(1, D, 1)
    m = jnp.mean(v, axis=1, keepdims=True)
    var = jnp.mean(v * v, axis=1, keepdims=True) - m * m
    y = (v - m) * lax.rsqrt(var + EPS)
    y = y * g_ref[...].reshape(1, D, 1) + b_ref[...].reshape(1, D, 1)
    o_ref[...] = jnp.transpose(y, (1, 0, 2)).reshape(1, D, NW * BPW)


def kernel(image, direction, object_tab, color_tab, state_tab, direction_tab,
           position_tab, ln_gamma, ln_beta):
    b, h, w, _ = image.shape
    f32 = jnp.float32
    im = image.astype(jnp.int32)
    cio = (im[..., 0] * 16 + im[..., 1] + im[..., 2] * 256)
    cio = cio.reshape(b, h * w).T
    d_i = jnp.clip(direction.astype(jnp.int32), 0, 3)

    mesh = plsc.VectorSubcoreMesh(core_axis_name="c", subcore_axis_name="s",
                                  num_cores=2, num_subcores=16)
    sc = pl.kernel(
        _sc_body,
        out_type=jax.ShapeDtypeStruct((NTOK * NW * D * BPW,), f32),
        mesh=mesh,
        compiler_params=pltpu.CompilerParams(needs_layout_passes=False),
        scratch_types=[
            pltpu.VMEM((D * 16,), f32),
            pltpu.VMEM((D * 16,), f32),
            pltpu.VMEM((D * 16,), f32),
            pltpu.VMEM((D * 4,), f32),
            pltpu.VMEM((D * 256,), f32),
            pltpu.VMEM((D * 256,), f32),
            pltpu.VMEM((BPW,), jnp.int32),
            pltpu.VMEM((HW, BPW), jnp.int32),
            pltpu.VMEM((2 * D * BPW,), f32),
            pltpu.SemaphoreType.DMA,
            pltpu.SemaphoreType.DMA,
        ],
    )
    tok = sc(cio, d_i,
             object_tab.T.reshape(-1), color_tab.T.reshape(-1),
             state_tab.T.reshape(-1), direction_tab.T.reshape(-1))

    ln = pl.pallas_call(
        _tc_body,
        grid=(NTOK,),
        in_specs=[
            pl.BlockSpec((NW * D * BPW,), lambda i: (i,)),
            pl.BlockSpec((1, 1, D), lambda i: (i, 0, 0)),
            pl.BlockSpec((1, D), lambda i: (0, 0)),
            pl.BlockSpec((1, D), lambda i: (0, 0)),
        ],
        out_specs=pl.BlockSpec((1, D, NW * BPW), lambda i: (i, 0, 0)),
        out_shape=jax.ShapeDtypeStruct((NTOK, D, b), f32),
    )(tok, position_tab.reshape(NTOK, 1, D),
      ln_gamma.reshape(1, D), ln_beta.reshape(1, D))

    return jnp.transpose(ln, (2, 0, 1))

# --- scband reference (transcript-rebuilt; emitter-appended) ---
"""Pipeline reference for scband-mini-grid-token-encoder-21406117003480 (READ-ONLY COPY).

The authoritative reference and input builder live on the scoring server;
editing this copy changes nothing except your own understanding.
"""

import jax, jax.numpy as jnp
import numpy as np

B, H, W = 4096, 16, 16
D = 64
MAX_TOKENS = H * W + 1


def setup_inputs(seed: int = 0) -> dict:
    key = jax.random.key(seed)
    ks = jax.random.split(key, 10)
    image = jax.random.randint(ks[0], (B, H, W, 3), 0, 16, dtype=jnp.int64) if jax.config.jax_enable_x64 else jax.random.randint(ks[0], (B, H, W, 3), 0, 16, dtype=jnp.int32)
    direction = jax.random.randint(ks[1], (B,), 0, 4, dtype=jnp.int32)
    object_tab = jax.random.normal(ks[2], (16, D), dtype=jnp.float32) * 0.02
    color_tab = jax.random.normal(ks[3], (16, D), dtype=jnp.float32) * 0.02
    state_tab = jax.random.normal(ks[4], (16, D), dtype=jnp.float32) * 0.02
    direction_tab = jax.random.normal(ks[5], (4, D), dtype=jnp.float32) * 0.02
    position_tab = jax.random.normal(ks[6], (MAX_TOKENS, D), dtype=jnp.float32) * 0.02
    ln_gamma = jnp.ones((D,), dtype=jnp.float32)
    ln_beta = jnp.zeros((D,), dtype=jnp.float32)
    return {
        "image": image,
        "direction": direction,
        "object_tab": object_tab,
        "color_tab": color_tab,
        "state_tab": state_tab,
        "direction_tab": direction_tab,
        "position_tab": position_tab,
        "ln_gamma": ln_gamma,
        "ln_beta": ln_beta,
    }


def _layernorm(x, gamma, beta, eps=1e-5):
    mean = jnp.mean(x, axis=-1, keepdims=True)
    var = jnp.var(x, axis=-1, keepdims=True)
    return (x - mean) / jnp.sqrt(var + eps) * gamma + beta


def reference(image, direction, object_tab, color_tab, state_tab, direction_tab, position_tab, ln_gamma, ln_beta):
    image = image.astype(jnp.int32)
    bsz = image.shape[0]
    h, w = image.shape[1], image.shape[2]
    tokens = (jnp.take(object_tab, image[..., 0], axis=0)
              + jnp.take(color_tab, image[..., 1], axis=0)
              + jnp.take(state_tab, image[..., 2], axis=0))
    tokens = tokens.reshape(bsz, h * w, -1)
    positions = jnp.arange(h * w)
    tokens = tokens + jnp.take(position_tab, positions, axis=0)[None, :, :]
    d = jnp.clip(direction.astype(jnp.int32), 0, 3)
    last_pos = jnp.full((bsz,), h * w, dtype=jnp.int32)
    direction_token = jnp.take(direction_tab, d, axis=0) + jnp.take(position_tab, last_pos, axis=0)
    direction_token = direction_token[:, None, :]
    out = jnp.concatenate([tokens, direction_token], axis=1)
    return _layernorm(out, ln_gamma, ln_beta)

if __name__ == "__main__":
    import jax
    _d = setup_inputs()
    print(jax.jit(kernel)(*tuple(_d.values())))

</pallas_src>

<mosaic_0001>
#map = affine_map<(d0, d1) -> (0, 0)>
#map1 = affine_map<(d0, d1) -> (0)>
module attributes {stable_mosaic.version = 14 : i64} {
  func.func @_sc_body(%arg0: i32, %arg1: i32, %arg2: memref<256x4096xi32, #tpu.memory_space<hbm>>, %arg3: memref<4096xi32, #tpu.memory_space<hbm>>, %arg4: memref<1024xf32, #tpu.memory_space<hbm>>, %arg5: memref<1024xf32, #tpu.memory_space<hbm>>, %arg6: memref<1024xf32, #tpu.memory_space<hbm>>, %arg7: memref<256xf32, #tpu.memory_space<hbm>>, %arg8: memref<67371008xf32, #tpu.memory_space<hbm>>, %arg9: memref<1024xf32, #tpu.memory_space<vmem>>, %arg10: memref<1024xf32, #tpu.memory_space<vmem>>, %arg11: memref<1024xf32, #tpu.memory_space<vmem>>, %arg12: memref<256xf32, #tpu.memory_space<vmem>>, %arg13: memref<16384xf32, #tpu.memory_space<vmem>>, %arg14: memref<16384xf32, #tpu.memory_space<vmem>>, %arg15: memref<128xi32, #tpu.memory_space<vmem>>, %arg16: memref<256x128xi32, #tpu.memory_space<vmem>>, %arg17: memref<16384xf32, #tpu.memory_space<vmem>>, %arg18: memref<!tpu.dma_semaphore, #tpu.memory_space<semaphore_mem>>, %arg19: memref<!tpu.dma_semaphore, #tpu.memory_space<semaphore_mem>>) attributes {dimension_semantics = [#tpu.dimension_semantics<core_parallel>, #tpu.dimension_semantics<subcore_parallel>], iteration_bounds = array<i64: 2, 16>, scalar_prefetch = 0 : i64, scratch_operands = 11 : i64, tpu.core_type = #tpu.core_type<sc_vector_subcore>, window_params = [{transform_indices = #map}, {transform_indices = #map1}, {transform_indices = #map1}, {transform_indices = #map1}, {transform_indices = #map1}, {transform_indices = #map1}, {transform_indices = #map1}]} {
    %iota3A = tpu.iota {dimensions = array<i32: 0>} : vector<16xi32>
    %mul3A = arith.constant 2 : i32
    %mul3A_0 = arith.muli %arg1, %mul3A : i32
    %add3A = arith.addi %mul3A_0, %arg0 : i32
    %mul3A_1 = arith.constant 128 : i32
    %mul3A_2 = arith.muli %add3A, %mul3A_1 : i32
    "tpu.region"() ({
      %run_scoped3A = tpu.sem_alloc : memref<!tpu.dma_semaphore, #tpu.memory_space<semaphore_mem>>
      tpu.enqueue_dma source(%arg4 : memref<1024xf32, #tpu.memory_space<hbm>>) target(%arg9 : memref<1024xf32, #tpu.memory_space<vmem>>) target_semaphore(%run_scoped3A : memref<!tpu.dma_semaphore, #tpu.memory_space<semaphore_mem>>)
      tpu.wait_dma2 semaphore(%run_scoped3A : memref<!tpu.dma_semaphore, #tpu.memory_space<semaphore_mem>>) src(%arg4 : memref<1024xf32, #tpu.memory_space<hbm>>) dst(%arg9 : memref<1024xf32, #tpu.memory_space<vmem>>)
      tpu.yield
    }) : () -> ()
    "tpu.region"() ({
      %run_scoped3A = tpu.sem_alloc : memref<!tpu.dma_semaphore, #tpu.memory_space<semaphore_mem>>
      tpu.enqueue_dma source(%arg5 : memref<1024xf32, #tpu.memory_space<hbm>>) target(%arg10 : memref<1024xf32, #tpu.memory_space<vmem>>) target_semaphore(%run_scoped3A : memref<!tpu.dma_semaphore, #tpu.memory_space<semaphore_mem>>)
      tpu.wait_dma2 semaphore(%run_scoped3A : memref<!tpu.dma_semaphore, #tpu.memory_space<semaphore_mem>>) src(%arg5 : memref<1024xf32, #tpu.memory_space<hbm>>) dst(%arg10 : memref<1024xf32, #tpu.memory_space<vmem>>)
      tpu.yield
    }) : () -> ()
    "tpu.region"() ({
      %run_scoped3A = tpu.sem_alloc : memref<!tpu.dma_semaphore, #tpu.memory_space<semaphore_mem>>
      tpu.enqueue_dma source(%arg6 : memref<1024xf32, #tpu.memory_space<hbm>>) target(%arg11 : memref<1024xf32, #tpu.memory_space<vmem>>) target_semaphore(%run_scoped3A : memref<!tpu.dma_semaphore, #tpu.memory_space<semaphore_mem>>)
      tpu.wait_dma2 semaphore(%run_scoped3A : memref<!tpu.dma_semaphore, #tpu.memory_space<semaphore_mem>>) src(%arg6 : memref<1024xf32, #tpu.memory_space<hbm>>) dst(%arg11 : memref<1024xf32, #tpu.memory_space<vmem>>)
      tpu.yield
    }) : () -> ()
    "tpu.region"() ({
      %run_scoped3A = tpu.sem_alloc : memref<!tpu.dma_semaphore, #tpu.memory_space<semaphore_mem>>
      tpu.enqueue_dma source(%arg7 : memref<256xf32, #tpu.memory_space<hbm>>) target(%arg12 : memref<256xf32, #tpu.memory_space<vmem>>) target_semaphore(%run_scoped3A : memref<!tpu.dma_semaphore, #tpu.memory_space<semaphore_mem>>)
      tpu.wait_dma2 semaphore(%run_scoped3A : memref<!tpu.dma_semaphore, #tpu.memory_space<semaphore_mem>>) src(%arg7 : memref<256xf32, #tpu.memory_space<hbm>>) dst(%arg12 : memref<256xf32, #tpu.memory_space<vmem>>)
      tpu.yield
    }) : () -> ()
    "tpu.region"() ({
      %run_scoped3A = tpu.sem_alloc : memref<!tpu.dma_semaphore, #tpu.memory_space<semaphore_mem>>
      %dma_start3A = tpu.memref_slice %arg3[%mul3A_2] : memref<4096xi32, #tpu.memory_space<hbm>> -> memref<128xi32, #tpu.memory_space<hbm>>
      %dma_start3A_20 = tpu.memref_slice %arg3[%mul3A_2] : memref<4096xi32, #tpu.memory_space<hbm>> -> memref<128xi32, #tpu.memory_space<hbm>>
      tpu.enqueue_dma source(%dma_start3A_20 : memref<128xi32, #tpu.memory_space<hbm>>) target(%arg15 : memref<128xi32, #tpu.memory_space<vmem>>) target_semaphore(%run_scoped3A : memref<!tpu.dma_semaphore, #tpu.memory_space<semaphore_mem>>)
      %dma_wait3A = tpu.memref_slice %arg3[%mul3A_2] : memref<4096xi32, #tpu.memory_space<hbm>> -> memref<128xi32, #tpu.memory_space<hbm>>
      %dma_wait3A_21 = tpu.memref_slice %arg3[%mul3A_2] : memref<4096xi32, #tpu.memory_space<hbm>> -> memref<128xi32, #tpu.memory_space<hbm>>
      tpu.wait_dma2 semaphore(%run_scoped3A : memref<!tpu.dma_semaphore, #tpu.memory_space<semaphore_mem>>) src(%dma_wait3A_21 : memref<128xi32, #tpu.memory_space<hbm>>) dst(%arg15 : memref<128xi32, #tpu.memory_space<vmem>>)
      tpu.yield
    }) : () -> ()
    "tpu.region"() ({
      %run_scoped3A = tpu.sem_alloc : memref<!tpu.dma_semaphore, #tpu.memory_space<semaphore_mem>>
      %dma_start3A = arith.constant 0 : i32
      %dma_start3A_20 = tpu.memref_slice %arg2[%dma_start3A, %mul3A_2] : memref<256x4096xi32, #tpu.memory_space<hbm>> -> memref<256x128xi32, #tpu.memory_space<hbm>>
      %dma_start3A_21 = arith.constant 0 : i32
      %dma_start3A_22 = tpu.memref_slice %arg2[%dma_start3A_21, %mul3A_2] : memref<256x4096xi32, #tpu.memory_space<hbm>> -> memref<256x128xi32, #tpu.memory_space<hbm>>
      tpu.enqueue_dma source(%dma_start3A_22 : memref<256x128xi32, #tpu.memory_space<hbm>>) target(%arg16 : memref<256x128xi32, #tpu.memory_space<vmem>>) target_semaphore(%run_scoped3A : memref<!tpu.dma_semaphore, #tpu.memory_space<semaphore_mem>>)
      %dma_wait3A = arith.constant 0 : i32
      %dma_wait3A_23 = tpu.memref_slice %arg2[%dma_wait3A, %mul3A_2] : memref<256x4096xi32, #tpu.memory_space<hbm>> -> memref<256x128xi32, #tpu.memory_space<hbm>>
      %dma_wait3A_24 = arith.constant 0 : i32
      %dma_wait3A_25 = tpu.memref_slice %arg2[%dma_wait3A_24, %mul3A_2] : memref<256x4096xi32, #tpu.memory_space<hbm>> -> memref<256x128xi32, #tpu.memory_space<hbm>>
      tpu.wait_dma2 semaphore(%run_scoped3A : memref<!tpu.dma_semaphore, #tpu.memory_space<semaphore_mem>>) src(%dma_wait3A_25 : memref<256x128xi32, #tpu.memory_space<hbm>>) dst(%arg16 : memref<256x128xi32, #tpu.memory_space<vmem>>)
      tpu.yield
    }) : () -> ()
    %scan3A = arith.constant 0 : i32
    %scan3A_3 = arith.constant 0 : i32
    %scan3A_4 = arith.constant 64 : i32
    %scan3A_5 = arith.addi %scan3A_3, %scan3A_4 : i32
    %scan3A_6 = arith.constant 1 : i32
    scf.for %scan3A_20 = %scan3A_3 to %scan3A_5 step %scan3A_6  : i32 {
      %mul3A_21 = arith.constant 16 : i32
      %mul3A_22 = arith.muli %scan3A_20, %mul3A_21 : i32
      %add3A_23 = vector.broadcast %mul3A_22 : i32 to vector<16xi32>
      %add3A_24 = arith.addi %add3A_23, %iota3A : vector<16xi32>
      %gather3A = tpu.vector_load_idx %arg10[%add3A_24] : memref<1024xf32, #tpu.memory_space<vmem>>[vector<16xi32>], vector<16xf32>,
      %mul3A_25 = arith.constant 16 : i32
      %mul3A_26 = arith.muli %scan3A_20, %mul3A_25 : i32
      %add3A_27 = arith.constant 0 : i32
      %add3A_28 = arith.addi %mul3A_26, %add3A_27 : i32
      %broadcast_in_dim3A = vector.broadcast %add3A_28 : i32 to vector<16xi32>
      %gather3A_29 = tpu.vector_load_idx %arg9[%broadcast_in_dim3A] : memref<1024xf32, #tpu.memory_space<vmem>>[vector<16xi32>], vector<16xf32>,
      %mul3A_30 = arith.constant 256 : i32
      %mul3A_31 = arith.muli %scan3A_20, %mul3A_30 : i32
      %add3A_32 = arith.constant 0 : i32
      %add3A_33 = arith.addi %mul3A_31, %add3A_32 : i32
      %add3A_34 = vector.broadcast %add3A_33 : i32 to vector<16xi32>
      %add3A_35 = arith.addi %add3A_34, %iota3A : vector<16xi32>
      %add3A_36 = arith.addf %gather3A_29, %gather3A : vector<16xf32>
      tpu.vector_store_idx %arg13[%add3A_35], %add3A_36 : memref<16384xf32, #tpu.memory_space<vmem>>[vector<16xi32>], vector<16xf32>,
      %mul3A_37 = arith.constant 16 : i32
      %mul3A_38 = arith.muli %scan3A_20, %mul3A_37 : i32
      %add3A_39 = arith.constant 1 : i32
      %add3A_40 = arith.addi %mul3A_38, %add3A_39 : i32
      %broadcast_in_dim3A_41 = vector.broadcast %add3A_40 : i32 to vector<16xi32>
      %gather3A_42 = tpu.vector_load_idx %arg9[%broadcast_in_dim3A_41] : memref<1024xf32, #tpu.memory_space<vmem>>[vector<16xi32>], vector<16xf32>,
      %mul3A_43 = arith.constant 256 : i32
      %mul3A_44 = arith.muli %scan3A_20, %mul3A_43 : i32
      %add3A_45 = arith.constant 16 : i32
      %add3A_46 = arith.addi %mul3A_44, %add3A_45 : i32
      %add3A_47 = vector.broadcast %add3A_46 : i32 to vector<16xi32>
      %add3A_48 = arith.addi %add3A_47, %iota3A : vector<16xi32>
      %add3A_49 = arith.addf %gather3A_42, %gather3A : vector<16xf32>
      tpu.vector_store_idx %arg13[%add3A_48], %add3A_49 : memref<16384xf32, #tpu.memory_space<vmem>>[vector<16xi32>], vector<16xf32>,
      %mul3A_50 = arith.constant 16 : i32
      %mul3A_51 = arith.muli %scan3A_20, %mul3A_50 : i32
      %add3A_52 = arith.constant 2 : i32
      %add3A_53 = arith.addi %mul3A_51, %add3A_52 : i32
      %broadcast_in_dim3A_54 = vector.broadcast %add3A_53 : i32 to vector<16xi32>
      %gather3A_55 = tpu.vector_load_idx %arg9[%broadcast_in_dim3A_54] : memref<1024xf32, #tpu.memory_space<vmem>>[vector<16xi32>], vector<16xf32>,
      %mul3A_56 = arith.constant 256 : i32
      %mul3A_57 = arith.muli %scan3A_20, %mul3A_56 : i32
      %add3A_58 = arith.constant 32 : i32
      %add3A_59 = arith.addi %mul3A_57, %add3A_58 : i32
      %add3A_60 = vector.broadcast %add3A_59 : i32 to vector<16xi32>
      %add3A_61 = arith.addi %add3A_60, %iota3A : vector<16xi32>
      %add3A_62 = arith.addf %gather3A_55, %gather3A : vector<16xf32>
      tpu.vector_store_idx %arg13[%add3A_61], %add3A_62 : memref<16384xf32, #tpu.memory_space<vmem>>[vector<16xi32>], vector<16xf32>,
      %mul3A_63 = arith.constant 16 : i32
      %mul3A_64 = arith.muli %scan3A_20, %mul3A_63 : i32
      %add3A_65 = arith.constant 3 : i32
      %add3A_66 = arith.addi %mul3A_64, %add3A_65 : i32
      %broadcast_in_dim3A_67 = vector.broadcast %add3A_66 : i32 to vector<16xi32>
      %gather3A_68 = tpu.vector_load_idx %arg9[%broadcast_in_dim3A_67] : memref<1024xf32, #tpu.memory_space<vmem>>[vector<16xi32>], vector<16xf32>,
      %mul3A_69 = arith.constant 256 : i32
      %mul3A_70 = arith.muli %scan3A_20, %mul3A_69 : i32
      %add3A_71 = arith.constant 48 : i32
      %add3A_72 = arith.addi %mul3A_70, %add3A_71 : i32
      %add3A_73 = vector.broadcast %add3A_72 : i32 to vector<16xi32>
      %add3A_74 = arith.addi %add3A_73, %iota3A : vector<16xi32>
      %add3A_75 = arith.addf %gather3A_68, %gather3A : vector<16xf32>
      tpu.vector_store_idx %arg13[%add3A_74], %add3A_75 : memref<16384xf32, #tpu.memory_space<vmem>>[vector<16xi32>], vector<16xf32>,
      %mul3A_76 = arith.constant 16 : i32
      %mul3A_77 = arith.muli %scan3A_20, %mul3A_76 : i32
      %add3A_78 = arith.constant 4 : i32
      %add3A_79 = arith.addi %mul3A_77, %add3A_78 : i32
      %broadcast_in_dim3A_80 = vector.broadcast %add3A_79 : i32 to vector<16xi32>
      %gather3A_81 = tpu.vector_load_idx %arg9[%broadcast_in_dim3A_80] : memref<1024xf32, #tpu.memory_space<vmem>>[vector<16xi32>], vector<16xf32>,
      %mul3A_82 = arith.constant 256 : i32
      %mul3A_83 = arith.muli %scan3A_20, %mul3A_82 : i32
      %add3A_84 = arith.constant 64 : i32
      %add3A_85 = arith.addi %mul3A_83, %add3A_84 : i32
      %add3A_86 = vector.broadcast %add3A_85 : i32 to vector<16xi32>
      %add3A_87 = arith.addi %add3A_86, %iota3A : vector<16xi32>
      %add3A_88 = arith.addf %gather3A_81, %gather3A : vector<16xf32>
      tpu.vector_store_idx %arg13[%add3A_87], %add3A_88 : memref<16384xf32, #tpu.memory_space<vmem>>[vector<16xi32>], vector<16xf32>,
      %mul3A_89 = arith.constant 16 : i32
      %mul3A_90 = arith.muli %scan3A_20, %mul3A_89 : i32
      %add3A_91 = arith.constant 5 : i32
      %add3A_92 = arith.addi %mul3A_90, %add3A_91 : i32
      %broadcast_in_dim3A_93 = vector.broadcast %add3A_92 : i32 to vector<16xi32>
      %gather3A_94 = tpu.vector_load_idx %arg9[%broadcast_in_dim3A_93] : memref<1024xf32, #tpu.memory_space<vmem>>[vector<16xi32>], vector<16xf32>,
      %mul3A_95 = arith.constant 256 : i32
      %mul3A_96 = arith.muli %scan3A_20, %mul3A_95 : i32
      %add3A_97 = arith.constant 80 : i32
      %add3A_98 = arith.addi %mul3A_96, %add3A_97 : i32
      %add3A_99 = vector.broadcast %add3A_98 : i32 to vector<16xi32>
      %add3A_100 = arith.addi %add3A_99, %iota3A : vector<16xi32>
      %add3A_101 = arith.addf %gather3A_94, %gather3A : vector<16xf32>
      tpu.vector_store_idx %arg13[%add3A_100], %add3A_101 : memref<16384xf32, #tpu.memory_space<vmem>>[vector<16xi32>], vector<16xf32>,
      %mul3A_102 = arith.constant 16 : i32
      %mul3A_103 = arith.muli %scan3A_20, %mul3A_102 : i32
      %add3A_104 = arith.constant 6 : i32
      %add3A_105 = arith.addi %mul3A_103, %add3A_104 : i32
      %broadcast_in_dim3A_106 = vector.broadcast %add3A_105 : i32 to vector<16xi32>
      %gather3A_107 = tpu.vector_load_idx %arg9[%broadcast_in_dim3A_106] : memref<1024xf32, #tpu.memory_space<vmem>>[vector<16xi32>], vector<16xf32>,
      %mul3A_108 = arith.constant 256 : i32
      %mul3A_109 = arith.muli %scan3A_20, %mul3A_108 : i32
      %add3A_110 = arith.constant 96 : i32
      %add3A_111 = arith.addi %mul3A_109, %add3A_110 : i32
      %add3A_112 = vector.broadcast %add3A_111 : i32 to vector<16xi32>
      %add3A_113 = arith.addi %add3A_112, %iota3A : vector<16xi32>
      %add3A_114 = arith.addf %gather3A_107, %gather3A : vector<16xf32>
      tpu.vector_store_idx %arg13[%add3A_113], %add3A_114 : memref<16384xf32, #tpu.memory_space<vmem>>[vector<16xi32>], vector<16xf32>,
      %mul3A_115 = arith.constant 16 : i32
      %mul3A_116 = arith.muli %scan3A_20, %mul3A_115 : i32
      %add3A_117 = arith.constant 7 : i32
      %add3A_118 = arith.addi %mul3A_116, %add3A_117 : i32
      %broadcast_in_dim3A_119 = vector.broadcast %add3A_118 : i32 to vector<16xi32>
      %gather3A_120 = tpu.vector_load_idx %arg9[%broadcast_in_dim3A_119] : memref<1024xf32, #tpu.memory_space<vmem>>[vector<16xi32>], vector<16xf32>,
      %mul3A_121 = arith.constant 256 : i32
      %mul3A_122 = arith.muli %scan3A_20, %mul3A_121 : i32
      %add3A_123 = arith.constant 112 : i32
      %add3A_124 = arith.addi %mul3A_122, %add3A_123 : i32
      %add3A_125 = vector.broadcast %add3A_124 : i32 to vector<16xi32>
      %add3A_126 = arith.addi %add3A_125, %iota3A : vector<16xi32>
      %add3A_127 = arith.addf %gather3A_120, %gather3A : vector<16xf32>
      tpu.vector_store_idx %arg13[%add3A_126], %add3A_127 : memref<16384xf32, #tpu.memory_space<vmem>>[vector<16xi32>], vector<16xf32>,
      %mul3A_128 = arith.constant 16 : i32
      %mul3A_129 = arith.muli %scan3A_20, %mul3A_128 : i32
      %add3A_130 = arith.constant 8 : i32
      %add3A_131 = arith.addi %mul3A_129, %add3A_130 : i32
      %broadcast_in_dim3A_132 = vector.broadcast %add3A_131 : i32 to vector<16xi32>
      %gather3A_133 = tpu.vector_load_idx %arg9[%broadcast_in_dim3A_132] : memref<1024xf32, #tpu.memory_space<vmem>>[vector<16xi32>], vector<16xf32>,
      %mul3A_134 = arith.constant 256 : i32
      %mul3A_135 = arith.muli %scan3A_20, %mul3A_134 : i32
      %add3A_136 = arith.constant 128 : i32
      %add3A_137 = arith.addi %mul3A_135, %add3A_136 : i32
      %add3A_138 = vector.broadcast %add3A_137 : i32 to vector<16xi32>
      %add3A_139 = arith.addi %add3A_138, %iota3A : vector<16xi32>
      %add3A_140 = arith.addf %gather3A_133, %gather3A : vector<16xf32>
      tpu.vector_store_idx %arg13[%add3A_139], %add3A_140 : memref<16384xf32, #tpu.memory_space<vmem>>[vector<16xi32>], vector<16xf32>,
      %mul3A_141 = arith.constant 16 : i32
      %mul3A_142 = arith.muli %scan3A_20, %mul3A_141 : i32
      %add3A_143 = arith.constant 9 : i32
      %add3A_144 = arith.addi %mul3A_142, %add3A_143 : i32
      %broadcast_in_dim3A_145 = vector.broadcast %add3A_144 : i32 to vector<16xi32>
      %gather3A_146 = tpu.vector_load_idx %arg9[%broadcast_in_dim3A_145] : memref<1024xf32, #tpu.memory_space<vmem>>[vector<16xi32>], vector<16xf32>,
      %mul3A_147 = arith.constant 256 : i32
      %mul3A_148 = arith.muli %scan3A_20, %mul3A_147 : i32
      %add3A_149 = arith.constant 144 : i32
      %add3A_150 = arith.addi %mul3A_148, %add3A_149 : i32
      %add3A_151 = vector.broadcast %add3A_150 : i32 to vector<16xi32>
      %add3A_152 = arith.addi %add3A_151, %iota3A : vector<16xi32>
      %add3A_153 = arith.addf %gather3A_146, %gather3A : vector<16xf32>
      tpu.vector_store_idx %arg13[%add3A_152], %add3A_153 : memref<16384xf32, #tpu.memory_space<vmem>>[vector<16xi32>], vector<16xf32>,
      %mul3A_154 = arith.constant 16 : i32
      %mul3A_155 = arith.muli %scan3A_20, %mul3A_154 : i32
      %add3A_156 = arith.constant 10 : i32
      %add3A_157 = arith.addi %mul3A_155, %add3A_156 : i32
      %broadcast_in_dim3A_158 = vector.broadcast %add3A_157 : i32 to vector<16xi32>
      %gather3A_159 = tpu.vector_load_idx %arg9[%broadcast_in_dim3A_158] : memref<1024xf32, #tpu.memory_space<vmem>>[vector<16xi32>], vector<16xf32>,
      %mul3A_160 = arith.constant 256 : i32
      %mul3A_161 = arith.muli %scan3A_20, %mul3A_160 : i32
      %add3A_162 = arith.constant 160 : i32
      %add3A_163 = arith.addi %mul3A_161, %add3A_162 : i32
      %add3A_164 = vector.broadcast %add3A_163 : i32 to vector<16xi32>
      %add3A_165 = arith.addi %add3A_164, %iota3A : vector<16xi32>
      %add3A_166 = arith.addf %gather3A_159, %gather3A : vector<16xf32>
      tpu.vector_store_idx %arg13[%add3A_165], %add3A_166 : memref<16384xf32, #tpu.memory_space<vmem>>[vector<16xi32>], vector<16xf32>,
      %mul3A_167 = arith.constant 16 : i32
      %mul3A_168 = arith.muli %scan3A_20, %mul3A_167 : i32
      %add3A_169 = arith.constant 11 : i32
      %add3A_170 = arith.addi %mul3A_168, %add3A_169 : i32
      %broadcast_in_dim3A_171 = vector.broadcast %add3A_170 : i32 to vector<16xi32>
      %gather3A_172 = tpu.vector_load_idx %arg9[%broadcast_in_dim3A_171] : memref<1024xf32, #tpu.memory_space<vmem>>[vector<16xi32>], vector<16xf32>,
      %mul3A_173 = arith.constant 256 : i32
      %mul3A_174 = arith.muli %scan3A_20, %mul3A_173 : i32
      %add3A_175 = arith.constant 176 : i32
      %add3A_176 = arith.addi %mul3A_174, %add3A_175 : i32
      %add3A_177 = vector.broadcast %add3A_176 : i32 to vector<16xi32>
      %add3A_178 = arith.addi %add3A_177, %iota3A : vector<16xi32>
      %add3A_179 = arith.addf %gather3A_172, %gather3A : vector<16xf32>
      tpu.vector_store_idx %arg13[%add3A_178], %add3A_179 : memref<16384xf32, #tpu.memory_space<vmem>>[vector<16xi32>], vector<16xf32>,
      %mul3A_180 = arith.constant 16 : i32
      %mul3A_181 = arith.muli %scan3A_20, %mul3A_180 : i32
      %add3A_182 = arith.constant 12 : i32
      %add3A_183 = arith.addi %mul3A_181, %add3A_182 : i32
      %broadcast_in_dim3A_184 = vector.broadcast %add3A_183 : i32 to vector<16xi32>
      %gather3A_185 = tpu.vector_load_idx %arg9[%broadcast_in_dim3A_184] : memref<1024xf32, #tpu.memory_space<vmem>>[vector<16xi32>], vector<16xf32>,
      %mul3A_186 = arith.constant 256 : i32
      %mul3A_187 = arith.muli %scan3A_20, %mul3A_186 : i32
      %add3A_188 = arith.constant 192 : i32
      %add3A_189 = arith.addi %mul3A_187, %add3A_188 : i32
      %add3A_190 = vector.broadcast %add3A_189 : i32 to vector<16xi32>
      %add3A_191 = arith.addi %add3A_190, %iota3A : vector<16xi32>
      %add3A_192 = arith.addf %gather3A_185, %gather3A : vector<16xf32>
      tpu.vector_store_idx %arg13[%add3A_191], %add3A_192 : memref<16384xf32, #tpu.memory_space<vmem>>[vector<16xi32>], vector<16xf32>,
      %mul3A_193 = arith.constant 16 : i32
      %mul3A_194 = arith.muli %scan3A_20, %mul3A_193 : i32
      %add3A_195 = arith.constant 13 : i32
      %add3A_196 = arith.addi %mul3A_194, %add3A_195 : i32
      %broadcast_in_dim3A_197 = vector.broadcast %add3A_196 : i32 to vector<16xi32>
      %gather3A_198 = tpu.vector_load_idx %arg9[%broadcast_in_dim3A_197] : memref<1024xf32, #tpu.memory_space<vmem>>[vector<16xi32>], vector<16xf32>,
      %mul3A_199 = arith.constant 256 : i32
      %mul3A_200 = arith.muli %scan3A_20, %mul3A_199 : i32
      %add3A_201 = arith.constant 208 : i32
      %add3A_202 = arith.addi %mul3A_200, %add3A_201 : i32
      %add3A_203 = vector.broadcast %add3A_202 : i32 to vector<16xi32>
      %add3A_204 = arith.addi %add3A_203, %iota3A : vector<16xi32>
      %add3A_205 = arith.addf %gather3A_198, %gather3A : vector<16xf32>
      tpu.vector_store_idx %arg13[%add3A_204], %add3A_205 : memref<16384xf32, #tpu.memory_space<vmem>>[vector<16xi32>], vector<16xf32>,
      %mul3A_206 = arith.constant 16 : i32
      %mul3A_207 = arith.muli %scan3A_20, %mul3A_206 : i32
      %add3A_208 = arith.constant 14 : i32
      %add3A_209 = arith.addi %mul3A_207, %add3A_208 : i32
      %broadcast_in_dim3A_210 = vector.broadcast %add3A_209 : i32 to vector<16xi32>
      %gather3A_211 = tpu.vector_load_idx %arg9[%broadcast_in_dim3A_210] : memref<1024xf32, #tpu.memory_space<vmem>>[vector<16xi32>], vector<16xf32>,
      %mul3A_212 = arith.constant 256 : i32
      %mul3A_213 = arith.muli %scan3A_20, %mul3A_212 : i32
      %add3A_214 = arith.constant 224 : i32
      %add3A_215 = arith.addi %mul3A_213, %add3A_214 : i32
      %add3A_216 = vector.broadcast %add3A_215 : i32 to vector<16xi32>
      %add3A_217 = arith.addi %add3A_216, %iota3A : vector<16xi32>
      %add3A_218 = arith.addf %gather3A_211, %gather3A : vector<16xf32>
      tpu.vector_store_idx %arg13[%add3A_217], %add3A_218 : memref<16384xf32, #tpu.memory_space<vmem>>[vector<16xi32>], vector<16xf32>,
      %mul3A_219 = arith.constant 16 : i32
      %mul3A_220 = arith.muli %scan3A_20, %mul3A_219 : i32
      %add3A_221 = arith.constant 15 : i32
      %add3A_222 = arith.addi %mul3A_220, %add3A_221 : i32
      %broadcast_in_dim3A_223 = vector.broadcast %add3A_222 : i32 to vector<16xi32>
      %gather3A_224 = tpu.vector_load_idx %arg9[%broadcast_in_dim3A_223] : memref<1024xf32, #tpu.memory_space<vmem>>[vector<16xi32>], vector<16xf32>,
      %mul3A_225 = arith.constant 256 : i32
      %mul3A_226 = arith.muli %scan3A_20, %mul3A_225 : i32
      %add3A_227 = arith.constant 240 : i32
      %add3A_228 = arith.addi %mul3A_226, %add3A_227 : i32
      %add3A_229 = vector.broadcast %add3A_228 : i32 to vector<16xi32>
      %add3A_230 = arith.addi %add3A_229, %iota3A : vector<16xi32>
      %add3A_231 = arith.addf %gather3A_224, %gather3A : vector<16xf32>
      tpu.vector_store_idx %arg13[%add3A_230], %add3A_231 : memref<16384xf32, #tpu.memory_space<vmem>>[vector<16xi32>], vector<16xf32>,
    }
    %scan3A_7 = arith.constant 64 : i32
    %scan3A_8 = arith.constant 0 : i32
    %scan3A_9 = arith.constant 0 : i32
    %scan3A_10 = arith.constant 64 : i32
    %scan3A_11 = arith.addi %scan3A_9, %scan3A_10 : i32
    %scan3A_12 = arith.constant 1 : i32
    scf.for %scan3A_20 = %scan3A_9 to %scan3A_11 step %scan3A_12  : i32 {
      %mul3A_21 = arith.constant 16 : i32
      %mul3A_22 = arith.muli %scan3A_20, %mul3A_21 : i32
      %add3A_23 = vector.broadcast %mul3A_22 : i32 to vector<16xi32>
      %add3A_24 = arith.addi %add3A_23, %iota3A : vector<16xi32>
      %gather3A = tpu.vector_load_idx %arg11[%add3A_24] : memref<1024xf32, #tpu.memory_space<vmem>>[vector<16xi32>], vector<16xf32>,
      %mul3A_25 = arith.constant 256 : i32
      %mul3A_26 = arith.muli %scan3A_20, %mul3A_25 : i32
      %add3A_27 = arith.constant 0 : i32
      %add3A_28 = arith.addi %mul3A_26, %add3A_27 : i32
      %broadcast_in_dim3A = vector.broadcast %add3A_28 : i32 to vector<16xi32>
      %mul3A_29 = arith.constant 16 : i32
      %mul3A_30 = vector.broadcast %mul3A_29 : i32 to vector<16xi32>
      %mul3A_31 = arith.muli %iota3A, %mul3A_30 : vector<16xi32>
      %add3A_32 = arith.addi %broadcast_in_dim3A, %mul3A_31 : vector<16xi32>
      tpu.vector_store_idx %arg14[%add3A_32], %gather3A : memref<16384xf32, #tpu.memory_space<vmem>>[vector<16xi32>], vector<16xf32>,
      %mul3A_33 = arith.constant 256 : i32
      %mul3A_34 = arith.muli %scan3A_20, %mul3A_33 : i32
      %add3A_35 = arith.constant 1 : i32
      %add3A_36 = arith.addi %mul3A_34, %add3A_35 : i32
      %broadcast_in_dim3A_37 = vector.broadcast %add3A_36 : i32 to vector<16xi32>
      %mul3A_38 = arith.constant 16 : i32
      %mul3A_39 = vector.broadcast %mul3A_38 : i32 to vector<16xi32>
      %mul3A_40 = arith.muli %iota3A, %mul3A_39 : vector<16xi32>
      %add3A_41 = arith.addi %broadcast_in_dim3A_37, %mul3A_40 : vector<16xi32>
      tpu.vector_store_idx %arg14[%add3A_41], %gather3A : memref<16384xf32, #tpu.memory_space<vmem>>[vector<16xi32>], vector<16xf32>,
      %mul3A_42 = arith.constant 256 : i32
      %mul3A_43 = arith.muli %scan3A_20, %mul3A_42 : i32
      %add3A_44 = arith.constant 2 : i32
      %add3A_45 = arith.addi %mul3A_43, %add3A_44 : i32
      %broadcast_in_dim3A_46 = vector.broadcast %add3A_45 : i32 to vector<16xi32>
      %mul3A_47 = arith.constant 16 : i32
      %mul3A_48 = vector.broadcast %mul3A_47 : i32 to vector<16xi32>
      %mul3A_49 = arith.muli %iota3A, %mul3A_48 : vector<16xi32>
      %add3A_50 = arith.addi %broadcast_in_dim3A_46, %mul3A_49 : vector<16xi32>
      tpu.vector_store_idx %arg14[%add3A_50], %gather3A : memref<16384xf32, #tpu.memory_space<vmem>>[vector<16xi32>], vector<16xf32>,
      %mul3A_51 = arith.constant 256 : i32
      %mul3A_52 = arith.muli %scan3A_20, %mul3A_51 : i32
      %add3A_53 = arith.constant 3 : i32
      %add3A_54 = arith.addi %mul3A_52, %add3A_53 : i32
      %broadcast_in_dim3A_55 = vector.broadcast %add3A_54 : i32 to vector<16xi32>
      %mul3A_56 = arith.constant 16 : i32
      %mul3A_57 = vector.broadcast %mul3A_56 : i32 to vector<16xi32>
      %mul3A_58 = arith.muli %iota3A, %mul3A_57 : vector<16xi32>
      %add3A_59 = arith.addi %broadcast_in_dim3A_55, %mul3A_58 : vector<16xi32>
      tpu.vector_store_idx %arg14[%add3A_59], %gather3A : memref<16384xf32, #tpu.memory_space<vmem>>[vector<16xi32>], vector<16xf32>,
      %mul3A_60 = arith.constant 256 : i32
      %mul3A_61 = arith.muli %scan3A_20, %mul3A_60 : i32
      %add3A_62 = arith.constant 4 : i32
      %add3A_63 = arith.addi %mul3A_61, %add3A_62 : i32
      %broadcast_in_dim3A_64 = vector.broadcast %add3A_63 : i32 to vector<16xi32>
      %mul3A_65 = arith.constant 16 : i32
      %mul3A_66 = vector.broadcast %mul3A_65 : i32 to vector<16xi32>
      %mul3A_67 = arith.muli %iota3A, %mul3A_66 : vector<16xi32>
      %add3A_68 = arith.addi %broadcast_in_dim3A_64, %mul3A_67 : vector<16xi32>
      tpu.vector_store_idx %arg14[%add3A_68], %gather3A : memref<16384xf32, #tpu.memory_space<vmem>>[vector<16xi32>], vector<16xf32>,
      %mul3A_69 = arith.constant 256 : i32
      %mul3A_70 = arith.muli %scan3A_20, %mul3A_69 : i32
      %add3A_71 = arith.constant 5 : i32
      %add3A_72 = arith.addi %mul3A_70, %add3A_71 : i32
      %broadcast_in_dim3A_73 = vector.broadcast %add3A_72 : i32 to vector<16xi32>
      %mul3A_74 = arith.constant 16 : i32
      %mul3A_75 = vector.broadcast %mul3A_74 : i32 to vector<16xi32>
      %mul3A_76 = arith.muli %iota3A, %mul3A_75 : vector<16xi32>
      %add3A_77 = arith.addi %broadcast_in_dim3A_73, %mul3A_76 : vector<16xi32>
      tpu.vector_store_idx %arg14[%add3A_77], %gather3A : memref<16384xf32, #tpu.memory_space<vmem>>[vector<16xi32>], vector<16xf32>,
      %mul3A_78 = arith.constant 256 : i32
      %mul3A_79 = arith.muli %scan3A_20, %mul3A_78 : i32
      %add3A_80 = arith.constant 6 : i32
      %add3A_81 = arith.addi %mul3A_79, %add3A_80 : i32
      %broadcast_in_dim3A_82 = vector.broadcast %add3A_81 : i32 to vector<16xi32>
      %mul3A_83 = arith.constant 16 : i32
      %mul3A_84 = vector.broadcast %mul3A_83 : i32 to vector<16xi32>
      %mul3A_85 = arith.muli %iota3A, %mul3A_84 : vector<16xi32>
      %add3A_86 = arith.addi %broadcast_in_dim3A_82, %mul3A_85 : vector<16xi32>
      tpu.vector_store_idx %arg14[%add3A_86], %gather3A : memref<16384xf32, #tpu.memory_space<vmem>>[vector<16xi32>], vector<16xf32>,
      %mul3A_87 = arith.constant 256 : i32
      %mul3A_88 = arith.muli %scan3A_20, %mul3A_87 : i32
      %add3A_89 = arith.constant 7 : i32
      %add3A_90 = arith.addi %mul3A_88, %add3A_89 : i32
      %broadcast_in_dim3A_91 = vector.broadcast %add3A_90 : i32 to vector<16xi32>
      %mul3A_92 = arith.constant 16 : i32
      %mul3A_93 = vector.broadcast %mul3A_92 : i32 to vector<16xi32>
      %mul3A_94 = arith.muli %iota3A, %mul3A_93 : vector<16xi32>
      %add3A_95 = arith.addi %broadcast_in_dim3A_91, %mul3A_94 : vector<16xi32>
      tpu.vector_store_idx %arg14[%add3A_95], %gather3A : memref<16384xf32, #tpu.memory_space<vmem>>[vector<16xi32>], vector<16xf32>,
      %mul3A_96 = arith.constant 256 : i32
      %mul3A_97 = arith.muli %scan3A_20, %mul3A_96 : i32
      %add3A_98 = arith.constant 8 : i32
      %add3A_99 = arith.addi %mul3A_97, %add3A_98 : i32
      %broadcast_in_dim3A_100 = vector.broadcast %add3A_99 : i32 to vector<16xi32>
      %mul3A_101 = arith.constant 16 : i32
      %mul3A_102 = vector.broadcast %mul3A_101 : i32 to vector<16xi32>
      %mul3A_103 = arith.muli %iota3A, %mul3A_102 : vector<16xi32>
      %add3A_104 = arith.addi %broadcast_in_dim3A_100, %mul3A_103 : vector<16xi32>
      tpu.vector_store_idx %arg14[%add3A_104], %gather3A : memref<16384xf32, #tpu.memory_space<vmem>>[vector<16xi32>], vector<16xf32>,
      %mul3A_105 = arith.constant 256 : i32
      %mul3A_106 = arith.muli %scan3A_20, %mul3A_105 : i32
      %add3A_107 = arith.constant 9 : i32
      %add3A_108 = arith.addi %mul3A_106, %add3A_107 : i32
      %broadcast_in_dim3A_109 = vector.broadcast %add3A_108 : i32 to vector<16xi32>
      %mul3A_110 = arith.constant 16 : i32
      %mul3A_111 = vector.broadcast %mul3A_110 : i32 to vector<16xi32>
      %mul3A_112 = arith.muli %iota3A, %mul3A_111 : vector<16xi32>
      %add3A_113 = arith.addi %broadcast_in_dim3A_109, %mul3A_112 : vector<16xi32>
      tpu.vector_store_idx %arg14[%add3A_113], %gather3A : memref<16384xf32, #tpu.memory_space<vmem>>[vector<16xi32>], vector<16xf32>,
      %mul3A_114 = arith.constant 256 : i32
      %mul3A_115 = arith.muli %scan3A_20, %mul3A_114 : i32
      %add3A_116 = arith.constant 10 : i32
      %add3A_117 = arith.addi %mul3A_115, %add3A_116 : i32
      %broadcast_in_dim3A_118 = vector.broadcast %add3A_117 : i32 to vector<16xi32>
      %mul3A_119 = arith.constant 16 : i32
      %mul3A_120 = vector.broadcast %mul3A_119 : i32 to vector<16xi32>
      %mul3A_121 = arith.muli %iota3A, %mul3A_120 : vector<16xi32>
      %add3A_122 = arith.addi %broadcast_in_dim3A_118, %mul3A_121 : vector<16xi32>
      tpu.vector_store_idx %arg14[%add3A_122], %gather3A : memref<16384xf32, #tpu.memory_space<vmem>>[vector<16xi32>], vector<16xf32>,
      %mul3A_123 = arith.constant 256 : i32
      %mul3A_124 = arith.muli %scan3A_20, %mul3A_123 : i32
      %add3A_125 = arith.constant 11 : i32
      %add3A_126 = arith.addi %mul3A_124, %add3A_125 : i32
      %broadcast_in_dim3A_127 = vector.broadcast %add3A_126 : i32 to vector<16xi32>
      %mul3A_128 = arith.constant 16 : i32
      %mul3A_129 = vector.broadcast %mul3A_128 : i32 to vector<16xi32>
      %mul3A_130 = arith.muli %iota3A, %mul3A_129 : vector<16xi32>
      %add3A_131 = arith.addi %broadcast_in_dim3A_127, %mul3A_130 : vector<16xi32>
      tpu.vector_store_idx %arg14[%add3A_131], %gather3A : memref<16384xf32, #tpu.memory_space<vmem>>[vector<16xi32>], vector<16xf32>,
      %mul3A_132 = arith.constant 256 : i32
      %mul3A_133 = arith.muli %scan3A_20, %mul3A_132 : i32
      %add3A_134 = arith.constant 12 : i32
      %add3A_135 = arith.addi %mul3A_133, %add3A_134 : i32
      %broadcast_in_dim3A_136 = vector.broadcast %add3A_135 : i32 to vector<16xi32>
      %mul3A_137 = arith.constant 16 : i32
      %mul3A_138 = vector.broadcast %mul3A_137 : i32 to vector<16xi32>
      %mul3A_139 = arith.muli %iota3A, %mul3A_138 : vector<16xi32>
      %add3A_140 = arith.addi %broadcast_in_dim3A_136, %mul3A_139 : vector<16xi32>
      tpu.vector_store_idx %arg14[%add3A_140], %gather3A : memref<16384xf32, #tpu.memory_space<vmem>>[vector<16xi32>], vector<16xf32>,
      %mul3A_141 = arith.constant 256 : i32
      %mul3A_142 = arith.muli %scan3A_20, %mul3A_141 : i32
      %add3A_143 = arith.constant 13 : i32
      %add3A_144 = arith.addi %mul3A_142, %add3A_143 : i32
      %broadcast_in_dim3A_145 = vector.broadcast %add3A_144 : i32 to vector<16xi32>
      %mul3A_146 = arith.constant 16 : i32
      %mul3A_147 = vector.broadcast %mul3A_146 : i32 to vector<16xi32>
      %mul3A_148 = arith.muli %iota3A, %mul3A_147 : vector<16xi32>
      %add3A_149 = arith.addi %broadcast_in_dim3A_145, %mul3A_148 : vector<16xi32>
      tpu.vector_store_idx %arg14[%add3A_149], %gather3A : memref<16384xf32, #tpu.memory_space<vmem>>[vector<16xi32>], vector<16xf32>,
      %mul3A_150 = arith.constant 256 : i32
      %mul3A_151 = arith.muli %scan3A_20, %mul3A_150 : i32
      %add3A_152 = arith.constant 14 : i32
      %add3A_153 = arith.addi %mul3A_151, %add3A_152 : i32
      %broadcast_in_dim3A_154 = vector.broadcast %add3A_153 : i32 to vector<16xi32>
      %mul3A_155 = arith.constant 16 : i32
      %mul3A_156 = vector.broadcast %mul3A_155 : i32 to vector<16xi32>
      %mul3A_157 = arith.muli %iota3A, %mul3A_156 : vector<16xi32>
      %add3A_158 = arith.addi %broadcast_in_dim3A_154, %mul3A_157 : vector<16xi32>
      tpu.vector_store_idx %arg14[%add3A_158], %gather3A : memref<16384xf32, #tpu.memory_space<vmem>>[vector<16xi32>], vector<16xf32>,
      %mul3A_159 = arith.constant 256 : i32
      %mul3A_160 = arith.muli %scan3A_20, %mul3A_159 : i32
      %add3A_161 = arith.constant 15 : i32
      %add3A_162 = arith.addi %mul3A_160, %add3A_161 : i32
      %broadcast_in_dim3A_163 = vector.broadcast %add3A_162 : i32 to vector<16xi32>
      %mul3A_164 = arith.constant 16 : i32
      %mul3A_165 = vector.broadcast %mul3A_164 : i32 to vector<16xi32>
      %mul3A_166 = arith.muli %iota3A, %mul3A_165 : vector<16xi32>
      %add3A_167 = arith.addi %broadcast_in_dim3A_163, %mul3A_166 : vector<16xi32>
      tpu.vector_store_idx %arg14[%add3A_167], %gather3A : memref<16384xf32, #tpu.memory_space<vmem>>[vector<16xi32>], vector<16xf32>,
    }
    %scan3A_13 = arith.constant 64 : i32
    %scan3A_14 = arith.constant 0 : i32
    %scan3A_15 = arith.constant 0 : i32
    %scan3A_16 = arith.constant 130 : i32
    %scan3A_17 = arith.addi %scan3A_15, %scan3A_16 : i32
    %scan3A_18 = arith.constant 1 : i32
    scf.for %scan3A_20 = %scan3A_15 to %scan3A_17 step %scan3A_18  : i32 {
      %mul3A_21 = arith.constant 2 : i32
      %mul3A_22 = arith.muli %mul3A_21, %scan3A_20 : i32
      %add3A_23 = arith.constant 0 : i32
      %add3A_24 = arith.addi %mul3A_22, %add3A_23 : i32
      %ge3A = arith.constant 1 : i32
      %ge3A_25 = arith.cmpi sge, %scan3A_20, %ge3A : i32
      %sub3A = arith.constant 2 : i32
      %sub3A_26 = arith.subi %add3A_24, %sub3A : i32
      %lt3A = arith.constant 257 : i32
      %lt3A_27 = arith.cmpi slt, %sub3A_26, %lt3A : i32
      %and3A = arith.andi %ge3A_25, %lt3A_27 : i1
      %convert_element_type3A = arith.extui %and3A : i1 to i32
      %cond3A = arith.constant 0 : i32
      %cond3A_28 = arith.cmpi ne, %convert_element_type3A, %cond3A : i32
      scf.if %cond3A_28 {
        %sub3A_72 = arith.constant 2 : i32
        %sub3A_73 = arith.subi %add3A_24, %sub3A_72 : i32
        %mul3A_74 = arith.constant 32 : i32
        %mul3A_75 = arith.muli %sub3A_73, %mul3A_74 : i32
        %add3A_76 = arith.addi %mul3A_75, %add3A : i32
        %mul3A_77 = arith.constant 8192 : i32
        %mul3A_78 = arith.muli %add3A_76, %mul3A_77 : i32
        %dma_wait3A = arith.constant 0 : i32
        %dma_wait3A_79 = tpu.memref_slice %arg17[%dma_wait3A] : memref<16384xf32, #tpu.memory_space<vmem>> -> memref<8192xf32, #tpu.memory_space<vmem>>
        %dma_wait3A_80 = tpu.memref_slice %arg8[%mul3A_78] : memref<67371008xf32, #tpu.memory_space<hbm>> -> memref<8192xf32, #tpu.memory_space<hbm>>
        %dma_wait3A_81 = tpu.memref_slice %arg8[%mul3A_78] : memref<67371008xf32, #tpu.memory_space<hbm>> -> memref<8192xf32, #tpu.memory_space<hbm>>
        %dma_wait3A_82 = arith.constant 0 : i32
        %dma_wait3A_83 = tpu.memref_slice %arg17[%dma_wait3A_82] : memref<16384xf32, #tpu.memory_space<vmem>> -> memref<8192xf32, #tpu.memory_space<vmem>>
        tpu.wait_dma2 semaphore(%arg18 : memref<!tpu.dma_semaphore, #tpu.memory_space<semaphore_mem>>) src(%dma_wait3A_83 : memref<8192xf32, #tpu.memory_space<vmem>>) dst(%dma_wait3A_81 : memref<8192xf32, #tpu.memory_space<hbm>>)
      } else {
      }
      %lt3A_29 = arith.constant 256 : i32
      %lt3A_30 = arith.cmpi slt, %add3A_24, %lt3A_29 : i32
      %convert_element_type3A_31 = arith.extui %lt3A_30 : i1 to i32
      %cond3A_32 = arith.constant 0 : i32
      %cond3A_33 = arith.cmpi ne, %convert_element_type3A_31, %cond3A_32 : i32
      scf.if %cond3A_33 {
        %broadcast_in_dim3A = vector.broadcast %add3A_24 : i32 to vector<16xi32>
        %add3A_72 = arith.constant 0 : i32
        %add3A_73 = vector.broadcast %add3A_72 : i32 to vector<16xi32>
        %add3A_74 = arith.addi %add3A_73, %iota3A : vector<16xi32>
        %gather3A = tpu.vector_load_idx %arg16[%broadcast_in_dim3A, %add3A_74] : memref<256x128xi32, #tpu.memory_space<vmem>>[vector<16xi32>, vector<16xi32>], vector<16xi32>,
        %broadcast_in_dim3A_75 = vector.broadcast %add3A_24 : i32 to vector<16xi32>
        %add3A_76 = arith.constant 16 : i32
        %add3A_77 = vector.broadcast %add3A_76 : i32 to vector<16xi32>
        %add3A_78 = arith.addi %add3A_77, %iota3A : vector<16xi32>
        %gather3A_79 = tpu.vector_load_idx %arg16[%broadcast_in_dim3A_75, %add3A_78] : memref<256x128xi32, #tpu.memory_space<vmem>>[vector<16xi32>, vector<16xi32>], vector<16xi32>,
        %broadcast_in_dim3A_80 = vector.broadcast %add3A_24 : i32 to vector<16xi32>
        %add3A_81 = arith.constant 32 : i32
        %add3A_82 = vector.broadcast %add3A_81 : i32 to vector<16xi32>
        %add3A_83 = arith.addi %add3A_82, %iota3A : vector<16xi32>
        %gather3A_84 = tpu.vector_load_idx %arg16[%broadcast_in_dim3A_80, %add3A_83] : memref<256x128xi32, #tpu.memory_space<vmem>>[vector<16xi32>, vector<16xi32>], vector<16xi32>,
        %broadcast_in_dim3A_85 = vector.broadcast %add3A_24 : i32 to vector<16xi32>
        %add3A_86 = arith.constant 48 : i32
        %add3A_87 = vector.broadcast %add3A_86 : i32 to vector<16xi32>
        %add3A_88 = arith.addi %add3A_87, %iota3A : vector<16xi32>
        %gather3A_89 = tpu.vector_load_idx %arg16[%broadcast_in_dim3A_85, %add3A_88] : memref<256x128xi32, #tpu.memory_space<vmem>>[vector<16xi32>, vector<16xi32>], vector<16xi32>,
        %broadcast_in_dim3A_90 = vector.broadcast %add3A_24 : i32 to vector<16xi32>
        %add3A_91 = arith.constant 64 : i32
        %add3A_92 = vector.broadcast %add3A_91 : i32 to vector<16xi32>
        %add3A_93 = arith.addi %add3A_92, %iota3A : vector<16xi32>
        %gather3A_94 = tpu.vector_load_idx %arg16[%broadcast_in_dim3A_90, %add3A_93] : memref<256x128xi32, #tpu.memory_space<vmem>>[vector<16xi32>, vector<16xi32>], vector<16xi32>,
        %broadcast_in_dim3A_95 = vector.broadcast %add3A_24 : i32 to vector<16xi32>
        %add3A_96 = arith.constant 80 : i32
        %add3A_97 = vector.broadcast %add3A_96 : i32 to vector<16xi32>
        %add3A_98 = arith.addi %add3A_97, %iota3A : vector<16xi32>
        %gather3A_99 = tpu.vector_load_idx %arg16[%broadcast_in_dim3A_95, %add3A_98] : memref<256x128xi32, #tpu.memory_space<vmem>>[vector<16xi32>, vector<16xi32>], vector<16xi32>,
        %broadcast_in_dim3A_100 = vector.broadcast %add3A_24 : i32 to vector<16xi32>
        %add3A_101 = arith.constant 96 : i32
        %add3A_102 = vector.broadcast %add3A_101 : i32 to vector<16xi32>
        %add3A_103 = arith.addi %add3A_102, %iota3A : vector<16xi32>
        %gather3A_104 = tpu.vector_load_idx %arg16[%broadcast_in_dim3A_100, %add3A_103] : memref<256x128xi32, #tpu.memory_space<vmem>>[vector<16xi32>, vector<16xi32>], vector<16xi32>,
        %broadcast_in_dim3A_105 = vector.broadcast %add3A_24 : i32 to vector<16xi32>
        %add3A_106 = arith.constant 112 : i32
        %add3A_107 = vector.broadcast %add3A_106 : i32 to vector<16xi32>
        %add3A_108 = arith.addi %add3A_107, %iota3A : vector<16xi32>
        %gather3A_109 = tpu.vector_load_idx %arg16[%broadcast_in_dim3A_105, %add3A_108] : memref<256x128xi32, #tpu.memory_space<vmem>>[vector<16xi32>, vector<16xi32>], vector<16xi32>,
        %and3A_110 = arith.constant 255 : i32
        %and3A_111 = vector.broadcast %and3A_110 : i32 to vector<16xi32>
        %and3A_112 = arith.andi %gather3A, %and3A_111 : vector<16xi32>
        %and3A_113 = arith.constant 255 : i32
        %and3A_114 = vector.broadcast %and3A_113 : i32 to vector<16xi32>
        %and3A_115 = arith.andi %gather3A_79, %and3A_114 : vector<16xi32>
        %and3A_116 = arith.constant 255 : i32
        %and3A_117 = vector.broadcast %and3A_116 : i32 to vector<16xi32>
        %and3A_118 = arith.andi %gather3A_84, %and3A_117 : vector<16xi32>
        %and3A_119 = arith.constant 255 : i32
        %and3A_120 = vector.broadcast %and3A_119 : i32 to vector<16xi32>
        %and3A_121 = arith.andi %gather3A_89, %and3A_120 : vector<16xi32>
        %and3A_122 = arith.constant 255 : i32
        %and3A_123 = vector.broadcast %and3A_122 : i32 to vector<16xi32>
        %and3A_124 = arith.andi %gather3A_94, %and3A_123 : vector<16xi32>
        %and3A_125 = arith.constant 255 : i32
        %and3A_126 = vector.broadcast %and3A_125 : i32 to vector<16xi32>
        %and3A_127 = arith.andi %gather3A_99, %and3A_126 : vector<16xi32>
        %and3A_128 = arith.constant 255 : i32
        %and3A_129 = vector.broadcast %and3A_128 : i32 to vector<16xi32>
        %and3A_130 = arith.andi %gather3A_104, %and3A_129 : vector<16xi32>
        %and3A_131 = arith.constant 255 : i32
        %and3A_132 = vector.broadcast %and3A_131 : i32 to vector<16xi32>
        %and3A_133 = arith.andi %gather3A_109, %and3A_132 : vector<16xi32>
        %shift_right_logical3A = arith.constant 8 : i32
        %shift_right_logical3A_134 = vector.broadcast %shift_right_logical3A : i32 to vector<16xi32>
        %shift_right_logical3A_135 = arith.shrui %gather3A, %shift_right_logical3A_134 : vector<16xi32>
        %mul3A_136 = arith.constant 16 : i32
        %mul3A_137 = vector.broadcast %mul3A_136 : i32 to vector<16xi32>
        %mul3A_138 = arith.muli %shift_right_logical3A_135, %mul3A_137 : vector<16xi32>
        %add3A_139 = arith.addi %mul3A_138, %iota3A : vector<16xi32>
        %shift_right_logical3A_140 = arith.constant 8 : i32
        %shift_right_logical3A_141 = vector.broadcast %shift_right_logical3A_140 : i32 to vector<16xi32>
        %shift_right_logical3A_142 = arith.shrui %gather3A_79, %shift_right_logical3A_141 : vector<16xi32>
        %mul3A_143 = arith.constant 16 : i32
        %mul3A_144 = vector.broadcast %mul3A_143 : i32 to vector<16xi32>
        %mul3A_145 = arith.muli %shift_right_logical3A_142, %mul3A_144 : vector<16xi32>
        %add3A_146 = arith.addi %mul3A_145, %iota3A : vector<16xi32>
        %shift_right_logical3A_147 = arith.constant 8 : i32
        %shift_right_logical3A_148 = vector.broadcast %shift_right_logical3A_147 : i32 to vector<16xi32>
        %shift_right_logical3A_149 = arith.shrui %gather3A_84, %shift_right_logical3A_148 : vector<16xi32>
        %mul3A_150 = arith.constant 16 : i32
        %mul3A_151 = vector.broadcast %mul3A_150 : i32 to vector<16xi32>
        %mul3A_152 = arith.muli %shift_right_logical3A_149, %mul3A_151 : vector<16xi32>
        %add3A_153 = arith.addi %mul3A_152, %iota3A : vector<16xi32>
        %shift_right_logical3A_154 = arith.constant 8 : i32
        %shift_right_logical3A_155 = vector.broadcast %shift_right_logical3A_154 : i32 to vector<16xi32>
        %shift_right_logical3A_156 = arith.shrui %gather3A_89, %shift_right_logical3A_155 : vector<16xi32>
        %mul3A_157 = arith.constant 16 : i32
        %mul3A_158 = vector.broadcast %mul3A_157 : i32 to vector<16xi32>
        %mul3A_159 = arith.muli %shift_right_logical3A_156, %mul3A_158 : vector<16xi32>
        %add3A_160 = arith.addi %mul3A_159, %iota3A : vector<16xi32>
        %shift_right_logical3A_161 = arith.constant 8 : i32
        %shift_right_logical3A_162 = vector.broadcast %shift_right_logical3A_161 : i32 to vector<16xi32>
        %shift_right_logical3A_163 = arith.shrui %gather3A_94, %shift_right_logical3A_162 : vector<16xi32>
        %mul3A_164 = arith.constant 16 : i32
        %mul3A_165 = vector.broadcast %mul3A_164 : i32 to vector<16xi32>
        %mul3A_166 = arith.muli %shift_right_logical3A_163, %mul3A_165 : vector<16xi32>
        %add3A_167 = arith.addi %mul3A_166, %iota3A : vector<16xi32>
        %shift_right_logical3A_168 = arith.constant 8 : i32
        %shift_right_logical3A_169 = vector.broadcast %shift_right_logical3A_168 : i32 to vector<16xi32>
        %shift_right_logical3A_170 = arith.shrui %gather3A_99, %shift_right_logical3A_169 : vector<16xi32>
        %mul3A_171 = arith.constant 16 : i32
        %mul3A_172 = vector.broadcast %mul3A_171 : i32 to vector<16xi32>
        %mul3A_173 = arith.muli %shift_right_logical3A_170, %mul3A_172 : vector<16xi32>
        %add3A_174 = arith.addi %mul3A_173, %iota3A : vector<16xi32>
        %shift_right_logical3A_175 = arith.constant 8 : i32
        %shift_right_logical3A_176 = vector.broadcast %shift_right_logical3A_175 : i32 to vector<16xi32>
        %shift_right_logical3A_177 = arith.shrui %gather3A_104, %shift_right_logical3A_176 : vector<16xi32>
        %mul3A_178 = arith.constant 16 : i32
        %mul3A_179 = vector.broadcast %mul3A_178 : i32 to vector<16xi32>
        %mul3A_180 = arith.muli %shift_right_logical3A_177, %mul3A_179 : vector<16xi32>
        %add3A_181 = arith.addi %mul3A_180, %iota3A : vector<16xi32>
        %shift_right_logical3A_182 = arith.constant 8 : i32
        %shift_right_logical3A_183 = vector.broadcast %shift_right_logical3A_182 : i32 to vector<16xi32>
        %shift_right_logical3A_184 = arith.shrui %gather3A_109, %shift_right_logical3A_183 : vector<16xi32>
        %mul3A_185 = arith.constant 16 : i32
        %mul3A_186 = vector.broadcast %mul3A_185 : i32 to vector<16xi32>
        %mul3A_187 = arith.muli %shift_right_logical3A_184, %mul3A_186 : vector<16xi32>
        %add3A_188 = arith.addi %mul3A_187, %iota3A : vector<16xi32>
        %scan3A_189 = arith.constant 0 : i32
        %scan3A_190 = arith.constant 0 : i32
        %scan3A_191 = arith.constant 8 : i32
        %scan3A_192 = arith.addi %scan3A_190, %scan3A_191 : i32
        %scan3A_193 = arith.constant 1 : i32
        scf.for %scan3A_195 = %scan3A_190 to %scan3A_192 step %scan3A_193  : i32 {
          %mul3A_196 = arith.constant 8 : i32
          %mul3A_197 = arith.muli %scan3A_195, %mul3A_196 : i32
          %add3A_198 = arith.constant 0 : i32
          %add3A_199 = arith.addi %mul3A_197, %add3A_198 : i32
          %mul3A_200 = arith.constant 256 : i32
          %mul3A_201 = arith.muli %add3A_199, %mul3A_200 : i32
          %broadcast_in_dim3A_202 = vector.broadcast %mul3A_201 : i32 to vector<16xi32>
          %add3A_203 = arith.addi %broadcast_in_dim3A_202, %and3A_112 : vector<16xi32>
          %gather3A_204 = tpu.vector_load_idx %arg13[%add3A_203] : memref<16384xf32, #tpu.memory_space<vmem>>[vector<16xi32>], vector<16xf32>,
          %add3A_205 = arith.addi %broadcast_in_dim3A_202, %add3A_139 : vector<16xi32>
          %gather3A_206 = tpu.vector_load_idx %arg14[%add3A_205] : memref<16384xf32, #tpu.memory_space<vmem>>[vector<16xi32>], vector<16xf32>,
          %add3A_207 = arith.addf %gather3A_204, %gather3A_206 : vector<16xf32>
          %mul3A_208 = arith.constant 128 : i32
          %mul3A_209 = arith.muli %add3A_199, %mul3A_208 : i32
          %add3A_210 = arith.constant 0 : i32
          %add3A_211 = arith.addi %add3A_210, %mul3A_209 : i32
          %add3A_212 = arith.constant 0 : i32
          %add3A_213 = arith.addi %add3A_211, %add3A_212 : i32
          %swap3A = arith.index_cast %add3A_213 : i32 to index
          %swap3A_214 = tpu.vector_load %arg17[%swap3A] {strides = array<i32>} : memref<16384xf32, #tpu.memory_space<vmem>>, vector<16xf32>,
          tpu.vector_store %arg17[%swap3A], %add3A_207 {strides = array<i32>} : memref<16384xf32, #tpu.memory_space<vmem>>, vector<16xf32>,
          %add3A_215 = arith.addi %broadcast_in_dim3A_202, %and3A_115 : vector<16xi32>
          %gather3A_216 = tpu.vector_load_idx %arg13[%add3A_215] : memref<16384xf32, #tpu.memory_space<vmem>>[vector<16xi32>], vector<16xf32>,
          %add3A_217 = arith.addi %broadcast_in_dim3A_202, %add3A_146 : vector<16xi32>
          %gather3A_218 = tpu.vector_load_idx %arg14[%add3A_217] : memref<16384xf32, #tpu.memory_space<vmem>>[vector<16xi32>], vector<16xf32>,
          %add3A_219 = arith.addf %gather3A_216, %gather3A_218 : vector<16xf32>
          %mul3A_220 = arith.constant 128 : i32
          %mul3A_221 = arith.muli %add3A_199, %mul3A_220 : i32
          %add3A_222 = arith.constant 0 : i32
          %add3A_223 = arith.addi %add3A_222, %mul3A_221 : i32
          %add3A_224 = arith.constant 16 : i32
          %add3A_225 = arith.addi %add3A_223, %add3A_224 : i32
          %swap3A_226 = arith.index_cast %add3A_225 : i32 to index
          %swap3A_227 = tpu.vector_load %arg17[%swap3A_226] {strides = array<i32>} : memref<16384xf32, #tpu.memory_space<vmem>>, vector<16xf32>,
          tpu.vector_store %arg17[%swap3A_226], %add3A_219 {strides = array<i32>} : memref<16384xf32, #tpu.memory_space<vmem>>, vector<16xf32>,
          %add3A_228 = arith.addi %broadcast_in_dim3A_202, %and3A_118 : vector<16xi32>
          %gather3A_229 = tpu.vector_load_idx %arg13[%add3A_228] : memref<16384xf32, #tpu.memory_space<vmem>>[vector<16xi32>], vector<16xf32>,
          %add3A_230 = arith.addi %broadcast_in_dim3A_202, %add3A_153 : vector<16xi32>
          %gather3A_231 = tpu.vector_load_idx %arg14[%add3A_230] : memref<16384xf32, #tpu.memory_space<vmem>>[vector<16xi32>], vector<16xf32>,
          %add3A_232 = arith.addf %gather3A_229, %gather3A_231 : vector<16xf32>
          %mul3A_233 = arith.constant 128 : i32
          %mul3A_234 = arith.muli %add3A_199, %mul3A_233 : i32
          %add3A_235 = arith.constant 0 : i32
          %add3A_236 = arith.addi %add3A_235, %mul3A_234 : i32
          %add3A_237 = arith.constant 32 : i32
          %add3A_238 = arith.addi %add3A_236, %add3A_237 : i32
          %swap3A_239 = arith.index_cast %add3A_238 : i32 to index
          %swap3A_240 = tpu.vector_load %arg17[%swap3A_239] {strides = array<i32>} : memref<16384xf32, #tpu.memory_space<vmem>>, vector<16xf32>,
          tpu.vector_store %arg17[%swap3A_239], %add3A_232 {strides = array<i32>} : memref<16384xf32, #tpu.memory_space<vmem>>, vector<16xf32>,
          %add3A_241 = arith.addi %broadcast_in_dim3A_202, %and3A_121 : vector<16xi32>
          %gather3A_242 = tpu.vector_load_idx %arg13[%add3A_241] : memref<16384xf32, #tpu.memory_space<vmem>>[vector<16xi32>], vector<16xf32>,
          %add3A_243 = arith.addi %broadcast_in_dim3A_202, %add3A_160 : vector<16xi32>
          %gather3A_244 = tpu.vector_load_idx %arg14[%add3A_243] : memref<16384xf32, #tpu.memory_space<vmem>>[vector<16xi32>], vector<16xf32>,
          %add3A_245 = arith.addf %gather3A_242, %gather3A_244 : vector<16xf32>
          %mul3A_246 = arith.constant 128 : i32
          %mul3A_247 = arith.muli %add3A_199, %mul3A_246 : i32
          %add3A_248 = arith.constant 0 : i32
          %add3A_249 = arith.addi %add3A_248, %mul3A_247 : i32
          %add3A_250 = arith.constant 48 : i32
          %add3A_251 = arith.addi %add3A_249, %add3A_250 : i32
          %swap3A_252 = arith.index_cast %add3A_251 : i32 to index
          %swap3A_253 = tpu.vector_load %arg17[%swap3A_252] {strides = array<i32>} : memref<16384xf32, #tpu.memory_space<vmem>>, vector<16xf32>,
          tpu.vector_store %arg17[%swap3A_252], %add3A_245 {strides = array<i32>} : memref<16384xf32, #tpu.memory_space<vmem>>, vector<16xf32>,
          %add3A_254 = arith.addi %broadcast_in_dim3A_202, %and3A_124 : vector<16xi32>
          %gather3A_255 = tpu.vector_load_idx %arg13[%add3A_254] : memref<16384xf32, #tpu.memory_space<vmem>>[vector<16xi32>], vector<16xf32>,
          %add3A_256 = arith.addi %broadcast_in_dim3A_202, %add3A_167 : vector<16xi32>
          %gather3A_257 = tpu.vector_load_idx %arg14[%add3A_256] : memref<16384xf32, #tpu.memory_space<vmem>>[vector<16xi32>], vector<16xf32>,
          %add3A_258 = arith.addf %gather3A_255, %gather3A_257 : vector<16xf32>
          %mul3A_259 = arith.constant 128 : i32
          %mul3A_260 = arith.muli %add3A_199, %mul3A_259 : i32
          %add3A_261 = arith.constant 0 : i32
          %add3A_262 = arith.addi %add3A_261, %mul3A_260 : i32
          %add3A_263 = arith.constant 64 : i32
          %add3A_264 = arith.addi %add3A_262, %add3A_263 : i32
          %swap3A_265 = arith.index_cast %add3A_264 : i32 to index
          %swap3A_266 = tpu.vector_load %arg17[%swap3A_265] {strides = array<i32>} : memref<16384xf32, #tpu.memory_space<vmem>>, vector<16xf32>,
          tpu.vector_store %arg17[%swap3A_265], %add3A_258 {strides = array<i32>} : memref<16384xf32, #tpu.memory_space<vmem>>, vector<16xf32>,
          %add3A_267 = arith.addi %broadcast_in_dim3A_202, %and3A_127 : vector<16xi32>
          %gather3A_268 = tpu.vector_load_idx %arg13[%add3A_267] : memref<16384xf32, #tpu.memory_space<vmem>>[vector<16xi32>], vector<16xf32>,
          %add3A_269 = arith.addi %broadcast_in_dim3A_202, %add3A_174 : vector<16xi32>
          %gather3A_270 = tpu.vector_load_idx %arg14[%add3A_269] : memref<16384xf32, #tpu.memory_space<vmem>>[vector<16xi32>], vector<16xf32>,
          %add3A_271 = arith.addf %gather3A_268, %gather3A_270 : vector<16xf32>
          %mul3A_272 = arith.constant 128 : i32
          %mul3A_273 = arith.muli %add3A_199, %mul3A_272 : i32
          %add3A_274 = arith.constant 0 : i32
          %add3A_275 = arith.addi %add3A_274, %mul3A_273 : i32
          %add3A_276 = arith.constant 80 : i32
          %add3A_277 = arith.addi %add3A_275, %add3A_276 : i32
          %swap3A_278 = arith.index_cast %add3A_277 : i32 to index
          %swap3A_279 = tpu.vector_load %arg17[%swap3A_278] {strides = array<i32>} : memref<16384xf32, #tpu.memory_space<vmem>>, vector<16xf32>,
          tpu.vector_store %arg17[%swap3A_278], %add3A_271 {strides = array<i32>} : memref<16384xf32, #tpu.memory_space<vmem>>, vector<16xf32>,
          %add3A_280 = arith.addi %broadcast_in_dim3A_202, %and3A_130 : vector<16xi32>
          %gather3A_281 = tpu.vector_load_idx %arg13[%add3A_280] : memref<16384xf32, #tpu.memory_space<vmem>>[vector<16xi32>], vector<16xf32>,
          %add3A_282 = arith.addi %broadcast_in_dim3A_202, %add3A_181 : vector<16xi32>
          %gather3A_283 = tpu.vector_load_idx %arg14[%add3A_282] : memref<16384xf32, #tpu.memory_space<vmem>>[vector<16xi32>], vector<16xf32>,
          %add3A_284 = arith.addf %gather3A_281, %gather3A_283 : vector<16xf32>
          %mul3A_285 = arith.constant 128 : i32
          %mul3A_286 = arith.muli %add3A_199, %mul3A_285 : i32
          %add3A_287 = arith.constant 0 : i32
          %add3A_288 = arith.addi %add3A_287, %mul3A_286 : i32
          %add3A_289 = arith.constant 96 : i32
          %add3A_290 = arith.addi %add3A_288, %add3A_289 : i32
          %swap3A_291 = arith.index_cast %add3A_290 : i32 to index
          %swap3A_292 = tpu.vector_load %arg17[%swap3A_291] {strides = array<i32>} : memref<16384xf32, #tpu.memory_space<vmem>>, vector<16xf32>,
          tpu.vector_store %arg17[%swap3A_291], %add3A_284 {strides = array<i32>} : memref<16384xf32, #tpu.memory_space<vmem>>, vector<16xf32>,
          %add3A_293 = arith.addi %broadcast_in_dim3A_202, %and3A_133 : vector<16xi32>
          %gather3A_294 = tpu.vector_load_idx %arg13[%add3A_293] : memref<16384xf32, #tpu.memory_space<vmem>>[vector<16xi32>], vector<16xf32>,
          %add3A_295 = arith.addi %broadcast_in_dim3A_202, %add3A_188 : vector<16xi32>
          %gather3A_296 = tpu.vector_load_idx %arg14[%add3A_295] : memref<16384xf32, #tpu.memory_space<vmem>>[vector<16xi32>], vector<16xf32>,
          %add3A_297 = arith.addf %gather3A_294, %gather3A_296 : vector<16xf32>
          %mul3A_298 = arith.constant 128 : i32
          %mul3A_299 = arith.muli %add3A_199, %mul3A_298 : i32
          %add3A_300 = arith.constant 0 : i32
          %add3A_301 = arith.addi %add3A_300, %mul3A_299 : i32
          %add3A_302 = arith.constant 112 : i32
          %add3A_303 = arith.addi %add3A_301, %add3A_302 : i32
          %swap3A_304 = arith.index_cast %add3A_303 : i32 to index
          %swap3A_305 = tpu.vector_load %arg17[%swap3A_304] {strides = array<i32>} : memref<16384xf32, #tpu.memory_space<vmem>>, vector<16xf32>,
          tpu.vector_store %arg17[%swap3A_304], %add3A_297 {strides = array<i32>} : memref<16384xf32, #tpu.memory_space<vmem>>, vector<16xf32>,
          %mul3A_306 = arith.constant 8 : i32
          %mul3A_307 = arith.muli %scan3A_195, %mul3A_306 : i32
          %add3A_308 = arith.constant 1 : i32
          %add3A_309 = arith.addi %mul3A_307, %add3A_308 : i32
          %mul3A_310 = arith.constant 256 : i32
          %mul3A_311 = arith.muli %add3A_309, %mul3A_310 : i32
          %broadcast_in_dim3A_312 = vector.broadcast %mul3A_311 : i32 to vector<16xi32>
          %add3A_313 = arith.addi %broadcast_in_dim3A_312, %and3A_112 : vector<16xi32>
          %gather3A_314 = tpu.vector_load_idx %arg13[%add3A_313] : memref<16384xf32, #tpu.memory_space<vmem>>[vector<16xi32>], vector<16xf32>,
          %add3A_315 = arith.addi %broadcast_in_dim3A_312, %add3A_139 : vector<16xi32>
          %gather3A_316 = tpu.vector_load_idx %arg14[%add3A_315] : memref<16384xf32, #tpu.memory_space<vmem>>[vector<16xi32>], vector<16xf32>,
          %add3A_317 = arith.addf %gather3A_314, %gather3A_316 : vector<16xf32>
          %mul3A_318 = arith.constant 128 : i32
          %mul3A_319 = arith.muli %add3A_309, %mul3A_318 : i32
          %add3A_320 = arith.constant 0 : i32
          %add3A_321 = arith.addi %add3A_320, %mul3A_319 : i32
          %add3A_322 = arith.constant 0 : i32
          %add3A_323 = arith.addi %add3A_321, %add3A_322 : i32
          %swap3A_324 = arith.index_cast %add3A_323 : i32 to index
          %swap3A_325 = tpu.vector_load %arg17[%swap3A_324] {strides = array<i32>} : memref<16384xf32, #tpu.memory_space<vmem>>, vector<16xf32>,
          tpu.vector_store %arg17[%swap3A_324], %add3A_317 {strides = array<i32>} : memref<16384xf32, #tpu.memory_space<vmem>>, vector<16xf32>,
          %add3A_326 = arith.addi %broadcast_in_dim3A_312, %and3A_115 : vector<16xi32>
          %gather3A_327 = tpu.vector_load_idx %arg13[%add3A_326] : memref<16384xf32, #tpu.memory_space<vmem>>[vector<16xi32>], vector<16xf32>,
          %add3A_328 = arith.addi %broadcast_in_dim3A_312, %add3A_146 : vector<16xi32>
          %gather3A_329 = tpu.vector_load_idx %arg14[%add3A_328] : memref<16384xf32, #tpu.memory_space<vmem>>[vector<16xi32>], vector<16xf32>,
          %add3A_330 = arith.addf %gather3A_327, %gather3A_329 : vector<16xf32>
          %mul3A_331 = arith.constant 128 : i32
          %mul3A_332 = arith.muli %add3A_309, %mul3A_331 : i32
          %add3A_333 = arith.constant 0 : i32
          %add3A_334 = arith.addi %add3A_333, %mul3A_332 : i32
          %add3A_335 = arith.constant 16 : i32
          %add3A_336 = arith.addi %add3A_334, %add3A_335 : i32
          %swap3A_337 = arith.index_cast %add3A_336 : i32 to index
          %swap3A_338 = tpu.vector_load %arg17[%swap3A_337] {strides = array<i32>} : memref<16384xf32, #tpu.memory_space<vmem>>, vector<16xf32>,
          tpu.vector_store %arg17[%swap3A_337], %add3A_330 {strides = array<i32>} : memref<16384xf32, #tpu.memory_space<vmem>>, vector<16xf32>,
          %add3A_339 = arith.addi %broadcast_in_dim3A_312, %and3A_118 : vector<16xi32>
          %gather3A_340 = tpu.vector_load_idx %arg13[%add3A_339] : memref<16384xf32, #tpu.memory_space<vmem>>[vector<16xi32>], vector<16xf32>,
          %add3A_341 = arith.addi %broadcast_in_dim3A_312, %add3A_153 : vector<16xi32>
          %gather3A_342 = tpu.vector_load_idx %arg14[%add3A_341] : memref<16384xf32, #tpu.memory_space<vmem>>[vector<16xi32>], vector<16xf32>,
          %add3A_343 = arith.addf %gather3A_340, %gather3A_342 : vector<16xf32>
          %mul3A_344 = arith.constant 128 : i32
          %mul3A_345 = arith.muli %add3A_309, %mul3A_344 : i32
          %add3A_346 = arith.constant 0 : i32
          %add3A_347 = arith.addi %add3A_346, %mul3A_345 : i32
          %add3A_348 = arith.constant 32 : i32
          %add3A_349 = arith.addi %add3A_347, %add3A_348 : i32
          %swap3A_350 = arith.index_cast %add3A_349 : i32 to index
          %swap3A_351 = tpu.vector_load %arg17[%swap3A_350] {strides = array<i32>} : memref<16384xf32, #tpu.memory_space<vmem>>, vector<16xf32>,
          tpu.vector_store %arg17[%swap3A_350], %add3A_343 {strides = array<i32>} : memref<16384xf32, #tpu.memory_space<vmem>>, vector<16xf32>,
          %add3A_352 = arith.addi %broadcast_in_dim3A_312, %and3A_121 : vector<16xi32>
          %gather3A_353 = tpu.vector_load_idx %arg13[%add3A_352] : memref<16384xf32, #tpu.memory_space<vmem>>[vector<16xi32>], vector<16xf32>,
          %add3A_354 = arith.addi %broadcast_in_dim3A_312, %add3A_160 : vector<16xi32>
          %gather3A_355 = tpu.vector_load_idx %arg14[%add3A_354] : memref<16384xf32, #tpu.memory_space<vmem>>[vector<16xi32>], vector<16xf32>,
          %add3A_356 = arith.addf %gather3A_353, %gather3A_355 : vector<16xf32>
          %mul3A_357 = arith.constant 128 : i32
          %mul3A_358 = arith.muli %add3A_309, %mul3A_357 : i32
          %add3A_359 = arith.constant 0 : i32
          %add3A_360 = arith.addi %add3A_359, %mul3A_358 : i32
          %add3A_361 = arith.constant 48 : i32
          %add3A_362 = arith.addi %add3A_360, %add3A_361 : i32
          %swap3A_363 = arith.index_cast %add3A_362 : i32 to index
          %swap3A_364 = tpu.vector_load %arg17[%swap3A_363] {strides = array<i32>} : memref<16384xf32, #tpu.memory_space<vmem>>, vector<16xf32>,
          tpu.vector_store %arg17[%swap3A_363], %add3A_356 {strides = array<i32>} : memref<16384xf32, #tpu.memory_space<vmem>>, vector<16xf32>,
          %add3A_365 = arith.addi %broadcast_in_dim3A_312, %and3A_124 : vector<16xi32>
          %gather3A_366 = tpu.vector_load_idx %arg13[%add3A_365] : memref<16384xf32, #tpu.memory_space<vmem>>[vector<16xi32>], vector<16xf32>,
          %add3A_367 = arith.addi %broadcast_in_dim3A_312, %add3A_167 : vector<16xi32>
          %gather3A_368 = tpu.vector_load_idx %arg14[%add3A_367] : memref<16384xf32, #tpu.memory_space<vmem>>[vector<16xi32>], vector<16xf32>,
          %add3A_369 = arith.addf %gather3A_366, %gather3A_368 : vector<16xf32>
          %mul3A_370 = arith.constant 128 : i32
          %mul3A_371 = arith.muli %add3A_309, %mul3A_370 : i32
          %add3A_372 = arith.constant 0 : i32
          %add3A_373 = arith.addi %add3A_372, %mul3A_371 : i32
          %add3A_374 = arith.constant 64 : i32
          %add3A_375 = arith.addi %add3A_373, %add3A_374 : i32
          %swap3A_376 = arith.index_cast %add3A_375 : i32 to index
          %swap3A_377 = tpu.vector_load %arg17[%swap3A_376] {strides = array<i32>} : memref<16384xf32, #tpu.memory_space<vmem>>, vector<16xf32>,
          tpu.vector_store %arg17[%swap3A_376], %add3A_369 {strides = array<i32>} : memref<16384xf32, #tpu.memory_space<vmem>>, vector<16xf32>,
          %add3A_378 = arith.addi %broadcast_in_dim3A_312, %and3A_127 : vector<16xi32>
          %gather3A_379 = tpu.vector_load_idx %arg13[%add3A_378] : memref<16384xf32, #tpu.memory_space<vmem>>[vector<16xi32>], vector<16xf32>,
          %add3A_380 = arith.addi %broadcast_in_dim3A_312, %add3A_174 : vector<16xi32>
          %gather3A_381 = tpu.vector_load_idx %arg14[%add3A_380] : memref<16384xf32, #tpu.memory_space<vmem>>[vector<16xi32>], vector<16xf32>,
          %add3A_382 = arith.addf %gather3A_379, %gather3A_381 : vector<16xf32>
          %mul3A_383 = arith.constant 128 : i32
          %mul3A_384 = arith.muli %add3A_309, %mul3A_383 : i32
          %add3A_385 = arith.constant 0 : i32
          %add3A_386 = arith.addi %add3A_385, %mul3A_384 : i32
          %add3A_387 = arith.constant 80 : i32
          %add3A_388 = arith.addi %add3A_386, %add3A_387 : i32
          %swap3A_389 = arith.index_cast %add3A_388 : i32 to index
          %swap3A_390 = tpu.vector_load %arg17[%swap3A_389] {strides = array<i32>} : memref<16384xf32, #tpu.memory_space<vmem>>, vector<16xf32>,
          tpu.vector_store %arg17[%swap3A_389], %add3A_382 {strides = array<i32>} : memref<16384xf32, #tpu.memory_space<vmem>>, vector<16xf32>,
          %add3A_391 = arith.addi %broadcast_in_dim3A_312, %and3A_130 : vector<16xi32>
          %gather3A_392 = tpu.vector_load_idx %arg13[%add3A_391] : memref<16384xf32, #tpu.memory_space<vmem>>[vector<16xi32>], vector<16xf32>,
          %add3A_393 = arith.addi %broadcast_in_dim3A_312, %add3A_181 : vector<16xi32>
          %gather3A_394 = tpu.vector_load_idx %arg14[%add3A_393] : memref<16384xf32, #tpu.memory_space<vmem>>[vector<16xi32>], vector<16xf32>,
          %add3A_395 = arith.addf %gather3A_392, %gather3A_394 : vector<16xf32>
          %mul3A_396 = arith.constant 128 : i32
          %mul3A_397 = arith.muli %add3A_309, %mul3A_396 : i32
          %add3A_398 = arith.constant 0 : i32
          %add3A_399 = arith.addi %add3A_398, %mul3A_397 : i32
          %add3A_400 = arith.constant 96 : i32
          %add3A_401 = arith.addi %add3A_399, %add3A_400 : i32
          %swap3A_402 = arith.index_cast %add3A_401 : i32 to index
          %swap3A_403 = tpu.vector_load %arg17[%swap3A_402] {strides = array<i32>} : memref<16384xf32, #tpu.memory_space<vmem>>, vector<16xf32>,
          tpu.vector_store %arg17[%swap3A_402], %add3A_395 {strides = array<i32>} : memref<16384xf32, #tpu.memory_space<vmem>>, vector<16xf32>,
          %add3A_404 = arith.addi %broadcast_in_dim3A_312, %and3A_133 : vector<16xi32>
          %gather3A_405 = tpu.vector_load_idx %arg13[%add3A_404] : memref<16384xf32, #tpu.memory_space<vmem>>[vector<16xi32>], vector<16xf32>,
          %add3A_406 = arith.addi %broadcast_in_dim3A_312, %add3A_188 : vector<16xi32>
          %gather3A_407 = tpu.vector_load_idx %arg14[%add3A_406] : memref<16384xf32, #tpu.memory_space<vmem>>[vector<16xi32>], vector<16xf32>,
          %add3A_408 = arith.addf %gather3A_405, %gather3A_407 : vector<16xf32>
          %mul3A_409 = arith.constant 128 : i32
          %mul3A_410 = arith.muli %add3A_309, %mul3A_409 : i32
          %add3A_411 = arith.constant 0 : i32
          %add3A_412 = arith.addi %add3A_411, %mul3A_410 : i32
          %add3A_413 = arith.constant 112 : i32
          %add3A_414 = arith.addi %add3A_412, %add3A_413 : i32
          %swap3A_415 = arith.index_cast %add3A_414 : i32 to index
          %swap3A_416 = tpu.vector_load %arg17[%swap3A_415] {strides = array<i32>} : memref<16384xf32, #tpu.memory_space<vmem>>, vector<16xf32>,
          tpu.vector_store %arg17[%swap3A_415], %add3A_408 {strides = array<i32>} : memref<16384xf32, #tpu.memory_space<vmem>>, vector<16xf32>,
          %mul3A_417 = arith.constant 8 : i32
          %mul3A_418 = arith.muli %scan3A_195, %mul3A_417 : i32
          %add3A_419 = arith.constant 2 : i32
          %add3A_420 = arith.addi %mul3A_418, %add3A_419 : i32
          %mul3A_421 = arith.constant 256 : i32
          %mul3A_422 = arith.muli %add3A_420, %mul3A_421 : i32
          %broadcast_in_dim3A_423 = vector.broadcast %mul3A_422 : i32 to vector<16xi32>
          %add3A_424 = arith.addi %broadcast_in_dim3A_423, %and3A_112 : vector<16xi32>
          %gather3A_425 = tpu.vector_load_idx %arg13[%add3A_424] : memref<16384xf32, #tpu.memory_space<vmem>>[vector<16xi32>], vector<16xf32>,
          %add3A_426 = arith.addi %broadcast_in_dim3A_423, %add3A_139 : vector<16xi32>
          %gather3A_427 = tpu.vector_load_idx %arg14[%add3A_426] : memref<16384xf32, #tpu.memory_space<vmem>>[vector<16xi32>], vector<16xf32>,
          %add3A_428 = arith.addf %gather3A_425, %gather3A_427 : vector<16xf32>
          %mul3A_429 = arith.constant 128 : i32
          %mul3A_430 = arith.muli %add3A_420, %mul3A_429 : i32
          %add3A_431 = arith.constant 0 : i32
          %add3A_432 = arith.addi %add3A_431, %mul3A_430 : i32
          %add3A_433 = arith.constant 0 : i32
          %add3A_434 = arith.addi %add3A_432, %add3A_433 : i32
          %swap3A_435 = arith.index_cast %add3A_434 : i32 to index
          %swap3A_436 = tpu.vector_load %arg17[%swap3A_435] {strides = array<i32>} : memref<16384xf32, #tpu.memory_space<vmem>>, vector<16xf32>,
          tpu.vector_store %arg17[%swap3A_435], %add3A_428 {strides = array<i32>} : memref<16384xf32, #tpu.memory_space<vmem>>, vector<16xf32>,
          %add3A_437 = arith.addi %broadcast_in_dim3A_423, %and3A_115 : vector<16xi32>
          %gather3A_438 = tpu.vector_load_idx %arg13[%add3A_437] : memref<16384xf32, #tpu.memory_space<vmem>>[vector<16xi32>], vector<16xf32>,
          %add3A_439 = arith.addi %broadcast_in_dim3A_423, %add3A_146 : vector<16xi32>
          %gather3A_440 = tpu.vector_load_idx %arg14[%add3A_439] : memref<16384xf32, #tpu.memory_space<vmem>>[vector<16xi32>], vector<16xf32>,
          %add3A_441 = arith.addf %gather3A_438, %gather3A_440 : vector<16xf32>
          %mul3A_442 = arith.constant 128 : i32
          %mul3A_443 = arith.muli %add3A_420, %mul3A_442 : i32
          %add3A_444 = arith.constant 0 : i32
          %add3A_445 = arith.addi %add3A_444, %mul3A_443 : i32
          %add3A_446 = arith.constant 16 : i32
          %add3A_447 = arith.addi %add3A_445, %add3A_446 : i32
          %swap3A_448 = arith.index_cast %add3A_447 : i32 to index
          %swap3A_449 = tpu.vector_load %arg17[%swap3A_448] {strides = array<i32>} : memref<16384xf32, #tpu.memory_space<vmem>>, vector<16xf32>,
          tpu.vector_store %arg17[%swap3A_448], %add3A_441 {strides = array<i32>} : memref<16384xf32, #tpu.memory_space<vmem>>, vector<16xf32>,
          %add3A_450 = arith.addi %broadcast_in_dim3A_423, %and3A_118 : vector<16xi32>
          %gather3A_451 = tpu.vector_load_idx %arg13[%add3A_450] : memref<16384xf32, #tpu.memory_space<vmem>>[vector<16xi32>], vector<16xf32>,
          %add3A_452 = arith.addi %broadcast_in_dim3A_423, %add3A_153 : vector<16xi32>
          %gather3A_453 = tpu.vector_load_idx %arg14[%add3A_452] : memref<16384xf32, #tpu.memory_space<vmem>>[vector<16xi32>], vector<16xf32>,
          %add3A_454 = arith.addf %gather3A_451, %gather3A_453 : vector<16xf32>
          %mul3A_455 = arith.constant 128 : i32
          %mul3A_456 = arith.muli %add3A_420, %mul3A_455 : i32
          %add3A_457 = arith.constant 0 : i32
          %add3A_458 = arith.addi %add3A_457, %mul3A_456 : i32
          %add3A_459 = arith.constant 32 : i32
          %add3A_460 = arith.addi %add3A_458, %add3A_459 : i32
          %swap3A_461 = arith.index_cast %add3A_460 : i32 to index
          %swap3A_462 = tpu.vector_load %arg17[%swap3A_461] {strides = array<i32>} : memref<16384xf32, #tpu.memory_space<vmem>>, vector<16xf32>,
          tpu.vector_store %arg17[%swap3A_461], %add3A_454 {strides = array<i32>} : memref<16384xf32, #tpu.memory_space<vmem>>, vector<16xf32>,
          %add3A_463 = arith.addi %broadcast_in_dim3A_423, %and3A_121 : vector<16xi32>
          %gather3A_464 = tpu.vector_load_idx %arg13[%add3A_463] : memref<16384xf32, #tpu.memory_space<vmem>>[vector<16xi32>], vector<16xf32>,
          %add3A_465 = arith.addi %broadcast_in_dim3A_423, %add3A_160 : vector<16xi32>
          %gather3A_466 = tpu.vector_load_idx %arg14[%add3A_465] : memref<16384xf32, #tpu.memory_space<vmem>>[vector<16xi32>], vector<16xf32>,
          %add3A_467 = arith.addf %gather3A_464, %gather3A_466 : vector<16xf32>
          %mul3A_468 = arith.constant 128 : i32
          %mul3A_469 = arith.muli %add3A_420, %mul3A_468 : i32
          %add3A_470 = arith.constant 0 : i32
          %add3A_471 = arith.addi %add3A_470, %mul3A_469 : i32
          %add3A_472 = arith.constant 48 : i32
          %add3A_473 = arith.addi %add3A_471, %add3A_472 : i32
          %swap3A_474 = arith.index_cast %add3A_473 : i32 to index
          %swap3A_475 = tpu.vector_load %arg17[%swap3A_474] {strides = array<i32>} : memref<16384xf32, #tpu.memory_space<vmem>>, vector<16xf32>,
          tpu.vector_store %arg17[%swap3A_474], %add3A_467 {strides = array<i32>} : memref<16384xf32, #tpu.memory_space<vmem>>, vector<16xf32>,
          %add3A_476 = arith.addi %broadcast_in_dim3A_423, %and3A_124 : vector<16xi32>
          %gather3A_477 = tpu.vector_load_idx %arg13[%add3A_476] : memref<16384xf32, #tpu.memory_space<vmem>>[vector<16xi32>], vector<16xf32>,
          %add3A_478 = arith.addi %broadcast_in_dim3A_423, %add3A_167 : vector<16xi32>
          %gather3A_479 = tpu.vector_load_idx %arg14[%add3A_478] : memref<16384xf32, #tpu.memory_space<vmem>>[vector<16xi32>], vector<16xf32>,
          %add3A_480 = arith.addf %gather3A_477, %gather3A_479 : vector<16xf32>
          %mul3A_481 = arith.constant 128 : i32
          %mul3A_482 = arith.muli %add3A_420, %mul3A_481 : i32
          %add3A_483 = arith.constant 0 : i32
          %add3A_484 = arith.addi %add3A_483, %mul3A_482 : i32
          %add3A_485 = arith.constant 64 : i32
          %add3A_486 = arith.addi %add3A_484, %add3A_485 : i32
          %swap3A_487 = arith.index_cast %add3A_486 : i32 to index
          %swap3A_488 = tpu.vector_load %arg17[%swap3A_487] {strides = array<i32>} : memref<16384xf32, #tpu.memory_space<vmem>>, vector<16xf32>,
          tpu.vector_store %arg17[%swap3A_487], %add3A_480 {strides = array<i32>} : memref<16384xf32, #tpu.memory_space<vmem>>, vector<16xf32>,
          %add3A_489 = arith.addi %broadcast_in_dim3A_423, %and3A_127 : vector<16xi32>
          %gather3A_490 = tpu.vector_load_idx %arg13[%add3A_489] : memref<16384xf32, #tpu.memory_space<vmem>>[vector<16xi32>], vector<16xf32>,
          %add3A_491 = arith.addi %broadcast_in_dim3A_423, %add3A_174 : vector<16xi32>
          %gather3A_492 = tpu.vector_load_idx %arg14[%add3A_491] : memref<16384xf32, #tpu.memory_space<vmem>>[vector<16xi32>], vector<16xf32>,
          %add3A_493 = arith.addf %gather3A_490, %gather3A_492 : vector<16xf32>
          %mul3A_494 = arith.constant 128 : i32
          %mul3A_495 = arith.muli %add3A_420, %mul3A_494 : i32
          %add3A_496 = arith.constant 0 : i32
          %add3A_497 = arith.addi %add3A_496, %mul3A_495 : i32
          %add3A_498 = arith.constant 80 : i32
          %add3A_499 = arith.addi %add3A_497, %add3A_498 : i32
          %swap3A_500 = arith.index_cast %add3A_499 : i32 to index
          %swap3A_501 = tpu.vector_load %arg17[%swap3A_500] {strides = array<i32>} : memref<16384xf32, #tpu.memory_space<vmem>>, vector<16xf32>,
          tpu.vector_store %arg17[%swap3A_500], %add3A_493 {strides = array<i32>} : memref<16384xf32, #tpu.memory_space<vmem>>, vector<16xf32>,
          %add3A_502 = arith.addi %broadcast_in_dim3A_423, %and3A_130 : vector<16xi32>
          %gather3A_503 = tpu.vector_load_idx %arg13[%add3A_502] : memref<16384xf32, #tpu.memory_space<vmem>>[vector<16xi32>], vector<16xf32>,
          %add3A_504 = arith.addi %broadcast_in_dim3A_423, %add3A_181 : vector<16xi32>
          %gather3A_505 = tpu.vector_load_idx %arg14[%add3A_504] : memref<16384xf32, #tpu.memory_space<vmem>>[vector<16xi32>], vector<16xf32>,
          %add3A_506 = arith.addf %gather3A_503, %gather3A_505 : vector<16xf32>
          %mul3A_507 = arith.constant 128 : i32
          %mul3A_508 = arith.muli %add3A_420, %mul3A_507 : i32
          %add3A_509 = arith.constant 0 : i32
          %add3A_510 = arith.addi %add3A_509, %mul3A_508 : i32
          %add3A_511 = arith.constant 96 : i32
          %add3A_512 = arith.addi %add3A_510, %add3A_511 : i32
          %swap3A_513 = arith.index_cast %add3A_512 : i32 to index
          %swap3A_514 = tpu.vector_load %arg17[%swap3A_513] {strides = array<i32>} : memref<16384xf32, #tpu.memory_space<vmem>>, vector<16xf32>,
          tpu.vector_store %arg17[%swap3A_513], %add3A_506 {strides = array<i32>} : memref<16384xf32, #tpu.memory_space<vmem>>, vector<16xf32>,
          %add3A_515 = arith.addi %broadcast_in_dim3A_423, %and3A_133 : vector<16xi32>
          %gather3A_516 = tpu.vector_load_idx %arg13[%add3A_515] : memref<16384xf32, #tpu.memory_space<vmem>>[vector<16xi32>], vector<16xf32>,
          %add3A_517 = arith.addi %broadcast_in_dim3A_423, %add3A_188 : vector<16xi32>
          %gather3A_518 = tpu.vector_load_idx %arg14[%add3A_517] : memref<16384xf32, #tpu.memory_space<vmem>>[vector<16xi32>], vector<16xf32>,
          %add3A_519 = arith.addf %gather3A_516, %gather3A_518 : vector<16xf32>
          %mul3A_520 = arith.constant 128 : i32
          %mul3A_521 = arith.muli %add3A_420, %mul3A_520 : i32
          %add3A_522 = arith.constant 0 : i32
          %add3A_523 = arith.addi %add3A_522, %mul3A_521 : i32
          %add3A_524 = arith.constant 112 : i32
          %add3A_525 = arith.addi %add3A_523, %add3A_524 : i32
          %swap3A_526 = arith.index_cast %add3A_525 : i32 to index
          %swap3A_527 = tpu.vector_load %arg17[%swap3A_526] {strides = array<i32>} : memref<16384xf32, #tpu.memory_space<vmem>>, vector<16xf32>,
          tpu.vector_store %arg17[%swap3A_526], %add3A_519 {strides = array<i32>} : memref<16384xf32, #tpu.memory_space<vmem>>, vector<16xf32>,
          %mul3A_528 = arith.constant 8 : i32
          %mul3A_529 = arith.muli %scan3A_195, %mul3A_528 : i32
          %add3A_530 = arith.constant 3 : i32
          %add3A_531 = arith.addi %mul3A_529, %add3A_530 : i32
          %mul3A_532 = arith.constant 256 : i32
          %mul3A_533 = arith.muli %add3A_531, %mul3A_532 : i32
          %broadcast_in_dim3A_534 = vector.broadcast %mul3A_533 : i32 to vector<16xi32>
          %add3A_535 = arith.addi %broadcast_in_dim3A_534, %and3A_112 : vector<16xi32>
          %gather3A_536 = tpu.vector_load_idx %arg13[%add3A_535] : memref<16384xf32, #tpu.memory_space<vmem>>[vector<16xi32>], vector<16xf32>,
          %add3A_537 = arith.addi %broadcast_in_dim3A_534, %add3A_139 : vector<16xi32>
          %gather3A_538 = tpu.vector_load_idx %arg14[%add3A_537] : memref<16384xf32, #tpu.memory_space<vmem>>[vector<16xi32>], vector<16xf32>,
          %add3A_539 = arith.addf %gather3A_536, %gather3A_538 : vector<16xf32>
          %mul3A_540 = arith.constant 128 : i32
          %mul3A_541 = arith.muli %add3A_531, %mul3A_540 : i32
          %add3A_542 = arith.constant 0 : i32
          %add3A_543 = arith.addi %add3A_542, %mul3A_541 : i32
          %add3A_544 = arith.constant 0 : i32
          %add3A_545 = arith.addi %add3A_543, %add3A_544 : i32
          %swap3A_546 = arith.index_cast %add3A_545 : i32 to index
          %swap3A_547 = tpu.vector_load %arg17[%swap3A_546] {strides = array<i32>} : memref<16384xf32, #tpu.memory_space<vmem>>, vector<16xf32>,
          tpu.vector_store %arg17[%swap3A_546], %add3A_539 {strides = array<i32>} : memref<16384xf32, #tpu.memory_space<vmem>>, vector<16xf32>,
          %add3A_548 = arith.addi %broadcast_in_dim3A_534, %and3A_115 : vector<16xi32>
          %gather3A_549 = tpu.vector_load_idx %arg13[%add3A_548] : memref<16384xf32, #tpu.memory_space<vmem>>[vector<16xi32>], vector<16xf32>,
          %add3A_550 = arith.addi %broadcast_in_dim3A_534, %add3A_146 : vector<16xi32>
          %gather3A_551 = tpu.vector_load_idx %arg14[%add3A_550] : memref<16384xf32, #tpu.memory_space<vmem>>[vector<16xi32>], vector<16xf32>,
          %add3A_552 = arith.addf %gather3A_549, %gather3A_551 : vector<16xf32>
          %mul3A_553 = arith.constant 128 : i32
          %mul3A_554 = arith.muli %add3A_531, %mul3A_553 : i32
          %add3A_555 = arith.constant 0 : i32
          %add3A_556 = arith.addi %add3A_555, %mul3A_554 : i32
          %add3A_557 = arith.constant 16 : i32
          %add3A_558 = arith.addi %add3A_556, %add3A_557 : i32
          %swap3A_559 = arith.index_cast %add3A_558 : i32 to index
          %swap3A_560 = tpu.vector_load %arg17[%swap3A_559] {strides = array<i32>} : memref<16384xf32, #tpu.memory_space<vmem>>, vector<16xf32>,
          tpu.vector_store %arg17[%swap3A_559], %add3A_552 {strides = array<i32>} : memref<16384xf32, #tpu.memory_space<vmem>>, vector<16xf32>,
          %add3A_561 = arith.addi %broadcast_in_dim3A_534, %and3A_118 : vector<16xi32>
          %gather3A_562 = tpu.vector_load_idx %arg13[%add3A_561] : memref<16384xf32, #tpu.memory_space<vmem>>[vector<16xi32>], vector<16xf32>,
          %add3A_563 = arith.addi %broadcast_in_dim3A_534, %add3A_153 : vector<16xi32>
          %gather3A_564 = tpu.vector_load_idx %arg14[%add3A_563] : memref<16384xf32, #tpu.memory_space<vmem>>[vector<16xi32>], vector<16xf32>,
          %add3A_565 = arith.addf %gather3A_562, %gather3A_564 : vector<16xf32>
          %mul3A_566 = arith.constant 128 : i32
          %mul3A_567 = arith.muli %add3A_531, %mul3A_566 : i32
          %add3A_568 = arith.constant 0 : i32
          %add3A_569 = arith.addi %add3A_568, %mul3A_567 : i32
          %add3A_570 = arith.constant 32 : i32
          %add3A_571 = arith.addi %add3A_569, %add3A_570 : i32
          %swap3A_572 = arith.index_cast %add3A_571 : i32 to index
          %swap3A_573 = tpu.vector_load %arg17[%swap3A_572] {strides = array<i32>} : memref<16384xf32, #tpu.memory_space<vmem>>, vector<16xf32>,
          tpu.vector_store %arg17[%swap3A_572], %add3A_565 {strides = array<i32>} : memref<16384xf32, #tpu.memory_space<vmem>>, vector<16xf32>,
          %add3A_574 = arith.addi %broadcast_in_dim3A_534, %and3A_121 : vector<16xi32>
          %gather3A_575 = tpu.vector_load_idx %arg13[%add3A_574] : memref<16384xf32, #tpu.memory_space<vmem>>[vector<16xi32>], vector<16xf32>,
          %add3A_576 = arith.addi %broadcast_in_dim3A_534, %add3A_160 : vector<16xi32>
          %gather3A_577 = tpu.vector_load_idx %arg14[%add3A_576] : memref<16384xf32, #tpu.memory_space<vmem>>[vector<16xi32>], vector<16xf32>,
          %add3A_578 = arith.addf %gather3A_575, %gather3A_577 : vector<16xf32>
          %mul3A_579 = arith.constant 128 : i32
          %mul3A_580 = arith.muli %add3A_531, %mul3A_579 : i32
          %add3A_581 = arith.constant 0 : i32
          %add3A_582 = arith.addi %add3A_581, %mul3A_580 : i32
          %add3A_583 = arith.constant 48 : i32
          %add3A_584 = arith.addi %add3A_582, %add3A_583 : i32
          %swap3A_585 = arith.index_cast %add3A_584 : i32 to index
          %swap3A_586 = tpu.vector_load %arg17[%swap3A_585] {strides = array<i32>} : memref<16384xf32, #tpu.memory_space<vmem>>, vector<16xf32>,
          tpu.vector_store %arg17[%swap3A_585], %add3A_578 {strides = array<i32>} : memref<16384xf32, #tpu.memory_space<vmem>>, vector<16xf32>,
          %add3A_587 = arith.addi %broadcast_in_dim3A_534, %and3A_124 : vector<16xi32>
          %gather3A_588 = tpu.vector_load_idx %arg13[%add3A_587] : memref<16384xf32, #tpu.memory_space<vmem>>[vector<16xi32>], vector<16xf32>,
          %add3A_589 = arith.addi %broadcast_in_dim3A_534, %add3A_167 : vector<16xi32>
          %gather3A_590 = tpu.vector_load_idx %arg14[%add3A_589] : memref<16384xf32, #tpu.memory_space<vmem>>[vector<16xi32>], vector<16xf32>,
          %add3A_591 = arith.addf %gather3A_588, %gather3A_590 : vector<16xf32>
          %mul3A_592 = arith.constant 128 : i32
          %mul3A_593 = arith.muli %add3A_531, %mul3A_592 : i32
          %add3A_594 = arith.constant 0 : i32
          %add3A_595 = arith.addi %add3A_594, %mul3A_593 : i32
          %add3A_596 = arith.constant 64 : i32
          %add3A_597 = arith.addi %add3A_595, %add3A_596 : i32
          %swap3A_598 = arith.index_cast %add3A_597 : i32 to index
          %swap3A_599 = tpu.vector_load %arg17[%swap3A_598] {strides = array<i32>} : memref<16384xf32, #tpu.memory_space<vmem>>, vector<16xf32>,
          tpu.vector_store %arg17[%swap3A_598], %add3A_591 {strides = array<i32>} : memref<16384xf32, #tpu.memory_space<vmem>>, vector<16xf32>,
          %add3A_600 = arith.addi %broadcast_in_dim3A_534, %and3A_127 : vector<16xi32>
          %gather3A_601 = tpu.vector_load_idx %arg13[%add3A_600] : memref<16384xf32, #tpu.memory_space<vmem>>[vector<16xi32>], vector<16xf32>,
          %add3A_602 = arith.addi %broadcast_in_dim3A_534, %add3A_174 : vector<16xi32>
          %gather3A_603 = tpu.vector_load_idx %arg14[%add3A_602] : memref<16384xf32, #tpu.memory_space<vmem>>[vector<16xi32>], vector<16xf32>,
          %add3A_604 = arith.addf %gather3A_601, %gather3A_603 : vector<16xf32>
          %mul3A_605 = arith.constant 128 : i32
          %mul3A_606 = arith.muli %add3A_531, %mul3A_605 : i32
          %add3A_607 = arith.constant 0 : i32
          %add3A_608 = arith.addi %add3A_607, %mul3A_606 : i32
          %add3A_609 = arith.constant 80 : i32
          %add3A_610 = arith.addi %add3A_608, %add3A_609 : i32
          %swap3A_611 = arith.index_cast %add3A_610 : i32 to index
          %swap3A_612 = tpu.vector_load %arg17[%swap3A_611] {strides = array<i32>} : memref<16384xf32, #tpu.memory_space<vmem>>, vector<16xf32>,
          tpu.vector_store %arg17[%swap3A_611], %add3A_604 {strides = array<i32>} : memref<16384xf32, #tpu.memory_space<vmem>>, vector<16xf32>,
          %add3A_613 = arith.addi %broadcast_in_dim3A_534, %and3A_130 : vector<16xi32>
          %gather3A_614 = tpu.vector_load_idx %arg13[%add3A_613] : memref<16384xf32, #tpu.memory_space<vmem>>[vector<16xi32>], vector<16xf32>,
          %add3A_615 = arith.addi %broadcast_in_dim3A_534, %add3A_181 : vector<16xi32>
          %gather3A_616 = tpu.vector_load_idx %arg14[%add3A_615] : memref<16384xf32, #tpu.memory_space<vmem>>[vector<16xi32>], vector<16xf32>,
          %add3A_617 = arith.addf %gather3A_614, %gather3A_616 : vector<16xf32>
          %mul3A_618 = arith.constant 128 : i32
          %mul3A_619 = arith.muli %add3A_531, %mul3A_618 : i32
          %add3A_620 = arith.constant 0 : i32
          %add3A_621 = arith.addi %add3A_620, %mul3A_619 : i32
          %add3A_622 = arith.constant 96 : i32
          %add3A_623 = arith.addi %add3A_621, %add3A_622 : i32
          %swap3A_624 = arith.index_cast %add3A_623 : i32 to index
          %swap3A_625 = tpu.vector_load %arg17[%swap3A_624] {strides = array<i32>} : memref<16384xf32, #tpu.memory_space<vmem>>, vector<16xf32>,
          tpu.vector_store %arg17[%swap3A_624], %add3A_617 {strides = array<i32>} : memref<16384xf32, #tpu.memory_space<vmem>>, vector<16xf32>,
          %add3A_626 = arith.addi %broadcast_in_dim3A_534, %and3A_133 : vector<16xi32>
          %gather3A_627 = tpu.vector_load_idx %arg13[%add3A_626] : memref<16384xf32, #tpu.memory_space<vmem>>[vector<16xi32>], vector<16xf32>,
          %add3A_628 = arith.addi %broadcast_in_dim3A_534, %add3A_188 : vector<16xi32>
          %gather3A_629 = tpu.vector_load_idx %arg14[%add3A_628] : memref<16384xf32, #tpu.memory_space<vmem>>[vector<16xi32>], vector<16xf32>,
          %add3A_630 = arith.addf %gather3A_627, %gather3A_629 : vector<16xf32>
          %mul3A_631 = arith.constant 128 : i32
          %mul3A_632 = arith.muli %add3A_531, %mul3A_631 : i32
          %add3A_633 = arith.constant 0 : i32
          %add3A_634 = arith.addi %add3A_633, %mul3A_632 : i32
          %add3A_635 = arith.constant 112 : i32
          %add3A_636 = arith.addi %add3A_634, %add3A_635 : i32
          %swap3A_637 = arith.index_cast %add3A_636 : i32 to index
          %swap3A_638 = tpu.vector_load %arg17[%swap3A_637] {strides = array<i32>} : memref<16384xf32, #tpu.memory_space<vmem>>, vector<16xf32>,
          tpu.vector_store %arg17[%swap3A_637], %add3A_630 {strides = array<i32>} : memref<16384xf32, #tpu.memory_space<vmem>>, vector<16xf32>,
          %mul3A_639 = arith.constant 8 : i32
          %mul3A_640 = arith.muli %scan3A_195, %mul3A_639 : i32
          %add3A_641 = arith.constant 4 : i32
          %add3A_642 = arith.addi %mul3A_640, %add3A_641 : i32
          %mul3A_643 = arith.constant 256 : i32
          %mul3A_644 = arith.muli %add3A_642, %mul3A_643 : i32
          %broadcast_in_dim3A_645 = vector.broadcast %mul3A_644 : i32 to vector<16xi32>
          %add3A_646 = arith.addi %broadcast_in_dim3A_645, %and3A_112 : vector<16xi32>
          %gather3A_647 = tpu.vector_load_idx %arg13[%add3A_646] : memref<16384xf32, #tpu.memory_space<vmem>>[vector<16xi32>], vector<16xf32>,
          %add3A_648 = arith.addi %broadcast_in_dim3A_645, %add3A_139 : vector<16xi32>
          %gather3A_649 = tpu.vector_load_idx %arg14[%add3A_648] : memref<16384xf32, #tpu.memory_space<vmem>>[vector<16xi32>], vector<16xf32>,
          %add3A_650 = arith.addf %gather3A_647, %gather3A_649 : vector<16xf32>
          %mul3A_651 = arith.constant 128 : i32
          %mul3A_652 = arith.muli %add3A_642, %mul3A_651 : i32
          %add3A_653 = arith.constant 0 : i32
          %add3A_654 = arith.addi %add3A_653, %mul3A_652 : i32
          %add3A_655 = arith.constant 0 : i32
          %add3A_656 = arith.addi %add3A_654, %add3A_655 : i32
          %swap3A_657 = arith.index_cast %add3A_656 : i32 to index
          %swap3A_658 = tpu.vector_load %arg17[%swap3A_657] {strides = array<i32>} : memref<16384xf32, #tpu.memory_space<vmem>>, vector<16xf32>,
          tpu.vector_store %arg17[%swap3A_657], %add3A_650 {strides = array<i32>} : memref<16384xf32, #tpu.memory_space<vmem>>, vector<16xf32>,
          %add3A_659 = arith.addi %broadcast_in_dim3A_645, %and3A_115 : vector<16xi32>
          %gather3A_660 = tpu.vector_load_idx %arg13[%add3A_659] : memref<16384xf32, #tpu.memory_space<vmem>>[vector<16xi32>], vector<16xf32>,
          %add3A_661 = arith.addi %broadcast_in_dim3A_645, %add3A_146 : vector<16xi32>
          %gather3A_662 = tpu.vector_load_idx %arg14[%add3A_661] : memref<16384xf32, #tpu.memory_space<vmem>>[vector<16xi32>], vector<16xf32>,
          %add3A_663 = arith.addf %gather3A_660, %gather3A_662 : vector<16xf32>
          %mul3A_664 = arith.constant 128 : i32
          %mul3A_665 = arith.muli %add3A_642, %mul3A_664 : i32
          %add3A_666 = arith.constant 0 : i32
          %add3A_667 = arith.addi %add3A_666, %mul3A_665 : i32
          %add3A_668 = arith.constant 16 : i32
          %add3A_669 = arith.addi %add3A_667, %add3A_668 : i32
          %swap3A_670 = arith.index_cast %add3A_669 : i32 to index
          %swap3A_671 = tpu.vector_load %arg17[%swap3A_670] {strides = array<i32>} : memref<16384xf32, #tpu.memory_space<vmem>>, vector<16xf32>,
          tpu.vector_store %arg17[%swap3A_670], %add3A_663 {strides = array<i32>} : memref<16384xf32, #tpu.memory_space<vmem>>, vector<16xf32>,
          %add3A_672 = arith.addi %broadcast_in_dim3A_645, %and3A_118 : vector<16xi32>
          %gather3A_673 = tpu.vector_load_idx %arg13[%add3A_672] : memref<16384xf32, #tpu.memory_space<vmem>>[vector<16xi32>], vector<16xf32>,
          %add3A_674 = arith.addi %broadcast_in_dim3A_645, %add3A_153 : vector<16xi32>
          %gather3A_675 = tpu.vector_load_idx %arg14[%add3A_674] : memref<16384xf32, #tpu.memory_space<vmem>>[vector<16xi32>], vector<16xf32>,
          %add3A_676 = arith.addf %gather3A_673, %gather3A_675 : vector<16xf32>
          %mul3A_677 = arith.constant 128 : i32
          %mul3A_678 = arith.muli %add3A_642, %mul3A_677 : i32
          %add3A_679 = arith.constant 0 : i32
          %add3A_680 = arith.addi %add3A_679, %mul3A_678 : i32
          %add3A_681 = arith.constant 32 : i32
          %add3A_682 = arith.addi %add3A_680, %add3A_681 : i32
          %swap3A_683 = arith.index_cast %add3A_682 : i32 to index
          %swap3A_684 = tpu.vector_load %arg17[%swap3A_683] {strides = array<i32>} : memref<16384xf32, #tpu.memory_space<vmem>>, vector<16xf32>,
          tpu.vector_store %arg17[%swap3A_683], %add3A_676 {strides = array<i32>} : memref<16384xf32, #tpu.memory_space<vmem>>, vector<16xf32>,
          %add3A_685 = arith.addi %broadcast_in_dim3A_645, %and3A_121 : vector<16xi32>
          %gather3A_686 = tpu.vector_load_idx %arg13[%add3A_685] : memref<16384xf32, #tpu.memory_space<vmem>>[vector<16xi32>], vector<16xf32>,
          %add3A_687 = arith.addi %broadcast_in_dim3A_645, %add3A_160 : vector<16xi32>
          %gather3A_688 = tpu.vector_load_idx %arg14[%add3A_687] : memref<16384xf32, #tpu.memory_space<vmem>>[vector<16xi32>], vector<16xf32>,
          %add3A_689 = arith.addf %gather3A_686, %gather3A_688 : vector<16xf32>
          %mul3A_690 = arith.constant 128 : i32
          %mul3A_691 = arith.muli %add3A_642, %mul3A_690 : i32
          %add3A_692 = arith.constant 0 : i32
          %add3A_693 = arith.addi %add3A_692, %mul3A_691 : i32
          %add3A_694 = arith.constant 48 : i32
          %add3A_695 = arith.addi %add3A_693, %add3A_694 : i32
          %swap3A_696 = arith.index_cast %add3A_695 : i32 to index
          %swap3A_697 = tpu.vector_load %arg17[%swap3A_696] {strides = array<i32>} : memref<16384xf32, #tpu.memory_space<vmem>>, vector<16xf32>,
          tpu.vector_store %arg17[%swap3A_696], %add3A_689 {strides = array<i32>} : memref<16384xf32, #tpu.memory_space<vmem>>, vector<16xf32>,
          %add3A_698 = arith.addi %broadcast_in_dim3A_645, %and3A_124 : vector<16xi32>
          %gather3A_699 = tpu.vector_load_idx %arg13[%add3A_698] : memref<16384xf32, #tpu.memory_space<vmem>>[vector<16xi32>], vector<16xf32>,
          %add3A_700 = arith.addi %broadcast_in_dim3A_645, %add3A_167 : vector<16xi32>
          %gather3A_701 = tpu.vector_load_idx %arg14[%add3A_700] : memref<16384xf32, #tpu.memory_space<vmem>>[vector<16xi32>], vector<16xf32>,
          %add3A_702 = arith.addf %gather3A_699, %gather3A_701 : vector<16xf32>
          %mul3A_703 = arith.constant 128 : i32
          %mul3A_704 = arith.muli %add3A_642, %mul3A_703 : i32
          %add3A_705 = arith.constant 0 : i32
          %add3A_706 = arith.addi %add3A_705, %mul3A_704 : i32
          %add3A_707 = arith.constant 64 : i32
          %add3A_708 = arith.addi %add3A_706, %add3A_707 : i32
          %swap3A_709 = arith.index_cast %add3A_708 : i32 to index
          %swap3A_710 = tpu.vector_load %arg17[%swap3A_709] {strides = array<i32>} : memref<16384xf32, #tpu.memory_space<vmem>>, vector<16xf32>,
          tpu.vector_store %arg17[%swap3A_709], %add3A_702 {strides = array<i32>} : memref<16384xf32, #tpu.memory_space<vmem>>, vector<16xf32>,
          %add3A_711 = arith.addi %broadcast_in_dim3A_645, %and3A_127 : vector<16xi32>
          %gather3A_712 = tpu.vector_load_idx %arg13[%add3A_711] : memref<16384xf32, #tpu.memory_space<vmem>>[vector<16xi32>], vector<16xf32>,
          %add3A_713 = arith.addi %broadcast_in_dim3A_645, %add3A_174 : vector<16xi32>
          %gather3A_714 = tpu.vector_load_idx %arg14[%add3A_713] : memref<16384xf32, #tpu.memory_space<vmem>>[vector<16xi32>], vector<16xf32>,
          %add3A_715 = arith.addf %gather3A_712, %gather3A_714 : vector<16xf32>
          %mul3A_716 = arith.constant 128 : i32
          %mul3A_717 = arith.muli %add3A_642, %mul3A_716 : i32
          %add3A_718 = arith.constant 0 : i32
          %add3A_719 = arith.addi %add3A_718, %mul3A_717 : i32
          %add3A_720 = arith.constant 80 : i32
          %add3A_721 = arith.addi %add3A_719, %add3A_720 : i32
          %swap3A_722 = arith.index_cast %add3A_721 : i32 to index
          %swap3A_723 = tpu.vector_load %arg17[%swap3A_722] {strides = array<i32>} : memref<16384xf32, #tpu.memory_space<vmem>>, vector<16xf32>,
          tpu.vector_store %arg17[%swap3A_722], %add3A_715 {strides = array<i32>} : memref<16384xf32, #tpu.memory_space<vmem>>, vector<16xf32>,
          %add3A_724 = arith.addi %broadcast_in_dim3A_645, %and3A_130 : vector<16xi32>
          %gather3A_725 = tpu.vector_load_idx %arg13[%add3A_724] : memref<16384xf32, #tpu.memory_space<vmem>>[vector<16xi32>], vector<16xf32>,
          %add3A_726 = arith.addi %broadcast_in_dim3A_645, %add3A_181 : vector<16xi32>
          %gather3A_727 = tpu.vector_load_idx %arg14[%add3A_726] : memref<16384xf32, #tpu.memory_space<vmem>>[vector<16xi32>], vector<16xf32>,
          %add3A_728 = arith.addf %gather3A_725, %gather3A_727 : vector<16xf32>
          %mul3A_729 = arith.constant 128 : i32
          %mul3A_730 = arith.muli %add3A_642, %mul3A_729 : i32
          %add3A_731 = arith.constant 0 : i32
          %add3A_732 = arith.addi %add3A_731, %mul3A_730 : i32
          %add3A_733 = arith.constant 96 : i32
          %add3A_734 = arith.addi %add3A_732, %add3A_733 : i32
          %swap3A_735 = arith.index_cast %add3A_734 : i32 to index
          %swap3A_736 = tpu.vector_load %arg17[%swap3A_735] {strides = array<i32>} : memref<16384xf32, #tpu.memory_space<vmem>>, vector<16xf32>,
          tpu.vector_store %arg17[%swap3A_735], %add3A_728 {strides = array<i32>} : memref<16384xf32, #tpu.memory_space<vmem>>, vector<16xf32>,
          %add3A_737 = arith.addi %broadcast_in_dim3A_645, %and3A_133 : vector<16xi32>
          %gather3A_738 = tpu.vector_load_idx %arg13[%add3A_737] : memref<16384xf32, #tpu.memory_space<vmem>>[vector<16xi32>], vector<16xf32>,
          %add3A_739 = arith.addi %broadcast_in_dim3A_645, %add3A_188 : vector<16xi32>
          %gather3A_740 = tpu.vector_load_idx %arg14[%add3A_739] : memref<16384xf32, #tpu.memory_space<vmem>>[vector<16xi32>], vector<16xf32>,
          %add3A_741 = arith.addf %gather3A_738, %gather3A_740 : vector<16xf32>
          %mul3A_742 = arith.constant 128 : i32
          %mul3A_743 = arith.muli %add3A_642, %mul3A_742 : i32
          %add3A_744 = arith.constant 0 : i32
          %add3A_745 = arith.addi %add3A_744, %mul3A_743 : i32
          %add3A_746 = arith.constant 112 : i32
          %add3A_747 = arith.addi %add3A_745, %add3A_746 : i32
          %swap3A_748 = arith.index_cast %add3A_747 : i32 to index
          %swap3A_749 = tpu.vector_load %arg17[%swap3A_748] {strides = array<i32>} : memref<16384xf32, #tpu.memory_space<vmem>>, vector<16xf32>,
          tpu.vector_store %arg17[%swap3A_748], %add3A_741 {strides = array<i32>} : memref<16384xf32, #tpu.memory_space<vmem>>, vector<16xf32>,
          %mul3A_750 = arith.constant 8 : i32
          %mul3A_751 = arith.muli %scan3A_195, %mul3A_750 : i32
          %add3A_752 = arith.constant 5 : i32
          %add3A_753 = arith.addi %mul3A_751, %add3A_752 : i32
          %mul3A_754 = arith.constant 256 : i32
          %mul3A_755 = arith.muli %add3A_753, %mul3A_754 : i32
          %broadcast_in_dim3A_756 = vector.broadcast %mul3A_755 : i32 to vector<16xi32>
          %add3A_757 = arith.addi %broadcast_in_dim3A_756, %and3A_112 : vector<16xi32>
          %gather3A_758 = tpu.vector_load_idx %arg13[%add3A_757] : memref<16384xf32, #tpu.memory_space<vmem>>[vector<16xi32>], vector<16xf32>,
          %add3A_759 = arith.addi %broadcast_in_dim3A_756, %add3A_139 : vector<16xi32>
          %gather3A_760 = tpu.vector_load_idx %arg14[%add3A_759] : memref<16384xf32, #tpu.memory_space<vmem>>[vector<16xi32>], vector<16xf32>,
          %add3A_761 = arith.addf %gather3A_758, %gather3A_760 : vector<16xf32>
          %mul3A_762 = arith.constant 128 : i32
          %mul3A_763 = arith.muli %add3A_753, %mul3A_762 : i32
          %add3A_764 = arith.constant 0 : i32
          %add3A_765 = arith.addi %add3A_764, %mul3A_763 : i32
          %add3A_766 = arith.constant 0 : i32
          %add3A_767 = arith.addi %add3A_765, %add3A_766 : i32
          %swap3A_768 = arith.index_cast %add3A_767 : i32 to index
          %swap3A_769 = tpu.vector_load %arg17[%swap3A_768] {strides = array<i32>} : memref<16384xf32, #tpu.memory_space<vmem>>, vector<16xf32>,
          tpu.vector_store %arg17[%swap3A_768], %add3A_761 {strides = array<i32>} : memref<16384xf32, #tpu.memory_space<vmem>>, vector<16xf32>,
          %add3A_770 = arith.addi %broadcast_in_dim3A_756, %and3A_115 : vector<16xi32>
          %gather3A_771 = tpu.vector_load_idx %arg13[%add3A_770] : memref<16384xf32, #tpu.memory_space<vmem>>[vector<16xi32>], vector<16xf32>,
          %add3A_772 = arith.addi %broadcast_in_dim3A_756, %add3A_146 : vector<16xi32>
          %gather3A_773 = tpu.vector_load_idx %arg14[%add3A_772] : memref<16384xf32, #tpu.memory_space<vmem>>[vector<16xi32>], vector<16xf32>,
          %add3A_774 = arith.addf %gather3A_771, %gather3A_773 : vector<16xf32>
          %mul3A_775 = arith.constant 128 : i32
          %mul3A_776 = arith.muli %add3A_753, %mul3A_775 : i32
          %add3A_777 = arith.constant 0 : i32
          %add3A_778 = arith.addi %add3A_777, %mul3A_776 : i32
          %add3A_779 = arith.constant 16 : i32
          %add3A_780 = arith.addi %add3A_778, %add3A_779 : i32
          %swap3A_781 = arith.index_cast %add3A_780 : i32 to index
          %swap3A_782 = tpu.vector_load %arg17[%swap3A_781] {strides = array<i32>} : memref<16384xf32, #tpu.memory_space<vmem>>, vector<16xf32>,
          tpu.vector_store %arg17[%swap3A_781], %add3A_774 {strides = array<i32>} : memref<16384xf32, #tpu.memory_space<vmem>>, vector<16xf32>,
          %add3A_783 = arith.addi %broadcast_in_dim3A_756, %and3A_118 : vector<16xi32>
          %gather3A_784 = tpu.vector_load_idx %arg13[%add3A_783] : memref<16384xf32, #tpu.memory_space<vmem>>[vector<16xi32>], vector<16xf32>,
          %add3A_785 = arith.addi %broadcast_in_dim3A_756, %add3A_153 : vector<16xi32>
          %gather3A_786 = tpu.vector_load_idx %arg14[%add3A_785] : memref<16384xf32, #tpu.memory_space<vmem>>[vector<16xi32>], vector<16xf32>,
          %add3A_787 = arith.addf %gather3A_784, %gather3A_786 : vector<16xf32>
          %mul3A_788 = arith.constant 128 : i32
          %mul3A_789 = arith.muli %add3A_753, %mul3A_788 : i32
          %add3A_790 = arith.constant 0 : i32
          %add3A_791 = arith.addi %add3A_790, %mul3A_789 : i32
          %add3A_792 = arith.constant 32 : i32
          %add3A_793 = arith.addi %add3A_791, %add3A_792 : i32
          %swap3A_794 = arith.index_cast %add3A_793 : i32 to index
          %swap3A_795 = tpu.vector_load %arg17[%swap3A_794] {strides = array<i32>} : memref<16384xf32, #tpu.memory_space<vmem>>, vector<16xf32>,
          tpu.vector_store %arg17[%swap3A_794], %add3A_787 {strides = array<i32>} : memref<16384xf32, #tpu.memory_space<vmem>>, vector<16xf32>,
          %add3A_796 = arith.addi %broadcast_in_dim3A_756, %and3A_121 : vector<16xi32>
          %gather3A_797 = tpu.vector_load_idx %arg13[%add3A_796] : memref<16384xf32, #tpu.memory_space<vmem>>[vector<16xi32>], vector<16xf32>,
          %add3A_798 = arith.addi %broadcast_in_dim3A_756, %add3A_160 : vector<16xi32>
          %gather3A_799 = tpu.vector_load_idx %arg14[%add3A_798] : memref<16384xf32, #tpu.memory_space<vmem>>[vector<16xi32>], vector<16xf32>,
          %add3A_800 = arith.addf %gather3A_797, %gather3A_799 : vector<16xf32>
          %mul3A_801 = arith.constant 128 : i32
          %mul3A_802 = arith.muli %add3A_753, %mul3A_801 : i32
          %add3A_803 = arith.constant 0 : i32
          %add3A_804 = arith.addi %add3A_803, %mul3A_802 : i32
          %add3A_805 = arith.constant 48 : i32
          %add3A_806 = arith.addi %add3A_804, %add3A_805 : i32
          %swap3A_807 = arith.index_cast %add3A_806 : i32 to index
          %swap3A_808 = tpu.vector_load %arg17[%swap3A_807] {strides = array<i32>} : memref<16384xf32, #tpu.memory_space<vmem>>, vector<16xf32>,
          tpu.vector_store %arg17[%swap3A_807], %add3A_800 {strides = array<i32>} : memref<16384xf32, #tpu.memory_space<vmem>>, vector<16xf32>,
          %add3A_809 = arith.addi %broadcast_in_dim3A_756, %and3A_124 : vector<16xi32>
          %gather3A_810 = tpu.vector_load_idx %arg13[%add3A_809] : memref<16384xf32, #tpu.memory_space<vmem>>[vector<16xi32>], vector<16xf32>,
          %add3A_811 = arith.addi %broadcast_in_dim3A_756, %add3A_167 : vector<16xi32>
          %gather3A_812 = tpu.vector_load_idx %arg14[%add3A_811] : memref<16384xf32, #tpu.memory_space<vmem>>[vector<16xi32>], vector<16xf32>,
          %add3A_813 = arith.addf %gather3A_810, %gather3A_812 : vector<16xf32>
          %mul3A_814 = arith.constant 128 : i32
          %mul3A_815 = arith.muli %add3A_753, %mul3A_814 : i32
          %add3A_816 = arith.constant 0 : i32
          %add3A_817 = arith.addi %add3A_816, %mul3A_815 : i32
          %add3A_818 = arith.constant 64 : i32
          %add3A_819 = arith.addi %add3A_817, %add3A_818 : i32
          %swap3A_820 = arith.index_cast %add3A_819 : i32 to index
          %swap3A_821 = tpu.vector_load %arg17[%swap3A_820] {strides = array<i32>} : memref<16384xf32, #tpu.memory_space<vmem>>, vector<16xf32>,
          tpu.vector_store %arg17[%swap3A_820], %add3A_813 {strides = array<i32>} : memref<16384xf32, #tpu.memory_space<vmem>>, vector<16xf32>,
          %add3A_822 = arith.addi %broadcast_in_dim3A_756, %and3A_127 : vector<16xi32>
          %gather3A_823 = tpu.vector_load_idx %arg13[%add3A_822] : memref<16384xf32, #tpu.memory_space<vmem>>[vector<16xi32>], vector<16xf32>,
          %add3A_824 = arith.addi %broadcast_in_dim3A_756, %add3A_174 : vector<16xi32>
          %gather3A_825 = tpu.vector_load_idx %arg14[%add3A_824] : memref<16384xf32, #tpu.memory_space<vmem>>[vector<16xi32>], vector<16xf32>,
          %add3A_826 = arith.addf %gather3A_823, %gather3A_825 : vector<16xf32>
          %mul3A_827 = arith.constant 128 : i32
          %mul3A_828 = arith.muli %add3A_753, %mul3A_827 : i32
          %add3A_829 = arith.constant 0 : i32
          %add3A_830 = arith.addi %add3A_829, %mul3A_828 : i32
          %add3A_831 = arith.constant 80 : i32
          %add3A_832 = arith.addi %add3A_830, %add3A_831 : i32
          %swap3A_833 = arith.index_cast %add3A_832 : i32 to index
          %swap3A_834 = tpu.vector_load %arg17[%swap3A_833] {strides = array<i32>} : memref<16384xf32, #tpu.memory_space<vmem>>, vector<16xf32>,
          tpu.vector_store %arg17[%swap3A_833], %add3A_826 {strides = array<i32>} : memref<16384xf32, #tpu.memory_space<vmem>>, vector<16xf32>,
          %add3A_835 = arith.addi %broadcast_in_dim3A_756, %and3A_130 : vector<16xi32>
          %gather3A_836 = tpu.vector_load_idx %arg13[%add3A_835] : memref<16384xf32, #tpu.memory_space<vmem>>[vector<16xi32>], vector<16xf32>,
          %add3A_837 = arith.addi %broadcast_in_dim3A_756, %add3A_181 : vector<16xi32>
          %gather3A_838 = tpu.vector_load_idx %arg14[%add3A_837] : memref<16384xf32, #tpu.memory_space<vmem>>[vector<16xi32>], vector<16xf32>,
          %add3A_839 = arith.addf %gather3A_836, %gather3A_838 : vector<16xf32>
          %mul3A_840 = arith.constant 128 : i32
          %mul3A_841 = arith.muli %add3A_753, %mul3A_840 : i32
          %add3A_842 = arith.constant 0 : i32
          %add3A_843 = arith.addi %add3A_842, %mul3A_841 : i32
          %add3A_844 = arith.constant 96 : i32
          %add3A_845 = arith.addi %add3A_843, %add3A_844 : i32
          %swap3A_846 = arith.index_cast %add3A_845 : i32 to index
          %swap3A_847 = tpu.vector_load %arg17[%swap3A_846] {strides = array<i32>} : memref<16384xf32, #tpu.memory_space<vmem>>, vector<16xf32>,
          tpu.vector_store %arg17[%swap3A_846], %add3A_839 {strides = array<i32>} : memref<16384xf32, #tpu.memory_space<vmem>>, vector<16xf32>,
          %add3A_848 = arith.addi %broadcast_in_dim3A_756, %and3A_133 : vector<16xi32>
          %gather3A_849 = tpu.vector_load_idx %arg13[%add3A_848] : memref<16384xf32, #tpu.memory_space<vmem>>[vector<16xi32>], vector<16xf32>,
          %add3A_850 = arith.addi %broadcast_in_dim3A_756, %add3A_188 : vector<16xi32>
          %gather3A_851 = tpu.vector_load_idx %arg14[%add3A_850] : memref<16384xf32, #tpu.memory_space<vmem>>[vector<16xi32>], vector<16xf32>,
          %add3A_852 = arith.addf %gather3A_849, %gather3A_851 : vector<16xf32>
          %mul3A_853 = arith.constant 128 : i32
          %mul3A_854 = arith.muli %add3A_753, %mul3A_853 : i32
          %add3A_855 = arith.constant 0 : i32
          %add3A_856 = arith.addi %add3A_855, %mul3A_854 : i32
          %add3A_857 = arith.constant 112 : i32
          %add3A_858 = arith.addi %add3A_856, %add3A_857 : i32
          %swap3A_859 = arith.index_cast %add3A_858 : i32 to index
          %swap3A_860 = tpu.vector_load %arg17[%swap3A_859] {strides = array<i32>} : memref<16384xf32, #tpu.memory_space<vmem>>, vector<16xf32>,
          tpu.vector_store %arg17[%swap3A_859], %add3A_852 {strides = array<i32>} : memref<16384xf32, #tpu.memory_space<vmem>>, vector<16xf32>,
          %mul3A_861 = arith.constant 8 : i32
          %mul3A_862 = arith.muli %scan3A_195, %mul3A_861 : i32
          %add3A_863 = arith.constant 6 : i32
          %add3A_864 = arith.addi %mul3A_862, %add3A_863 : i32
          %mul3A_865 = arith.constant 256 : i32
          %mul3A_866 = arith.muli %add3A_864, %mul3A_865 : i32
          %broadcast_in_dim3A_867 = vector.broadcast %mul3A_866 : i32 to vector<16xi32>
          %add3A_868 = arith.addi %broadcast_in_dim3A_867, %and3A_112 : vector<16xi32>
          %gather3A_869 = tpu.vector_load_idx %arg13[%add3A_868] : memref<16384xf32, #tpu.memory_space<vmem>>[vector<16xi32>], vector<16xf32>,
          %add3A_870 = arith.addi %broadcast_in_dim3A_867, %add3A_139 : vector<16xi32>
          %gather3A_871 = tpu.vector_load_idx %arg14[%add3A_870] : memref<16384xf32, #tpu.memory_space<vmem>>[vector<16xi32>], vector<16xf32>,
          %add3A_872 = arith.addf %gather3A_869, %gather3A_871 : vector<16xf32>
          %mul3A_873 = arith.constant 128 : i32
          %mul3A_874 = arith.muli %add3A_864, %mul3A_873 : i32
          %add3A_875 = arith.constant 0 : i32
          %add3A_876 = arith.addi %add3A_875, %mul3A_874 : i32
          %add3A_877 = arith.constant 0 : i32
          %add3A_878 = arith.addi %add3A_876, %add3A_877 : i32
          %swap3A_879 = arith.index_cast %add3A_878 : i32 to index
          %swap3A_880 = tpu.vector_load %arg17[%swap3A_879] {strides = array<i32>} : memref<16384xf32, #tpu.memory_space<vmem>>, vector<16xf32>,
          tpu.vector_store %arg17[%swap3A_879], %add3A_872 {strides = array<i32>} : memref<16384xf32, #tpu.memory_space<vmem>>, vector<16xf32>,
          %add3A_881 = arith.addi %broadcast_in_dim3A_867, %and3A_115 : vector<16xi32>
          %gather3A_882 = tpu.vector_load_idx %arg13[%add3A_881] : memref<16384xf32, #tpu.memory_space<vmem>>[vector<16xi32>], vector<16xf32>,
          %add3A_883 = arith.addi %broadcast_in_dim3A_867, %add3A_146 : vector<16xi32>
          %gather3A_884 = tpu.vector_load_idx %arg14[%add3A_883] : memref<16384xf32, #tpu.memory_space<vmem>>[vector<16xi32>], vector<16xf32>,
          %add3A_885 = arith.addf %gather3A_882, %gather3A_884 : vector<16xf32>
          %mul3A_886 = arith.constant 128 : i32
          %mul3A_887 = arith.muli %add3A_864, %mul3A_886 : i32
          %add3A_888 = arith.constant 0 : i32
          %add3A_889 = arith.addi %add3A_888, %mul3A_887 : i32
          %add3A_890 = arith.constant 16 : i32
          %add3A_891 = arith.addi %add3A_889, %add3A_890 : i32
          %swap3A_892 = arith.index_cast %add3A_891 : i32 to index
          %swap3A_893 = tpu.vector_load %arg17[%swap3A_892] {strides = array<i32>} : memref<16384xf32, #tpu.memory_space<vmem>>, vector<16xf32>,
          tpu.vector_store %arg17[%swap3A_892], %add3A_885 {strides = array<i32>} : memref<16384xf32, #tpu.memory_space<vmem>>, vector<16xf32>,
          %add3A_894 = arith.addi %broadcast_in_dim3A_867, %and3A_118 : vector<16xi32>
          %gather3A_895 = tpu.vector_load_idx %arg13[%add3A_894] : memref<16384xf32, #tpu.memory_space<vmem>>[vector<16xi32>], vector<16xf32>,
          %add3A_896 = arith.addi %broadcast_in_dim3A_867, %add3A_153 : vector<16xi32>
          %gather3A_897 = tpu.vector_load_idx %arg14[%add3A_896] : memref<16384xf32, #tpu.memory_space<vmem>>[vector<16xi32>], vector<16xf32>,
          %add3A_898 = arith.addf %gather3A_895, %gather3A_897 : vector<16xf32>
          %mul3A_899 = arith.constant 128 : i32
          %mul3A_900 = arith.muli %add3A_864, %mul3A_899 : i32
          %add3A_901 = arith.constant 0 : i32
          %add3A_902 = arith.addi %add3A_901, %mul3A_900 : i32
          %add3A_903 = arith.constant 32 : i32
          %add3A_904 = arith.addi %add3A_902, %add3A_903 : i32
          %swap3A_905 = arith.index_cast %add3A_904 : i32 to index
          %swap3A_906 = tpu.vector_load %arg17[%swap3A_905] {strides = array<i32>} : memref<16384xf32, #tpu.memory_space<vmem>>, vector<16xf32>,
          tpu.vector_store %arg17[%swap3A_905], %add3A_898 {strides = array<i32>} : memref<16384xf32, #tpu.memory_space<vmem>>, vector<16xf32>,
          %add3A_907 = arith.addi %broadcast_in_dim3A_867, %and3A_121 : vector<16xi32>
          %gather3A_908 = tpu.vector_load_idx %arg13[%add3A_907] : memref<16384xf32, #tpu.memory_space<vmem>>[vector<16xi32>], vector<16xf32>,
          %add3A_909 = arith.addi %broadcast_in_dim3A_867, %add3A_160 : vector<16xi32>
          %gather3A_910 = tpu.vector_load_idx %arg14[%add3A_909] : memref<16384xf32, #tpu.memory_space<vmem>>[vector<16xi32>], vector<16xf32>,
          %add3A_911 = arith.addf %gather3A_908, %gather3A_910 : vector<16xf32>
          %mul3A_912 = arith.constant 128 : i32
          %mul3A_913 = arith.muli %add3A_864, %mul3A_912 : i32
          %add3A_914 = arith.constant 0 : i32
          %add3A_915 = arith.addi %add3A_914, %mul3A_913 : i32
          %add3A_916 = arith.constant 48 : i32
          %add3A_917 = arith.addi %add3A_915, %add3A_916 : i32
          %swap3A_918 = arith.index_cast %add3A_917 : i32 to index
          %swap3A_919 = tpu.vector_load %arg17[%swap3A_918] {strides = array<i32>} : memref<16384xf32, #tpu.memory_space<vmem>>, vector<16xf32>,
          tpu.vector_store %arg17[%swap3A_918], %add3A_911 {strides = array<i32>} : memref<16384xf32, #tpu.memory_space<vmem>>, vector<16xf32>,
          %add3A_920 = arith.addi %broadcast_in_dim3A_867, %and3A_124 : vector<16xi32>
          %gather3A_921 = tpu.vector_load_idx %arg13[%add3A_920] : memref<16384xf32, #tpu.memory_space<vmem>>[vector<16xi32>], vector<16xf32>,
          %add3A_922 = arith.addi %broadcast_in_dim3A_867, %add3A_167 : vector<16xi32>
          %gather3A_923 = tpu.vector_load_idx %arg14[%add3A_922] : memref<16384xf32, #tpu.memory_space<vmem>>[vector<16xi32>], vector<16xf32>,
          %add3A_924 = arith.addf %gather3A_921, %gather3A_923 : vector<16xf32>
          %mul3A_925 = arith.constant 128 : i32
          %mul3A_926 = arith.muli %add3A_864, %mul3A_925 : i32
          %add3A_927 = arith.constant 0 : i32
          %add3A_928 = arith.addi %add3A_927, %mul3A_926 : i32
          %add3A_929 = arith.constant 64 : i32
          %add3A_930 = arith.addi %add3A_928, %add3A_929 : i32
          %swap3A_931 = arith.index_cast %add3A_930 : i32 to index
          %swap3A_932 = tpu.vector_load %arg17[%swap3A_931] {strides = array<i32>} : memref<16384xf32, #tpu.memory_space<vmem>>, vector<16xf32>,
          tpu.vector_store %arg17[%swap3A_931], %add3A_924 {strides = array<i32>} : memref<16384xf32, #tpu.memory_space<vmem>>, vector<16xf32>,
          %add3A_933 = arith.addi %broadcast_in_dim3A_867, %and3A_127 : vector<16xi32>
          %gather3A_934 = tpu.vector_load_idx %arg13[%add3A_933] : memref<16384xf32, #tpu.memory_space<vmem>>[vector<16xi32>], vector<16xf32>,
          %add3A_935 = arith.addi %broadcast_in_dim3A_867, %add3A_174 : vector<16xi32>
          %gather3A_936 = tpu.vector_load_idx %arg14[%add3A_935] : memref<16384xf32, #tpu.memory_space<vmem>>[vector<16xi32>], vector<16xf32>,
          %add3A_937 = arith.addf %gather3A_934, %gather3A_936 : vector<16xf32>
          %mul3A_938 = arith.constant 128 : i32
          %mul3A_939 = arith.muli %add3A_864, %mul3A_938 : i32
          %add3A_940 = arith.constant 0 : i32
          %add3A_941 = arith.addi %add3A_940, %mul3A_939 : i32
          %add3A_942 = arith.constant 80 : i32
          %add3A_943 = arith.addi %add3A_941, %add3A_942 : i32
          %swap3A_944 = arith.index_cast %add3A_943 : i32 to index
          %swap3A_945 = tpu.vector_load %arg17[%swap3A_944] {strides = array<i32>} : memref<16384xf32, #tpu.memory_space<vmem>>, vector<16xf32>,
          tpu.vector_store %arg17[%swap3A_944], %add3A_937 {strides = array<i32>} : memref<16384xf32, #tpu.memory_space<vmem>>, vector<16xf32>,
          %add3A_946 = arith.addi %broadcast_in_dim3A_867, %and3A_130 : vector<16xi32>
          %gather3A_947 = tpu.vector_load_idx %arg13[%add3A_946] : memref<16384xf32, #tpu.memory_space<vmem>>[vector<16xi32>], vector<16xf32>,
          %add3A_948 = arith.addi %broadcast_in_dim3A_867, %add3A_181 : vector<16xi32>
          %gather3A_949 = tpu.vector_load_idx %arg14[%add3A_948] : memref<16384xf32, #tpu.memory_space<vmem>>[vector<16xi32>], vector<16xf32>,
          %add3A_950 = arith.addf %gather3A_947, %gather3A_949 : vector<16xf32>
          %mul3A_951 = arith.constant 128 : i32
          %mul3A_952 = arith.muli %add3A_864, %mul3A_951 : i32
          %add3A_953 = arith.constant 0 : i32
          %add3A_954 = arith.addi %add3A_953, %mul3A_952 : i32
          %add3A_955 = arith.constant 96 : i32
          %add3A_956 = arith.addi %add3A_954, %add3A_955 : i32
          %swap3A_957 = arith.index_cast %add3A_956 : i32 to index
          %swap3A_958 = tpu.vector_load %arg17[%swap3A_957] {strides = array<i32>} : memref<16384xf32, #tpu.memory_space<vmem>>, vector<16xf32>,
          tpu.vector_store %arg17[%swap3A_957], %add3A_950 {strides = array<i32>} : memref<16384xf32, #tpu.memory_space<vmem>>, vector<16xf32>,
          %add3A_959 = arith.addi %broadcast_in_dim3A_867, %and3A_133 : vector<16xi32>
          %gather3A_960 = tpu.vector_load_idx %arg13[%add3A_959] : memref<16384xf32, #tpu.memory_space<vmem>>[vector<16xi32>], vector<16xf32>,
          %add3A_961 = arith.addi %broadcast_in_dim3A_867, %add3A_188 : vector<16xi32>
          %gather3A_962 = tpu.vector_load_idx %arg14[%add3A_961] : memref<16384xf32, #tpu.memory_space<vmem>>[vector<16xi32>], vector<16xf32>,
          %add3A_963 = arith.addf %gather3A_960, %gather3A_962 : vector<16xf32>
          %mul3A_964 = arith.constant 128 : i32
          %mul3A_965 = arith.muli %add3A_864, %mul3A_964 : i32
          %add3A_966 = arith.constant 0 : i32
          %add3A_967 = arith.addi %add3A_966, %mul3A_965 : i32
          %add3A_968 = arith.constant 112 : i32
          %add3A_969 = arith.addi %add3A_967, %add3A_968 : i32
          %swap3A_970 = arith.index_cast %add3A_969 : i32 to index
          %swap3A_971 = tpu.vector_load %arg17[%swap3A_970] {strides = array<i32>} : memref<16384xf32, #tpu.memory_space<vmem>>, vector<16xf32>,
          tpu.vector_store %arg17[%swap3A_970], %add3A_963 {strides = array<i32>} : memref<16384xf32, #tpu.memory_space<vmem>>, vector<16xf32>,
          %mul3A_972 = arith.constant 8 : i32
          %mul3A_973 = arith.muli %scan3A_195, %mul3A_972 : i32
          %add3A_974 = arith.constant 7 : i32
          %add3A_975 = arith.addi %mul3A_973, %add3A_974 : i32
          %mul3A_976 = arith.constant 256 : i32
          %mul3A_977 = arith.muli %add3A_975, %mul3A_976 : i32
          %broadcast_in_dim3A_978 = vector.broadcast %mul3A_977 : i32 to vector<16xi32>
          %add3A_979 = arith.addi %broadcast_in_dim3A_978, %and3A_112 : vector<16xi32>
          %gather3A_980 = tpu.vector_load_idx %arg13[%add3A_979] : memref<16384xf32, #tpu.memory_space<vmem>>[vector<16xi32>], vector<16xf32>,
          %add3A_981 = arith.addi %broadcast_in_dim3A_978, %add3A_139 : vector<16xi32>
          %gather3A_982 = tpu.vector_load_idx %arg14[%add3A_981] : memref<16384xf32, #tpu.memory_space<vmem>>[vector<16xi32>], vector<16xf32>,
          %add3A_983 = arith.addf %gather3A_980, %gather3A_982 : vector<16xf32>
          %mul3A_984 = arith.constant 128 : i32
          %mul3A_985 = arith.muli %add3A_975, %mul3A_984 : i32
          %add3A_986 = arith.constant 0 : i32
          %add3A_987 = arith.addi %add3A_986, %mul3A_985 : i32
          %add3A_988 = arith.constant 0 : i32
          %add3A_989 = arith.addi %add3A_987, %add3A_988 : i32
          %swap3A_990 = arith.index_cast %add3A_989 : i32 to index
          %swap3A_991 = tpu.vector_load %arg17[%swap3A_990] {strides = array<i32>} : memref<16384xf32, #tpu.memory_space<vmem>>, vector<16xf32>,
          tpu.vector_store %arg17[%swap3A_990], %add3A_983 {strides = array<i32>} : memref<16384xf32, #tpu.memory_space<vmem>>, vector<16xf32>,
          %add3A_992 = arith.addi %broadcast_in_dim3A_978, %and3A_115 : vector<16xi32>
          %gather3A_993 = tpu.vector_load_idx %arg13[%add3A_992] : memref<16384xf32, #tpu.memory_space<vmem>>[vector<16xi32>], vector<16xf32>,
          %add3A_994 = arith.addi %broadcast_in_dim3A_978, %add3A_146 : vector<16xi32>
          %gather3A_995 = tpu.vector_load_idx %arg14[%add3A_994] : memref<16384xf32, #tpu.memory_space<vmem>>[vector<16xi32>], vector<16xf32>,
          %add3A_996 = arith.addf %gather3A_993, %gather3A_995 : vector<16xf32>
          %mul3A_997 = arith.constant 128 : i32
          %mul3A_998 = arith.muli %add3A_975, %mul3A_997 : i32
          %add3A_999 = arith.constant 0 : i32
          %add3A_1000 = arith.addi %add3A_999, %mul3A_998 : i32
          %add3A_1001 = arith.constant 16 : i32
          %add3A_1002 = arith.addi %add3A_1000, %add3A_1001 : i32
          %swap3A_1003 = arith.index_cast %add3A_1002 : i32 to index
          %swap3A_1004 = tpu.vector_load %arg17[%swap3A_1003] {strides = array<i32>} : memref<16384xf32, #tpu.memory_space<vmem>>, vector<16xf32>,
          tpu.vector_store %arg17[%swap3A_1003], %add3A_996 {strides = array<i32>} : memref<16384xf32, #tpu.memory_space<vmem>>, vector<16xf32>,
          %add3A_1005 = arith.addi %broadcast_in_dim3A_978, %and3A_118 : vector<16xi32>
          %gather3A_1006 = tpu.vector_load_idx %arg13[%add3A_1005] : memref<16384xf32, #tpu.memory_space<vmem>>[vector<16xi32>], vector<16xf32>,
          %add3A_1007 = arith.addi %broadcast_in_dim3A_978, %add3A_153 : vector<16xi32>
          %gather3A_1008 = tpu.vector_load_idx %arg14[%add3A_1007] : memref<16384xf32, #tpu.memory_space<vmem>>[vector<16xi32>], vector<16xf32>,
          %add3A_1009 = arith.addf %gather3A_1006, %gather3A_1008 : vector<16xf32>
          %mul3A_1010 = arith.constant 128 : i32
          %mul3A_1011 = arith.muli %add3A_975, %mul3A_1010 : i32
          %add3A_1012 = arith.constant 0 : i32
          %add3A_1013 = arith.addi %add3A_1012, %mul3A_1011 : i32
          %add3A_1014 = arith.constant 32 : i32
          %add3A_1015 = arith.addi %add3A_1013, %add3A_1014 : i32
          %swap3A_1016 = arith.index_cast %add3A_1015 : i32 to index
          %swap3A_1017 = tpu.vector_load %arg17[%swap3A_1016] {strides = array<i32>} : memref<16384xf32, #tpu.memory_space<vmem>>, vector<16xf32>,
          tpu.vector_store %arg17[%swap3A_1016], %add3A_1009 {strides = array<i32>} : memref<16384xf32, #tpu.memory_space<vmem>>, vector<16xf32>,
          %add3A_1018 = arith.addi %broadcast_in_dim3A_978, %and3A_121 : vector<16xi32>
          %gather3A_1019 = tpu.vector_load_idx %arg13[%add3A_1018] : memref<16384xf32, #tpu.memory_space<vmem>>[vector<16xi32>], vector<16xf32>,
          %add3A_1020 = arith.addi %broadcast_in_dim3A_978, %add3A_160 : vector<16xi32>
          %gather3A_1021 = tpu.vector_load_idx %arg14[%add3A_1020] : memref<16384xf32, #tpu.memory_space<vmem>>[vector<16xi32>], vector<16xf32>,
          %add3A_1022 = arith.addf %gather3A_1019, %gather3A_1021 : vector<16xf32>
          %mul3A_1023 = arith.constant 128 : i32
          %mul3A_1024 = arith.muli %add3A_975, %mul3A_1023 : i32
          %add3A_1025 = arith.constant 0 : i32
          %add3A_1026 = arith.addi %add3A_1025, %mul3A_1024 : i32
          %add3A_1027 = arith.constant 48 : i32
          %add3A_1028 = arith.addi %add3A_1026, %add3A_1027 : i32
          %swap3A_1029 = arith.index_cast %add3A_1028 : i32 to index
          %swap3A_1030 = tpu.vector_load %arg17[%swap3A_1029] {strides = array<i32>} : memref<16384xf32, #tpu.memory_space<vmem>>, vector<16xf32>,
          tpu.vector_store %arg17[%swap3A_1029], %add3A_1022 {strides = array<i32>} : memref<16384xf32, #tpu.memory_space<vmem>>, vector<16xf32>,
          %add3A_1031 = arith.addi %broadcast_in_dim3A_978, %and3A_124 : vector<16xi32>
          %gather3A_1032 = tpu.vector_load_idx %arg13[%add3A_1031] : memref<16384xf32, #tpu.memory_space<vmem>>[vector<16xi32>], vector<16xf32>,
          %add3A_1033 = arith.addi %broadcast_in_dim3A_978, %add3A_167 : vector<16xi32>
          %gather3A_1034 = tpu.vector_load_idx %arg14[%add3A_1033] : memref<16384xf32, #tpu.memory_space<vmem>>[vector<16xi32>], vector<16xf32>,
          %add3A_1035 = arith.addf %gather3A_1032, %gather3A_1034 : vector<16xf32>
          %mul3A_1036 = arith.constant 128 : i32
          %mul3A_1037 = arith.muli %add3A_975, %mul3A_1036 : i32
          %add3A_1038 = arith.constant 0 : i32
          %add3A_1039 = arith.addi %add3A_1038, %mul3A_1037 : i32
          %add3A_1040 = arith.constant 64 : i32
          %add3A_1041 = arith.addi %add3A_1039, %add3A_1040 : i32
          %swap3A_1042 = arith.index_cast %add3A_1041 : i32 to index
          %swap3A_1043 = tpu.vector_load %arg17[%swap3A_1042] {strides = array<i32>} : memref<16384xf32, #tpu.memory_space<vmem>>, vector<16xf32>,
          tpu.vector_store %arg17[%swap3A_1042], %add3A_1035 {strides = array<i32>} : memref<16384xf32, #tpu.memory_space<vmem>>, vector<16xf32>,
          %add3A_1044 = arith.addi %broadcast_in_dim3A_978, %and3A_127 : vector<16xi32>
          %gather3A_1045 = tpu.vector_load_idx %arg13[%add3A_1044] : memref<16384xf32, #tpu.memory_space<vmem>>[vector<16xi32>], vector<16xf32>,
          %add3A_1046 = arith.addi %broadcast_in_dim3A_978, %add3A_174 : vector<16xi32>
          %gather3A_1047 = tpu.vector_load_idx %arg14[%add3A_1046] : memref<16384xf32, #tpu.memory_space<vmem>>[vector<16xi32>], vector<16xf32>,
          %add3A_1048 = arith.addf %gather3A_1045, %gather3A_1047 : vector<16xf32>
          %mul3A_1049 = arith.constant 128 : i32
          %mul3A_1050 = arith.muli %add3A_975, %mul3A_1049 : i32
          %add3A_1051 = arith.constant 0 : i32
          %add3A_1052 = arith.addi %add3A_1051, %mul3A_1050 : i32
          %add3A_1053 = arith.constant 80 : i32
          %add3A_1054 = arith.addi %add3A_1052, %add3A_1053 : i32
          %swap3A_1055 = arith.index_cast %add3A_1054 : i32 to index
          %swap3A_1056 = tpu.vector_load %arg17[%swap3A_1055] {strides = array<i32>} : memref<16384xf32, #tpu.memory_space<vmem>>, vector<16xf32>,
          tpu.vector_store %arg17[%swap3A_1055], %add3A_1048 {strides = array<i32>} : memref<16384xf32, #tpu.memory_space<vmem>>, vector<16xf32>,
          %add3A_1057 = arith.addi %broadcast_in_dim3A_978, %and3A_130 : vector<16xi32>
          %gather3A_1058 = tpu.vector_load_idx %arg13[%add3A_1057] : memref<16384xf32, #tpu.memory_space<vmem>>[vector<16xi32>], vector<16xf32>,
          %add3A_1059 = arith.addi %broadcast_in_dim3A_978, %add3A_181 : vector<16xi32>
          %gather3A_1060 = tpu.vector_load_idx %arg14[%add3A_1059] : memref<16384xf32, #tpu.memory_space<vmem>>[vector<16xi32>], vector<16xf32>,
          %add3A_1061 = arith.addf %gather3A_1058, %gather3A_1060 : vector<16xf32>
          %mul3A_1062 = arith.constant 128 : i32
          %mul3A_1063 = arith.muli %add3A_975, %mul3A_1062 : i32
          %add3A_1064 = arith.constant 0 : i32
          %add3A_1065 = arith.addi %add3A_1064, %mul3A_1063 : i32
          %add3A_1066 = arith.constant 96 : i32
          %add3A_1067 = arith.addi %add3A_1065, %add3A_1066 : i32
          %swap3A_1068 = arith.index_cast %add3A_1067 : i32 to index
          %swap3A_1069 = tpu.vector_load %arg17[%swap3A_1068] {strides = array<i32>} : memref<16384xf32, #tpu.memory_space<vmem>>, vector<16xf32>,
          tpu.vector_store %arg17[%swap3A_1068], %add3A_1061 {strides = array<i32>} : memref<16384xf32, #tpu.memory_space<vmem>>, vector<16xf32>,
          %add3A_1070 = arith.addi %broadcast_in_dim3A_978, %and3A_133 : vector<16xi32>
          %gather3A_1071 = tpu.vector_load_idx %arg13[%add3A_1070] : memref<16384xf32, #tpu.memory_space<vmem>>[vector<16xi32>], vector<16xf32>,
          %add3A_1072 = arith.addi %broadcast_in_dim3A_978, %add3A_188 : vector<16xi32>
          %gather3A_1073 = tpu.vector_load_idx %arg14[%add3A_1072] : memref<16384xf32, #tpu.memory_space<vmem>>[vector<16xi32>], vector<16xf32>,
          %add3A_1074 = arith.addf %gather3A_1071, %gather3A_1073 : vector<16xf32>
          %mul3A_1075 = arith.constant 128 : i32
          %mul3A_1076 = arith.muli %add3A_975, %mul3A_1075 : i32
          %add3A_1077 = arith.constant 0 : i32
          %add3A_1078 = arith.addi %add3A_1077, %mul3A_1076 : i32
          %add3A_1079 = arith.constant 112 : i32
          %add3A_1080 = arith.addi %add3A_1078, %add3A_1079 : i32
          %swap3A_1081 = arith.index_cast %add3A_1080 : i32 to index
          %swap3A_1082 = tpu.vector_load %arg17[%swap3A_1081] {strides = array<i32>} : memref<16384xf32, #tpu.memory_space<vmem>>, vector<16xf32>,
          tpu.vector_store %arg17[%swap3A_1081], %add3A_1074 {strides = array<i32>} : memref<16384xf32, #tpu.memory_space<vmem>>, vector<16xf32>,
        }
        %scan3A_194 = arith.constant 8 : i32
      } else {
      }
      %eq3A = arith.constant 256 : i32
      %eq3A_34 = arith.cmpi eq, %add3A_24, %eq3A : i32
      %convert_element_type3A_35 = arith.extui %eq3A_34 : i1 to i32
      %cond3A_36 = arith.constant 0 : i32
      %cond3A_37 = arith.cmpi ne, %convert_element_type3A_35, %cond3A_36 : i32
      scf.if %cond3A_37 {
        %add3A_72 = arith.constant 0 : i32
        %add3A_73 = vector.broadcast %add3A_72 : i32 to vector<16xi32>
        %add3A_74 = arith.addi %add3A_73, %iota3A : vector<16xi32>
        %gather3A = tpu.vector_load_idx %arg15[%add3A_74] : memref<128xi32, #tpu.memory_space<vmem>>[vector<16xi32>], vector<16xi32>,
        %add3A_75 = arith.constant 16 : i32
        %add3A_76 = vector.broadcast %add3A_75 : i32 to vector<16xi32>
        %add3A_77 = arith.addi %add3A_76, %iota3A : vector<16xi32>
        %gather3A_78 = tpu.vector_load_idx %arg15[%add3A_77] : memref<128xi32, #tpu.memory_space<vmem>>[vector<16xi32>], vector<16xi32>,
        %add3A_79 = arith.constant 32 : i32
        %add3A_80 = vector.broadcast %add3A_79 : i32 to vector<16xi32>
        %add3A_81 = arith.addi %add3A_80, %iota3A : vector<16xi32>
        %gather3A_82 = tpu.vector_load_idx %arg15[%add3A_81] : memref<128xi32, #tpu.memory_space<vmem>>[vector<16xi32>], vector<16xi32>,
        %add3A_83 = arith.constant 48 : i32
        %add3A_84 = vector.broadcast %add3A_83 : i32 to vector<16xi32>
        %add3A_85 = arith.addi %add3A_84, %iota3A : vector<16xi32>
        %gather3A_86 = tpu.vector_load_idx %arg15[%add3A_85] : memref<128xi32, #tpu.memory_space<vmem>>[vector<16xi32>], vector<16xi32>,
        %add3A_87 = arith.constant 64 : i32
        %add3A_88 = vector.broadcast %add3A_87 : i32 to vector<16xi32>
        %add3A_89 = arith.addi %add3A_88, %iota3A : vector<16xi32>
        %gather3A_90 = tpu.vector_load_idx %arg15[%add3A_89] : memref<128xi32, #tpu.memory_space<vmem>>[vector<16xi32>], vector<16xi32>,
        %add3A_91 = arith.constant 80 : i32
        %add3A_92 = vector.broadcast %add3A_91 : i32 to vector<16xi32>
        %add3A_93 = arith.addi %add3A_92, %iota3A : vector<16xi32>
        %gather3A_94 = tpu.vector_load_idx %arg15[%add3A_93] : memref<128xi32, #tpu.memory_space<vmem>>[vector<16xi32>], vector<16xi32>,
        %add3A_95 = arith.constant 96 : i32
        %add3A_96 = vector.broadcast %add3A_95 : i32 to vector<16xi32>
        %add3A_97 = arith.addi %add3A_96, %iota3A : vector<16xi32>
        %gather3A_98 = tpu.vector_load_idx %arg15[%add3A_97] : memref<128xi32, #tpu.memory_space<vmem>>[vector<16xi32>], vector<16xi32>,
        %add3A_99 = arith.constant 112 : i32
        %add3A_100 = vector.broadcast %add3A_99 : i32 to vector<16xi32>
        %add3A_101 = arith.addi %add3A_100, %iota3A : vector<16xi32>
        %gather3A_102 = tpu.vector_load_idx %arg15[%add3A_101] : memref<128xi32, #tpu.memory_space<vmem>>[vector<16xi32>], vector<16xi32>,
        %scan3A_103 = arith.constant 0 : i32
        %scan3A_104 = arith.constant 0 : i32
        %scan3A_105 = arith.constant 16 : i32
        %scan3A_106 = arith.addi %scan3A_104, %scan3A_105 : i32
        %scan3A_107 = arith.constant 1 : i32
        scf.for %scan3A_109 = %scan3A_104 to %scan3A_106 step %scan3A_107  : i32 {
          %mul3A_110 = arith.constant 4 : i32
          %mul3A_111 = arith.muli %scan3A_109, %mul3A_110 : i32
          %add3A_112 = arith.constant 0 : i32
          %add3A_113 = arith.addi %mul3A_111, %add3A_112 : i32
          %mul3A_114 = arith.constant 4 : i32
          %mul3A_115 = arith.muli %add3A_113, %mul3A_114 : i32
          %broadcast_in_dim3A = vector.broadcast %mul3A_115 : i32 to vector<16xi32>
          %add3A_116 = arith.addi %broadcast_in_dim3A, %gather3A : vector<16xi32>
          %gather3A_117 = tpu.vector_load_idx %arg12[%add3A_116] : memref<256xf32, #tpu.memory_space<vmem>>[vector<16xi32>], vector<16xf32>,
          %mul3A_118 = arith.constant 128 : i32
          %mul3A_119 = arith.muli %add3A_113, %mul3A_118 : i32
          %add3A_120 = arith.constant 0 : i32
          %add3A_121 = arith.addi %add3A_120, %mul3A_119 : i32
          %add3A_122 = arith.constant 0 : i32
          %add3A_123 = arith.addi %add3A_121, %add3A_122 : i32
          %swap3A = arith.index_cast %add3A_123 : i32 to index
          %swap3A_124 = tpu.vector_load %arg17[%swap3A] {strides = array<i32>} : memref<16384xf32, #tpu.memory_space<vmem>>, vector<16xf32>,
          tpu.vector_store %arg17[%swap3A], %gather3A_117 {strides = array<i32>} : memref<16384xf32, #tpu.memory_space<vmem>>, vector<16xf32>,
          %add3A_125 = arith.addi %broadcast_in_dim3A, %gather3A_78 : vector<16xi32>
          %gather3A_126 = tpu.vector_load_idx %arg12[%add3A_125] : memref<256xf32, #tpu.memory_space<vmem>>[vector<16xi32>], vector<16xf32>,
          %mul3A_127 = arith.constant 128 : i32
          %mul3A_128 = arith.muli %add3A_113, %mul3A_127 : i32
          %add3A_129 = arith.constant 0 : i32
          %add3A_130 = arith.addi %add3A_129, %mul3A_128 : i32
          %add3A_131 = arith.constant 16 : i32
          %add3A_132 = arith.addi %add3A_130, %add3A_131 : i32
          %swap3A_133 = arith.index_cast %add3A_132 : i32 to index
          %swap3A_134 = tpu.vector_load %arg17[%swap3A_133] {strides = array<i32>} : memref<16384xf32, #tpu.memory_space<vmem>>, vector<16xf32>,
          tpu.vector_store %arg17[%swap3A_133], %gather3A_126 {strides = array<i32>} : memref<16384xf32, #tpu.memory_space<vmem>>, vector<16xf32>,
          %add3A_135 = arith.addi %broadcast_in_dim3A, %gather3A_82 : vector<16xi32>
          %gather3A_136 = tpu.vector_load_idx %arg12[%add3A_135] : memref<256xf32, #tpu.memory_space<vmem>>[vector<16xi32>], vector<16xf32>,
          %mul3A_137 = arith.constant 128 : i32
          %mul3A_138 = arith.muli %add3A_113, %mul3A_137 : i32
          %add3A_139 = arith.constant 0 : i32
          %add3A_140 = arith.addi %add3A_139, %mul3A_138 : i32
          %add3A_141 = arith.constant 32 : i32
          %add3A_142 = arith.addi %add3A_140, %add3A_141 : i32
          %swap3A_143 = arith.index_cast %add3A_142 : i32 to index
          %swap3A_144 = tpu.vector_load %arg17[%swap3A_143] {strides = array<i32>} : memref<16384xf32, #tpu.memory_space<vmem>>, vector<16xf32>,
          tpu.vector_store %arg17[%swap3A_143], %gather3A_136 {strides = array<i32>} : memref<16384xf32, #tpu.memory_space<vmem>>, vector<16xf32>,
          %add3A_145 = arith.addi %broadcast_in_dim3A, %gather3A_86 : vector<16xi32>
          %gather3A_146 = tpu.vector_load_idx %arg12[%add3A_145] : memref<256xf32, #tpu.memory_space<vmem>>[vector<16xi32>], vector<16xf32>,
          %mul3A_147 = arith.constant 128 : i32
          %mul3A_148 = arith.muli %add3A_113, %mul3A_147 : i32
          %add3A_149 = arith.constant 0 : i32
          %add3A_150 = arith.addi %add3A_149, %mul3A_148 : i32
          %add3A_151 = arith.constant 48 : i32
          %add3A_152 = arith.addi %add3A_150, %add3A_151 : i32
          %swap3A_153 = arith.index_cast %add3A_152 : i32 to index
          %swap3A_154 = tpu.vector_load %arg17[%swap3A_153] {strides = array<i32>} : memref<16384xf32, #tpu.memory_space<vmem>>, vector<16xf32>,
          tpu.vector_store %arg17[%swap3A_153], %gather3A_146 {strides = array<i32>} : memref<16384xf32, #tpu.memory_space<vmem>>, vector<16xf32>,
          %add3A_155 = arith.addi %broadcast_in_dim3A, %gather3A_90 : vector<16xi32>
          %gather3A_156 = tpu.vector_load_idx %arg12[%add3A_155] : memref<256xf32, #tpu.memory_space<vmem>>[vector<16xi32>], vector<16xf32>,
          %mul3A_157 = arith.constant 128 : i32
          %mul3A_158 = arith.muli %add3A_113, %mul3A_157 : i32
          %add3A_159 = arith.constant 0 : i32
          %add3A_160 = arith.addi %add3A_159, %mul3A_158 : i32
          %add3A_161 = arith.constant 64 : i32
          %add3A_162 = arith.addi %add3A_160, %add3A_161 : i32
          %swap3A_163 = arith.index_cast %add3A_162 : i32 to index
          %swap3A_164 = tpu.vector_load %arg17[%swap3A_163] {strides = array<i32>} : memref<16384xf32, #tpu.memory_space<vmem>>, vector<16xf32>,
          tpu.vector_store %arg17[%swap3A_163], %gather3A_156 {strides = array<i32>} : memref<16384xf32, #tpu.memory_space<vmem>>, vector<16xf32>,
          %add3A_165 = arith.addi %broadcast_in_dim3A, %gather3A_94 : vector<16xi32>
          %gather3A_166 = tpu.vector_load_idx %arg12[%add3A_165] : memref<256xf32, #tpu.memory_space<vmem>>[vector<16xi32>], vector<16xf32>,
          %mul3A_167 = arith.constant 128 : i32
          %mul3A_168 = arith.muli %add3A_113, %mul3A_167 : i32
          %add3A_169 = arith.constant 0 : i32
          %add3A_170 = arith.addi %add3A_169, %mul3A_168 : i32
          %add3A_171 = arith.constant 80 : i32
          %add3A_172 = arith.addi %add3A_170, %add3A_171 : i32
          %swap3A_173 = arith.index_cast %add3A_172 : i32 to index
          %swap3A_174 = tpu.vector_load %arg17[%swap3A_173] {strides = array<i32>} : memref<16384xf32, #tpu.memory_space<vmem>>, vector<16xf32>,
          tpu.vector_store %arg17[%swap3A_173], %gather3A_166 {strides = array<i32>} : memref<16384xf32, #tpu.memory_space<vmem>>, vector<16xf32>,
          %add3A_175 = arith.addi %broadcast_in_dim3A, %gather3A_98 : vector<16xi32>
          %gather3A_176 = tpu.vector_load_idx %arg12[%add3A_175] : memref<256xf32, #tpu.memory_space<vmem>>[vector<16xi32>], vector<16xf32>,
          %mul3A_177 = arith.constant 128 : i32
          %mul3A_178 = arith.muli %add3A_113, %mul3A_177 : i32
          %add3A_179 = arith.constant 0 : i32
          %add3A_180 = arith.addi %add3A_179, %mul3A_178 : i32
          %add3A_181 = arith.constant 96 : i32
          %add3A_182 = arith.addi %add3A_180, %add3A_181 : i32
          %swap3A_183 = arith.index_cast %add3A_182 : i32 to index
          %swap3A_184 = tpu.vector_load %arg17[%swap3A_183] {strides = array<i32>} : memref<16384xf32, #tpu.memory_space<vmem>>, vector<16xf32>,
          tpu.vector_store %arg17[%swap3A_183], %gather3A_176 {strides = array<i32>} : memref<16384xf32, #tpu.memory_space<vmem>>, vector<16xf32>,
          %add3A_185 = arith.addi %broadcast_in_dim3A, %gather3A_102 : vector<16xi32>
          %gather3A_186 = tpu.vector_load_idx %arg12[%add3A_185] : memref<256xf32, #tpu.memory_space<vmem>>[vector<16xi32>], vector<16xf32>,
          %mul3A_187 = arith.constant 128 : i32
          %mul3A_188 = arith.muli %add3A_113, %mul3A_187 : i32
          %add3A_189 = arith.constant 0 : i32
          %add3A_190 = arith.addi %add3A_189, %mul3A_188 : i32
          %add3A_191 = arith.constant 112 : i32
          %add3A_192 = arith.addi %add3A_190, %add3A_191 : i32
          %swap3A_193 = arith.index_cast %add3A_192 : i32 to index
          %swap3A_194 = tpu.vector_load %arg17[%swap3A_193] {strides = array<i32>} : memref<16384xf32, #tpu.memory_space<vmem>>, vector<16xf32>,
          tpu.vector_store %arg17[%swap3A_193], %gather3A_186 {strides = array<i32>} : memref<16384xf32, #tpu.memory_space<vmem>>, vector<16xf32>,
          %mul3A_195 = arith.constant 4 : i32
          %mul3A_196 = arith.muli %scan3A_109, %mul3A_195 : i32
          %add3A_197 = arith.constant 1 : i32
          %add3A_198 = arith.addi %mul3A_196, %add3A_197 : i32
          %mul3A_199 = arith.constant 4 : i32
          %mul3A_200 = arith.muli %add3A_198, %mul3A_199 : i32
          %broadcast_in_dim3A_201 = vector.broadcast %mul3A_200 : i32 to vector<16xi32>
          %add3A_202 = arith.addi %broadcast_in_dim3A_201, %gather3A : vector<16xi32>
          %gather3A_203 = tpu.vector_load_idx %arg12[%add3A_202] : memref<256xf32, #tpu.memory_space<vmem>>[vector<16xi32>], vector<16xf32>,
          %mul3A_204 = arith.constant 128 : i32
          %mul3A_205 = arith.muli %add3A_198, %mul3A_204 : i32
          %add3A_206 = arith.constant 0 : i32
          %add3A_207 = arith.addi %add3A_206, %mul3A_205 : i32
          %add3A_208 = arith.constant 0 : i32
          %add3A_209 = arith.addi %add3A_207, %add3A_208 : i32
          %swap3A_210 = arith.index_cast %add3A_209 : i32 to index
          %swap3A_211 = tpu.vector_load %arg17[%swap3A_210] {strides = array<i32>} : memref<16384xf32, #tpu.memory_space<vmem>>, vector<16xf32>,
          tpu.vector_store %arg17[%swap3A_210], %gather3A_203 {strides = array<i32>} : memref<16384xf32, #tpu.memory_space<vmem>>, vector<16xf32>,
          %add3A_212 = arith.addi %broadcast_in_dim3A_201, %gather3A_78 : vector<16xi32>
          %gather3A_213 = tpu.vector_load_idx %arg12[%add3A_212] : memref<256xf32, #tpu.memory_space<vmem>>[vector<16xi32>], vector<16xf32>,
          %mul3A_214 = arith.constant 128 : i32
          %mul3A_215 = arith.muli %add3A_198, %mul3A_214 : i32
          %add3A_216 = arith.constant 0 : i32
          %add3A_217 = arith.addi %add3A_216, %mul3A_215 : i32
          %add3A_218 = arith.constant 16 : i32
          %add3A_219 = arith.addi %add3A_217, %add3A_218 : i32
          %swap3A_220 = arith.index_cast %add3A_219 : i32 to index
          %swap3A_221 = tpu.vector_load %arg17[%swap3A_220] {strides = array<i32>} : memref<16384xf32, #tpu.memory_space<vmem>>, vector<16xf32>,
          tpu.vector_store %arg17[%swap3A_220], %gather3A_213 {strides = array<i32>} : memref<16384xf32, #tpu.memory_space<vmem>>, vector<16xf32>,
          %add3A_222 = arith.addi %broadcast_in_dim3A_201, %gather3A_82 : vector<16xi32>
          %gather3A_223 = tpu.vector_load_idx %arg12[%add3A_222] : memref<256xf32, #tpu.memory_space<vmem>>[vector<16xi32>], vector<16xf32>,
          %mul3A_224 = arith.constant 128 : i32
          %mul3A_225 = arith.muli %add3A_198, %mul3A_224 : i32
          %add3A_226 = arith.constant 0 : i32
          %add3A_227 = arith.addi %add3A_226, %mul3A_225 : i32
          %add3A_228 = arith.constant 32 : i32
          %add3A_229 = arith.addi %add3A_227, %add3A_228 : i32
          %swap3A_230 = arith.index_cast %add3A_229 : i32 to index
          %swap3A_231 = tpu.vector_load %arg17[%swap3A_230] {strides = array<i32>} : memref<16384xf32, #tpu.memory_space<vmem>>, vector<16xf32>,
          tpu.vector_store %arg17[%swap3A_230], %gather3A_223 {strides = array<i32>} : memref<16384xf32, #tpu.memory_space<vmem>>, vector<16xf32>,
          %add3A_232 = arith.addi %broadcast_in_dim3A_201, %gather3A_86 : vector<16xi32>
          %gather3A_233 = tpu.vector_load_idx %arg12[%add3A_232] : memref<256xf32, #tpu.memory_space<vmem>>[vector<16xi32>], vector<16xf32>,
          %mul3A_234 = arith.constant 128 : i32
          %mul3A_235 = arith.muli %add3A_198, %mul3A_234 : i32
          %add3A_236 = arith.constant 0 : i32
          %add3A_237 = arith.addi %add3A_236, %mul3A_235 : i32
          %add3A_238 = arith.constant 48 : i32
          %add3A_239 = arith.addi %add3A_237, %add3A_238 : i32
          %swap3A_240 = arith.index_cast %add3A_239 : i32 to index
          %swap3A_241 = tpu.vector_load %arg17[%swap3A_240] {strides = array<i32>} : memref<16384xf32, #tpu.memory_space<vmem>>, vector<16xf32>,
          tpu.vector_store %arg17[%swap3A_240], %gather3A_233 {strides = array<i32>} : memref<16384xf32, #tpu.memory_space<vmem>>, vector<16xf32>,
          %add3A_242 = arith.addi %broadcast_in_dim3A_201, %gather3A_90 : vector<16xi32>
          %gather3A_243 = tpu.vector_load_idx %arg12[%add3A_242] : memref<256xf32, #tpu.memory_space<vmem>>[vector<16xi32>], vector<16xf32>,
          %mul3A_244 = arith.constant 128 : i32
          %mul3A_245 = arith.muli %add3A_198, %mul3A_244 : i32
          %add3A_246 = arith.constant 0 : i32
          %add3A_247 = arith.addi %add3A_246, %mul3A_245 : i32
          %add3A_248 = arith.constant 64 : i32
          %add3A_249 = arith.addi %add3A_247, %add3A_248 : i32
          %swap3A_250 = arith.index_cast %add3A_249 : i32 to index
          %swap3A_251 = tpu.vector_load %arg17[%swap3A_250] {strides = array<i32>} : memref<16384xf32, #tpu.memory_space<vmem>>, vector<16xf32>,
          tpu.vector_store %arg17[%swap3A_250], %gather3A_243 {strides = array<i32>} : memref<16384xf32, #tpu.memory_space<vmem>>, vector<16xf32>,
          %add3A_252 = arith.addi %broadcast_in_dim3A_201, %gather3A_94 : vector<16xi32>
          %gather3A_253 = tpu.vector_load_idx %arg12[%add3A_252] : memref<256xf32, #tpu.memory_space<vmem>>[vector<16xi32>], vector<16xf32>,
          %mul3A_254 = arith.constant 128 : i32
          %mul3A_255 = arith.muli %add3A_198, %mul3A_254 : i32
          %add3A_256 = arith.constant 0 : i32
          %add3A_257 = arith.addi %add3A_256, %mul3A_255 : i32
          %add3A_258 = arith.constant 80 : i32
          %add3A_259 = arith.addi %add3A_257, %add3A_258 : i32
          %swap3A_260 = arith.index_cast %add3A_259 : i32 to index
          %swap3A_261 = tpu.vector_load %arg17[%swap3A_260] {strides = array<i32>} : memref<16384xf32, #tpu.memory_space<vmem>>, vector<16xf32>,
          tpu.vector_store %arg17[%swap3A_260], %gather3A_253 {strides = array<i32>} : memref<16384xf32, #tpu.memory_space<vmem>>, vector<16xf32>,
          %add3A_262 = arith.addi %broadcast_in_dim3A_201, %gather3A_98 : vector<16xi32>
          %gather3A_263 = tpu.vector_load_idx %arg12[%add3A_262] : memref<256xf32, #tpu.memory_space<vmem>>[vector<16xi32>], vector<16xf32>,
          %mul3A_264 = arith.constant 128 : i32
          %mul3A_265 = arith.muli %add3A_198, %mul3A_264 : i32
          %add3A_266 = arith.constant 0 : i32
          %add3A_267 = arith.addi %add3A_266, %mul3A_265 : i32
          %add3A_268 = arith.constant 96 : i32
          %add3A_269 = arith.addi %add3A_267, %add3A_268 : i32
          %swap3A_270 = arith.index_cast %add3A_269 : i32 to index
          %swap3A_271 = tpu.vector_load %arg17[%swap3A_270] {strides = array<i32>} : memref<16384xf32, #tpu.memory_space<vmem>>, vector<16xf32>,
          tpu.vector_store %arg17[%swap3A_270], %gather3A_263 {strides = array<i32>} : memref<16384xf32, #tpu.memory_space<vmem>>, vector<16xf32>,
          %add3A_272 = arith.addi %broadcast_in_dim3A_201, %gather3A_102 : vector<16xi32>
          %gather3A_273 = tpu.vector_load_idx %arg12[%add3A_272] : memref<256xf32, #tpu.memory_space<vmem>>[vector<16xi32>], vector<16xf32>,
          %mul3A_274 = arith.constant 128 : i32
          %mul3A_275 = arith.muli %add3A_198, %mul3A_274 : i32
          %add3A_276 = arith.constant 0 : i32
          %add3A_277 = arith.addi %add3A_276, %mul3A_275 : i32
          %add3A_278 = arith.constant 112 : i32
          %add3A_279 = arith.addi %add3A_277, %add3A_278 : i32
          %swap3A_280 = arith.index_cast %add3A_279 : i32 to index
          %swap3A_281 = tpu.vector_load %arg17[%swap3A_280] {strides = array<i32>} : memref<16384xf32, #tpu.memory_space<vmem>>, vector<16xf32>,
          tpu.vector_store %arg17[%swap3A_280], %gather3A_273 {strides = array<i32>} : memref<16384xf32, #tpu.memory_space<vmem>>, vector<16xf32>,
          %mul3A_282 = arith.constant 4 : i32
          %mul3A_283 = arith.muli %scan3A_109, %mul3A_282 : i32
          %add3A_284 = arith.constant 2 : i32
          %add3A_285 = arith.addi %mul3A_283, %add3A_284 : i32
          %mul3A_286 = arith.constant 4 : i32
          %mul3A_287 = arith.muli %add3A_285, %mul3A_286 : i32
          %broadcast_in_dim3A_288 = vector.broadcast %mul3A_287 : i32 to vector<16xi32>
          %add3A_289 = arith.addi %broadcast_in_dim3A_288, %gather3A : vector<16xi32>
          %gather3A_290 = tpu.vector_load_idx %arg12[%add3A_289] : memref<256xf32, #tpu.memory_space<vmem>>[vector<16xi32>], vector<16xf32>,
          %mul3A_291 = arith.constant 128 : i32
          %mul3A_292 = arith.muli %add3A_285, %mul3A_291 : i32
          %add3A_293 = arith.constant 0 : i32
          %add3A_294 = arith.addi %add3A_293, %mul3A_292 : i32
          %add3A_295 = arith.constant 0 : i32
          %add3A_296 = arith.addi %add3A_294, %add3A_295 : i32
          %swap3A_297 = arith.index_cast %add3A_296 : i32 to index
          %swap3A_298 = tpu.vector_load %arg17[%swap3A_297] {strides = array<i32>} : memref<16384xf32, #tpu.memory_space<vmem>>, vector<16xf32>,
          tpu.vector_store %arg17[%swap3A_297], %gather3A_290 {strides = array<i32>} : memref<16384xf32, #tpu.memory_space<vmem>>, vector<16xf32>,
          %add3A_299 = arith.addi %broadcast_in_dim3A_288, %gather3A_78 : vector<16xi32>
          %gather3A_300 = tpu.vector_load_idx %arg12[%add3A_299] : memref<256xf32, #tpu.memory_space<vmem>>[vector<16xi32>], vector<16xf32>,
          %mul3A_301 = arith.constant 128 : i32
          %mul3A_302 = arith.muli %add3A_285, %mul3A_301 : i32
          %add3A_303 = arith.constant 0 : i32
          %add3A_304 = arith.addi %add3A_303, %mul3A_302 : i32
          %add3A_305 = arith.constant 16 : i32
          %add3A_306 = arith.addi %add3A_304, %add3A_305 : i32
          %swap3A_307 = arith.index_cast %add3A_306 : i32 to index
          %swap3A_308 = tpu.vector_load %arg17[%swap3A_307] {strides = array<i32>} : memref<16384xf32, #tpu.memory_space<vmem>>, vector<16xf32>,
          tpu.vector_store %arg17[%swap3A_307], %gather3A_300 {strides = array<i32>} : memref<16384xf32, #tpu.memory_space<vmem>>, vector<16xf32>,
          %add3A_309 = arith.addi %broadcast_in_dim3A_288, %gather3A_82 : vector<16xi32>
          %gather3A_310 = tpu.vector_load_idx %arg12[%add3A_309] : memref<256xf32, #tpu.memory_space<vmem>>[vector<16xi32>], vector<16xf32>,
          %mul3A_311 = arith.constant 128 : i32
          %mul3A_312 = arith.muli %add3A_285, %mul3A_311 : i32
          %add3A_313 = arith.constant 0 : i32
          %add3A_314 = arith.addi %add3A_313, %mul3A_312 : i32
          %add3A_315 = arith.constant 32 : i32
          %add3A_316 = arith.addi %add3A_314, %add3A_315 : i32
          %swap3A_317 = arith.index_cast %add3A_316 : i32 to index
          %swap3A_318 = tpu.vector_load %arg17[%swap3A_317] {strides = array<i32>} : memref<16384xf32, #tpu.memory_space<vmem>>, vector<16xf32>,
          tpu.vector_store %arg17[%swap3A_317], %gather3A_310 {strides = array<i32>} : memref<16384xf32, #tpu.memory_space<vmem>>, vector<16xf32>,
          %add3A_319 = arith.addi %broadcast_in_dim3A_288, %gather3A_86 : vector<16xi32>
          %gather3A_320 = tpu.vector_load_idx %arg12[%add3A_319] : memref<256xf32, #tpu.memory_space<vmem>>[vector<16xi32>], vector<16xf32>,
          %mul3A_321 = arith.constant 128 : i32
          %mul3A_322 = arith.muli %add3A_285, %mul3A_321 : i32
          %add3A_323 = arith.constant 0 : i32
          %add3A_324 = arith.addi %add3A_323, %mul3A_322 : i32
          %add3A_325 = arith.constant 48 : i32
          %add3A_326 = arith.addi %add3A_324, %add3A_325 : i32
          %swap3A_327 = arith.index_cast %add3A_326 : i32 to index
          %swap3A_328 = tpu.vector_load %arg17[%swap3A_327] {strides = array<i32>} : memref<16384xf32, #tpu.memory_space<vmem>>, vector<16xf32>,
          tpu.vector_store %arg17[%swap3A_327], %gather3A_320 {strides = array<i32>} : memref<16384xf32, #tpu.memory_space<vmem>>, vector<16xf32>,
          %add3A_329 = arith.addi %broadcast_in_dim3A_288, %gather3A_90 : vector<16xi32>
          %gather3A_330 = tpu.vector_load_idx %arg12[%add3A_329] : memref<256xf32, #tpu.memory_space<vmem>>[vector<16xi32>], vector<16xf32>,
          %mul3A_331 = arith.constant 128 : i32
          %mul3A_332 = arith.muli %add3A_285, %mul3A_331 : i32
          %add3A_333 = arith.constant 0 : i32
          %add3A_334 = arith.addi %add3A_333, %mul3A_332 : i32
          %add3A_335 = arith.constant 64 : i32
          %add3A_336 = arith.addi %add3A_334, %add3A_335 : i32
          %swap3A_337 = arith.index_cast %add3A_336 : i32 to index
          %swap3A_338 = tpu.vector_load %arg17[%swap3A_337] {strides = array<i32>} : memref<16384xf32, #tpu.memory_space<vmem>>, vector<16xf32>,
          tpu.vector_store %arg17[%swap3A_337], %gather3A_330 {strides = array<i32>} : memref<16384xf32, #tpu.memory_space<vmem>>, vector<16xf32>,
          %add3A_339 = arith.addi %broadcast_in_dim3A_288, %gather3A_94 : vector<16xi32>
          %gather3A_340 = tpu.vector_load_idx %arg12[%add3A_339] : memref<256xf32, #tpu.memory_space<vmem>>[vector<16xi32>], vector<16xf32>,
          %mul3A_341 = arith.constant 128 : i32
          %mul3A_342 = arith.muli %add3A_285, %mul3A_341 : i32
          %add3A_343 = arith.constant 0 : i32
          %add3A_344 = arith.addi %add3A_343, %mul3A_342 : i32
          %add3A_345 = arith.constant 80 : i32
          %add3A_346 = arith.addi %add3A_344, %add3A_345 : i32
          %swap3A_347 = arith.index_cast %add3A_346 : i32 to index
          %swap3A_348 = tpu.vector_load %arg17[%swap3A_347] {strides = array<i32>} : memref<16384xf32, #tpu.memory_space<vmem>>, vector<16xf32>,
          tpu.vector_store %arg17[%swap3A_347], %gather3A_340 {strides = array<i32>} : memref<16384xf32, #tpu.memory_space<vmem>>, vector<16xf32>,
          %add3A_349 = arith.addi %broadcast_in_dim3A_288, %gather3A_98 : vector<16xi32>
          %gather3A_350 = tpu.vector_load_idx %arg12[%add3A_349] : memref<256xf32, #tpu.memory_space<vmem>>[vector<16xi32>], vector<16xf32>,
          %mul3A_351 = arith.constant 128 : i32
          %mul3A_352 = arith.muli %add3A_285, %mul3A_351 : i32
          %add3A_353 = arith.constant 0 : i32
          %add3A_354 = arith.addi %add3A_353, %mul3A_352 : i32
          %add3A_355 = arith.constant 96 : i32
          %add3A_356 = arith.addi %add3A_354, %add3A_355 : i32
          %swap3A_357 = arith.index_cast %add3A_356 : i32 to index
          %swap3A_358 = tpu.vector_load %arg17[%swap3A_357] {strides = array<i32>} : memref<16384xf32, #tpu.memory_space<vmem>>, vector<16xf32>,
          tpu.vector_store %arg17[%swap3A_357], %gather3A_350 {strides = array<i32>} : memref<16384xf32, #tpu.memory_space<vmem>>, vector<16xf32>,
          %add3A_359 = arith.addi %broadcast_in_dim3A_288, %gather3A_102 : vector<16xi32>
          %gather3A_360 = tpu.vector_load_idx %arg12[%add3A_359] : memref<256xf32, #tpu.memory_space<vmem>>[vector<16xi32>], vector<16xf32>,
          %mul3A_361 = arith.constant 128 : i32
          %mul3A_362 = arith.muli %add3A_285, %mul3A_361 : i32
          %add3A_363 = arith.constant 0 : i32
          %add3A_364 = arith.addi %add3A_363, %mul3A_362 : i32
          %add3A_365 = arith.constant 112 : i32
          %add3A_366 = arith.addi %add3A_364, %add3A_365 : i32
          %swap3A_367 = arith.index_cast %add3A_366 : i32 to index
          %swap3A_368 = tpu.vector_load %arg17[%swap3A_367] {strides = array<i32>} : memref<16384xf32, #tpu.memory_space<vmem>>, vector<16xf32>,
          tpu.vector_store %arg17[%swap3A_367], %gather3A_360 {strides = array<i32>} : memref<16384xf32, #tpu.memory_space<vmem>>, vector<16xf32>,
          %mul3A_369 = arith.constant 4 : i32
          %mul3A_370 = arith.muli %scan3A_109, %mul3A_369 : i32
          %add3A_371 = arith.constant 3 : i32
          %add3A_372 = arith.addi %mul3A_370, %add3A_371 : i32
          %mul3A_373 = arith.constant 4 : i32
          %mul3A_374 = arith.muli %add3A_372, %mul3A_373 : i32
          %broadcast_in_dim3A_375 = vector.broadcast %mul3A_374 : i32 to vector<16xi32>
          %add3A_376 = arith.addi %broadcast_in_dim3A_375, %gather3A : vector<16xi32>
          %gather3A_377 = tpu.vector_load_idx %arg12[%add3A_376] : memref<256xf32, #tpu.memory_space<vmem>>[vector<16xi32>], vector<16xf32>,
          %mul3A_378 = arith.constant 128 : i32
          %mul3A_379 = arith.muli %add3A_372, %mul3A_378 : i32
          %add3A_380 = arith.constant 0 : i32
          %add3A_381 = arith.addi %add3A_380, %mul3A_379 : i32
          %add3A_382 = arith.constant 0 : i32
          %add3A_383 = arith.addi %add3A_381, %add3A_382 : i32
          %swap3A_384 = arith.index_cast %add3A_383 : i32 to index
          %swap3A_385 = tpu.vector_load %arg17[%swap3A_384] {strides = array<i32>} : memref<16384xf32, #tpu.memory_space<vmem>>, vector<16xf32>,
          tpu.vector_store %arg17[%swap3A_384], %gather3A_377 {strides = array<i32>} : memref<16384xf32, #tpu.memory_space<vmem>>, vector<16xf32>,
          %add3A_386 = arith.addi %broadcast_in_dim3A_375, %gather3A_78 : vector<16xi32>
          %gather3A_387 = tpu.vector_load_idx %arg12[%add3A_386] : memref<256xf32, #tpu.memory_space<vmem>>[vector<16xi32>], vector<16xf32>,
          %mul3A_388 = arith.constant 128 : i32
          %mul3A_389 = arith.muli %add3A_372, %mul3A_388 : i32
          %add3A_390 = arith.constant 0 : i32
          %add3A_391 = arith.addi %add3A_390, %mul3A_389 : i32
          %add3A_392 = arith.constant 16 : i32
          %add3A_393 = arith.addi %add3A_391, %add3A_392 : i32
          %swap3A_394 = arith.index_cast %add3A_393 : i32 to index
          %swap3A_395 = tpu.vector_load %arg17[%swap3A_394] {strides = array<i32>} : memref<16384xf32, #tpu.memory_space<vmem>>, vector<16xf32>,
          tpu.vector_store %arg17[%swap3A_394], %gather3A_387 {strides = array<i32>} : memref<16384xf32, #tpu.memory_space<vmem>>, vector<16xf32>,
          %add3A_396 = arith.addi %broadcast_in_dim3A_375, %gather3A_82 : vector<16xi32>
          %gather3A_397 = tpu.vector_load_idx %arg12[%add3A_396] : memref<256xf32, #tpu.memory_space<vmem>>[vector<16xi32>], vector<16xf32>,
          %mul3A_398 = arith.constant 128 : i32
          %mul3A_399 = arith.muli %add3A_372, %mul3A_398 : i32
          %add3A_400 = arith.constant 0 : i32
          %add3A_401 = arith.addi %add3A_400, %mul3A_399 : i32
          %add3A_402 = arith.constant 32 : i32
          %add3A_403 = arith.addi %add3A_401, %add3A_402 : i32
          %swap3A_404 = arith.index_cast %add3A_403 : i32 to index
          %swap3A_405 = tpu.vector_load %arg17[%swap3A_404] {strides = array<i32>} : memref<16384xf32, #tpu.memory_space<vmem>>, vector<16xf32>,
          tpu.vector_store %arg17[%swap3A_404], %gather3A_397 {strides = array<i32>} : memref<16384xf32, #tpu.memory_space<vmem>>, vector<16xf32>,
          %add3A_406 = arith.addi %broadcast_in_dim3A_375, %gather3A_86 : vector<16xi32>
          %gather3A_407 = tpu.vector_load_idx %arg12[%add3A_406] : memref<256xf32, #tpu.memory_space<vmem>>[vector<16xi32>], vector<16xf32>,
          %mul3A_408 = arith.constant 128 : i32
          %mul3A_409 = arith.muli %add3A_372, %mul3A_408 : i32
          %add3A_410 = arith.constant 0 : i32
          %add3A_411 = arith.addi %add3A_410, %mul3A_409 : i32
          %add3A_412 = arith.constant 48 : i32
          %add3A_413 = arith.addi %add3A_411, %add3A_412 : i32
          %swap3A_414 = arith.index_cast %add3A_413 : i32 to index
          %swap3A_415 = tpu.vector_load %arg17[%swap3A_414] {strides = array<i32>} : memref<16384xf32, #tpu.memory_space<vmem>>, vector<16xf32>,
          tpu.vector_store %arg17[%swap3A_414], %gather3A_407 {strides = array<i32>} : memref<16384xf32, #tpu.memory_space<vmem>>, vector<16xf32>,
          %add3A_416 = arith.addi %broadcast_in_dim3A_375, %gather3A_90 : vector<16xi32>
          %gather3A_417 = tpu.vector_load_idx %arg12[%add3A_416] : memref<256xf32, #tpu.memory_space<vmem>>[vector<16xi32>], vector<16xf32>,
          %mul3A_418 = arith.constant 128 : i32
          %mul3A_419 = arith.muli %add3A_372, %mul3A_418 : i32
          %add3A_420 = arith.constant 0 : i32
          %add3A_421 = arith.addi %add3A_420, %mul3A_419 : i32
          %add3A_422 = arith.constant 64 : i32
          %add3A_423 = arith.addi %add3A_421, %add3A_422 : i32
          %swap3A_424 = arith.index_cast %add3A_423 : i32 to index
          %swap3A_425 = tpu.vector_load %arg17[%swap3A_424] {strides = array<i32>} : memref<16384xf32, #tpu.memory_space<vmem>>, vector<16xf32>,
          tpu.vector_store %arg17[%swap3A_424], %gather3A_417 {strides = array<i32>} : memref<16384xf32, #tpu.memory_space<vmem>>, vector<16xf32>,
          %add3A_426 = arith.addi %broadcast_in_dim3A_375, %gather3A_94 : vector<16xi32>
          %gather3A_427 = tpu.vector_load_idx %arg12[%add3A_426] : memref<256xf32, #tpu.memory_space<vmem>>[vector<16xi32>], vector<16xf32>,
          %mul3A_428 = arith.constant 128 : i32
          %mul3A_429 = arith.muli %add3A_372, %mul3A_428 : i32
          %add3A_430 = arith.constant 0 : i32
          %add3A_431 = arith.addi %add3A_430, %mul3A_429 : i32
          %add3A_432 = arith.constant 80 : i32
          %add3A_433 = arith.addi %add3A_431, %add3A_432 : i32
          %swap3A_434 = arith.index_cast %add3A_433 : i32 to index
          %swap3A_435 = tpu.vector_load %arg17[%swap3A_434] {strides = array<i32>} : memref<16384xf32, #tpu.memory_space<vmem>>, vector<16xf32>,
          tpu.vector_store %arg17[%swap3A_434], %gather3A_427 {strides = array<i32>} : memref<16384xf32, #tpu.memory_space<vmem>>, vector<16xf32>,
          %add3A_436 = arith.addi %broadcast_in_dim3A_375, %gather3A_98 : vector<16xi32>
          %gather3A_437 = tpu.vector_load_idx %arg12[%add3A_436] : memref<256xf32, #tpu.memory_space<vmem>>[vector<16xi32>], vector<16xf32>,
          %mul3A_438 = arith.constant 128 : i32
          %mul3A_439 = arith.muli %add3A_372, %mul3A_438 : i32
          %add3A_440 = arith.constant 0 : i32
          %add3A_441 = arith.addi %add3A_440, %mul3A_439 : i32
          %add3A_442 = arith.constant 96 : i32
          %add3A_443 = arith.addi %add3A_441, %add3A_442 : i32
          %swap3A_444 = arith.index_cast %add3A_443 : i32 to index
          %swap3A_445 = tpu.vector_load %arg17[%swap3A_444] {strides = array<i32>} : memref<16384xf32, #tpu.memory_space<vmem>>, vector<16xf32>,
          tpu.vector_store %arg17[%swap3A_444], %gather3A_437 {strides = array<i32>} : memref<16384xf32, #tpu.memory_space<vmem>>, vector<16xf32>,
          %add3A_446 = arith.addi %broadcast_in_dim3A_375, %gather3A_102 : vector<16xi32>
          %gather3A_447 = tpu.vector_load_idx %arg12[%add3A_446] : memref<256xf32, #tpu.memory_space<vmem>>[vector<16xi32>], vector<16xf32>,
          %mul3A_448 = arith.constant 128 : i32
          %mul3A_449 = arith.muli %add3A_372, %mul3A_448 : i32
          %add3A_450 = arith.constant 0 : i32
          %add3A_451 = arith.addi %add3A_450, %mul3A_449 : i32
          %add3A_452 = arith.constant 112 : i32
          %add3A_453 = arith.addi %add3A_451, %add3A_452 : i32
          %swap3A_454 = arith.index_cast %add3A_453 : i32 to index
          %swap3A_455 = tpu.vector_load %arg17[%swap3A_454] {strides = array<i32>} : memref<16384xf32, #tpu.memory_space<vmem>>, vector<16xf32>,
          tpu.vector_store %arg17[%swap3A_454], %gather3A_447 {strides = array<i32>} : memref<16384xf32, #tpu.memory_space<vmem>>, vector<16xf32>,
        }
        %scan3A_108 = arith.constant 16 : i32
      } else {
      }
      %lt3A_38 = arith.constant 257 : i32
      %lt3A_39 = arith.cmpi slt, %add3A_24, %lt3A_38 : i32
      %convert_element_type3A_40 = arith.extui %lt3A_39 : i1 to i32
      %cond3A_41 = arith.constant 0 : i32
      %cond3A_42 = arith.cmpi ne, %convert_element_type3A_40, %cond3A_41 : i32
      scf.if %cond3A_42 {
        %mul3A_72 = arith.constant 32 : i32
        %mul3A_73 = arith.muli %add3A_24, %mul3A_72 : i32
        %add3A_74 = arith.addi %mul3A_73, %add3A : i32
        %mul3A_75 = arith.constant 8192 : i32
        %mul3A_76 = arith.muli %add3A_74, %mul3A_75 : i32
        %dma_start3A = arith.constant 0 : i32
        %dma_start3A_77 = tpu.memref_slice %arg17[%dma_start3A] : memref<16384xf32, #tpu.memory_space<vmem>> -> memref<8192xf32, #tpu.memory_space<vmem>>
        %dma_start3A_78 = tpu.memref_slice %arg8[%mul3A_76] : memref<67371008xf32, #tpu.memory_space<hbm>> -> memref<8192xf32, #tpu.memory_space<hbm>>
        %dma_start3A_79 = tpu.memref_slice %arg8[%mul3A_76] : memref<67371008xf32, #tpu.memory_space<hbm>> -> memref<8192xf32, #tpu.memory_space<hbm>>
        %dma_start3A_80 = arith.constant 0 : i32
        %dma_start3A_81 = tpu.memref_slice %arg17[%dma_start3A_80] : memref<16384xf32, #tpu.memory_space<vmem>> -> memref<8192xf32, #tpu.memory_space<vmem>>
        tpu.enqueue_dma source(%dma_start3A_81 : memref<8192xf32, #tpu.memory_space<vmem>>) target(%dma_start3A_79 : memref<8192xf32, #tpu.memory_space<hbm>>) target_semaphore(%arg18 : memref<!tpu.dma_semaphore, #tpu.memory_space<semaphore_mem>>)
      } else {
      }
      %mul3A_43 = arith.constant 2 : i32
      %mul3A_44 = arith.muli %mul3A_43, %scan3A_20 : i32
      %add3A_45 = arith.constant 1 : i32
      %add3A_46 = arith.addi %mul3A_44, %add3A_45 : i32
      %ge3A_47 = arith.constant 1 : i32
      %ge3A_48 = arith.cmpi sge, %scan3A_20, %ge3A_47 : i32
      %sub3A_49 = arith.constant 2 : i32
      %sub3A_50 = arith.subi %add3A_46, %sub3A_49 : i32
      %lt3A_51 = arith.constant 257 : i32
      %lt3A_52 = arith.cmpi slt, %sub3A_50, %lt3A_51 : i32
      %and3A_53 = arith.andi %ge3A_48, %lt3A_52 : i1
      %convert_element_type3A_54 = arith.extui %and3A_53 : i1 to i32
      %cond3A_55 = arith.constant 0 : i32
      %cond3A_56 = arith.cmpi ne, %convert_element_type3A_54, %cond3A_55 : i32
      scf.if %cond3A_56 {
        %sub3A_72 = arith.constant 2 : i32
        %sub3A_73 = arith.subi %add3A_46, %sub3A_72 : i32
        %mul3A_74 = arith.constant 32 : i32
        %mul3A_75 = arith.muli %sub3A_73, %mul3A_74 : i32
        %add3A_76 = arith.addi %mul3A_75, %add3A : i32
        %mul3A_77 = arith.constant 8192 : i32
        %mul3A_78 = arith.muli %add3A_76, %mul3A_77 : i32
        %dma_wait3A = arith.constant 8192 : i32
        %dma_wait3A_79 = tpu.memref_slice %arg17[%dma_wait3A] : memref<16384xf32, #tpu.memory_space<vmem>> -> memref<8192xf32, #tpu.memory_space<vmem>>
        %dma_wait3A_80 = tpu.memref_slice %arg8[%mul3A_78] : memref<67371008xf32, #tpu.memory_space<hbm>> -> memref<8192xf32, #tpu.memory_space<hbm>>
        %dma_wait3A_81 = tpu.memref_slice %arg8[%mul3A_78] : memref<67371008xf32, #tpu.memory_space<hbm>> -> memref<8192xf32, #tpu.memory_space<hbm>>
        %dma_wait3A_82 = arith.constant 8192 : i32
        %dma_wait3A_83 = tpu.memref_slice %arg17[%dma_wait3A_82] : memref<16384xf32, #tpu.memory_space<vmem>> -> memref<8192xf32, #tpu.memory_space<vmem>>
        tpu.wait_dma2 semaphore(%arg19 : memref<!tpu.dma_semaphore, #tpu.memory_space<semaphore_mem>>) src(%dma_wait3A_83 : memref<8192xf32, #tpu.memory_space<vmem>>) dst(%dma_wait3A_81 : memref<8192xf32, #tpu.memory_space<hbm>>)
      } else {
      }
      %lt3A_57 = arith.constant 256 : i32
      %lt3A_58 = arith.cmpi slt, %add3A_46, %lt3A_57 : i32
      %convert_element_type3A_59 = arith.extui %lt3A_58 : i1 to i32
      %cond3A_60 = arith.constant 0 : i32
      %cond3A_61 = arith.cmpi ne, %convert_element_type3A_59, %cond3A_60 : i32
      scf.if %cond3A_61 {
        %broadcast_in_dim3A = vector.broadcast %add3A_46 : i32 to vector<16xi32>
        %add3A_72 = arith.constant 0 : i32
        %add3A_73 = vector.broadcast %add3A_72 : i32 to vector<16xi32>
        %add3A_74 = arith.addi %add3A_73, %iota3A : vector<16xi32>
        %gather3A = tpu.vector_load_idx %arg16[%broadcast_in_dim3A, %add3A_74] : memref<256x128xi32, #tpu.memory_space<vmem>>[vector<16xi32>, vector<16xi32>], vector<16xi32>,
        %broadcast_in_dim3A_75 = vector.broadcast %add3A_46 : i32 to vector<16xi32>
        %add3A_76 = arith.constant 16 : i32
        %add3A_77 = vector.broadcast %add3A_76 : i32 to vector<16xi32>
        %add3A_78 = arith.addi %add3A_77, %iota3A : vector<16xi32>
        %gather3A_79 = tpu.vector_load_idx %arg16[%broadcast_in_dim3A_75, %add3A_78] : memref<256x128xi32, #tpu.memory_space<vmem>>[vector<16xi32>, vector<16xi32>], vector<16xi32>,
        %broadcast_in_dim3A_80 = vector.broadcast %add3A_46 : i32 to vector<16xi32>
        %add3A_81 = arith.constant 32 : i32
        %add3A_82 = vector.broadcast %add3A_81 : i32 to vector<16xi32>
        %add3A_83 = arith.addi %add3A_82, %iota3A : vector<16xi32>
        %gather3A_84 = tpu.vector_load_idx %arg16[%broadcast_in_dim3A_80, %add3A_83] : memref<256x128xi32, #tpu.memory_space<vmem>>[vector<16xi32>, vector<16xi32>], vector<16xi32>,
        %broadcast_in_dim3A_85 = vector.broadcast %add3A_46 : i32 to vector<16xi32>
        %add3A_86 = arith.constant 48 : i32
        %add3A_87 = vector.broadcast %add3A_86 : i32 to vector<16xi32>
        %add3A_88 = arith.addi %add3A_87, %iota3A : vector<16xi32>
        %gather3A_89 = tpu.vector_load_idx %arg16[%broadcast_in_dim3A_85, %add3A_88] : memref<256x128xi32, #tpu.memory_space<vmem>>[vector<16xi32>, vector<16xi32>], vector<16xi32>,
        %broadcast_in_dim3A_90 = vector.broadcast %add3A_46 : i32 to vector<16xi32>
        %add3A_91 = arith.constant 64 : i32
        %add3A_92 = vector.broadcast %add3A_91 : i32 to vector<16xi32>
        %add3A_93 = arith.addi %add3A_92, %iota3A : vector<16xi32>
        %gather3A_94 = tpu.vector_load_idx %arg16[%broadcast_in_dim3A_90, %add3A_93] : memref<256x128xi32, #tpu.memory_space<vmem>>[vector<16xi32>, vector<16xi32>], vector<16xi32>,
        %broadcast_in_dim3A_95 = vector.broadcast %add3A_46 : i32 to vector<16xi32>
        %add3A_96 = arith.constant 80 : i32
        %add3A_97 = vector.broadcast %add3A_96 : i32 to vector<16xi32>
        %add3A_98 = arith.addi %add3A_97, %iota3A : vector<16xi32>
        %gather3A_99 = tpu.vector_load_idx %arg16[%broadcast_in_dim3A_95, %add3A_98] : memref<256x128xi32, #tpu.memory_space<vmem>>[vector<16xi32>, vector<16xi32>], vector<16xi32>,
        %broadcast_in_dim3A_100 = vector.broadcast %add3A_46 : i32 to vector<16xi32>
        %add3A_101 = arith.constant 96 : i32
        %add3A_102 = vector.broadcast %add3A_101 : i32 to vector<16xi32>
        %add3A_103 = arith.addi %add3A_102, %iota3A : vector<16xi32>
        %gather3A_104 = tpu.vector_load_idx %arg16[%broadcast_in_dim3A_100, %add3A_103] : memref<256x128xi32, #tpu.memory_space<vmem>>[vector<16xi32>, vector<16xi32>], vector<16xi32>,
        %broadcast_in_dim3A_105 = vector.broadcast %add3A_46 : i32 to vector<16xi32>
        %add3A_106 = arith.constant 112 : i32
        %add3A_107 = vector.broadcast %add3A_106 : i32 to vector<16xi32>
        %add3A_108 = arith.addi %add3A_107, %iota3A : vector<16xi32>
        %gather3A_109 = tpu.vector_load_idx %arg16[%broadcast_in_dim3A_105, %add3A_108] : memref<256x128xi32, #tpu.memory_space<vmem>>[vector<16xi32>, vector<16xi32>], vector<16xi32>,
        %and3A_110 = arith.constant 255 : i32
        %and3A_111 = vector.broadcast %and3A_110 : i32 to vector<16xi32>
        %and3A_112 = arith.andi %gather3A, %and3A_111 : vector<16xi32>
        %and3A_113 = arith.constant 255 : i32
        %and3A_114 = vector.broadcast %and3A_113 : i32 to vector<16xi32>
        %and3A_115 = arith.andi %gather3A_79, %and3A_114 : vector<16xi32>
        %and3A_116 = arith.constant 255 : i32
        %and3A_117 = vector.broadcast %and3A_116 : i32 to vector<16xi32>
        %and3A_118 = arith.andi %gather3A_84, %and3A_117 : vector<16xi32>
        %and3A_119 = arith.constant 255 : i32
        %and3A_120 = vector.broadcast %and3A_119 : i32 to vector<16xi32>
        %and3A_121 = arith.andi %gather3A_89, %and3A_120 : vector<16xi32>
        %and3A_122 = arith.constant 255 : i32
        %and3A_123 = vector.broadcast %and3A_122 : i32 to vector<16xi32>
        %and3A_124 = arith.andi %gather3A_94, %and3A_123 : vector<16xi32>
        %and3A_125 = arith.constant 255 : i32
        %and3A_126 = vector.broadcast %and3A_125 : i32 to vector<16xi32>
        %and3A_127 = arith.andi %gather3A_99, %and3A_126 : vector<16xi32>
        %and3A_128 = arith.constant 255 : i32
        %and3A_129 = vector.broadcast %and3A_128 : i32 to vector<16xi32>
        %and3A_130 = arith.andi %gather3A_104, %and3A_129 : vector<16xi32>
        %and3A_131 = arith.constant 255 : i32
        %and3A_132 = vector.broadcast %and3A_131 : i32 to vector<16xi32>
        %and3A_133 = arith.andi %gather3A_109, %and3A_132 : vector<16xi32>
        %shift_right_logical3A = arith.constant 8 : i32
        %shift_right_logical3A_134 = vector.broadcast %shift_right_logical3A : i32 to vector<16xi32>
        %shift_right_logical3A_135 = arith.shrui %gather3A, %shift_right_logical3A_134 : vector<16xi32>
        %mul3A_136 = arith.constant 16 : i32
        %mul3A_137 = vector.broadcast %mul3A_136 : i32 to vector<16xi32>
        %mul3A_138 = arith.muli %shift_right_logical3A_135, %mul3A_137 : vector<16xi32>
        %add3A_139 = arith.addi %mul3A_138, %iota3A : vector<16xi32>
        %shift_right_logical3A_140 = arith.constant 8 : i32
        %shift_right_logical3A_141 = vector.broadcast %shift_right_logical3A_140 : i32 to vector<16xi32>
        %shift_right_logical3A_142 = arith.shrui %gather3A_79, %shift_right_logical3A_141 : vector<16xi32>
        %mul3A_143 = arith.constant 16 : i32
        %mul3A_144 = vector.broadcast %mul3A_143 : i32 to vector<16xi32>
        %mul3A_145 = arith.muli %shift_right_logical3A_142, %mul3A_144 : vector<16xi32>
        %add3A_146 = arith.addi %mul3A_145, %iota3A : vector<16xi32>
        %shift_right_logical3A_147 = arith.constant 8 : i32
        %shift_right_logical3A_148 = vector.broadcast %shift_right_logical3A_147 : i32 to vector<16xi32>
        %shift_right_logical3A_149 = arith.shrui %gather3A_84, %shift_right_logical3A_148 : vector<16xi32>
        %mul3A_150 = arith.constant 16 : i32
        %mul3A_151 = vector.broadcast %mul3A_150 : i32 to vector<16xi32>
        %mul3A_152 = arith.muli %shift_right_logical3A_149, %mul3A_151 : vector<16xi32>
        %add3A_153 = arith.addi %mul3A_152, %iota3A : vector<16xi32>
        %shift_right_logical3A_154 = arith.constant 8 : i32
        %shift_right_logical3A_155 = vector.broadcast %shift_right_logical3A_154 : i32 to vector<16xi32>
        %shift_right_logical3A_156 = arith.shrui %gather3A_89, %shift_right_logical3A_155 : vector<16xi32>
        %mul3A_157 = arith.constant 16 : i32
        %mul3A_158 = vector.broadcast %mul3A_157 : i32 to vector<16xi32>
        %mul3A_159 = arith.muli %shift_right_logical3A_156, %mul3A_158 : vector<16xi32>
        %add3A_160 = arith.addi %mul3A_159, %iota3A : vector<16xi32>
        %shift_right_logical3A_161 = arith.constant 8 : i32
        %shift_right_logical3A_162 = vector.broadcast %shift_right_logical3A_161 : i32 to vector<16xi32>
        %shift_right_logical3A_163 = arith.shrui %gather3A_94, %shift_right_logical3A_162 : vector<16xi32>
        %mul3A_164 = arith.constant 16 : i32
        %mul3A_165 = vector.broadcast %mul3A_164 : i32 to vector<16xi32>
        %mul3A_166 = arith.muli %shift_right_logical3A_163, %mul3A_165 : vector<16xi32>
        %add3A_167 = arith.addi %mul3A_166, %iota3A : vector<16xi32>
        %shift_right_logical3A_168 = arith.constant 8 : i32
        %shift_right_logical3A_169 = vector.broadcast %shift_right_logical3A_168 : i32 to vector<16xi32>
        %shift_right_logical3A_170 = arith.shrui %gather3A_99, %shift_right_logical3A_169 : vector<16xi32>
        %mul3A_171 = arith.constant 16 : i32
        %mul3A_172 = vector.broadcast %mul3A_171 : i32 to vector<16xi32>
        %mul3A_173 = arith.muli %shift_right_logical3A_170, %mul3A_172 : vector<16xi32>
        %add3A_174 = arith.addi %mul3A_173, %iota3A : vector<16xi32>
        %shift_right_logical3A_175 = arith.constant 8 : i32
        %shift_right_logical3A_176 = vector.broadcast %shift_right_logical3A_175 : i32 to vector<16xi32>
        %shift_right_logical3A_177 = arith.shrui %gather3A_104, %shift_right_logical3A_176 : vector<16xi32>
        %mul3A_178 = arith.constant 16 : i32
        %mul3A_179 = vector.broadcast %mul3A_178 : i32 to vector<16xi32>
        %mul3A_180 = arith.muli %shift_right_logical3A_177, %mul3A_179 : vector<16xi32>
        %add3A_181 = arith.addi %mul3A_180, %iota3A : vector<16xi32>
        %shift_right_logical3A_182 = arith.constant 8 : i32
        %shift_right_logical3A_183 = vector.broadcast %shift_right_logical3A_182 : i32 to vector<16xi32>
        %shift_right_logical3A_184 = arith.shrui %gather3A_109, %shift_right_logical3A_183 : vector<16xi32>
        %mul3A_185 = arith.constant 16 : i32
        %mul3A_186 = vector.broadcast %mul3A_185 : i32 to vector<16xi32>
        %mul3A_187 = arith.muli %shift_right_logical3A_184, %mul3A_186 : vector<16xi32>
        %add3A_188 = arith.addi %mul3A_187, %iota3A : vector<16xi32>
        %scan3A_189 = arith.constant 0 : i32
        %scan3A_190 = arith.constant 0 : i32
        %scan3A_191 = arith.constant 8 : i32
        %scan3A_192 = arith.addi %scan3A_190, %scan3A_191 : i32
        %scan3A_193 = arith.constant 1 : i32
        scf.for %scan3A_195 = %scan3A_190 to %scan3A_192 step %scan3A_193  : i32 {
          %mul3A_196 = arith.constant 8 : i32
          %mul3A_197 = arith.muli %scan3A_195, %mul3A_196 : i32
          %add3A_198 = arith.constant 0 : i32
          %add3A_199 = arith.addi %mul3A_197, %add3A_198 : i32
          %mul3A_200 = arith.constant 256 : i32
          %mul3A_201 = arith.muli %add3A_199, %mul3A_200 : i32
          %broadcast_in_dim3A_202 = vector.broadcast %mul3A_201 : i32 to vector<16xi32>
          %add3A_203 = arith.addi %broadcast_in_dim3A_202, %and3A_112 : vector<16xi32>
          %gather3A_204 = tpu.vector_load_idx %arg13[%add3A_203] : memref<16384xf32, #tpu.memory_space<vmem>>[vector<16xi32>], vector<16xf32>,
          %add3A_205 = arith.addi %broadcast_in_dim3A_202, %add3A_139 : vector<16xi32>
          %gather3A_206 = tpu.vector_load_idx %arg14[%add3A_205] : memref<16384xf32, #tpu.memory_space<vmem>>[vector<16xi32>], vector<16xf32>,
          %add3A_207 = arith.addf %gather3A_204, %gather3A_206 : vector<16xf32>
          %mul3A_208 = arith.constant 128 : i32
          %mul3A_209 = arith.muli %add3A_199, %mul3A_208 : i32
          %add3A_210 = arith.constant 8192 : i32
          %add3A_211 = arith.addi %add3A_210, %mul3A_209 : i32
          %add3A_212 = arith.constant 0 : i32
          %add3A_213 = arith.addi %add3A_211, %add3A_212 : i32
          %swap3A = arith.index_cast %add3A_213 : i32 to index
          %swap3A_214 = tpu.vector_load %arg17[%swap3A] {strides = array<i32>} : memref<16384xf32, #tpu.memory_space<vmem>>, vector<16xf32>,
          tpu.vector_store %arg17[%swap3A], %add3A_207 {strides = array<i32>} : memref<16384xf32, #tpu.memory_space<vmem>>, vector<16xf32>,
          %add3A_215 = arith.addi %broadcast_in_dim3A_202, %and3A_115 : vector<16xi32>
          %gather3A_216 = tpu.vector_load_idx %arg13[%add3A_215] : memref<16384xf32, #tpu.memory_space<vmem>>[vector<16xi32>], vector<16xf32>,
          %add3A_217 = arith.addi %broadcast_in_dim3A_202, %add3A_146 : vector<16xi32>
          %gather3A_218 = tpu.vector_load_idx %arg14[%add3A_217] : memref<16384xf32, #tpu.memory_space<vmem>>[vector<16xi32>], vector<16xf32>,
          %add3A_219 = arith.addf %gather3A_216, %gather3A_218 : vector<16xf32>
          %mul3A_220 = arith.constant 128 : i32
          %mul3A_221 = arith.muli %add3A_199, %mul3A_220 : i32
          %add3A_222 = arith.constant 8192 : i32
          %add3A_223 = arith.addi %add3A_222, %mul3A_221 : i32
          %add3A_224 = arith.constant 16 : i32
          %add3A_225 = arith.addi %add3A_223, %add3A_224 : i32
          %swap3A_226 = arith.index_cast %add3A_225 : i32 to index
          %swap3A_227 = tpu.vector_load %arg17[%swap3A_226] {strides = array<i32>} : memref<16384xf32, #tpu.memory_space<vmem>>, vector<16xf32>,
          tpu.vector_store %arg17[%swap3A_226], %add3A_219 {strides = array<i32>} : memref<16384xf32, #tpu.memory_space<vmem>>, vector<16xf32>,
          %add3A_228 = arith.addi %broadcast_in_dim3A_202, %and3A_118 : vector<16xi32>
          %gather3A_229 = tpu.vector_load_idx %arg13[%add3A_228] : memref<16384xf32, #tpu.memory_space<vmem>>[vector<16xi32>], vector<16xf32>,
          %add3A_230 = arith.addi %broadcast_in_dim3A_202, %add3A_153 : vector<16xi32>
          %gather3A_231 = tpu.vector_load_idx %arg14[%add3A_230] : memref<16384xf32, #tpu.memory_space<vmem>>[vector<16xi32>], vector<16xf32>,
          %add3A_232 = arith.addf %gather3A_229, %gather3A_231 : vector<16xf32>
          %mul3A_233 = arith.constant 128 : i32
          %mul3A_234 = arith.muli %add3A_199, %mul3A_233 : i32
          %add3A_235 = arith.constant 8192 : i32
          %add3A_236 = arith.addi %add3A_235, %mul3A_234 : i32
          %add3A_237 = arith.constant 32 : i32
          %add3A_238 = arith.addi %add3A_236, %add3A_237 : i32
          %swap3A_239 = arith.index_cast %add3A_238 : i32 to index
          %swap3A_240 = tpu.vector_load %arg17[%swap3A_239] {strides = array<i32>} : memref<16384xf32, #tpu.memory_space<vmem>>, vector<16xf32>,
          tpu.vector_store %arg17[%swap3A_239], %add3A_232 {strides = array<i32>} : memref<16384xf32, #tpu.memory_space<vmem>>, vector<16xf32>,
          %add3A_241 = arith.addi %broadcast_in_dim3A_202, %and3A_121 : vector<16xi32>
          %gather3A_242 = tpu.vector_load_idx %arg13[%add3A_241] : memref<16384xf32, #tpu.memory_space<vmem>>[vector<16xi32>], vector<16xf32>,
          %add3A_243 = arith.addi %broadcast_in_dim3A_202, %add3A_160 : vector<16xi32>
          %gather3A_244 = tpu.vector_load_idx %arg14[%add3A_243] : memref<16384xf32, #tpu.memory_space<vmem>>[vector<16xi32>], vector<16xf32>,
          %add3A_245 = arith.addf %gather3A_242, %gather3A_244 : vector<16xf32>
          %mul3A_246 = arith.constant 128 : i32
          %mul3A_247 = arith.muli %add3A_199, %mul3A_246 : i32
          %add3A_248 = arith.constant 8192 : i32
          %add3A_249 = arith.addi %add3A_248, %mul3A_247 : i32
          %add3A_250 = arith.constant 48 : i32
          %add3A_251 = arith.addi %add3A_249, %add3A_250 : i32
          %swap3A_252 = arith.index_cast %add3A_251 : i32 to index
          %swap3A_253 = tpu.vector_load %arg17[%swap3A_252] {strides = array<i32>} : memref<16384xf32, #tpu.memory_space<vmem>>, vector<16xf32>,
          tpu.vector_store %arg17[%swap3A_252], %add3A_245 {strides = array<i32>} : memref<16384xf32, #tpu.memory_space<vmem>>, vector<16xf32>,
          %add3A_254 = arith.addi %broadcast_in_dim3A_202, %and3A_124 : vector<16xi32>
          %gather3A_255 = tpu.vector_load_idx %arg13[%add3A_254] : memref<16384xf32, #tpu.memory_space<vmem>>[vector<16xi32>], vector<16xf32>,
          %add3A_256 = arith.addi %broadcast_in_dim3A_202, %add3A_167 : vector<16xi32>
          %gather3A_257 = tpu.vector_load_idx %arg14[%add3A_256] : memref<16384xf32, #tpu.memory_space<vmem>>[vector<16xi32>], vector<16xf32>,
          %add3A_258 = arith.addf %gather3A_255, %gather3A_257 : vector<16xf32>
          %mul3A_259 = arith.constant 128 : i32
          %mul3A_260 = arith.muli %add3A_199, %mul3A_259 : i32
          %add3A_261 = arith.constant 8192 : i32
          %add3A_262 = arith.addi %add3A_261, %mul3A_260 : i32
          %add3A_263 = arith.constant 64 : i32
          %add3A_264 = arith.addi %add3A_262, %add3A_263 : i32
          %swap3A_265 = arith.index_cast %add3A_264 : i32 to index
          %swap3A_266 = tpu.vector_load %arg17[%swap3A_265] {strides = array<i32>} : memref<16384xf32, #tpu.memory_space<vmem>>, vector<16xf32>,
          tpu.vector_store %arg17[%swap3A_265], %add3A_258 {strides = array<i32>} : memref<16384xf32, #tpu.memory_space<vmem>>, vector<16xf32>,
          %add3A_267 = arith.addi %broadcast_in_dim3A_202, %and3A_127 : vector<16xi32>
          %gather3A_268 = tpu.vector_load_idx %arg13[%add3A_267] : memref<16384xf32, #tpu.memory_space<vmem>>[vector<16xi32>], vector<16xf32>,
          %add3A_269 = arith.addi %broadcast_in_dim3A_202, %add3A_174 : vector<16xi32>
          %gather3A_270 = tpu.vector_load_idx %arg14[%add3A_269] : memref<16384xf32, #tpu.memory_space<vmem>>[vector<16xi32>], vector<16xf32>,
          %add3A_271 = arith.addf %gather3A_268, %gather3A_270 : vector<16xf32>
          %mul3A_272 = arith.constant 128 : i32
          %mul3A_273 = arith.muli %add3A_199, %mul3A_272 : i32
          %add3A_274 = arith.constant 8192 : i32
          %add3A_275 = arith.addi %add3A_274, %mul3A_273 : i32
          %add3A_276 = arith.constant 80 : i32
          %add3A_277 = arith.addi %add3A_275, %add3A_276 : i32
          %swap3A_278 = arith.index_cast %add3A_277 : i32 to index
          %swap3A_279 = tpu.vector_load %arg17[%swap3A_278] {strides = array<i32>} : memref<16384xf32, #tpu.memory_space<vmem>>, vector<16xf32>,
          tpu.vector_store %arg17[%swap3A_278], %add3A_271 {strides = array<i32>} : memref<16384xf32, #tpu.memory_space<vmem>>, vector<16xf32>,
          %add3A_280 = arith.addi %broadcast_in_dim3A_202, %and3A_130 : vector<16xi32>
          %gather3A_281 = tpu.vector_load_idx %arg13[%add3A_280] : memref<16384xf32, #tpu.memory_space<vmem>>[vector<16xi32>], vector<16xf32>,
          %add3A_282 = arith.addi %broadcast_in_dim3A_202, %add3A_181 : vector<16xi32>
          %gather3A_283 = tpu.vector_load_idx %arg14[%add3A_282] : memref<16384xf32, #tpu.memory_space<vmem>>[vector<16xi32>], vector<16xf32>,
          %add3A_284 = arith.addf %gather3A_281, %gather3A_283 : vector<16xf32>
          %mul3A_285 = arith.constant 128 : i32
          %mul3A_286 = arith.muli %add3A_199, %mul3A_285 : i32
          %add3A_287 = arith.constant 8192 : i32
          %add3A_288 = arith.addi %add3A_287, %mul3A_286 : i32
          %add3A_289 = arith.constant 96 : i32
          %add3A_290 = arith.addi %add3A_288, %add3A_289 : i32
          %swap3A_291 = arith.index_cast %add3A_290 : i32 to index
          %swap3A_292 = tpu.vector_load %arg17[%swap3A_291] {strides = array<i32>} : memref<16384xf32, #tpu.memory_space<vmem>>, vector<16xf32>,
          tpu.vector_store %arg17[%swap3A_291], %add3A_284 {strides = array<i32>} : memref<16384xf32, #tpu.memory_space<vmem>>, vector<16xf32>,
          %add3A_293 = arith.addi %broadcast_in_dim3A_202, %and3A_133 : vector<16xi32>
          %gather3A_294 = tpu.vector_load_idx %arg13[%add3A_293] : memref<16384xf32, #tpu.memory_space<vmem>>[vector<16xi32>], vector<16xf32>,
          %add3A_295 = arith.addi %broadcast_in_dim3A_202, %add3A_188 : vector<16xi32>
          %gather3A_296 = tpu.vector_load_idx %arg14[%add3A_295] : memref<16384xf32, #tpu.memory_space<vmem>>[vector<16xi32>], vector<16xf32>,
          %add3A_297 = arith.addf %gather3A_294, %gather3A_296 : vector<16xf32>
          %mul3A_298 = arith.constant 128 : i32
          %mul3A_299 = arith.muli %add3A_199, %mul3A_298 : i32
          %add3A_300 = arith.constant 8192 : i32
          %add3A_301 = arith.addi %add3A_300, %mul3A_299 : i32
          %add3A_302 = arith.constant 112 : i32
          %add3A_303 = arith.addi %add3A_301, %add3A_302 : i32
          %swap3A_304 = arith.index_cast %add3A_303 : i32 to index
          %swap3A_305 = tpu.vector_load %arg17[%swap3A_304] {strides = array<i32>} : memref<16384xf32, #tpu.memory_space<vmem>>, vector<16xf32>,
          tpu.vector_store %arg17[%swap3A_304], %add3A_297 {strides = array<i32>} : memref<16384xf32, #tpu.memory_space<vmem>>, vector<16xf32>,
          %mul3A_306 = arith.constant 8 : i32
          %mul3A_307 = arith.muli %scan3A_195, %mul3A_306 : i32
          %add3A_308 = arith.constant 1 : i32
          %add3A_309 = arith.addi %mul3A_307, %add3A_308 : i32
          %mul3A_310 = arith.constant 256 : i32
          %mul3A_311 = arith.muli %add3A_309, %mul3A_310 : i32
          %broadcast_in_dim3A_312 = vector.broadcast %mul3A_311 : i32 to vector<16xi32>
          %add3A_313 = arith.addi %broadcast_in_dim3A_312, %and3A_112 : vector<16xi32>
          %gather3A_314 = tpu.vector_load_idx %arg13[%add3A_313] : memref<16384xf32, #tpu.memory_space<vmem>>[vector<16xi32>], vector<16xf32>,
          %add3A_315 = arith.addi %broadcast_in_dim3A_312, %add3A_139 : vector<16xi32>
          %gather3A_316 = tpu.vector_load_idx %arg14[%add3A_315] : memref<16384xf32, #tpu.memory_space<vmem>>[vector<16xi32>], vector<16xf32>,
          %add3A_317 = arith.addf %gather3A_314, %gather3A_316 : vector<16xf32>
          %mul3A_318 = arith.constant 128 : i32
          %mul3A_319 = arith.muli %add3A_309, %mul3A_318 : i32
          %add3A_320 = arith.constant 8192 : i32
          %add3A_321 = arith.addi %add3A_320, %mul3A_319 : i32
          %add3A_322 = arith.constant 0 : i32
          %add3A_323 = arith.addi %add3A_321, %add3A_322 : i32
          %swap3A_324 = arith.index_cast %add3A_323 : i32 to index
          %swap3A_325 = tpu.vector_load %arg17[%swap3A_324] {strides = array<i32>} : memref<16384xf32, #tpu.memory_space<vmem>>, vector<16xf32>,
          tpu.vector_store %arg17[%swap3A_324], %add3A_317 {strides = array<i32>} : memref<16384xf32, #tpu.memory_space<vmem>>, vector<16xf32>,
          %add3A_326 = arith.addi %broadcast_in_dim3A_312, %and3A_115 : vector<16xi32>
          %gather3A_327 = tpu.vector_load_idx %arg13[%add3A_326] : memref<16384xf32, #tpu.memory_space<vmem>>[vector<16xi32>], vector<16xf32>,
          %add3A_328 = arith.addi %broadcast_in_dim3A_312, %add3A_146 : vector<16xi32>
          %gather3A_329 = tpu.vector_load_idx %arg14[%add3A_328] : memref<16384xf32, #tpu.memory_space<vmem>>[vector<16xi32>], vector<16xf32>,
          %add3A_330 = arith.addf %gather3A_327, %gather3A_329 : vector<16xf32>
          %mul3A_331 = arith.constant 128 : i32
          %mul3A_332 = arith.muli %add3A_309, %mul3A_331 : i32
          %add3A_333 = arith.constant 8192 : i32
          %add3A_334 = arith.addi %add3A_333, %mul3A_332 : i32
          %add3A_335 = arith.constant 16 : i32
          %add3A_336 = arith.addi %add3A_334, %add3A_335 : i32
          %swap3A_337 = arith.index_cast %add3A_336 : i32 to index
          %swap3A_338 = tpu.vector_load %arg17[%swap3A_337] {strides = array<i32>} : memref<16384xf32, #tpu.memory_space<vmem>>, vector<16xf32>,
          tpu.vector_store %arg17[%swap3A_337], %add3A_330 {strides = array<i32>} : memref<16384xf32, #tpu.memory_space<vmem>>, vector<16xf32>,
          %add3A_339 = arith.addi %broadcast_in_dim3A_312, %and3A_118 : vector<16xi32>
          %gather3A_340 = tpu.vector_load_idx %arg13[%add3A_339] : memref<16384xf32, #tpu.memory_space<vmem>>[vector<16xi32>], vector<16xf32>,
          %add3A_341 = arith.addi %broadcast_in_dim3A_312, %add3A_153 : vector<16xi32>
          %gather3A_342 = tpu.vector_load_idx %arg14[%add3A_341] : memref<16384xf32, #tpu.memory_space<vmem>>[vector<16xi32>], vector<16xf32>,
          %add3A_343 = arith.addf %gather3A_340, %gather3A_342 : vector<16xf32>
          %mul3A_344 = arith.constant 128 : i32
          %mul3A_345 = arith.muli %add3A_309, %mul3A_344 : i32
          %add3A_346 = arith.constant 8192 : i32
          %add3A_347 = arith.addi %add3A_346, %mul3A_345 : i32
          %add3A_348 = arith.constant 32 : i32
          %add3A_349 = arith.addi %add3A_347, %add3A_348 : i32
          %swap3A_350 = arith.index_cast %add3A_349 : i32 to index
          %swap3A_351 = tpu.vector_load %arg17[%swap3A_350] {strides = array<i32>} : memref<16384xf32, #tpu.memory_space<vmem>>, vector<16xf32>,
          tpu.vector_store %arg17[%swap3A_350], %add3A_343 {strides = array<i32>} : memref<16384xf32, #tpu.memory_space<vmem>>, vector<16xf32>,
          %add3A_352 = arith.addi %broadcast_in_dim3A_312, %and3A_121 : vector<16xi32>
          %gather3A_353 = tpu.vector_load_idx %arg13[%add3A_352] : memref<16384xf32, #tpu.memory_space<vmem>>[vector<16xi32>], vector<16xf32>,
          %add3A_354 = arith.addi %broadcast_in_dim3A_312, %add3A_160 : vector<16xi32>
          %gather3A_355 = tpu.vector_load_idx %arg14[%add3A_354] : memref<16384xf32, #tpu.memory_space<vmem>>[vector<16xi32>], vector<16xf32>,
          %add3A_356 = arith.addf %gather3A_353, %gather3A_355 : vector<16xf32>
          %mul3A_357 = arith.constant 128 : i32
          %mul3A_358 = arith.muli %add3A_309, %mul3A_357 : i32
          %add3A_359 = arith.constant 8192 : i32
          %add3A_360 = arith.addi %add3A_359, %mul3A_358 : i32
          %add3A_361 = arith.constant 48 : i32
          %add3A_362 = arith.addi %add3A_360, %add3A_361 : i32
          %swap3A_363 = arith.index_cast %add3A_362 : i32 to index
          %swap3A_364 = tpu.vector_load %arg17[%swap3A_363] {strides = array<i32>} : memref<16384xf32, #tpu.memory_space<vmem>>, vector<16xf32>,
          tpu.vector_store %arg17[%swap3A_363], %add3A_356 {strides = array<i32>} : memref<16384xf32, #tpu.memory_space<vmem>>, vector<16xf32>,
          %add3A_365 = arith.addi %broadcast_in_dim3A_312, %and3A_124 : vector<16xi32>
          %gather3A_366 = tpu.vector_load_idx %arg13[%add3A_365] : memref<16384xf32, #tpu.memory_space<vmem>>[vector<16xi32>], vector<16xf32>,
          %add3A_367 = arith.addi %broadcast_in_dim3A_312, %add3A_167 : vector<16xi32>
          %gather3A_368 = tpu.vector_load_idx %arg14[%add3A_367] : memref<16384xf32, #tpu.memory_space<vmem>>[vector<16xi32>], vector<16xf32>,
          %add3A_369 = arith.addf %gather3A_366, %gather3A_368 : vector<16xf32>
          %mul3A_370 = arith.constant 128 : i32
          %mul3A_371 = arith.muli %add3A_309, %mul3A_370 : i32
          %add3A_372 = arith.constant 8192 : i32
          %add3A_373 = arith.addi %add3A_372, %mul3A_371 : i32
          %add3A_374 = arith.constant 64 : i32
          %add3A_375 = arith.addi %add3A_373, %add3A_374 : i32
          %swap3A_376 = arith.index_cast %add3A_375 : i32 to index
          %swap3A_377 = tpu.vector_load %arg17[%swap3A_376] {strides = array<i32>} : memref<16384xf32, #tpu.memory_space<vmem>>, vector<16xf32>,
          tpu.vector_store %arg17[%swap3A_376], %add3A_369 {strides = array<i32>} : memref<16384xf32, #tpu.memory_space<vmem>>, vector<16xf32>,
          %add3A_378 = arith.addi %broadcast_in_dim3A_312, %and3A_127 : vector<16xi32>
          %gather3A_379 = tpu.vector_load_idx %arg13[%add3A_378] : memref<16384xf32, #tpu.memory_space<vmem>>[vector<16xi32>], vector<16xf32>,
          %add3A_380 = arith.addi %broadcast_in_dim3A_312, %add3A_174 : vector<16xi32>
          %gather3A_381 = tpu.vector_load_idx %arg14[%add3A_380] : memref<16384xf32, #tpu.memory_space<vmem>>[vector<16xi32>], vector<16xf32>,
          %add3A_382 = arith.addf %gather3A_379, %gather3A_381 : vector<16xf32>
          %mul3A_383 = arith.constant 128 : i32
          %mul3A_384 = arith.muli %add3A_309, %mul3A_383 : i32
          %add3A_385 = arith.constant 8192 : i32
          %add3A_386 = arith.addi %add3A_385, %mul3A_384 : i32
          %add3A_387 = arith.constant 80 : i32
          %add3A_388 = arith.addi %add3A_386, %add3A_387 : i32
          %swap3A_389 = arith.index_cast %add3A_388 : i32 to index
          %swap3A_390 = tpu.vector_load %arg17[%swap3A_389] {strides = array<i32>} : memref<16384xf32, #tpu.memory_space<vmem>>, vector<16xf32>,
          tpu.vector_store %arg17[%swap3A_389], %add3A_382 {strides = array<i32>} : memref<16384xf32, #tpu.memory_space<vmem>>, vector<16xf32>,
          %add3A_391 = arith.addi %broadcast_in_dim3A_312, %and3A_130 : vector<16xi32>
          %gather3A_392 = tpu.vector_load_idx %arg13[%add3A_391] : memref<16384xf32, #tpu.memory_space<vmem>>[vector<16xi32>], vector<16xf32>,
          %add3A_393 = arith.addi %broadcast_in_dim3A_312, %add3A_181 : vector<16xi32>
          %gather3A_394 = tpu.vector_load_idx %arg14[%add3A_393] : memref<16384xf32, #tpu.memory_space<vmem>>[vector<16xi32>], vector<16xf32>,
          %add3A_395 = arith.addf %gather3A_392, %gather3A_394 : vector<16xf32>
          %mul3A_396 = arith.constant 128 : i32
          %mul3A_397 = arith.muli %add3A_309, %mul3A_396 : i32
          %add3A_398 = arith.constant 8192 : i32
          %add3A_399 = arith.addi %add3A_398, %mul3A_397 : i32
          %add3A_400 = arith.constant 96 : i32
          %add3A_401 = arith.addi %add3A_399, %add3A_400 : i32
          %swap3A_402 = arith.index_cast %add3A_401 : i32 to index
          %swap3A_403 = tpu.vector_load %arg17[%swap3A_402] {strides = array<i32>} : memref<16384xf32, #tpu.memory_space<vmem>>, vector<16xf32>,
          tpu.vector_store %arg17[%swap3A_402], %add3A_395 {strides = array<i32>} : memref<16384xf32, #tpu.memory_space<vmem>>, vector<16xf32>,
          %add3A_404 = arith.addi %broadcast_in_dim3A_312, %and3A_133 : vector<16xi32>
          %gather3A_405 = tpu.vector_load_idx %arg13[%add3A_404] : memref<16384xf32, #tpu.memory_space<vmem>>[vector<16xi32>], vector<16xf32>,
          %add3A_406 = arith.addi %broadcast_in_dim3A_312, %add3A_188 : vector<16xi32>
          %gather3A_407 = tpu.vector_load_idx %arg14[%add3A_406] : memref<16384xf32, #tpu.memory_space<vmem>>[vector<16xi32>], vector<16xf32>,
          %add3A_408 = arith.addf %gather3A_405, %gather3A_407 : vector<16xf32>
          %mul3A_409 = arith.constant 128 : i32
          %mul3A_410 = arith.muli %add3A_309, %mul3A_409 : i32
          %add3A_411 = arith.constant 8192 : i32
          %add3A_412 = arith.addi %add3A_411, %mul3A_410 : i32
          %add3A_413 = arith.constant 112 : i32
          %add3A_414 = arith.addi %add3A_412, %add3A_413 : i32
          %swap3A_415 = arith.index_cast %add3A_414 : i32 to index
          %swap3A_416 = tpu.vector_load %arg17[%swap3A_415] {strides = array<i32>} : memref<16384xf32, #tpu.memory_space<vmem>>, vector<16xf32>,
          tpu.vector_store %arg17[%swap3A_415], %add3A_408 {strides = array<i32>} : memref<16384xf32, #tpu.memory_space<vmem>>, vector<16xf32>,
          %mul3A_417 = arith.constant 8 : i32
          %mul3A_418 = arith.muli %scan3A_195, %mul3A_417 : i32
          %add3A_419 = arith.constant 2 : i32
          %add3A_420 = arith.addi %mul3A_418, %add3A_419 : i32
          %mul3A_421 = arith.constant 256 : i32
          %mul3A_422 = arith.muli %add3A_420, %mul3A_421 : i32
          %broadcast_in_dim3A_423 = vector.broadcast %mul3A_422 : i32 to vector<16xi32>
          %add3A_424 = arith.addi %broadcast_in_dim3A_423, %and3A_112 : vector<16xi32>
          %gather3A_425 = tpu.vector_load_idx %arg13[%add3A_424] : memref<16384xf32, #tpu.memory_space<vmem>>[vector<16xi32>], vector<16xf32>,
          %add3A_426 = arith.addi %broadcast_in_dim3A_423, %add3A_139 : vector<16xi32>
          %gather3A_427 = tpu.vector_load_idx %arg14[%add3A_426] : memref<16384xf32, #tpu.memory_space<vmem>>[vector<16xi32>], vector<16xf32>,
          %add3A_428 = arith.addf %gather3A_425, %gather3A_427 : vector<16xf32>
          %mul3A_429 = arith.constant 128 : i32
          %mul3A_430 = arith.muli %add3A_420, %mul3A_429 : i32
          %add3A_431 = arith.constant 8192 : i32
          %add3A_432 = arith.addi %add3A_431, %mul3A_430 : i32
          %add3A_433 = arith.constant 0 : i32
          %add3A_434 = arith.addi %add3A_432, %add3A_433 : i32
          %swap3A_435 = arith.index_cast %add3A_434 : i32 to index
          %swap3A_436 = tpu.vector_load %arg17[%swap3A_435] {strides = array<i32>} : memref<16384xf32, #tpu.memory_space<vmem>>, vector<16xf32>,
          tpu.vector_store %arg17[%swap3A_435], %add3A_428 {strides = array<i32>} : memref<16384xf32, #tpu.memory_space<vmem>>, vector<16xf32>,
          %add3A_437 = arith.addi %broadcast_in_dim3A_423, %and3A_115 : vector<16xi32>
          %gather3A_438 = tpu.vector_load_idx %arg13[%add3A_437] : memref<16384xf32, #tpu.memory_space<vmem>>[vector<16xi32>], vector<16xf32>,
          %add3A_439 = arith.addi %broadcast_in_dim3A_423, %add3A_146 : vector<16xi32>
          %gather3A_440 = tpu.vector_load_idx %arg14[%add3A_439] : memref<16384xf32, #tpu.memory_space<vmem>>[vector<16xi32>], vector<16xf32>,
          %add3A_441 = arith.addf %gather3A_438, %gather3A_440 : vector<16xf32>
          %mul3A_442 = arith.constant 128 : i32
          %mul3A_443 = arith.muli %add3A_420, %mul3A_442 : i32
          %add3A_444 = arith.constant 8192 : i32
          %add3A_445 = arith.addi %add3A_444, %mul3A_443 : i32
          %add3A_446 = arith.constant 16 : i32
          %add3A_447 = arith.addi %add3A_445, %add3A_446 : i32
          %swap3A_448 = arith.index_cast %add3A_447 : i32 to index
          %swap3A_449 = tpu.vector_load %arg17[%swap3A_448] {strides = array<i32>} : memref<16384xf32, #tpu.memory_space<vmem>>, vector<16xf32>,
          tpu.vector_store %arg17[%swap3A_448], %add3A_441 {strides = array<i32>} : memref<16384xf32, #tpu.memory_space<vmem>>, vector<16xf32>,
          %add3A_450 = arith.addi %broadcast_in_dim3A_423, %and3A_118 : vector<16xi32>
          %gather3A_451 = tpu.vector_load_idx %arg13[%add3A_450] : memref<16384xf32, #tpu.memory_space<vmem>>[vector<16xi32>], vector<16xf32>,
          %add3A_452 = arith.addi %broadcast_in_dim3A_423, %add3A_153 : vector<16xi32>
          %gather3A_453 = tpu.vector_load_idx %arg14[%add3A_452] : memref<16384xf32, #tpu.memory_space<vmem>>[vector<16xi32>], vector<16xf32>,
          %add3A_454 = arith.addf %gather3A_451, %gather3A_453 : vector<16xf32>
          %mul3A_455 = arith.constant 128 : i32
          %mul3A_456 = arith.muli %add3A_420, %mul3A_455 : i32
          %add3A_457 = arith.constant 8192 : i32
          %add3A_458 = arith.addi %add3A_457, %mul3A_456 : i32
          %add3A_459 = arith.constant 32 : i32
          %add3A_460 = arith.addi %add3A_458, %add3A_459 : i32
          %swap3A_461 = arith.index_cast %add3A_460 : i32 to index
          %swap3A_462 = tpu.vector_load %arg17[%swap3A_461] {strides = array<i32>} : memref<16384xf32, #tpu.memory_space<vmem>>, vector<16xf32>,
          tpu.vector_store %arg17[%swap3A_461], %add3A_454 {strides = array<i32>} : memref<16384xf32, #tpu.memory_space<vmem>>, vector<16xf32>,
          %add3A_463 = arith.addi %broadcast_in_dim3A_423, %and3A_121 : vector<16xi32>
          %gather3A_464 = tpu.vector_load_idx %arg13[%add3A_463] : memref<16384xf32, #tpu.memory_space<vmem>>[vector<16xi32>], vector<16xf32>,
          %add3A_465 = arith.addi %broadcast_in_dim3A_423, %add3A_160 : vector<16xi32>
          %gather3A_466 = tpu.vector_load_idx %arg14[%add3A_465] : memref<16384xf32, #tpu.memory_space<vmem>>[vector<16xi32>], vector<16xf32>,
          %add3A_467 = arith.addf %gather3A_464, %gather3A_466 : vector<16xf32>
          %mul3A_468 = arith.constant 128 : i32
          %mul3A_469 = arith.muli %add3A_420, %mul3A_468 : i32
          %add3A_470 = arith.constant 8192 : i32
          %add3A_471 = arith.addi %add3A_470, %mul3A_469 : i32
          %add3A_472 = arith.constant 48 : i32
          %add3A_473 = arith.addi %add3A_471, %add3A_472 : i32
          %swap3A_474 = arith.index_cast %add3A_473 : i32 to index
          %swap3A_475 = tpu.vector_load %arg17[%swap3A_474] {strides = array<i32>} : memref<16384xf32, #tpu.memory_space<vmem>>, vector<16xf32>,
          tpu.vector_store %arg17[%swap3A_474], %add3A_467 {strides = array<i32>} : memref<16384xf32, #tpu.memory_space<vmem>>, vector<16xf32>,
          %add3A_476 = arith.addi %broadcast_in_dim3A_423, %and3A_124 : vector<16xi32>
          %gather3A_477 = tpu.vector_load_idx %arg13[%add3A_476] : memref<16384xf32, #tpu.memory_space<vmem>>[vector<16xi32>], vector<16xf32>,
          %add3A_478 = arith.addi %broadcast_in_dim3A_423, %add3A_167 : vector<16xi32>
          %gather3A_479 = tpu.vector_load_idx %arg14[%add3A_478] : memref<16384xf32, #tpu.memory_space<vmem>>[vector<16xi32>], vector<16xf32>,
          %add3A_480 = arith.addf %gather3A_477, %gather3A_479 : vector<16xf32>
          %mul3A_481 = arith.constant 128 : i32
          %mul3A_482 = arith.muli %add3A_420, %mul3A_481 : i32
          %add3A_483 = arith.constant 8192 : i32
          %add3A_484 = arith.addi %add3A_483, %mul3A_482 : i32
          %add3A_485 = arith.constant 64 : i32
          %add3A_486 = arith.addi %add3A_484, %add3A_485 : i32
          %swap3A_487 = arith.index_cast %add3A_486 : i32 to index
          %swap3A_488 = tpu.vector_load %arg17[%swap3A_487] {strides = array<i32>} : memref<16384xf32, #tpu.memory_space<vmem>>, vector<16xf32>,
          tpu.vector_store %arg17[%swap3A_487], %add3A_480 {strides = array<i32>} : memref<16384xf32, #tpu.memory_space<vmem>>, vector<16xf32>,
          %add3A_489 = arith.addi %broadcast_in_dim3A_423, %and3A_127 : vector<16xi32>
          %gather3A_490 = tpu.vector_load_idx %arg13[%add3A_489] : memref<16384xf32, #tpu.memory_space<vmem>>[vector<16xi32>], vector<16xf32>,
          %add3A_491 = arith.addi %broadcast_in_dim3A_423, %add3A_174 : vector<16xi32>
          %gather3A_492 = tpu.vector_load_idx %arg14[%add3A_491] : memref<16384xf32, #tpu.memory_space<vmem>>[vector<16xi32>], vector<16xf32>,
          %add3A_493 = arith.addf %gather3A_490, %gather3A_492 : vector<16xf32>
          %mul3A_494 = arith.constant 128 : i32
          %mul3A_495 = arith.muli %add3A_420, %mul3A_494 : i32
          %add3A_496 = arith.constant 8192 : i32
          %add3A_497 = arith.addi %add3A_496, %mul3A_495 : i32
          %add3A_498 = arith.constant 80 : i32
          %add3A_499 = arith.addi %add3A_497, %add3A_498 : i32
          %swap3A_500 = arith.index_cast %add3A_499 : i32 to index
          %swap3A_501 = tpu.vector_load %arg17[%swap3A_500] {strides = array<i32>} : memref<16384xf32, #tpu.memory_space<vmem>>, vector<16xf32>,
          tpu.vector_store %arg17[%swap3A_500], %add3A_493 {strides = array<i32>} : memref<16384xf32, #tpu.memory_space<vmem>>, vector<16xf32>,
          %add3A_502 = arith.addi %broadcast_in_dim3A_423, %and3A_130 : vector<16xi32>
          %gather3A_503 = tpu.vector_load_idx %arg13[%add3A_502] : memref<16384xf32, #tpu.memory_space<vmem>>[vector<16xi32>], vector<16xf32>,
          %add3A_504 = arith.addi %broadcast_in_dim3A_423, %add3A_181 : vector<16xi32>
          %gather3A_505 = tpu.vector_load_idx %arg14[%add3A_504] : memref<16384xf32, #tpu.memory_space<vmem>>[vector<16xi32>], vector<16xf32>,
          %add3A_506 = arith.addf %gather3A_503, %gather3A_505 : vector<16xf32>
          %mul3A_507 = arith.constant 128 : i32
          %mul3A_508 = arith.muli %add3A_420, %mul3A_507 : i32
          %add3A_509 = arith.constant 8192 : i32
          %add3A_510 = arith.addi %add3A_509, %mul3A_508 : i32
          %add3A_511 = arith.constant 96 : i32
          %add3A_512 = arith.addi %add3A_510, %add3A_511 : i32
          %swap3A_513 = arith.index_cast %add3A_512 : i32 to index
          %swap3A_514 = tpu.vector_load %arg17[%swap3A_513] {strides = array<i32>} : memref<16384xf32, #tpu.memory_space<vmem>>, vector<16xf32>,
          tpu.vector_store %arg17[%swap3A_513], %add3A_506 {strides = array<i32>} : memref<16384xf32, #tpu.memory_space<vmem>>, vector<16xf32>,
          %add3A_515 = arith.addi %broadcast_in_dim3A_423, %and3A_133 : vector<16xi32>
          %gather3A_516 = tpu.vector_load_idx %arg13[%add3A_515] : memref<16384xf32, #tpu.memory_space<vmem>>[vector<16xi32>], vector<16xf32>,
          %add3A_517 = arith.addi %broadcast_in_dim3A_423, %add3A_188 : vector<16xi32>
          %gather3A_518 = tpu.vector_load_idx %arg14[%add3A_517] : memref<16384xf32, #tpu.memory_space<vmem>>[vector<16xi32>], vector<16xf32>,
          %add3A_519 = arith.addf %gather3A_516, %gather3A_518 : vector<16xf32>
          %mul3A_520 = arith.constant 128 : i32
          %mul3A_521 = arith.muli %add3A_420, %mul3A_520 : i32
          %add3A_522 = arith.constant 8192 : i32
          %add3A_523 = arith.addi %add3A_522, %mul3A_521 : i32
          %add3A_524 = arith.constant 112 : i32
          %add3A_525 = arith.addi %add3A_523, %add3A_524 : i32
          %swap3A_526 = arith.index_cast %add3A_525 : i32 to index
          %swap3A_527 = tpu.vector_load %arg17[%swap3A_526] {strides = array<i32>} : memref<16384xf32, #tpu.memory_space<vmem>>, vector<16xf32>,
          tpu.vector_store %arg17[%swap3A_526], %add3A_519 {strides = array<i32>} : memref<16384xf32, #tpu.memory_space<vmem>>, vector<16xf32>,
          %mul3A_528 = arith.constant 8 : i32
          %mul3A_529 = arith.muli %scan3A_195, %mul3A_528 : i32
          %add3A_530 = arith.constant 3 : i32
          %add3A_531 = arith.addi %mul3A_529, %add3A_530 : i32
          %mul3A_532 = arith.constant 256 : i32
          %mul3A_533 = arith.muli %add3A_531, %mul3A_532 : i32
          %broadcast_in_dim3A_534 = vector.broadcast %mul3A_533 : i32 to vector<16xi32>
          %add3A_535 = arith.addi %broadcast_in_dim3A_534, %and3A_112 : vector<16xi32>
          %gather3A_536 = tpu.vector_load_idx %arg13[%add3A_535] : memref<16384xf32, #tpu.memory_space<vmem>>[vector<16xi32>], vector<16xf32>,
          %add3A_537 = arith.addi %broadcast_in_dim3A_534, %add3A_139 : vector<16xi32>
          %gather3A_538 = tpu.vector_load_idx %arg14[%add3A_537] : memref<16384xf32, #tpu.memory_space<vmem>>[vector<16xi32>], vector<16xf32>,
          %add3A_539 = arith.addf %gather3A_536, %gather3A_538 : vector<16xf32>
          %mul3A_540 = arith.constant 128 : i32
          %mul3A_541 = arith.muli %add3A_531, %mul3A_540 : i32
          %add3A_542 = arith.constant 8192 : i32
          %add3A_543 = arith.addi %add3A_542, %mul3A_541 : i32
          %add3A_544 = arith.constant 0 : i32
          %add3A_545 = arith.addi %add3A_543, %add3A_544 : i32
          %swap3A_546 = arith.index_cast %add3A_545 : i32 to index
          %swap3A_547 = tpu.vector_load %arg17[%swap3A_546] {strides = array<i32>} : memref<16384xf32, #tpu.memory_space<vmem>>, vector<16xf32>,
          tpu.vector_store %arg17[%swap3A_546], %add3A_539 {strides = array<i32>} : memref<16384xf32, #tpu.memory_space<vmem>>, vector<16xf32>,
          %add3A_548 = arith.addi %broadcast_in_dim3A_534, %and3A_115 : vector<16xi32>
          %gather3A_549 = tpu.vector_load_idx %arg13[%add3A_548] : memref<16384xf32, #tpu.memory_space<vmem>>[vector<16xi32>], vector<16xf32>,
          %add3A_550 = arith.addi %broadcast_in_dim3A_534, %add3A_146 : vector<16xi32>
          %gather3A_551 = tpu.vector_load_idx %arg14[%add3A_550] : memref<16384xf32, #tpu.memory_space<vmem>>[vector<16xi32>], vector<16xf32>,
          %add3A_552 = arith.addf %gather3A_549, %gather3A_551 : vector<16xf32>
          %mul3A_553 = arith.constant 128 : i32
          %mul3A_554 = arith.muli %add3A_531, %mul3A_553 : i32
          %add3A_555 = arith.constant 8192 : i32
          %add3A_556 = arith.addi %add3A_555, %mul3A_554 : i32
          %add3A_557 = arith.constant 16 : i32
          %add3A_558 = arith.addi %add3A_556, %add3A_557 : i32
          %swap3A_559 = arith.index_cast %add3A_558 : i32 to index
          %swap3A_560 = tpu.vector_load %arg17[%swap3A_559] {strides = array<i32>} : memref<16384xf32, #tpu.memory_space<vmem>>, vector<16xf32>,
          tpu.vector_store %arg17[%swap3A_559], %add3A_552 {strides = array<i32>} : memref<16384xf32, #tpu.memory_space<vmem>>, vector<16xf32>,
          %add3A_561 = arith.addi %broadcast_in_dim3A_534, %and3A_118 : vector<16xi32>
          %gather3A_562 = tpu.vector_load_idx %arg13[%add3A_561] : memref<16384xf32, #tpu.memory_space<vmem>>[vector<16xi32>], vector<16xf32>,
          %add3A_563 = arith.addi %broadcast_in_dim3A_534, %add3A_153 : vector<16xi32>
          %gather3A_564 = tpu.vector_load_idx %arg14[%add3A_563] : memref<16384xf32, #tpu.memory_space<vmem>>[vector<16xi32>], vector<16xf32>,
          %add3A_565 = arith.addf %gather3A_562, %gather3A_564 : vector<16xf32>
          %mul3A_566 = arith.constant 128 : i32
          %mul3A_567 = arith.muli %add3A_531, %mul3A_566 : i32
          %add3A_568 = arith.constant 8192 : i32
          %add3A_569 = arith.addi %add3A_568, %mul3A_567 : i32
          %add3A_570 = arith.constant 32 : i32
          %add3A_571 = arith.addi %add3A_569, %add3A_570 : i32
          %swap3A_572 = arith.index_cast %add3A_571 : i32 to index
          %swap3A_573 = tpu.vector_load %arg17[%swap3A_572] {strides = array<i32>} : memref<16384xf32, #tpu.memory_space<vmem>>, vector<16xf32>,
          tpu.vector_store %arg17[%swap3A_572], %add3A_565 {strides = array<i32>} : memref<16384xf32, #tpu.memory_space<vmem>>, vector<16xf32>,
          %add3A_574 = arith.addi %broadcast_in_dim3A_534, %and3A_121 : vector<16xi32>
          %gather3A_575 = tpu.vector_load_idx %arg13[%add3A_574] : memref<16384xf32, #tpu.memory_space<vmem>>[vector<16xi32>], vector<16xf32>,
          %add3A_576 = arith.addi %broadcast_in_dim3A_534, %add3A_160 : vector<16xi32>
          %gather3A_577 = tpu.vector_load_idx %arg14[%add3A_576] : memref<16384xf32, #tpu.memory_space<vmem>>[vector<16xi32>], vector<16xf32>,
          %add3A_578 = arith.addf %gather3A_575, %gather3A_577 : vector<16xf32>
          %mul3A_579 = arith.constant 128 : i32
          %mul3A_580 = arith.muli %add3A_531, %mul3A_579 : i32
          %add3A_581 = arith.constant 8192 : i32
          %add3A_582 = arith.addi %add3A_581, %mul3A_580 : i32
          %add3A_583 = arith.constant 48 : i32
          %add3A_584 = arith.addi %add3A_582, %add3A_583 : i32
          %swap3A_585 = arith.index_cast %add3A_584 : i32 to index
          %swap3A_586 = tpu.vector_load %arg17[%swap3A_585] {strides = array<i32>} : memref<16384xf32, #tpu.memory_space<vmem>>, vector<16xf32>,
          tpu.vector_store %arg17[%swap3A_585], %add3A_578 {strides = array<i32>} : memref<16384xf32, #tpu.memory_space<vmem>>, vector<16xf32>,
          %add3A_587 = arith.addi %broadcast_in_dim3A_534, %and3A_124 : vector<16xi32>
          %gather3A_588 = tpu.vector_load_idx %arg13[%add3A_587] : memref<16384xf32, #tpu.memory_space<vmem>>[vector<16xi32>], vector<16xf32>,
          %add3A_589 = arith.addi %broadcast_in_dim3A_534, %add3A_167 : vector<16xi32>
          %gather3A_590 = tpu.vector_load_idx %arg14[%add3A_589] : memref<16384xf32, #tpu.memory_space<vmem>>[vector<16xi32>], vector<16xf32>,
          %add3A_591 = arith.addf %gather3A_588, %gather3A_590 : vector<16xf32>
          %mul3A_592 = arith.constant 128 : i32
          %mul3A_593 = arith.muli %add3A_531, %mul3A_592 : i32
          %add3A_594 = arith.constant 8192 : i32
          %add3A_595 = arith.addi %add3A_594, %mul3A_593 : i32
          %add3A_596 = arith.constant 64 : i32
          %add3A_597 = arith.addi %add3A_595, %add3A_596 : i32
          %swap3A_598 = arith.index_cast %add3A_597 : i32 to index
          %swap3A_599 = tpu.vector_load %arg17[%swap3A_598] {strides = array<i32>} : memref<16384xf32, #tpu.memory_space<vmem>>, vector<16xf32>,
          tpu.vector_store %arg17[%swap3A_598], %add3A_591 {strides = array<i32>} : memref<16384xf32, #tpu.memory_space<vmem>>, vector<16xf32>,
          %add3A_600 = arith.addi %broadcast_in_dim3A_534, %and3A_127 : vector<16xi32>
          %gather3A_601 = tpu.vector_load_idx %arg13[%add3A_600] : memref<16384xf32, #tpu.memory_space<vmem>>[vector<16xi32>], vector<16xf32>,
          %add3A_602 = arith.addi %broadcast_in_dim3A_534, %add3A_174 : vector<16xi32>
          %gather3A_603 = tpu.vector_load_idx %arg14[%add3A_602] : memref<16384xf32, #tpu.memory_space<vmem>>[vector<16xi32>], vector<16xf32>,
          %add3A_604 = arith.addf %gather3A_601, %gather3A_603 : vector<16xf32>
          %mul3A_605 = arith.constant 128 : i32
          %mul3A_606 = arith.muli %add3A_531, %mul3A_605 : i32
          %add3A_607 = arith.constant 8192 : i32
          %add3A_608 = arith.addi %add3A_607, %mul3A_606 : i32
          %add3A_609 = arith.constant 80 : i32
          %add3A_610 = arith.addi %add3A_608, %add3A_609 : i32
          %swap3A_611 = arith.index_cast %add3A_610 : i32 to index
          %swap3A_612 = tpu.vector_load %arg17[%swap3A_611] {strides = array<i32>} : memref<16384xf32, #tpu.memory_space<vmem>>, vector<16xf32>,
          tpu.vector_store %arg17[%swap3A_611], %add3A_604 {strides = array<i32>} : memref<16384xf32, #tpu.memory_space<vmem>>, vector<16xf32>,
          %add3A_613 = arith.addi %broadcast_in_dim3A_534, %and3A_130 : vector<16xi32>
          %gather3A_614 = tpu.vector_load_idx %arg13[%add3A_613] : memref<16384xf32, #tpu.memory_space<vmem>>[vector<16xi32>], vector<16xf32>,
          %add3A_615 = arith.addi %broadcast_in_dim3A_534, %add3A_181 : vector<16xi32>
          %gather3A_616 = tpu.vector_load_idx %arg14[%add3A_615] : memref<16384xf32, #tpu.memory_space<vmem>>[vector<16xi32>], vector<16xf32>,
          %add3A_617 = arith.addf %gather3A_614, %gather3A_616 : vector<16xf32>
          %mul3A_618 = arith.constant 128 : i32
          %mul3A_619 = arith.muli %add3A_531, %mul3A_618 : i32
          %add3A_620 = arith.constant 8192 : i32
          %add3A_621 = arith.addi %add3A_620, %mul3A_619 : i32
          %add3A_622 = arith.constant 96 : i32
          %add3A_623 = arith.addi %add3A_621, %add3A_622 : i32
          %swap3A_624 = arith.index_cast %add3A_623 : i32 to index
          %swap3A_625 = tpu.vector_load %arg17[%swap3A_624] {strides = array<i32>} : memref<16384xf32, #tpu.memory_space<vmem>>, vector<16xf32>,
          tpu.vector_store %arg17[%swap3A_624], %add3A_617 {strides = array<i32>} : memref<16384xf32, #tpu.memory_space<vmem>>, vector<16xf32>,
          %add3A_626 = arith.addi %broadcast_in_dim3A_534, %and3A_133 : vector<16xi32>
          %gather3A_627 = tpu.vector_load_idx %arg13[%add3A_626] : memref<16384xf32, #tpu.memory_space<vmem>>[vector<16xi32>], vector<16xf32>,
          %add3A_628 = arith.addi %broadcast_in_dim3A_534, %add3A_188 : vector<16xi32>
          %gather3A_629 = tpu.vector_load_idx %arg14[%add3A_628] : memref<16384xf32, #tpu.memory_space<vmem>>[vector<16xi32>], vector<16xf32>,
          %add3A_630 = arith.addf %gather3A_627, %gather3A_629 : vector<16xf32>
          %mul3A_631 = arith.constant 128 : i32
          %mul3A_632 = arith.muli %add3A_531, %mul3A_631 : i32
          %add3A_633 = arith.constant 8192 : i32
          %add3A_634 = arith.addi %add3A_633, %mul3A_632 : i32
          %add3A_635 = arith.constant 112 : i32
          %add3A_636 = arith.addi %add3A_634, %add3A_635 : i32
          %swap3A_637 = arith.index_cast %add3A_636 : i32 to index
          %swap3A_638 = tpu.vector_load %arg17[%swap3A_637] {strides = array<i32>} : memref<16384xf32, #tpu.memory_space<vmem>>, vector<16xf32>,
          tpu.vector_store %arg17[%swap3A_637], %add3A_630 {strides = array<i32>} : memref<16384xf32, #tpu.memory_space<vmem>>, vector<16xf32>,
          %mul3A_639 = arith.constant 8 : i32
          %mul3A_640 = arith.muli %scan3A_195, %mul3A_639 : i32
          %add3A_641 = arith.constant 4 : i32
          %add3A_642 = arith.addi %mul3A_640, %add3A_641 : i32
          %mul3A_643 = arith.constant 256 : i32
          %mul3A_644 = arith.muli %add3A_642, %mul3A_643 : i32
          %broadcast_in_dim3A_645 = vector.broadcast %mul3A_644 : i32 to vector<16xi32>
          %add3A_646 = arith.addi %broadcast_in_dim3A_645, %and3A_112 : vector<16xi32>
          %gather3A_647 = tpu.vector_load_idx %arg13[%add3A_646] : memref<16384xf32, #tpu.memory_space<vmem>>[vector<16xi32>], vector<16xf32>,
          %add3A_648 = arith.addi %broadcast_in_dim3A_645, %add3A_139 : vector<16xi32>
          %gather3A_649 = tpu.vector_load_idx %arg14[%add3A_648] : memref<16384xf32, #tpu.memory_space<vmem>>[vector<16xi32>], vector<16xf32>,
          %add3A_650 = arith.addf %gather3A_647, %gather3A_649 : vector<16xf32>
          %mul3A_651 = arith.constant 128 : i32
          %mul3A_652 = arith.muli %add3A_642, %mul3A_651 : i32
          %add3A_653 = arith.constant 8192 : i32
          %add3A_654 = arith.addi %add3A_653, %mul3A_652 : i32
          %add3A_655 = arith.constant 0 : i32
          %add3A_656 = arith.addi %add3A_654, %add3A_655 : i32
          %swap3A_657 = arith.index_cast %add3A_656 : i32 to index
          %swap3A_658 = tpu.vector_load %arg17[%swap3A_657] {strides = array<i32>} : memref<16384xf32, #tpu.memory_space<vmem>>, vector<16xf32>,
          tpu.vector_store %arg17[%swap3A_657], %add3A_650 {strides = array<i32>} : memref<16384xf32, #tpu.memory_space<vmem>>, vector<16xf32>,
          %add3A_659 = arith.addi %broadcast_in_dim3A_645, %and3A_115 : vector<16xi32>
          %gather3A_660 = tpu.vector_load_idx %arg13[%add3A_659] : memref<16384xf32, #tpu.memory_space<vmem>>[vector<16xi32>], vector<16xf32>,
          %add3A_661 = arith.addi %broadcast_in_dim3A_645, %add3A_146 : vector<16xi32>
          %gather3A_662 = tpu.vector_load_idx %arg14[%add3A_661] : memref<16384xf32, #tpu.memory_space<vmem>>[vector<16xi32>], vector<16xf32>,
          %add3A_663 = arith.addf %gather3A_660, %gather3A_662 : vector<16xf32>
          %mul3A_664 = arith.constant 128 : i32
          %mul3A_665 = arith.muli %add3A_642, %mul3A_664 : i32
          %add3A_666 = arith.constant 8192 : i32
          %add3A_667 = arith.addi %add3A_666, %mul3A_665 : i32
          %add3A_668 = arith.constant 16 : i32
          %add3A_669 = arith.addi %add3A_667, %add3A_668 : i32
          %swap3A_670 = arith.index_cast %add3A_669 : i32 to index
          %swap3A_671 = tpu.vector_load %arg17[%swap3A_670] {strides = array<i32>} : memref<16384xf32, #tpu.memory_space<vmem>>, vector<16xf32>,
          tpu.vector_store %arg17[%swap3A_670], %add3A_663 {strides = array<i32>} : memref<16384xf32, #tpu.memory_space<vmem>>, vector<16xf32>,
          %add3A_672 = arith.addi %broadcast_in_dim3A_645, %and3A_118 : vector<16xi32>
          %gather3A_673 = tpu.vector_load_idx %arg13[%add3A_672] : memref<16384xf32, #tpu.memory_space<vmem>>[vector<16xi32>], vector<16xf32>,
          %add3A_674 = arith.addi %broadcast_in_dim3A_645, %add3A_153 : vector<16xi32>
          %gather3A_675 = tpu.vector_load_idx %arg14[%add3A_674] : memref<16384xf32, #tpu.memory_space<vmem>>[vector<16xi32>], vector<16xf32>,
          %add3A_676 = arith.addf %gather3A_673, %gather3A_675 : vector<16xf32>
          %mul3A_677 = arith.constant 128 : i32
          %mul3A_678 = arith.muli %add3A_642, %mul3A_677 : i32
          %add3A_679 = arith.constant 8192 : i32
          %add3A_680 = arith.addi %add3A_679, %mul3A_678 : i32
          %add3A_681 = arith.constant 32 : i32
          %add3A_682 = arith.addi %add3A_680, %add3A_681 : i32
          %swap3A_683 = arith.index_cast %add3A_682 : i32 to index
          %swap3A_684 = tpu.vector_load %arg17[%swap3A_683] {strides = array<i32>} : memref<16384xf32, #tpu.memory_space<vmem>>, vector<16xf32>,
          tpu.vector_store %arg17[%swap3A_683], %add3A_676 {strides = array<i32>} : memref<16384xf32, #tpu.memory_space<vmem>>, vector<16xf32>,
          %add3A_685 = arith.addi %broadcast_in_dim3A_645, %and3A_121 : vector<16xi32>
          %gather3A_686 = tpu.vector_load_idx %arg13[%add3A_685] : memref<16384xf32, #tpu.memory_space<vmem>>[vector<16xi32>], vector<16xf32>,
          %add3A_687 = arith.addi %broadcast_in_dim3A_645, %add3A_160 : vector<16xi32>
          %gather3A_688 = tpu.vector_load_idx %arg14[%add3A_687] : memref<16384xf32, #tpu.memory_space<vmem>>[vector<16xi32>], vector<16xf32>,
          %add3A_689 = arith.addf %gather3A_686, %gather3A_688 : vector<16xf32>
          %mul3A_690 = arith.constant 128 : i32
          %mul3A_691 = arith.muli %add3A_642, %mul3A_690 : i32
          %add3A_692 = arith.constant 8192 : i32
          %add3A_693 = arith.addi %add3A_692, %mul3A_691 : i32
          %add3A_694 = arith.constant 48 : i32
          %add3A_695 = arith.addi %add3A_693, %add3A_694 : i32
          %swap3A_696 = arith.index_cast %add3A_695 : i32 to index
          %swap3A_697 = tpu.vector_load %arg17[%swap3A_696] {strides = array<i32>} : memref<16384xf32, #tpu.memory_space<vmem>>, vector<16xf32>,
          tpu.vector_store %arg17[%swap3A_696], %add3A_689 {strides = array<i32>} : memref<16384xf32, #tpu.memory_space<vmem>>, vector<16xf32>,
          %add3A_698 = arith.addi %broadcast_in_dim3A_645, %and3A_124 : vector<16xi32>
          %gather3A_699 = tpu.vector_load_idx %arg13[%add3A_698] : memref<16384xf32, #tpu.memory_space<vmem>>[vector<16xi32>], vector<16xf32>,
          %add3A_700 = arith.addi %broadcast_in_dim3A_645, %add3A_167 : vector<16xi32>
          %gather3A_701 = tpu.vector_load_idx %arg14[%add3A_700] : memref<16384xf32, #tpu.memory_space<vmem>>[vector<16xi32>], vector<16xf32>,
          %add3A_702 = arith.addf %gather3A_699, %gather3A_701 : vector<16xf32>
          %mul3A_703 = arith.constant 128 : i32
          %mul3A_704 = arith.muli %add3A_642, %mul3A_703 : i32
          %add3A_705 = arith.constant 8192 : i32
          %add3A_706 = arith.addi %add3A_705, %mul3A_704 : i32
          %add3A_707 = arith.constant 64 : i32
          %add3A_708 = arith.addi %add3A_706, %add3A_707 : i32
          %swap3A_709 = arith.index_cast %add3A_708 : i32 to index
          %swap3A_710 = tpu.vector_load %arg17[%swap3A_709] {strides = array<i32>} : memref<16384xf32, #tpu.memory_space<vmem>>, vector<16xf32>,
          tpu.vector_store %arg17[%swap3A_709], %add3A_702 {strides = array<i32>} : memref<16384xf32, #tpu.memory_space<vmem>>, vector<16xf32>,
          %add3A_711 = arith.addi %broadcast_in_dim3A_645, %and3A_127 : vector<16xi32>
          %gather3A_712 = tpu.vector_load_idx %arg13[%add3A_711] : memref<16384xf32, #tpu.memory_space<vmem>>[vector<16xi32>], vector<16xf32>,
          %add3A_713 = arith.addi %broadcast_in_dim3A_645, %add3A_174 : vector<16xi32>
          %gather3A_714 = tpu.vector_load_idx %arg14[%add3A_713] : memref<16384xf32, #tpu.memory_space<vmem>>[vector<16xi32>], vector<16xf32>,
          %add3A_715 = arith.addf %gather3A_712, %gather3A_714 : vector<16xf32>
          %mul3A_716 = arith.constant 128 : i32
          %mul3A_717 = arith.muli %add3A_642, %mul3A_716 : i32
          %add3A_718 = arith.constant 8192 : i32
          %add3A_719 = arith.addi %add3A_718, %mul3A_717 : i32
          %add3A_720 = arith.constant 80 : i32
          %add3A_721 = arith.addi %add3A_719, %add3A_720 : i32
          %swap3A_722 = arith.index_cast %add3A_721 : i32 to index
          %swap3A_723 = tpu.vector_load %arg17[%swap3A_722] {strides = array<i32>} : memref<16384xf32, #tpu.memory_space<vmem>>, vector<16xf32>,
          tpu.vector_store %arg17[%swap3A_722], %add3A_715 {strides = array<i32>} : memref<16384xf32, #tpu.memory_space<vmem>>, vector<16xf32>,
          %add3A_724 = arith.addi %broadcast_in_dim3A_645, %and3A_130 : vector<16xi32>
          %gather3A_725 = tpu.vector_load_idx %arg13[%add3A_724] : memref<16384xf32, #tpu.memory_space<vmem>>[vector<16xi32>], vector<16xf32>,
          %add3A_726 = arith.addi %broadcast_in_dim3A_645, %add3A_181 : vector<16xi32>
          %gather3A_727 = tpu.vector_load_idx %arg14[%add3A_726] : memref<16384xf32, #tpu.memory_space<vmem>>[vector<16xi32>], vector<16xf32>,
          %add3A_728 = arith.addf %gather3A_725, %gather3A_727 : vector<16xf32>
          %mul3A_729 = arith.constant 128 : i32
          %mul3A_730 = arith.muli %add3A_642, %mul3A_729 : i32
          %add3A_731 = arith.constant 8192 : i32
          %add3A_732 = arith.addi %add3A_731, %mul3A_730 : i32
          %add3A_733 = arith.constant 96 : i32
          %add3A_734 = arith.addi %add3A_732, %add3A_733 : i32
          %swap3A_735 = arith.index_cast %add3A_734 : i32 to index
          %swap3A_736 = tpu.vector_load %arg17[%swap3A_735] {strides = array<i32>} : memref<16384xf32, #tpu.memory_space<vmem>>, vector<16xf32>,
          tpu.vector_store %arg17[%swap3A_735], %add3A_728 {strides = array<i32>} : memref<16384xf32, #tpu.memory_space<vmem>>, vector<16xf32>,
          %add3A_737 = arith.addi %broadcast_in_dim3A_645, %and3A_133 : vector<16xi32>
          %gather3A_738 = tpu.vector_load_idx %arg13[%add3A_737] : memref<16384xf32, #tpu.memory_space<vmem>>[vector<16xi32>], vector<16xf32>,
          %add3A_739 = arith.addi %broadcast_in_dim3A_645, %add3A_188 : vector<16xi32>
          %gather3A_740 = tpu.vector_load_idx %arg14[%add3A_739] : memref<16384xf32, #tpu.memory_space<vmem>>[vector<16xi32>], vector<16xf32>,
          %add3A_741 = arith.addf %gather3A_738, %gather3A_740 : vector<16xf32>
          %mul3A_742 = arith.constant 128 : i32
          %mul3A_743 = arith.muli %add3A_642, %mul3A_742 : i32
          %add3A_744 = arith.constant 8192 : i32
          %add3A_745 = arith.addi %add3A_744, %mul3A_743 : i32
          %add3A_746 = arith.constant 112 : i32
          %add3A_747 = arith.addi %add3A_745, %add3A_746 : i32
          %swap3A_748 = arith.index_cast %add3A_747 : i32 to index
          %swap3A_749 = tpu.vector_load %arg17[%swap3A_748] {strides = array<i32>} : memref<16384xf32, #tpu.memory_space<vmem>>, vector<16xf32>,
          tpu.vector_store %arg17[%swap3A_748], %add3A_741 {strides = array<i32>} : memref<16384xf32, #tpu.memory_space<vmem>>, vector<16xf32>,
          %mul3A_750 = arith.constant 8 : i32
          %mul3A_751 = arith.muli %scan3A_195, %mul3A_750 : i32
          %add3A_752 = arith.constant 5 : i32
          %add3A_753 = arith.addi %mul3A_751, %add3A_752 : i32
          %mul3A_754 = arith.constant 256 : i32
          %mul3A_755 = arith.muli %add3A_753, %mul3A_754 : i32
          %broadcast_in_dim3A_756 = vector.broadcast %mul3A_755 : i32 to vector<16xi32>
          %add3A_757 = arith.addi %broadcast_in_dim3A_756, %and3A_112 : vector<16xi32>
          %gather3A_758 = tpu.vector_load_idx %arg13[%add3A_757] : memref<16384xf32, #tpu.memory_space<vmem>>[vector<16xi32>], vector<16xf32>,
          %add3A_759 = arith.addi %broadcast_in_dim3A_756, %add3A_139 : vector<16xi32>
          %gather3A_760 = tpu.vector_load_idx %arg14[%add3A_759] : memref<16384xf32, #tpu.memory_space<vmem>>[vector<16xi32>], vector<16xf32>,
          %add3A_761 = arith.addf %gather3A_758, %gather3A_760 : vector<16xf32>
          %mul3A_762 = arith.constant 128 : i32
          %mul3A_763 = arith.muli %add3A_753, %mul3A_762 : i32
          %add3A_764 = arith.constant 8192 : i32
          %add3A_765 = arith.addi %add3A_764, %mul3A_763 : i32
          %add3A_766 = arith.constant 0 : i32
          %add3A_767 = arith.addi %add3A_765, %add3A_766 : i32
          %swap3A_768 = arith.index_cast %add3A_767 : i32 to index
          %swap3A_769 = tpu.vector_load %arg17[%swap3A_768] {strides = array<i32>} : memref<16384xf32, #tpu.memory_space<vmem>>, vector<16xf32>,
          tpu.vector_store %arg17[%swap3A_768], %add3A_761 {strides = array<i32>} : memref<16384xf32, #tpu.memory_space<vmem>>, vector<16xf32>,
          %add3A_770 = arith.addi %broadcast_in_dim3A_756, %and3A_115 : vector<16xi32>
          %gather3A_771 = tpu.vector_load_idx %arg13[%add3A_770] : memref<16384xf32, #tpu.memory_space<vmem>>[vector<16xi32>], vector<16xf32>,
          %add3A_772 = arith.addi %broadcast_in_dim3A_756, %add3A_146 : vector<16xi32>
          %gather3A_773 = tpu.vector_load_idx %arg14[%add3A_772] : memref<16384xf32, #tpu.memory_space<vmem>>[vector<16xi32>], vector<16xf32>,
          %add3A_774 = arith.addf %gather3A_771, %gather3A_773 : vector<16xf32>
          %mul3A_775 = arith.constant 128 : i32
          %mul3A_776 = arith.muli %add3A_753, %mul3A_775 : i32
          %add3A_777 = arith.constant 8192 : i32
          %add3A_778 = arith.addi %add3A_777, %mul3A_776 : i32
          %add3A_779 = arith.constant 16 : i32
          %add3A_780 = arith.addi %add3A_778, %add3A_779 : i32
          %swap3A_781 = arith.index_cast %add3A_780 : i32 to index
          %swap3A_782 = tpu.vector_load %arg17[%swap3A_781] {strides = array<i32>} : memref<16384xf32, #tpu.memory_space<vmem>>, vector<16xf32>,
          tpu.vector_store %arg17[%swap3A_781], %add3A_774 {strides = array<i32>} : memref<16384xf32, #tpu.memory_space<vmem>>, vector<16xf32>,
          %add3A_783 = arith.addi %broadcast_in_dim3A_756, %and3A_118 : vector<16xi32>
          %gather3A_784 = tpu.vector_load_idx %arg13[%add3A_783] : memref<16384xf32, #tpu.memory_space<vmem>>[vector<16xi32>], vector<16xf32>,
          %add3A_785 = arith.addi %broadcast_in_dim3A_756, %add3A_153 : vector<16xi32>
          %gather3A_786 = tpu.vector_load_idx %arg14[%add3A_785] : memref<16384xf32, #tpu.memory_space<vmem>>[vector<16xi32>], vector<16xf32>,
          %add3A_787 = arith.addf %gather3A_784, %gather3A_786 : vector<16xf32>
          %mul3A_788 = arith.constant 128 : i32
          %mul3A_789 = arith.muli %add3A_753, %mul3A_788 : i32
          %add3A_790 = arith.constant 8192 : i32
          %add3A_791 = arith.addi %add3A_790, %mul3A_789 : i32
          %add3A_792 = arith.constant 32 : i32
          %add3A_793 = arith.addi %add3A_791, %add3A_792 : i32
          %swap3A_794 = arith.index_cast %add3A_793 : i32 to index
          %swap3A_795 = tpu.vector_load %arg17[%swap3A_794] {strides = array<i32>} : memref<16384xf32, #tpu.memory_space<vmem>>, vector<16xf32>,
          tpu.vector_store %arg17[%swap3A_794], %add3A_787 {strides = array<i32>} : memref<16384xf32, #tpu.memory_space<vmem>>, vector<16xf32>,
          %add3A_796 = arith.addi %broadcast_in_dim3A_756, %and3A_121 : vector<16xi32>
          %gather3A_797 = tpu.vector_load_idx %arg13[%add3A_796] : memref<16384xf32, #tpu.memory_space<vmem>>[vector<16xi32>], vector<16xf32>,
          %add3A_798 = arith.addi %broadcast_in_dim3A_756, %add3A_160 : vector<16xi32>
          %gather3A_799 = tpu.vector_load_idx %arg14[%add3A_798] : memref<16384xf32, #tpu.memory_space<vmem>>[vector<16xi32>], vector<16xf32>,
          %add3A_800 = arith.addf %gather3A_797, %gather3A_799 : vector<16xf32>
          %mul3A_801 = arith.constant 128 : i32
          %mul3A_802 = arith.muli %add3A_753, %mul3A_801 : i32
          %add3A_803 = arith.constant 8192 : i32
          %add3A_804 = arith.addi %add3A_803, %mul3A_802 : i32
          %add3A_805 = arith.constant 48 : i32
          %add3A_806 = arith.addi %add3A_804, %add3A_805 : i32
          %swap3A_807 = arith.index_cast %add3A_806 : i32 to index
          %swap3A_808 = tpu.vector_load %arg17[%swap3A_807] {strides = array<i32>} : memref<16384xf32, #tpu.memory_space<vmem>>, vector<16xf32>,
          tpu.vector_store %arg17[%swap3A_807], %add3A_800 {strides = array<i32>} : memref<16384xf32, #tpu.memory_space<vmem>>, vector<16xf32>,
          %add3A_809 = arith.addi %broadcast_in_dim3A_756, %and3A_124 : vector<16xi32>
          %gather3A_810 = tpu.vector_load_idx %arg13[%add3A_809] : memref<16384xf32, #tpu.memory_space<vmem>>[vector<16xi32>], vector<16xf32>,
          %add3A_811 = arith.addi %broadcast_in_dim3A_756, %add3A_167 : vector<16xi32>
          %gather3A_812 = tpu.vector_load_idx %arg14[%add3A_811] : memref<16384xf32, #tpu.memory_space<vmem>>[vector<16xi32>], vector<16xf32>,
          %add3A_813 = arith.addf %gather3A_810, %gather3A_812 : vector<16xf32>
          %mul3A_814 = arith.constant 128 : i32
          %mul3A_815 = arith.muli %add3A_753, %mul3A_814 : i32
          %add3A_816 = arith.constant 8192 : i32
          %add3A_817 = arith.addi %add3A_816, %mul3A_815 : i32
          %add3A_818 = arith.constant 64 : i32
          %add3A_819 = arith.addi %add3A_817, %add3A_818 : i32
          %swap3A_820 = arith.index_cast %add3A_819 : i32 to index
          %swap3A_821 = tpu.vector_load %arg17[%swap3A_820] {strides = array<i32>} : memref<16384xf32, #tpu.memory_space<vmem>>, vector<16xf32>,
          tpu.vector_store %arg17[%swap3A_820], %add3A_813 {strides = array<i32>} : memref<16384xf32, #tpu.memory_space<vmem>>, vector<16xf32>,
          %add3A_822 = arith.addi %broadcast_in_dim3A_756, %and3A_127 : vector<16xi32>
          %gather3A_823 = tpu.vector_load_idx %arg13[%add3A_822] : memref<16384xf32, #tpu.memory_space<vmem>>[vector<16xi32>], vector<16xf32>,
          %add3A_824 = arith.addi %broadcast_in_dim3A_756, %add3A_174 : vector<16xi32>
          %gather3A_825 = tpu.vector_load_idx %arg14[%add3A_824] : memref<16384xf32, #tpu.memory_space<vmem>>[vector<16xi32>], vector<16xf32>,
          %add3A_826 = arith.addf %gather3A_823, %gather3A_825 : vector<16xf32>
          %mul3A_827 = arith.constant 128 : i32
          %mul3A_828 = arith.muli %add3A_753, %mul3A_827 : i32
          %add3A_829 = arith.constant 8192 : i32
          %add3A_830 = arith.addi %add3A_829, %mul3A_828 : i32
          %add3A_831 = arith.constant 80 : i32
          %add3A_832 = arith.addi %add3A_830, %add3A_831 : i32
          %swap3A_833 = arith.index_cast %add3A_832 : i32 to index
          %swap3A_834 = tpu.vector_load %arg17[%swap3A_833] {strides = array<i32>} : memref<16384xf32, #tpu.memory_space<vmem>>, vector<16xf32>,
          tpu.vector_store %arg17[%swap3A_833], %add3A_826 {strides = array<i32>} : memref<16384xf32, #tpu.memory_space<vmem>>, vector<16xf32>,
          %add3A_835 = arith.addi %broadcast_in_dim3A_756, %and3A_130 : vector<16xi32>
          %gather3A_836 = tpu.vector_load_idx %arg13[%add3A_835] : memref<16384xf32, #tpu.memory_space<vmem>>[vector<16xi32>], vector<16xf32>,
          %add3A_837 = arith.addi %broadcast_in_dim3A_756, %add3A_181 : vector<16xi32>
          %gather3A_838 = tpu.vector_load_idx %arg14[%add3A_837] : memref<16384xf32, #tpu.memory_space<vmem>>[vector<16xi32>], vector<16xf32>,
          %add3A_839 = arith.addf %gather3A_836, %gather3A_838 : vector<16xf32>
          %mul3A_840 = arith.constant 128 : i32
          %mul3A_841 = arith.muli %add3A_753, %mul3A_840 : i32
          %add3A_842 = arith.constant 8192 : i32
          %add3A_843 = arith.addi %add3A_842, %mul3A_841 : i32
          %add3A_844 = arith.constant 96 : i32
          %add3A_845 = arith.addi %add3A_843, %add3A_844 : i32
          %swap3A_846 = arith.index_cast %add3A_845 : i32 to index
          %swap3A_847 = tpu.vector_load %arg17[%swap3A_846] {strides = array<i32>} : memref<16384xf32, #tpu.memory_space<vmem>>, vector<16xf32>,
          tpu.vector_store %arg17[%swap3A_846], %add3A_839 {strides = array<i32>} : memref<16384xf32, #tpu.memory_space<vmem>>, vector<16xf32>,
          %add3A_848 = arith.addi %broadcast_in_dim3A_756, %and3A_133 : vector<16xi32>
          %gather3A_849 = tpu.vector_load_idx %arg13[%add3A_848] : memref<16384xf32, #tpu.memory_space<vmem>>[vector<16xi32>], vector<16xf32>,
          %add3A_850 = arith.addi %broadcast_in_dim3A_756, %add3A_188 : vector<16xi32>
          %gather3A_851 = tpu.vector_load_idx %arg14[%add3A_850] : memref<16384xf32, #tpu.memory_space<vmem>>[vector<16xi32>], vector<16xf32>,
          %add3A_852 = arith.addf %gather3A_849, %gather3A_851 : vector<16xf32>
          %mul3A_853 = arith.constant 128 : i32
          %mul3A_854 = arith.muli %add3A_753, %mul3A_853 : i32
          %add3A_855 = arith.constant 8192 : i32
          %add3A_856 = arith.addi %add3A_855, %mul3A_854 : i32
          %add3A_857 = arith.constant 112 : i32
          %add3A_858 = arith.addi %add3A_856, %add3A_857 : i32
          %swap3A_859 = arith.index_cast %add3A_858 : i32 to index
          %swap3A_860 = tpu.vector_load %arg17[%swap3A_859] {strides = array<i32>} : memref<16384xf32, #tpu.memory_space<vmem>>, vector<16xf32>,
          tpu.vector_store %arg17[%swap3A_859], %add3A_852 {strides = array<i32>} : memref<16384xf32, #tpu.memory_space<vmem>>, vector<16xf32>,
          %mul3A_861 = arith.constant 8 : i32
          %mul3A_862 = arith.muli %scan3A_195, %mul3A_861 : i32
          %add3A_863 = arith.constant 6 : i32
          %add3A_864 = arith.addi %mul3A_862, %add3A_863 : i32
          %mul3A_865 = arith.constant 256 : i32
          %mul3A_866 = arith.muli %add3A_864, %mul3A_865 : i32
          %broadcast_in_dim3A_867 = vector.broadcast %mul3A_866 : i32 to vector<16xi32>
          %add3A_868 = arith.addi %broadcast_in_dim3A_867, %and3A_112 : vector<16xi32>
          %gather3A_869 = tpu.vector_load_idx %arg13[%add3A_868] : memref<16384xf32, #tpu.memory_space<vmem>>[vector<16xi32>], vector<16xf32>,
          %add3A_870 = arith.addi %broadcast_in_dim3A_867, %add3A_139 : vector<16xi32>
          %gather3A_871 = tpu.vector_load_idx %arg14[%add3A_870] : memref<16384xf32, #tpu.memory_space<vmem>>[vector<16xi32>], vector<16xf32>,
          %add3A_872 = arith.addf %gather3A_869, %gather3A_871 : vector<16xf32>
          %mul3A_873 = arith.constant 128 : i32
          %mul3A_874 = arith.muli %add3A_864, %mul3A_873 : i32
          %add3A_875 = arith.constant 8192 : i32
          %add3A_876 = arith.addi %add3A_875, %mul3A_874 : i32
          %add3A_877 = arith.constant 0 : i32
          %add3A_878 = arith.addi %add3A_876, %add3A_877 : i32
          %swap3A_879 = arith.index_cast %add3A_878 : i32 to index
          %swap3A_880 = tpu.vector_load %arg17[%swap3A_879] {strides = array<i32>} : memref<16384xf32, #tpu.memory_space<vmem>>, vector<16xf32>,
          tpu.vector_store %arg17[%swap3A_879], %add3A_872 {strides = array<i32>} : memref<16384xf32, #tpu.memory_space<vmem>>, vector<16xf32>,
          %add3A_881 = arith.addi %broadcast_in_dim3A_867, %and3A_115 : vector<16xi32>
          %gather3A_882 = tpu.vector_load_idx %arg13[%add3A_881] : memref<16384xf32, #tpu.memory_space<vmem>>[vector<16xi32>], vector<16xf32>,
          %add3A_883 = arith.addi %broadcast_in_dim3A_867, %add3A_146 : vector<16xi32>
          %gather3A_884 = tpu.vector_load_idx %arg14[%add3A_883] : memref<16384xf32, #tpu.memory_space<vmem>>[vector<16xi32>], vector<16xf32>,
          %add3A_885 = arith.addf %gather3A_882, %gather3A_884 : vector<16xf32>
          %mul3A_886 = arith.constant 128 : i32
          %mul3A_887 = arith.muli %add3A_864, %mul3A_886 : i32
          %add3A_888 = arith.constant 8192 : i32
          %add3A_889 = arith.addi %add3A_888, %mul3A_887 : i32
          %add3A_890 = arith.constant 16 : i32
          %add3A_891 = arith.addi %add3A_889, %add3A_890 : i32
          %swap3A_892 = arith.index_cast %add3A_891 : i32 to index
          %swap3A_893 = tpu.vector_load %arg17[%swap3A_892] {strides = array<i32>} : memref<16384xf32, #tpu.memory_space<vmem>>, vector<16xf32>,
          tpu.vector_store %arg17[%swap3A_892], %add3A_885 {strides = array<i32>} : memref<16384xf32, #tpu.memory_space<vmem>>, vector<16xf32>,
          %add3A_894 = arith.addi %broadcast_in_dim3A_867, %and3A_118 : vector<16xi32>
          %gather3A_895 = tpu.vector_load_idx %arg13[%add3A_894] : memref<16384xf32, #tpu.memory_space<vmem>>[vector<16xi32>], vector<16xf32>,
          %add3A_896 = arith.addi %broadcast_in_dim3A_867, %add3A_153 : vector<16xi32>
          %gather3A_897 = tpu.vector_load_idx %arg14[%add3A_896] : memref<16384xf32, #tpu.memory_space<vmem>>[vector<16xi32>], vector<16xf32>,
          %add3A_898 = arith.addf %gather3A_895, %gather3A_897 : vector<16xf32>
          %mul3A_899 = arith.constant 128 : i32
          %mul3A_900 = arith.muli %add3A_864, %mul3A_899 : i32
          %add3A_901 = arith.constant 8192 : i32
          %add3A_902 = arith.addi %add3A_901, %mul3A_900 : i32
          %add3A_903 = arith.constant 32 : i32
          %add3A_904 = arith.addi %add3A_902, %add3A_903 : i32
          %swap3A_905 = arith.index_cast %add3A_904 : i32 to index
          %swap3A_906 = tpu.vector_load %arg17[%swap3A_905] {strides = array<i32>} : memref<16384xf32, #tpu.memory_space<vmem>>, vector<16xf32>,
          tpu.vector_store %arg17[%swap3A_905], %add3A_898 {strides = array<i32>} : memref<16384xf32, #tpu.memory_space<vmem>>, vector<16xf32>,
          %add3A_907 = arith.addi %broadcast_in_dim3A_867, %and3A_121 : vector<16xi32>
          %gather3A_908 = tpu.vector_load_idx %arg13[%add3A_907] : memref<16384xf32, #tpu.memory_space<vmem>>[vector<16xi32>], vector<16xf32>,
          %add3A_909 = arith.addi %broadcast_in_dim3A_867, %add3A_160 : vector<16xi32>
          %gather3A_910 = tpu.vector_load_idx %arg14[%add3A_909] : memref<16384xf32, #tpu.memory_space<vmem>>[vector<16xi32>], vector<16xf32>,
          %add3A_911 = arith.addf %gather3A_908, %gather3A_910 : vector<16xf32>
          %mul3A_912 = arith.constant 128 : i32
          %mul3A_913 = arith.muli %add3A_864, %mul3A_912 : i32
          %add3A_914 = arith.constant 8192 : i32
          %add3A_915 = arith.addi %add3A_914, %mul3A_913 : i32
          %add3A_916 = arith.constant 48 : i32
          %add3A_917 = arith.addi %add3A_915, %add3A_916 : i32
          %swap3A_918 = arith.index_cast %add3A_917 : i32 to index
          %swap3A_919 = tpu.vector_load %arg17[%swap3A_918] {strides = array<i32>} : memref<16384xf32, #tpu.memory_space<vmem>>, vector<16xf32>,
          tpu.vector_store %arg17[%swap3A_918], %add3A_911 {strides = array<i32>} : memref<16384xf32, #tpu.memory_space<vmem>>, vector<16xf32>,
          %add3A_920 = arith.addi %broadcast_in_dim3A_867, %and3A_124 : vector<16xi32>
          %gather3A_921 = tpu.vector_load_idx %arg13[%add3A_920] : memref<16384xf32, #tpu.memory_space<vmem>>[vector<16xi32>], vector<16xf32>,
          %add3A_922 = arith.addi %broadcast_in_dim3A_867, %add3A_167 : vector<16xi32>
          %gather3A_923 = tpu.vector_load_idx %arg14[%add3A_922] : memref<16384xf32, #tpu.memory_space<vmem>>[vector<16xi32>], vector<16xf32>,
          %add3A_924 = arith.addf %gather3A_921, %gather3A_923 : vector<16xf32>
          %mul3A_925 = arith.constant 128 : i32
          %mul3A_926 = arith.muli %add3A_864, %mul3A_925 : i32
          %add3A_927 = arith.constant 8192 : i32
          %add3A_928 = arith.addi %add3A_927, %mul3A_926 : i32
          %add3A_929 = arith.constant 64 : i32
          %add3A_930 = arith.addi %add3A_928, %add3A_929 : i32
          %swap3A_931 = arith.index_cast %add3A_930 : i32 to index
          %swap3A_932 = tpu.vector_load %arg17[%swap3A_931] {strides = array<i32>} : memref<16384xf32, #tpu.memory_space<vmem>>, vector<16xf32>,
          tpu.vector_store %arg17[%swap3A_931], %add3A_924 {strides = array<i32>} : memref<16384xf32, #tpu.memory_space<vmem>>, vector<16xf32>,
          %add3A_933 = arith.addi %broadcast_in_dim3A_867, %and3A_127 : vector<16xi32>
          %gather3A_934 = tpu.vector_load_idx %arg13[%add3A_933] : memref<16384xf32, #tpu.memory_space<vmem>>[vector<16xi32>], vector<16xf32>,
          %add3A_935 = arith.addi %broadcast_in_dim3A_867, %add3A_174 : vector<16xi32>
          %gather3A_936 = tpu.vector_load_idx %arg14[%add3A_935] : memref<16384xf32, #tpu.memory_space<vmem>>[vector<16xi32>], vector<16xf32>,
          %add3A_937 = arith.addf %gather3A_934, %gather3A_936 : vector<16xf32>
          %mul3A_938 = arith.constant 128 : i32
          %mul3A_939 = arith.muli %add3A_864, %mul3A_938 : i32
          %add3A_940 = arith.constant 8192 : i32
          %add3A_941 = arith.addi %add3A_940, %mul3A_939 : i32
          %add3A_942 = arith.constant 80 : i32
          %add3A_943 = arith.addi %add3A_941, %add3A_942 : i32
          %swap3A_944 = arith.index_cast %add3A_943 : i32 to index
          %swap3A_945 = tpu.vector_load %arg17[%swap3A_944] {strides = array<i32>} : memref<16384xf32, #tpu.memory_space<vmem>>, vector<16xf32>,
          tpu.vector_store %arg17[%swap3A_944], %add3A_937 {strides = array<i32>} : memref<16384xf32, #tpu.memory_space<vmem>>, vector<16xf32>,
          %add3A_946 = arith.addi %broadcast_in_dim3A_867, %and3A_130 : vector<16xi32>
          %gather3A_947 = tpu.vector_load_idx %arg13[%add3A_946] : memref<16384xf32, #tpu.memory_space<vmem>>[vector<16xi32>], vector<16xf32>,
          %add3A_948 = arith.addi %broadcast_in_dim3A_867, %add3A_181 : vector<16xi32>
          %gather3A_949 = tpu.vector_load_idx %arg14[%add3A_948] : memref<16384xf32, #tpu.memory_space<vmem>>[vector<16xi32>], vector<16xf32>,
          %add3A_950 = arith.addf %gather3A_947, %gather3A_949 : vector<16xf32>
          %mul3A_951 = arith.constant 128 : i32
          %mul3A_952 = arith.muli %add3A_864, %mul3A_951 : i32
          %add3A_953 = arith.constant 8192 : i32
          %add3A_954 = arith.addi %add3A_953, %mul3A_952 : i32
          %add3A_955 = arith.constant 96 : i32
          %add3A_956 = arith.addi %add3A_954, %add3A_955 : i32
          %swap3A_957 = arith.index_cast %add3A_956 : i32 to index
          %swap3A_958 = tpu.vector_load %arg17[%swap3A_957] {strides = array<i32>} : memref<16384xf32, #tpu.memory_space<vmem>>, vector<16xf32>,
          tpu.vector_store %arg17[%swap3A_957], %add3A_950 {strides = array<i32>} : memref<16384xf32, #tpu.memory_space<vmem>>, vector<16xf32>,
          %add3A_959 = arith.addi %broadcast_in_dim3A_867, %and3A_133 : vector<16xi32>
          %gather3A_960 = tpu.vector_load_idx %arg13[%add3A_959] : memref<16384xf32, #tpu.memory_space<vmem>>[vector<16xi32>], vector<16xf32>,
          %add3A_961 = arith.addi %broadcast_in_dim3A_867, %add3A_188 : vector<16xi32>
          %gather3A_962 = tpu.vector_load_idx %arg14[%add3A_961] : memref<16384xf32, #tpu.memory_space<vmem>>[vector<16xi32>], vector<16xf32>,
          %add3A_963 = arith.addf %gather3A_960, %gather3A_962 : vector<16xf32>
          %mul3A_964 = arith.constant 128 : i32
          %mul3A_965 = arith.muli %add3A_864, %mul3A_964 : i32
          %add3A_966 = arith.constant 8192 : i32
          %add3A_967 = arith.addi %add3A_966, %mul3A_965 : i32
          %add3A_968 = arith.constant 112 : i32
          %add3A_969 = arith.addi %add3A_967, %add3A_968 : i32
          %swap3A_970 = arith.index_cast %add3A_969 : i32 to index
          %swap3A_971 = tpu.vector_load %arg17[%swap3A_970] {strides = array<i32>} : memref<16384xf32, #tpu.memory_space<vmem>>, vector<16xf32>,
          tpu.vector_store %arg17[%swap3A_970], %add3A_963 {strides = array<i32>} : memref<16384xf32, #tpu.memory_space<vmem>>, vector<16xf32>,
          %mul3A_972 = arith.constant 8 : i32
          %mul3A_973 = arith.muli %scan3A_195, %mul3A_972 : i32
          %add3A_974 = arith.constant 7 : i32
          %add3A_975 = arith.addi %mul3A_973, %add3A_974 : i32
          %mul3A_976 = arith.constant 256 : i32
          %mul3A_977 = arith.muli %add3A_975, %mul3A_976 : i32
          %broadcast_in_dim3A_978 = vector.broadcast %mul3A_977 : i32 to vector<16xi32>
          %add3A_979 = arith.addi %broadcast_in_dim3A_978, %and3A_112 : vector<16xi32>
          %gather3A_980 = tpu.vector_load_idx %arg13[%add3A_979] : memref<16384xf32, #tpu.memory_space<vmem>>[vector<16xi32>], vector<16xf32>,
          %add3A_981 = arith.addi %broadcast_in_dim3A_978, %add3A_139 : vector<16xi32>
          %gather3A_982 = tpu.vector_load_idx %arg14[%add3A_981] : memref<16384xf32, #tpu.memory_space<vmem>>[vector<16xi32>], vector<16xf32>,
          %add3A_983 = arith.addf %gather3A_980, %gather3A_982 : vector<16xf32>
          %mul3A_984 = arith.constant 128 : i32
          %mul3A_985 = arith.muli %add3A_975, %mul3A_984 : i32
          %add3A_986 = arith.constant 8192 : i32
          %add3A_987 = arith.addi %add3A_986, %mul3A_985 : i32
          %add3A_988 = arith.constant 0 : i32
          %add3A_989 = arith.addi %add3A_987, %add3A_988 : i32
          %swap3A_990 = arith.index_cast %add3A_989 : i32 to index
          %swap3A_991 = tpu.vector_load %arg17[%swap3A_990] {strides = array<i32>} : memref<16384xf32, #tpu.memory_space<vmem>>, vector<16xf32>,
          tpu.vector_store %arg17[%swap3A_990], %add3A_983 {strides = array<i32>} : memref<16384xf32, #tpu.memory_space<vmem>>, vector<16xf32>,
          %add3A_992 = arith.addi %broadcast_in_dim3A_978, %and3A_115 : vector<16xi32>
          %gather3A_993 = tpu.vector_load_idx %arg13[%add3A_992] : memref<16384xf32, #tpu.memory_space<vmem>>[vector<16xi32>], vector<16xf32>,
          %add3A_994 = arith.addi %broadcast_in_dim3A_978, %add3A_146 : vector<16xi32>
          %gather3A_995 = tpu.vector_load_idx %arg14[%add3A_994] : memref<16384xf32, #tpu.memory_space<vmem>>[vector<16xi32>], vector<16xf32>,
          %add3A_996 = arith.addf %gather3A_993, %gather3A_995 : vector<16xf32>
          %mul3A_997 = arith.constant 128 : i32
          %mul3A_998 = arith.muli %add3A_975, %mul3A_997 : i32
          %add3A_999 = arith.constant 8192 : i32
          %add3A_1000 = arith.addi %add3A_999, %mul3A_998 : i32
          %add3A_1001 = arith.constant 16 : i32
          %add3A_1002 = arith.addi %add3A_1000, %add3A_1001 : i32
          %swap3A_1003 = arith.index_cast %add3A_1002 : i32 to index
          %swap3A_1004 = tpu.vector_load %arg17[%swap3A_1003] {strides = array<i32>} : memref<16384xf32, #tpu.memory_space<vmem>>, vector<16xf32>,
          tpu.vector_store %arg17[%swap3A_1003], %add3A_996 {strides = array<i32>} : memref<16384xf32, #tpu.memory_space<vmem>>, vector<16xf32>,
          %add3A_1005 = arith.addi %broadcast_in_dim3A_978, %and3A_118 : vector<16xi32>
          %gather3A_1006 = tpu.vector_load_idx %arg13[%add3A_1005] : memref<16384xf32, #tpu.memory_space<vmem>>[vector<16xi32>], vector<16xf32>,
          %add3A_1007 = arith.addi %broadcast_in_dim3A_978, %add3A_153 : vector<16xi32>
          %gather3A_1008 = tpu.vector_load_idx %arg14[%add3A_1007] : memref<16384xf32, #tpu.memory_space<vmem>>[vector<16xi32>], vector<16xf32>,
          %add3A_1009 = arith.addf %gather3A_1006, %gather3A_1008 : vector<16xf32>
          %mul3A_1010 = arith.constant 128 : i32
          %mul3A_1011 = arith.muli %add3A_975, %mul3A_1010 : i32
          %add3A_1012 = arith.constant 8192 : i32
          %add3A_1013 = arith.addi %add3A_1012, %mul3A_1011 : i32
          %add3A_1014 = arith.constant 32 : i32
          %add3A_1015 = arith.addi %add3A_1013, %add3A_1014 : i32
          %swap3A_1016 = arith.index_cast %add3A_1015 : i32 to index
          %swap3A_1017 = tpu.vector_load %arg17[%swap3A_1016] {strides = array<i32>} : memref<16384xf32, #tpu.memory_space<vmem>>, vector<16xf32>,
          tpu.vector_store %arg17[%swap3A_1016], %add3A_1009 {strides = array<i32>} : memref<16384xf32, #tpu.memory_space<vmem>>, vector<16xf32>,
          %add3A_1018 = arith.addi %broadcast_in_dim3A_978, %and3A_121 : vector<16xi32>
          %gather3A_1019 = tpu.vector_load_idx %arg13[%add3A_1018] : memref<16384xf32, #tpu.memory_space<vmem>>[vector<16xi32>], vector<16xf32>,
          %add3A_1020 = arith.addi %broadcast_in_dim3A_978, %add3A_160 : vector<16xi32>
          %gather3A_1021 = tpu.vector_load_idx %arg14[%add3A_1020] : memref<16384xf32, #tpu.memory_space<vmem>>[vector<16xi32>], vector<16xf32>,
          %add3A_1022 = arith.addf %gather3A_1019, %gather3A_1021 : vector<16xf32>
          %mul3A_1023 = arith.constant 128 : i32
          %mul3A_1024 = arith.muli %add3A_975, %mul3A_1023 : i32
          %add3A_1025 = arith.constant 8192 : i32
          %add3A_1026 = arith.addi %add3A_1025, %mul3A_1024 : i32
          %add3A_1027 = arith.constant 48 : i32
          %add3A_1028 = arith.addi %add3A_1026, %add3A_1027 : i32
          %swap3A_1029 = arith.index_cast %add3A_1028 : i32 to index
          %swap3A_1030 = tpu.vector_load %arg17[%swap3A_1029] {strides = array<i32>} : memref<16384xf32, #tpu.memory_space<vmem>>, vector<16xf32>,
          tpu.vector_store %arg17[%swap3A_1029], %add3A_1022 {strides = array<i32>} : memref<16384xf32, #tpu.memory_space<vmem>>, vector<16xf32>,
          %add3A_1031 = arith.addi %broadcast_in_dim3A_978, %and3A_124 : vector<16xi32>
          %gather3A_1032 = tpu.vector_load_idx %arg13[%add3A_1031] : memref<16384xf32, #tpu.memory_space<vmem>>[vector<16xi32>], vector<16xf32>,
          %add3A_1033 = arith.addi %broadcast_in_dim3A_978, %add3A_167 : vector<16xi32>
          %gather3A_1034 = tpu.vector_load_idx %arg14[%add3A_1033] : memref<16384xf32, #tpu.memory_space<vmem>>[vector<16xi32>], vector<16xf32>,
          %add3A_1035 = arith.addf %gather3A_1032, %gather3A_1034 : vector<16xf32>
          %mul3A_1036 = arith.constant 128 : i32
          %mul3A_1037 = arith.muli %add3A_975, %mul3A_1036 : i32
          %add3A_1038 = arith.constant 8192 : i32
          %add3A_1039 = arith.addi %add3A_1038, %mul3A_1037 : i32
          %add3A_1040 = arith.constant 64 : i32
          %add3A_1041 = arith.addi %add3A_1039, %add3A_1040 : i32
          %swap3A_1042 = arith.index_cast %add3A_1041 : i32 to index
          %swap3A_1043 = tpu.vector_load %arg17[%swap3A_1042] {strides = array<i32>} : memref<16384xf32, #tpu.memory_space<vmem>>, vector<16xf32>,
          tpu.vector_store %arg17[%swap3A_1042], %add3A_1035 {strides = array<i32>} : memref<16384xf32, #tpu.memory_space<vmem>>, vector<16xf32>,
          %add3A_1044 = arith.addi %broadcast_in_dim3A_978, %and3A_127 : vector<16xi32>
          %gather3A_1045 = tpu.vector_load_idx %arg13[%add3A_1044] : memref<16384xf32, #tpu.memory_space<vmem>>[vector<16xi32>], vector<16xf32>,
          %add3A_1046 = arith.addi %broadcast_in_dim3A_978, %add3A_174 : vector<16xi32>
          %gather3A_1047 = tpu.vector_load_idx %arg14[%add3A_1046] : memref<16384xf32, #tpu.memory_space<vmem>>[vector<16xi32>], vector<16xf32>,
          %add3A_1048 = arith.addf %gather3A_1045, %gather3A_1047 : vector<16xf32>
          %mul3A_1049 = arith.constant 128 : i32
          %mul3A_1050 = arith.muli %add3A_975, %mul3A_1049 : i32
          %add3A_1051 = arith.constant 8192 : i32
          %add3A_1052 = arith.addi %add3A_1051, %mul3A_1050 : i32
          %add3A_1053 = arith.constant 80 : i32
          %add3A_1054 = arith.addi %add3A_1052, %add3A_1053 : i32
          %swap3A_1055 = arith.index_cast %add3A_1054 : i32 to index
          %swap3A_1056 = tpu.vector_load %arg17[%swap3A_1055] {strides = array<i32>} : memref<16384xf32, #tpu.memory_space<vmem>>, vector<16xf32>,
          tpu.vector_store %arg17[%swap3A_1055], %add3A_1048 {strides = array<i32>} : memref<16384xf32, #tpu.memory_space<vmem>>, vector<16xf32>,
          %add3A_1057 = arith.addi %broadcast_in_dim3A_978, %and3A_130 : vector<16xi32>
          %gather3A_1058 = tpu.vector_load_idx %arg13[%add3A_1057] : memref<16384xf32, #tpu.memory_space<vmem>>[vector<16xi32>], vector<16xf32>,
          %add3A_1059 = arith.addi %broadcast_in_dim3A_978, %add3A_181 : vector<16xi32>
          %gather3A_1060 = tpu.vector_load_idx %arg14[%add3A_1059] : memref<16384xf32, #tpu.memory_space<vmem>>[vector<16xi32>], vector<16xf32>,
          %add3A_1061 = arith.addf %gather3A_1058, %gather3A_1060 : vector<16xf32>
          %mul3A_1062 = arith.constant 128 : i32
          %mul3A_1063 = arith.muli %add3A_975, %mul3A_1062 : i32
          %add3A_1064 = arith.constant 8192 : i32
          %add3A_1065 = arith.addi %add3A_1064, %mul3A_1063 : i32
          %add3A_1066 = arith.constant 96 : i32
          %add3A_1067 = arith.addi %add3A_1065, %add3A_1066 : i32
          %swap3A_1068 = arith.index_cast %add3A_1067 : i32 to index
          %swap3A_1069 = tpu.vector_load %arg17[%swap3A_1068] {strides = array<i32>} : memref<16384xf32, #tpu.memory_space<vmem>>, vector<16xf32>,
          tpu.vector_store %arg17[%swap3A_1068], %add3A_1061 {strides = array<i32>} : memref<16384xf32, #tpu.memory_space<vmem>>, vector<16xf32>,
          %add3A_1070 = arith.addi %broadcast_in_dim3A_978, %and3A_133 : vector<16xi32>
          %gather3A_1071 = tpu.vector_load_idx %arg13[%add3A_1070] : memref<16384xf32, #tpu.memory_space<vmem>>[vector<16xi32>], vector<16xf32>,
          %add3A_1072 = arith.addi %broadcast_in_dim3A_978, %add3A_188 : vector<16xi32>
          %gather3A_1073 = tpu.vector_load_idx %arg14[%add3A_1072] : memref<16384xf32, #tpu.memory_space<vmem>>[vector<16xi32>], vector<16xf32>,
          %add3A_1074 = arith.addf %gather3A_1071, %gather3A_1073 : vector<16xf32>
          %mul3A_1075 = arith.constant 128 : i32
          %mul3A_1076 = arith.muli %add3A_975, %mul3A_1075 : i32
          %add3A_1077 = arith.constant 8192 : i32
          %add3A_1078 = arith.addi %add3A_1077, %mul3A_1076 : i32
          %add3A_1079 = arith.constant 112 : i32
          %add3A_1080 = arith.addi %add3A_1078, %add3A_1079 : i32
          %swap3A_1081 = arith.index_cast %add3A_1080 : i32 to index
          %swap3A_1082 = tpu.vector_load %arg17[%swap3A_1081] {strides = array<i32>} : memref<16384xf32, #tpu.memory_space<vmem>>, vector<16xf32>,
          tpu.vector_store %arg17[%swap3A_1081], %add3A_1074 {strides = array<i32>} : memref<16384xf32, #tpu.memory_space<vmem>>, vector<16xf32>,
        }
        %scan3A_194 = arith.constant 8 : i32
      } else {
      }
      %eq3A_62 = arith.constant 256 : i32
      %eq3A_63 = arith.cmpi eq, %add3A_46, %eq3A_62 : i32
      %convert_element_type3A_64 = arith.extui %eq3A_63 : i1 to i32
      %cond3A_65 = arith.constant 0 : i32
      %cond3A_66 = arith.cmpi ne, %convert_element_type3A_64, %cond3A_65 : i32
      scf.if %cond3A_66 {
        %add3A_72 = arith.constant 0 : i32
        %add3A_73 = vector.broadcast %add3A_72 : i32 to vector<16xi32>
        %add3A_74 = arith.addi %add3A_73, %iota3A : vector<16xi32>
        %gather3A = tpu.vector_load_idx %arg15[%add3A_74] : memref<128xi32, #tpu.memory_space<vmem>>[vector<16xi32>], vector<16xi32>,
        %add3A_75 = arith.constant 16 : i32
        %add3A_76 = vector.broadcast %add3A_75 : i32 to vector<16xi32>
        %add3A_77 = arith.addi %add3A_76, %iota3A : vector<16xi32>
        %gather3A_78 = tpu.vector_load_idx %arg15[%add3A_77] : memref<128xi32, #tpu.memory_space<vmem>>[vector<16xi32>], vector<16xi32>,
        %add3A_79 = arith.constant 32 : i32
        %add3A_80 = vector.broadcast %add3A_79 : i32 to vector<16xi32>
        %add3A_81 = arith.addi %add3A_80, %iota3A : vector<16xi32>
        %gather3A_82 = tpu.vector_load_idx %arg15[%add3A_81] : memref<128xi32, #tpu.memory_space<vmem>>[vector<16xi32>], vector<16xi32>,
        %add3A_83 = arith.constant 48 : i32
        %add3A_84 = vector.broadcast %add3A_83 : i32 to vector<16xi32>
        %add3A_85 = arith.addi %add3A_84, %iota3A : vector<16xi32>
        %gather3A_86 = tpu.vector_load_idx %arg15[%add3A_85] : memref<128xi32, #tpu.memory_space<vmem>>[vector<16xi32>], vector<16xi32>,
        %add3A_87 = arith.constant 64 : i32
        %add3A_88 = vector.broadcast %add3A_87 : i32 to vector<16xi32>
        %add3A_89 = arith.addi %add3A_88, %iota3A : vector<16xi32>
        %gather3A_90 = tpu.vector_load_idx %arg15[%add3A_89] : memref<128xi32, #tpu.memory_space<vmem>>[vector<16xi32>], vector<16xi32>,
        %add3A_91 = arith.constant 80 : i32
        %add3A_92 = vector.broadcast %add3A_91 : i32 to vector<16xi32>
        %add3A_93 = arith.addi %add3A_92, %iota3A : vector<16xi32>
        %gather3A_94 = tpu.vector_load_idx %arg15[%add3A_93] : memref<128xi32, #tpu.memory_space<vmem>>[vector<16xi32>], vector<16xi32>,
        %add3A_95 = arith.constant 96 : i32
        %add3A_96 = vector.broadcast %add3A_95 : i32 to vector<16xi32>
        %add3A_97 = arith.addi %add3A_96, %iota3A : vector<16xi32>
        %gather3A_98 = tpu.vector_load_idx %arg15[%add3A_97] : memref<128xi32, #tpu.memory_space<vmem>>[vector<16xi32>], vector<16xi32>,
        %add3A_99 = arith.constant 112 : i32
        %add3A_100 = vector.broadcast %add3A_99 : i32 to vector<16xi32>
        %add3A_101 = arith.addi %add3A_100, %iota3A : vector<16xi32>
        %gather3A_102 = tpu.vector_load_idx %arg15[%add3A_101] : memref<128xi32, #tpu.memory_space<vmem>>[vector<16xi32>], vector<16xi32>,
        %scan3A_103 = arith.constant 0 : i32
        %scan3A_104 = arith.constant 0 : i32
        %scan3A_105 = arith.constant 16 : i32
        %scan3A_106 = arith.addi %scan3A_104, %scan3A_105 : i32
        %scan3A_107 = arith.constant 1 : i32
        scf.for %scan3A_109 = %scan3A_104 to %scan3A_106 step %scan3A_107  : i32 {
          %mul3A_110 = arith.constant 4 : i32
          %mul3A_111 = arith.muli %scan3A_109, %mul3A_110 : i32
          %add3A_112 = arith.constant 0 : i32
          %add3A_113 = arith.addi %mul3A_111, %add3A_112 : i32
          %mul3A_114 = arith.constant 4 : i32
          %mul3A_115 = arith.muli %add3A_113, %mul3A_114 : i32
          %broadcast_in_dim3A = vector.broadcast %mul3A_115 : i32 to vector<16xi32>
          %add3A_116 = arith.addi %broadcast_in_dim3A, %gather3A : vector<16xi32>
          %gather3A_117 = tpu.vector_load_idx %arg12[%add3A_116] : memref<256xf32, #tpu.memory_space<vmem>>[vector<16xi32>], vector<16xf32>,
          %mul3A_118 = arith.constant 128 : i32
          %mul3A_119 = arith.muli %add3A_113, %mul3A_118 : i32
          %add3A_120 = arith.constant 8192 : i32
          %add3A_121 = arith.addi %add3A_120, %mul3A_119 : i32
          %add3A_122 = arith.constant 0 : i32
          %add3A_123 = arith.addi %add3A_121, %add3A_122 : i32
          %swap3A = arith.index_cast %add3A_123 : i32 to index
          %swap3A_124 = tpu.vector_load %arg17[%swap3A] {strides = array<i32>} : memref<16384xf32, #tpu.memory_space<vmem>>, vector<16xf32>,
          tpu.vector_store %arg17[%swap3A], %gather3A_117 {strides = array<i32>} : memref<16384xf32, #tpu.memory_space<vmem>>, vector<16xf32>,
          %add3A_125 = arith.addi %broadcast_in_dim3A, %gather3A_78 : vector<16xi32>
          %gather3A_126 = tpu.vector_load_idx %arg12[%add3A_125] : memref<256xf32, #tpu.memory_space<vmem>>[vector<16xi32>], vector<16xf32>,
          %mul3A_127 = arith.constant 128 : i32
          %mul3A_128 = arith.muli %add3A_113, %mul3A_127 : i32
          %add3A_129 = arith.constant 8192 : i32
          %add3A_130 = arith.addi %add3A_129, %mul3A_128 : i32
          %add3A_131 = arith.constant 16 : i32
          %add3A_132 = arith.addi %add3A_130, %add3A_131 : i32
          %swap3A_133 = arith.index_cast %add3A_132 : i32 to index
          %swap3A_134 = tpu.vector_load %arg17[%swap3A_133] {strides = array<i32>} : memref<16384xf32, #tpu.memory_space<vmem>>, vector<16xf32>,
          tpu.vector_store %arg17[%swap3A_133], %gather3A_126 {strides = array<i32>} : memref<16384xf32, #tpu.memory_space<vmem>>, vector<16xf32>,
          %add3A_135 = arith.addi %broadcast_in_dim3A, %gather3A_82 : vector<16xi32>
          %gather3A_136 = tpu.vector_load_idx %arg12[%add3A_135] : memref<256xf32, #tpu.memory_space<vmem>>[vector<16xi32>], vector<16xf32>,
          %mul3A_137 = arith.constant 128 : i32
          %mul3A_138 = arith.muli %add3A_113, %mul3A_137 : i32
          %add3A_139 = arith.constant 8192 : i32
          %add3A_140 = arith.addi %add3A_139, %mul3A_138 : i32
          %add3A_141 = arith.constant 32 : i32
          %add3A_142 = arith.addi %add3A_140, %add3A_141 : i32
          %swap3A_143 = arith.index_cast %add3A_142 : i32 to index
          %swap3A_144 = tpu.vector_load %arg17[%swap3A_143] {strides = array<i32>} : memref<16384xf32, #tpu.memory_space<vmem>>, vector<16xf32>,
          tpu.vector_store %arg17[%swap3A_143], %gather3A_136 {strides = array<i32>} : memref<16384xf32, #tpu.memory_space<vmem>>, vector<16xf32>,
          %add3A_145 = arith.addi %broadcast_in_dim3A, %gather3A_86 : vector<16xi32>
          %gather3A_146 = tpu.vector_load_idx %arg12[%add3A_145] : memref<256xf32, #tpu.memory_space<vmem>>[vector<16xi32>], vector<16xf32>,
          %mul3A_147 = arith.constant 128 : i32
          %mul3A_148 = arith.muli %add3A_113, %mul3A_147 : i32
          %add3A_149 = arith.constant 8192 : i32
          %add3A_150 = arith.addi %add3A_149, %mul3A_148 : i32
          %add3A_151 = arith.constant 48 : i32
          %add3A_152 = arith.addi %add3A_150, %add3A_151 : i32
          %swap3A_153 = arith.index_cast %add3A_152 : i32 to index
          %swap3A_154 = tpu.vector_load %arg17[%swap3A_153] {strides = array<i32>} : memref<16384xf32, #tpu.memory_space<vmem>>, vector<16xf32>,
          tpu.vector_store %arg17[%swap3A_153], %gather3A_146 {strides = array<i32>} : memref<16384xf32, #tpu.memory_space<vmem>>, vector<16xf32>,
          %add3A_155 = arith.addi %broadcast_in_dim3A, %gather3A_90 : vector<16xi32>
          %gather3A_156 = tpu.vector_load_idx %arg12[%add3A_155] : memref<256xf32, #tpu.memory_space<vmem>>[vector<16xi32>], vector<16xf32>,
          %mul3A_157 = arith.constant 128 : i32
          %mul3A_158 = arith.muli %add3A_113, %mul3A_157 : i32
          %add3A_159 = arith.constant 8192 : i32
          %add3A_160 = arith.addi %add3A_159, %mul3A_158 : i32
          %add3A_161 = arith.constant 64 : i32
          %add3A_162 = arith.addi %add3A_160, %add3A_161 : i32
          %swap3A_163 = arith.index_cast %add3A_162 : i32 to index
          %swap3A_164 = tpu.vector_load %arg17[%swap3A_163] {strides = array<i32>} : memref<16384xf32, #tpu.memory_space<vmem>>, vector<16xf32>,
          tpu.vector_store %arg17[%swap3A_163], %gather3A_156 {strides = array<i32>} : memref<16384xf32, #tpu.memory_space<vmem>>, vector<16xf32>,
          %add3A_165 = arith.addi %broadcast_in_dim3A, %gather3A_94 : vector<16xi32>
          %gather3A_166 = tpu.vector_load_idx %arg12[%add3A_165] : memref<256xf32, #tpu.memory_space<vmem>>[vector<16xi32>], vector<16xf32>,
          %mul3A_167 = arith.constant 128 : i32
          %mul3A_168 = arith.muli %add3A_113, %mul3A_167 : i32
          %add3A_169 = arith.constant 8192 : i32
          %add3A_170 = arith.addi %add3A_169, %mul3A_168 : i32
          %add3A_171 = arith.constant 80 : i32
          %add3A_172 = arith.addi %add3A_170, %add3A_171 : i32
          %swap3A_173 = arith.index_cast %add3A_172 : i32 to index
          %swap3A_174 = tpu.vector_load %arg17[%swap3A_173] {strides = array<i32>} : memref<16384xf32, #tpu.memory_space<vmem>>, vector<16xf32>,
          tpu.vector_store %arg17[%swap3A_173], %gather3A_166 {strides = array<i32>} : memref<16384xf32, #tpu.memory_space<vmem>>, vector<16xf32>,
          %add3A_175 = arith.addi %broadcast_in_dim3A, %gather3A_98 : vector<16xi32>
          %gather3A_176 = tpu.vector_load_idx %arg12[%add3A_175] : memref<256xf32, #tpu.memory_space<vmem>>[vector<16xi32>], vector<16xf32>,
          %mul3A_177 = arith.constant 128 : i32
          %mul3A_178 = arith.muli %add3A_113, %mul3A_177 : i32
          %add3A_179 = arith.constant 8192 : i32
          %add3A_180 = arith.addi %add3A_179, %mul3A_178 : i32
          %add3A_181 = arith.constant 96 : i32
          %add3A_182 = arith.addi %add3A_180, %add3A_181 : i32
          %swap3A_183 = arith.index_cast %add3A_182 : i32 to index
          %swap3A_184 = tpu.vector_load %arg17[%swap3A_183] {strides = array<i32>} : memref<16384xf32, #tpu.memory_space<vmem>>, vector<16xf32>,
          tpu.vector_store %arg17[%swap3A_183], %gather3A_176 {strides = array<i32>} : memref<16384xf32, #tpu.memory_space<vmem>>, vector<16xf32>,
          %add3A_185 = arith.addi %broadcast_in_dim3A, %gather3A_102 : vector<16xi32>
          %gather3A_186 = tpu.vector_load_idx %arg12[%add3A_185] : memref<256xf32, #tpu.memory_space<vmem>>[vector<16xi32>], vector<16xf32>,
          %mul3A_187 = arith.constant 128 : i32
          %mul3A_188 = arith.muli %add3A_113, %mul3A_187 : i32
          %add3A_189 = arith.constant 8192 : i32
          %add3A_190 = arith.addi %add3A_189, %mul3A_188 : i32
          %add3A_191 = arith.constant 112 : i32
          %add3A_192 = arith.addi %add3A_190, %add3A_191 : i32
          %swap3A_193 = arith.index_cast %add3A_192 : i32 to index
          %swap3A_194 = tpu.vector_load %arg17[%swap3A_193] {strides = array<i32>} : memref<16384xf32, #tpu.memory_space<vmem>>, vector<16xf32>,
          tpu.vector_store %arg17[%swap3A_193], %gather3A_186 {strides = array<i32>} : memref<16384xf32, #tpu.memory_space<vmem>>, vector<16xf32>,
          %mul3A_195 = arith.constant 4 : i32
          %mul3A_196 = arith.muli %scan3A_109, %mul3A_195 : i32
          %add3A_197 = arith.constant 1 : i32
          %add3A_198 = arith.addi %mul3A_196, %add3A_197 : i32
          %mul3A_199 = arith.constant 4 : i32
          %mul3A_200 = arith.muli %add3A_198, %mul3A_199 : i32
          %broadcast_in_dim3A_201 = vector.broadcast %mul3A_200 : i32 to vector<16xi32>
          %add3A_202 = arith.addi %broadcast_in_dim3A_201, %gather3A : vector<16xi32>
          %gather3A_203 = tpu.vector_load_idx %arg12[%add3A_202] : memref<256xf32, #tpu.memory_space<vmem>>[vector<16xi32>], vector<16xf32>,
          %mul3A_204 = arith.constant 128 : i32
          %mul3A_205 = arith.muli %add3A_198, %mul3A_204 : i32
          %add3A_206 = arith.constant 8192 : i32
          %add3A_207 = arith.addi %add3A_206, %mul3A_205 : i32
          %add3A_208 = arith.constant 0 : i32
          %add3A_209 = arith.addi %add3A_207, %add3A_208 : i32
          %swap3A_210 = arith.index_cast %add3A_209 : i32 to index
          %swap3A_211 = tpu.vector_load %arg17[%swap3A_210] {strides = array<i32>} : memref<16384xf32, #tpu.memory_space<vmem>>, vector<16xf32>,
          tpu.vector_store %arg17[%swap3A_210], %gather3A_203 {strides = array<i32>} : memref<16384xf32, #tpu.memory_space<vmem>>, vector<16xf32>,
          %add3A_212 = arith.addi %broadcast_in_dim3A_201, %gather3A_78 : vector<16xi32>
          %gather3A_213 = tpu.vector_load_idx %arg12[%add3A_212] : memref<256xf32, #tpu.memory_space<vmem>>[vector<16xi32>], vector<16xf32>,
          %mul3A_214 = arith.constant 128 : i32
          %mul3A_215 = arith.muli %add3A_198, %mul3A_214 : i32
          %add3A_216 = arith.constant 8192 : i32
          %add3A_217 = arith.addi %add3A_216, %mul3A_215 : i32
          %add3A_218 = arith.constant 16 : i32
          %add3A_219 = arith.addi %add3A_217, %add3A_218 : i32
          %swap3A_220 = arith.index_cast %add3A_219 : i32 to index
          %swap3A_221 = tpu.vector_load %arg17[%swap3A_220] {strides = array<i32>} : memref<16384xf32, #tpu.memory_space<vmem>>, vector<16xf32>,
          tpu.vector_store %arg17[%swap3A_220], %gather3A_213 {strides = array<i32>} : memref<16384xf32, #tpu.memory_space<vmem>>, vector<16xf32>,
          %add3A_222 = arith.addi %broadcast_in_dim3A_201, %gather3A_82 : vector<16xi32>
          %gather3A_223 = tpu.vector_load_idx %arg12[%add3A_222] : memref<256xf32, #tpu.memory_space<vmem>>[vector<16xi32>], vector<16xf32>,
          %mul3A_224 = arith.constant 128 : i32
          %mul3A_225 = arith.muli %add3A_198, %mul3A_224 : i32
          %add3A_226 = arith.constant 8192 : i32
          %add3A_227 = arith.addi %add3A_226, %mul3A_225 : i32
          %add3A_228 = arith.constant 32 : i32
          %add3A_229 = arith.addi %add3A_227, %add3A_228 : i32
          %swap3A_230 = arith.index_cast %add3A_229 : i32 to index
          %swap3A_231 = tpu.vector_load %arg17[%swap3A_230] {strides = array<i32>} : memref<16384xf32, #tpu.memory_space<vmem>>, vector<16xf32>,
          tpu.vector_store %arg17[%swap3A_230], %gather3A_223 {strides = array<i32>} : memref<16384xf32, #tpu.memory_space<vmem>>, vector<16xf32>,
          %add3A_232 = arith.addi %broadcast_in_dim3A_201, %gather3A_86 : vector<16xi32>
          %gather3A_233 = tpu.vector_load_idx %arg12[%add3A_232] : memref<256xf32, #tpu.memory_space<vmem>>[vector<16xi32>], vector<16xf32>,
          %mul3A_234 = arith.constant 128 : i32
          %mul3A_235 = arith.muli %add3A_198, %mul3A_234 : i32
          %add3A_236 = arith.constant 8192 : i32
          %add3A_237 = arith.addi %add3A_236, %mul3A_235 : i32
          %add3A_238 = arith.constant 48 : i32
          %add3A_239 = arith.addi %add3A_237, %add3A_238 : i32
          %swap3A_240 = arith.index_cast %add3A_239 : i32 to index
          %swap3A_241 = tpu.vector_load %arg17[%swap3A_240] {strides = array<i32>} : memref<16384xf32, #tpu.memory_space<vmem>>, vector<16xf32>,
          tpu.vector_store %arg17[%swap3A_240], %gather3A_233 {strides = array<i32>} : memref<16384xf32, #tpu.memory_space<vmem>>, vector<16xf32>,
          %add3A_242 = arith.addi %broadcast_in_dim3A_201, %gather3A_90 : vector<16xi32>
          %gather3A_243 = tpu.vector_load_idx %arg12[%add3A_242] : memref<256xf32, #tpu.memory_space<vmem>>[vector<16xi32>], vector<16xf32>,
          %mul3A_244 = arith.constant 128 : i32
          %mul3A_245 = arith.muli %add3A_198, %mul3A_244 : i32
          %add3A_246 = arith.constant 8192 : i32
          %add3A_247 = arith.addi %add3A_246, %mul3A_245 : i32
          %add3A_248 = arith.constant 64 : i32
          %add3A_249 = arith.addi %add3A_247, %add3A_248 : i32
          %swap3A_250 = arith.index_cast %add3A_249 : i32 to index
          %swap3A_251 = tpu.vector_load %arg17[%swap3A_250] {strides = array<i32>} : memref<16384xf32, #tpu.memory_space<vmem>>, vector<16xf32>,
          tpu.vector_store %arg17[%swap3A_250], %gather3A_243 {strides = array<i32>} : memref<16384xf32, #tpu.memory_space<vmem>>, vector<16xf32>,
          %add3A_252 = arith.addi %broadcast_in_dim3A_201, %gather3A_94 : vector<16xi32>
          %gather3A_253 = tpu.vector_load_idx %arg12[%add3A_252] : memref<256xf32, #tpu.memory_space<vmem>>[vector<16xi32>], vector<16xf32>,
          %mul3A_254 = arith.constant 128 : i32
          %mul3A_255 = arith.muli %add3A_198, %mul3A_254 : i32
          %add3A_256 = arith.constant 8192 : i32
          %add3A_257 = arith.addi %add3A_256, %mul3A_255 : i32
          %add3A_258 = arith.constant 80 : i32
          %add3A_259 = arith.addi %add3A_257, %add3A_258 : i32
          %swap3A_260 = arith.index_cast %add3A_259 : i32 to index
          %swap3A_261 = tpu.vector_load %arg17[%swap3A_260] {strides = array<i32>} : memref<16384xf32, #tpu.memory_space<vmem>>, vector<16xf32>,
          tpu.vector_store %arg17[%swap3A_260], %gather3A_253 {strides = array<i32>} : memref<16384xf32, #tpu.memory_space<vmem>>, vector<16xf32>,
          %add3A_262 = arith.addi %broadcast_in_dim3A_201, %gather3A_98 : vector<16xi32>
          %gather3A_263 = tpu.vector_load_idx %arg12[%add3A_262] : memref<256xf32, #tpu.memory_space<vmem>>[vector<16xi32>], vector<16xf32>,
          %mul3A_264 = arith.constant 128 : i32
          %mul3A_265 = arith.muli %add3A_198, %mul3A_264 : i32
          %add3A_266 = arith.constant 8192 : i32
          %add3A_267 = arith.addi %add3A_266, %mul3A_265 : i32
          %add3A_268 = arith.constant 96 : i32
          %add3A_269 = arith.addi %add3A_267, %add3A_268 : i32
          %swap3A_270 = arith.index_cast %add3A_269 : i32 to index
          %swap3A_271 = tpu.vector_load %arg17[%swap3A_270] {strides = array<i32>} : memref<16384xf32, #tpu.memory_space<vmem>>, vector<16xf32>,
          tpu.vector_store %arg17[%swap3A_270], %gather3A_263 {strides = array<i32>} : memref<16384xf32, #tpu.memory_space<vmem>>, vector<16xf32>,
          %add3A_272 = arith.addi %broadcast_in_dim3A_201, %gather3A_102 : vector<16xi32>
          %gather3A_273 = tpu.vector_load_idx %arg12[%add3A_272] : memref<256xf32, #tpu.memory_space<vmem>>[vector<16xi32>], vector<16xf32>,
          %mul3A_274 = arith.constant 128 : i32
          %mul3A_275 = arith.muli %add3A_198, %mul3A_274 : i32
          %add3A_276 = arith.constant 8192 : i32
          %add3A_277 = arith.addi %add3A_276, %mul3A_275 : i32
          %add3A_278 = arith.constant 112 : i32
          %add3A_279 = arith.addi %add3A_277, %add3A_278 : i32
          %swap3A_280 = arith.index_cast %add3A_279 : i32 to index
          %swap3A_281 = tpu.vector_load %arg17[%swap3A_280] {strides = array<i32>} : memref<16384xf32, #tpu.memory_space<vmem>>, vector<16xf32>,
          tpu.vector_store %arg17[%swap3A_280], %gather3A_273 {strides = array<i32>} : memref<16384xf32, #tpu.memory_space<vmem>>, vector<16xf32>,
          %mul3A_282 = arith.constant 4 : i32
          %mul3A_283 = arith.muli %scan3A_109, %mul3A_282 : i32
          %add3A_284 = arith.constant 2 : i32
          %add3A_285 = arith.addi %mul3A_283, %add3A_284 : i32
          %mul3A_286 = arith.constant 4 : i32
          %mul3A_287 = arith.muli %add3A_285, %mul3A_286 : i32
          %broadcast_in_dim3A_288 = vector.broadcast %mul3A_287 : i32 to vector<16xi32>
          %add3A_289 = arith.addi %broadcast_in_dim3A_288, %gather3A : vector<16xi32>
          %gather3A_290 = tpu.vector_load_idx %arg12[%add3A_289] : memref<256xf32, #tpu.memory_space<vmem>>[vector<16xi32>], vector<16xf32>,
          %mul3A_291 = arith.constant 128 : i32
          %mul3A_292 = arith.muli %add3A_285, %mul3A_291 : i32
          %add3A_293 = arith.constant 8192 : i32
          %add3A_294 = arith.addi %add3A_293, %mul3A_292 : i32
          %add3A_295 = arith.constant 0 : i32
          %add3A_296 = arith.addi %add3A_294, %add3A_295 : i32
          %swap3A_297 = arith.index_cast %add3A_296 : i32 to index
          %swap3A_298 = tpu.vector_load %arg17[%swap3A_297] {strides = array<i32>} : memref<16384xf32, #tpu.memory_space<vmem>>, vector<16xf32>,
          tpu.vector_store %arg17[%swap3A_297], %gather3A_290 {strides = array<i32>} : memref<16384xf32, #tpu.memory_space<vmem>>, vector<16xf32>,
          %add3A_299 = arith.addi %broadcast_in_dim3A_288, %gather3A_78 : vector<16xi32>
          %gather3A_300 = tpu.vector_load_idx %arg12[%add3A_299] : memref<256xf32, #tpu.memory_space<vmem>>[vector<16xi32>], vector<16xf32>,
          %mul3A_301 = arith.constant 128 : i32
          %mul3A_302 = arith.muli %add3A_285, %mul3A_301 : i32
          %add3A_303 = arith.constant 8192 : i32
          %add3A_304 = arith.addi %add3A_303, %mul3A_302 : i32
          %add3A_305 = arith.constant 16 : i32
          %add3A_306 = arith.addi %add3A_304, %add3A_305 : i32
          %swap3A_307 = arith.index_cast %add3A_306 : i32 to index
          %swap3A_308 = tpu.vector_load %arg17[%swap3A_307] {strides = array<i32>} : memref<16384xf32, #tpu.memory_space<vmem>>, vector<16xf32>,
          tpu.vector_store %arg17[%swap3A_307], %gather3A_300 {strides = array<i32>} : memref<16384xf32, #tpu.memory_space<vmem>>, vector<16xf32>,
          %add3A_309 = arith.addi %broadcast_in_dim3A_288, %gather3A_82 : vector<16xi32>
          %gather3A_310 = tpu.vector_load_idx %arg12[%add3A_309] : memref<256xf32, #tpu.memory_space<vmem>>[vector<16xi32>], vector<16xf32>,
          %mul3A_311 = arith.constant 128 : i32
          %mul3A_312 = arith.muli %add3A_285, %mul3A_311 : i32
          %add3A_313 = arith.constant 8192 : i32
          %add3A_314 = arith.addi %add3A_313, %mul3A_312 : i32
          %add3A_315 = arith.constant 32 : i32
          %add3A_316 = arith.addi %add3A_314, %add3A_315 : i32
          %swap3A_317 = arith.index_cast %add3A_316 : i32 to index
          %swap3A_318 = tpu.vector_load %arg17[%swap3A_317] {strides = array<i32>} : memref<16384xf32, #tpu.memory_space<vmem>>, vector<16xf32>,
          tpu.vector_store %arg17[%swap3A_317], %gather3A_310 {strides = array<i32>} : memref<16384xf32, #tpu.memory_space<vmem>>, vector<16xf32>,
          %add3A_319 = arith.addi %broadcast_in_dim3A_288, %gather3A_86 : vector<16xi32>
          %gather3A_320 = tpu.vector_load_idx %arg12[%add3A_319] : memref<256xf32, #tpu.memory_space<vmem>>[vector<16xi32>], vector<16xf32>,
          %mul3A_321 = arith.constant 128 : i32
          %mul3A_322 = arith.muli %add3A_285, %mul3A_321 : i32
          %add3A_323 = arith.constant 8192 : i32
          %add3A_324 = arith.addi %add3A_323, %mul3A_322 : i32
          %add3A_325 = arith.constant 48 : i32
          %add3A_326 = arith.addi %add3A_324, %add3A_325 : i32
          %swap3A_327 = arith.index_cast %add3A_326 : i32 to index
          %swap3A_328 = tpu.vector_load %arg17[%swap3A_327] {strides = array<i32>} : memref<16384xf32, #tpu.memory_space<vmem>>, vector<16xf32>,
          tpu.vector_store %arg17[%swap3A_327], %gather3A_320 {strides = array<i32>} : memref<16384xf32, #tpu.memory_space<vmem>>, vector<16xf32>,
          %add3A_329 = arith.addi %broadcast_in_dim3A_288, %gather3A_90 : vector<16xi32>
          %gather3A_330 = tpu.vector_load_idx %arg12[%add3A_329] : memref<256xf32, #tpu.memory_space<vmem>>[vector<16xi32>], vector<16xf32>,
          %mul3A_331 = arith.constant 128 : i32
          %mul3A_332 = arith.muli %add3A_285, %mul3A_331 : i32
          %add3A_333 = arith.constant 8192 : i32
          %add3A_334 = arith.addi %add3A_333, %mul3A_332 : i32
          %add3A_335 = arith.constant 64 : i32
          %add3A_336 = arith.addi %add3A_334, %add3A_335 : i32
          %swap3A_337 = arith.index_cast %add3A_336 : i32 to index
          %swap3A_338 = tpu.vector_load %arg17[%swap3A_337] {strides = array<i32>} : memref<16384xf32, #tpu.memory_space<vmem>>, vector<16xf32>,
          tpu.vector_store %arg17[%swap3A_337], %gather3A_330 {strides = array<i32>} : memref<16384xf32, #tpu.memory_space<vmem>>, vector<16xf32>,
          %add3A_339 = arith.addi %broadcast_in_dim3A_288, %gather3A_94 : vector<16xi32>
          %gather3A_340 = tpu.vector_load_idx %arg12[%add3A_339] : memref<256xf32, #tpu.memory_space<vmem>>[vector<16xi32>], vector<16xf32>,
          %mul3A_341 = arith.constant 128 : i32
          %mul3A_342 = arith.muli %add3A_285, %mul3A_341 : i32
          %add3A_343 = arith.constant 8192 : i32
          %add3A_344 = arith.addi %add3A_343, %mul3A_342 : i32
          %add3A_345 = arith.constant 80 : i32
          %add3A_346 = arith.addi %add3A_344, %add3A_345 : i32
          %swap3A_347 = arith.index_cast %add3A_346 : i32 to index
          %swap3A_348 = tpu.vector_load %arg17[%swap3A_347] {strides = array<i32>} : memref<16384xf32, #tpu.memory_space<vmem>>, vector<16xf32>,
          tpu.vector_store %arg17[%swap3A_347], %gather3A_340 {strides = array<i32>} : memref<16384xf32, #tpu.memory_space<vmem>>, vector<16xf32>,
          %add3A_349 = arith.addi %broadcast_in_dim3A_288, %gather3A_98 : vector<16xi32>
          %gather3A_350 = tpu.vector_load_idx %arg12[%add3A_349] : memref<256xf32, #tpu.memory_space<vmem>>[vector<16xi32>], vector<16xf32>,
          %mul3A_351 = arith.constant 128 : i32
          %mul3A_352 = arith.muli %add3A_285, %mul3A_351 : i32
          %add3A_353 = arith.constant 8192 : i32
          %add3A_354 = arith.addi %add3A_353, %mul3A_352 : i32
          %add3A_355 = arith.constant 96 : i32
          %add3A_356 = arith.addi %add3A_354, %add3A_355 : i32
          %swap3A_357 = arith.index_cast %add3A_356 : i32 to index
          %swap3A_358 = tpu.vector_load %arg17[%swap3A_357] {strides = array<i32>} : memref<16384xf32, #tpu.memory_space<vmem>>, vector<16xf32>,
          tpu.vector_store %arg17[%swap3A_357], %gather3A_350 {strides = array<i32>} : memref<16384xf32, #tpu.memory_space<vmem>>, vector<16xf32>,
          %add3A_359 = arith.addi %broadcast_in_dim3A_288, %gather3A_102 : vector<16xi32>
          %gather3A_360 = tpu.vector_load_idx %arg12[%add3A_359] : memref<256xf32, #tpu.memory_space<vmem>>[vector<16xi32>], vector<16xf32>,
          %mul3A_361 = arith.constant 128 : i32
          %mul3A_362 = arith.muli %add3A_285, %mul3A_361 : i32
          %add3A_363 = arith.constant 8192 : i32
          %add3A_364 = arith.addi %add3A_363, %mul3A_362 : i32
          %add3A_365 = arith.constant 112 : i32
          %add3A_366 = arith.addi %add3A_364, %add3A_365 : i32
          %swap3A_367 = arith.index_cast %add3A_366 : i32 to index
          %swap3A_368 = tpu.vector_load %arg17[%swap3A_367] {strides = array<i32>} : memref<16384xf32, #tpu.memory_space<vmem>>, vector<16xf32>,
          tpu.vector_store %arg17[%swap3A_367], %gather3A_360 {strides = array<i32>} : memref<16384xf32, #tpu.memory_space<vmem>>, vector<16xf32>,
          %mul3A_369 = arith.constant 4 : i32
          %mul3A_370 = arith.muli %scan3A_109, %mul3A_369 : i32
          %add3A_371 = arith.constant 3 : i32
          %add3A_372 = arith.addi %mul3A_370, %add3A_371 : i32
          %mul3A_373 = arith.constant 4 : i32
          %mul3A_374 = arith.muli %add3A_372, %mul3A_373 : i32
          %broadcast_in_dim3A_375 = vector.broadcast %mul3A_374 : i32 to vector<16xi32>
          %add3A_376 = arith.addi %broadcast_in_dim3A_375, %gather3A : vector<16xi32>
          %gather3A_377 = tpu.vector_load_idx %arg12[%add3A_376] : memref<256xf32, #tpu.memory_space<vmem>>[vector<16xi32>], vector<16xf32>,
          %mul3A_378 = arith.constant 128 : i32
          %mul3A_379 = arith.muli %add3A_372, %mul3A_378 : i32
          %add3A_380 = arith.constant 8192 : i32
          %add3A_381 = arith.addi %add3A_380, %mul3A_379 : i32
          %add3A_382 = arith.constant 0 : i32
          %add3A_383 = arith.addi %add3A_381, %add3A_382 : i32
          %swap3A_384 = arith.index_cast %add3A_383 : i32 to index
          %swap3A_385 = tpu.vector_load %arg17[%swap3A_384] {strides = array<i32>} : memref<16384xf32, #tpu.memory_space<vmem>>, vector<16xf32>,
          tpu.vector_store %arg17[%swap3A_384], %gather3A_377 {strides = array<i32>} : memref<16384xf32, #tpu.memory_space<vmem>>, vector<16xf32>,
          %add3A_386 = arith.addi %broadcast_in_dim3A_375, %gather3A_78 : vector<16xi32>
          %gather3A_387 = tpu.vector_load_idx %arg12[%add3A_386] : memref<256xf32, #tpu.memory_space<vmem>>[vector<16xi32>], vector<16xf32>,
          %mul3A_388 = arith.constant 128 : i32
          %mul3A_389 = arith.muli %add3A_372, %mul3A_388 : i32
          %add3A_390 = arith.constant 8192 : i32
          %add3A_391 = arith.addi %add3A_390, %mul3A_389 : i32
          %add3A_392 = arith.constant 16 : i32
          %add3A_393 = arith.addi %add3A_391, %add3A_392 : i32
          %swap3A_394 = arith.index_cast %add3A_393 : i32 to index
          %swap3A_395 = tpu.vector_load %arg17[%swap3A_394] {strides = array<i32>} : memref<16384xf32, #tpu.memory_space<vmem>>, vector<16xf32>,
          tpu.vector_store %arg17[%swap3A_394], %gather3A_387 {strides = array<i32>} : memref<16384xf32, #tpu.memory_space<vmem>>, vector<16xf32>,
          %add3A_396 = arith.addi %broadcast_in_dim3A_375, %gather3A_82 : vector<16xi32>
          %gather3A_397 = tpu.vector_load_idx %arg12[%add3A_396] : memref<256xf32, #tpu.memory_space<vmem>>[vector<16xi32>], vector<16xf32>,
          %mul3A_398 = arith.constant 128 : i32
          %mul3A_399 = arith.muli %add3A_372, %mul3A_398 : i32
          %add3A_400 = arith.constant 8192 : i32
          %add3A_401 = arith.addi %add3A_400, %mul3A_399 : i32
          %add3A_402 = arith.constant 32 : i32
          %add3A_403 = arith.addi %add3A_401, %add3A_402 : i32
          %swap3A_404 = arith.index_cast %add3A_403 : i32 to index
          %swap3A_405 = tpu.vector_load %arg17[%swap3A_404] {strides = array<i32>} : memref<16384xf32, #tpu.memory_space<vmem>>, vector<16xf32>,
          tpu.vector_store %arg17[%swap3A_404], %gather3A_397 {strides = array<i32>} : memref<16384xf32, #tpu.memory_space<vmem>>, vector<16xf32>,
          %add3A_406 = arith.addi %broadcast_in_dim3A_375, %gather3A_86 : vector<16xi32>
          %gather3A_407 = tpu.vector_load_idx %arg12[%add3A_406] : memref<256xf32, #tpu.memory_space<vmem>>[vector<16xi32>], vector<16xf32>,
          %mul3A_408 = arith.constant 128 : i32
          %mul3A_409 = arith.muli %add3A_372, %mul3A_408 : i32
          %add3A_410 = arith.constant 8192 : i32
          %add3A_411 = arith.addi %add3A_410, %mul3A_409 : i32
          %add3A_412 = arith.constant 48 : i32
          %add3A_413 = arith.addi %add3A_411, %add3A_412 : i32
          %swap3A_414 = arith.index_cast %add3A_413 : i32 to index
          %swap3A_415 = tpu.vector_load %arg17[%swap3A_414] {strides = array<i32>} : memref<16384xf32, #tpu.memory_space<vmem>>, vector<16xf32>,
          tpu.vector_store %arg17[%swap3A_414], %gather3A_407 {strides = array<i32>} : memref<16384xf32, #tpu.memory_space<vmem>>, vector<16xf32>,
          %add3A_416 = arith.addi %broadcast_in_dim3A_375, %gather3A_90 : vector<16xi32>
          %gather3A_417 = tpu.vector_load_idx %arg12[%add3A_416] : memref<256xf32, #tpu.memory_space<vmem>>[vector<16xi32>], vector<16xf32>,
          %mul3A_418 = arith.constant 128 : i32
          %mul3A_419 = arith.muli %add3A_372, %mul3A_418 : i32
          %add3A_420 = arith.constant 8192 : i32
          %add3A_421 = arith.addi %add3A_420, %mul3A_419 : i32
          %add3A_422 = arith.constant 64 : i32
          %add3A_423 = arith.addi %add3A_421, %add3A_422 : i32
          %swap3A_424 = arith.index_cast %add3A_423 : i32 to index
          %swap3A_425 = tpu.vector_load %arg17[%swap3A_424] {strides = array<i32>} : memref<16384xf32, #tpu.memory_space<vmem>>, vector<16xf32>,
          tpu.vector_store %arg17[%swap3A_424], %gather3A_417 {strides = array<i32>} : memref<16384xf32, #tpu.memory_space<vmem>>, vector<16xf32>,
          %add3A_426 = arith.addi %broadcast_in_dim3A_375, %gather3A_94 : vector<16xi32>
          %gather3A_427 = tpu.vector_load_idx %arg12[%add3A_426] : memref<256xf32, #tpu.memory_space<vmem>>[vector<16xi32>], vector<16xf32>,
          %mul3A_428 = arith.constant 128 : i32
          %mul3A_429 = arith.muli %add3A_372, %mul3A_428 : i32
          %add3A_430 = arith.constant 8192 : i32
          %add3A_431 = arith.addi %add3A_430, %mul3A_429 : i32
          %add3A_432 = arith.constant 80 : i32
          %add3A_433 = arith.addi %add3A_431, %add3A_432 : i32
          %swap3A_434 = arith.index_cast %add3A_433 : i32 to index
          %swap3A_435 = tpu.vector_load %arg17[%swap3A_434] {strides = array<i32>} : memref<16384xf32, #tpu.memory_space<vmem>>, vector<16xf32>,
          tpu.vector_store %arg17[%swap3A_434], %gather3A_427 {strides = array<i32>} : memref<16384xf32, #tpu.memory_space<vmem>>, vector<16xf32>,
          %add3A_436 = arith.addi %broadcast_in_dim3A_375, %gather3A_98 : vector<16xi32>
          %gather3A_437 = tpu.vector_load_idx %arg12[%add3A_436] : memref<256xf32, #tpu.memory_space<vmem>>[vector<16xi32>], vector<16xf32>,
          %mul3A_438 = arith.constant 128 : i32
          %mul3A_439 = arith.muli %add3A_372, %mul3A_438 : i32
          %add3A_440 = arith.constant 8192 : i32
          %add3A_441 = arith.addi %add3A_440, %mul3A_439 : i32
          %add3A_442 = arith.constant 96 : i32
          %add3A_443 = arith.addi %add3A_441, %add3A_442 : i32
          %swap3A_444 = arith.index_cast %add3A_443 : i32 to index
          %swap3A_445 = tpu.vector_load %arg17[%swap3A_444] {strides = array<i32>} : memref<16384xf32, #tpu.memory_space<vmem>>, vector<16xf32>,
          tpu.vector_store %arg17[%swap3A_444], %gather3A_437 {strides = array<i32>} : memref<16384xf32, #tpu.memory_space<vmem>>, vector<16xf32>,
          %add3A_446 = arith.addi %broadcast_in_dim3A_375, %gather3A_102 : vector<16xi32>
          %gather3A_447 = tpu.vector_load_idx %arg12[%add3A_446] : memref<256xf32, #tpu.memory_space<vmem>>[vector<16xi32>], vector<16xf32>,
          %mul3A_448 = arith.constant 128 : i32
          %mul3A_449 = arith.muli %add3A_372, %mul3A_448 : i32
          %add3A_450 = arith.constant 8192 : i32
          %add3A_451 = arith.addi %add3A_450, %mul3A_449 : i32
          %add3A_452 = arith.constant 112 : i32
          %add3A_453 = arith.addi %add3A_451, %add3A_452 : i32
          %swap3A_454 = arith.index_cast %add3A_453 : i32 to index
          %swap3A_455 = tpu.vector_load %arg17[%swap3A_454] {strides = array<i32>} : memref<16384xf32, #tpu.memory_space<vmem>>, vector<16xf32>,
          tpu.vector_store %arg17[%swap3A_454], %gather3A_447 {strides = array<i32>} : memref<16384xf32, #tpu.memory_space<vmem>>, vector<16xf32>,
        }
        %scan3A_108 = arith.constant 16 : i32
      } else {
      }
      %lt3A_67 = arith.constant 257 : i32
      %lt3A_68 = arith.cmpi slt, %add3A_46, %lt3A_67 : i32
      %convert_element_type3A_69 = arith.extui %lt3A_68 : i1 to i32
      %cond3A_70 = arith.constant 0 : i32
      %cond3A_71 = arith.cmpi ne, %convert_element_type3A_69, %cond3A_70 : i32
      scf.if %cond3A_71 {
        %mul3A_72 = arith.constant 32 : i32
        %mul3A_73 = arith.muli %add3A_46, %mul3A_72 : i32
        %add3A_74 = arith.addi %mul3A_73, %add3A : i32
        %mul3A_75 = arith.constant 8192 : i32
        %mul3A_76 = arith.muli %add3A_74, %mul3A_75 : i32
        %dma_start3A = arith.constant 8192 : i32
        %dma_start3A_77 = tpu.memref_slice %arg17[%dma_start3A] : memref<16384xf32, #tpu.memory_space<vmem>> -> memref<8192xf32, #tpu.memory_space<vmem>>
        %dma_start3A_78 = tpu.memref_slice %arg8[%mul3A_76] : memref<67371008xf32, #tpu.memory_space<hbm>> -> memref<8192xf32, #tpu.memory_space<hbm>>
        %dma_start3A_79 = tpu.memref_slice %arg8[%mul3A_76] : memref<67371008xf32, #tpu.memory_space<hbm>> -> memref<8192xf32, #tpu.memory_space<hbm>>
        %dma_start3A_80 = arith.constant 8192 : i32
        %dma_start3A_81 = tpu.memref_slice %arg17[%dma_start3A_80] : memref<16384xf32, #tpu.memory_space<vmem>> -> memref<8192xf32, #tpu.memory_space<vmem>>
        tpu.enqueue_dma source(%dma_start3A_81 : memref<8192xf32, #tpu.memory_space<vmem>>) target(%dma_start3A_79 : memref<8192xf32, #tpu.memory_space<hbm>>) target_semaphore(%arg19 : memref<!tpu.dma_semaphore, #tpu.memory_space<semaphore_mem>>)
      } else {
      }
    }
    %scan3A_19 = arith.constant 130 : i32
    return
  }
}

module attributes {stable_mosaic.version = 14 : i64} {
  func.func @_tc_body(%arg0: i32, %arg1: memref<262144xf32, #tpu.memory_space<vmem>>, %arg2: memref<1x1x64xf32, #tpu.memory_space<vmem>>, %arg3: memref<1x64xf32, #tpu.memory_space<vmem>>, %arg4: memref<1x64xf32, #tpu.memory_space<vmem>>, %arg5: memref<1x64x4096xf32, #tpu.memory_space<vmem>>) attributes {dimension_semantics = [#tpu.dimension_semantics<arbitrary>], iteration_bounds = array<i64: 257>, scalar_prefetch = 0 : i64, scratch_operands = 0 : i64, tpu.core_type = #tpu.core_type<tc>, window_params = [{transform_indices = @transform_0, window_bounds = array<i64: 262144>}, {transform_indices = @transform_1, window_bounds = array<i64: 1, 1, 64>}, {pipeline_mode = #tpu.pipeline_mode<synchronous>, transform_indices = @transform_2, window_bounds = array<i64: 1, 64>}, {pipeline_mode = #tpu.pipeline_mode<synchronous>, transform_indices = @transform_3, window_bounds = array<i64: 1, 64>}, {transform_indices = @transform_4, window_bounds = array<i64: 1, 64, 4096>}]} {
    %get3A = arith.constant 0 : index
    %get3A_0 = vector.load %arg1[%get3A] : memref<262144xf32, #tpu.memory_space<vmem>>, vector<262144xf32>
    %reshape3A = vector.shape_cast %get3A_0 : vector<262144xf32> to vector<32x64x128xf32>
    %get3A_1 = arith.constant 0 : index
    %get3A_2 = arith.constant 0 : index
    %get3A_3 = arith.constant 0 : index
    %get3A_4 = vector.load %arg2[%get3A_1, %get3A_2, %get3A_3] : memref<1x1x64xf32, #tpu.memory_space<vmem>>, vector<1x1x64xf32>
    %reshape3A_5 = vector.shape_cast %get3A_4 : vector<1x1x64xf32> to vector<1x64x1xf32>
    %add3A = vector.broadcast %reshape3A_5 : vector<1x64x1xf32> to vector<32x64x128xf32>
    %add3A_6 = arith.addf %reshape3A, %add3A : vector<32x64x128xf32>
    %reduce_sum3A = arith.constant dense<0.000000e+00> : vector<32x128xf32>
    %reduce_sum3A_7 = vector.multi_reduction <add>, %add3A_6, %reduce_sum3A [1] : vector<32x64x128xf32> to vector<32x128xf32>
    %broadcast_in_dim3A = vector.shape_cast %reduce_sum3A_7 : vector<32x128xf32> to vector<32x1x128xf32>
    %div3A = arith.constant 6.400000e+01 : f32
    %div3A_8 = vector.broadcast %div3A : f32 to vector<32x1x128xf32>
    %div3A_9 = arith.divf %broadcast_in_dim3A, %div3A_8 : vector<32x1x128xf32>
    %mul3A = arith.mulf %add3A_6, %add3A_6 : vector<32x64x128xf32>
    %reduce_sum3A_10 = arith.constant dense<0.000000e+00> : vector<32x128xf32>
    %reduce_sum3A_11 = vector.multi_reduction <add>, %mul3A, %reduce_sum3A_10 [1] : vector<32x64x128xf32> to vector<32x128xf32>
    %broadcast_in_dim3A_12 = vector.shape_cast %reduce_sum3A_11 : vector<32x128xf32> to vector<32x1x128xf32>
    %div3A_13 = arith.constant 6.400000e+01 : f32
    %div3A_14 = vector.broadcast %div3A_13 : f32 to vector<32x1x128xf32>
    %div3A_15 = arith.divf %broadcast_in_dim3A_12, %div3A_14 : vector<32x1x128xf32>
    %mul3A_16 = arith.mulf %div3A_9, %div3A_9 : vector<32x1x128xf32>
    %sub3A = arith.subf %div3A_15, %mul3A_16 : vector<32x1x128xf32>
    %sub3A_17 = vector.broadcast %div3A_9 : vector<32x1x128xf32> to vector<32x64x128xf32>
    %sub3A_18 = arith.subf %add3A_6, %sub3A_17 : vector<32x64x128xf32>
    %add3A_19 = arith.constant 9.99999974E-6 : f32
    %add3A_20 = vector.broadcast %add3A_19 : f32 to vector<32x1x128xf32>
    %add3A_21 = arith.addf %sub3A, %add3A_20 : vector<32x1x128xf32>
    %rsqrt3A = math.rsqrt %add3A_21 : vector<32x1x128xf32>
    %mul3A_22 = vector.broadcast %rsqrt3A : vector<32x1x128xf32> to vector<32x64x128xf32>
    %mul3A_23 = arith.mulf %sub3A_18, %mul3A_22 : vector<32x64x128xf32>
    %get3A_24 = arith.constant 0 : index
    %get3A_25 = arith.constant 0 : index
    %get3A_26 = vector.load %arg3[%get3A_24, %get3A_25] : memref<1x64xf32, #tpu.memory_space<vmem>>, vector<1x64xf32>
    %reshape3A_27 = vector.shape_cast %get3A_26 : vector<1x64xf32> to vector<1x64x1xf32>
    %mul3A_28 = vector.broadcast %reshape3A_27 : vector<1x64x1xf32> to vector<32x64x128xf32>
    %mul3A_29 = arith.mulf %mul3A_23, %mul3A_28 : vector<32x64x128xf32>
    %get3A_30 = arith.constant 0 : index
    %get3A_31 = arith.constant 0 : index
    %get3A_32 = vector.load %arg4[%get3A_30, %get3A_31] : memref<1x64xf32, #tpu.memory_space<vmem>>, vector<1x64xf32>
    %reshape3A_33 = vector.shape_cast %get3A_32 : vector<1x64xf32> to vector<1x64x1xf32>
    %add3A_34 = vector.broadcast %reshape3A_33 : vector<1x64x1xf32> to vector<32x64x128xf32>
    %add3A_35 = arith.addf %mul3A_29, %add3A_34 : vector<32x64x128xf32>
    %transpose3A = tpu.transpose %add3A_35, [1, 0, 2] : vector<32x64x128xf32> -> vector<64x32x128xf32>
    %reshape3A_36 = vector.shape_cast %transpose3A : vector<64x32x128xf32> to vector<1x64x4096xf32>
    %swap3A = arith.constant 0 : index
    %swap3A_37 = arith.constant 0 : index
    %swap3A_38 = arith.constant 0 : index
    %swap3A_39 = vector.load %arg5[%swap3A, %swap3A_37, %swap3A_38] : memref<1x64x4096xf32, #tpu.memory_space<vmem>>, vector<1x64x4096xf32>
    tpu.vector_store %arg5[%swap3A, %swap3A_37, %swap3A_38], %reshape3A_36 {strides = array<i32>} : memref<1x64x4096xf32, #tpu.memory_space<vmem>>, vector<1x64x4096xf32>,
    return
  }
  func.func @transform_0(%arg0: i32) -> i32 {
    %c0_i32 = arith.constant 0 : i32
    return %arg0 : i32
  }
  func.func @transform_1(%arg0: i32) -> (i32, i32, i32) {
    %c0_i32 = arith.constant 0 : i32
    %c0_i32_0 = arith.constant 0 : i32
    %c0_i32_1 = arith.constant 0 : i32
    return %arg0, %c0_i32, %c0_i32_0 : i32, i32, i32
  }
  func.func @transform_2(%arg0: i32) -> (i32, i32) {
    %c0_i32 = arith.constant 0 : i32
    %c0_i32_0 = arith.constant 0 : i32
    %c0_i32_1 = arith.constant 0 : i32
    return %c0_i32, %c0_i32_0 : i32, i32
  }
  func.func @transform_3(%arg0: i32) -> (i32, i32) {
    %c0_i32 = arith.constant 0 : i32
    %c0_i32_0 = arith.constant 0 : i32
    %c0_i32_1 = arith.constant 0 : i32
    return %c0_i32, %c0_i32_0 : i32, i32
  }
  func.func @transform_4(%arg0: i32) -> (i32, i32, i32) {
    %c0_i32 = arith.constant 0 : i32
    %c0_i32_0 = arith.constant 0 : i32
    %c0_i32_1 = arith.constant 0 : i32
    return %arg0, %c0_i32, %c0_i32_0 : i32, i32, i32
  }
}

</mosaic_0001>

<sc_bundles>
// kernel: kernel.4.cloned.1.call-start
scs
__scs_entry_jumppad:
0x0: {  	(pc) =	sbr.rel $0x88, $3  }
0x1: {  	(tag) =	ssettag $0x0;
	lr =	simm.s32 $0x1  }
0x2: {  	[smem:$0x3F98] =	sst lr;
	_ =	strace $0xD0000000  }
0x3: {  	_ = 	snop  }
0x4: {  	_ = 	snop  }
0x5: {  	_ = 	snop  }
0x6: {  	_ = 	snop  }
0x7: {  	_ = 	snop  }
__scs_overlays_trampoline_lowered:
0x8: {  	[smem:$0x3FA7] =	sst s0  }
0x9: {  	[smem:$0x3FA8] =	sst s1  }
0xa: {  	[smem:$0x3FA9] =	sst s2  }
0xb: {  	[smem:$0x3FAA] =	sst s3  }
0xc: {  	[smem:$0x3FAB] =	sst s4  }
0xd: {  	[smem:$0x3FAC] =	sst s5  }
0xe: {  	[smem:$0x3FAD] =	sst s6  }
0xf: {  	[smem:$0x3FAE] =	sst s7  }
0x10: {  	[smem:$0x3FAF] =	sst s8  }
0x11: {  	[smem:$0x3FB0] =	sst s9;
	s0 =	simm.s32 @!p0 $0x0  }
0x12: {  	s1 =	sld [smem:$0x3F96];
	s0 =	simm.s32 @p0 $0x1  }
0x13: {  	[smem:$0x3FB1] =	sst s0;
	s0 =	simm.s32 @!p1 $0x0  }
0x14: {  	s2 =	sld [smem:$0x3F95];
	s0 =	simm.s32 @p1 $0x1  }
0x15: {  	[smem:$0x3FB2] =	sst s0;
	s0 =	simm.s32 @!p2 $0x0  }
0x16: {  	s3 =	sld [smem:$0x3FDB];
	s0 =	simm.s32 @p2 $0x1  }
0x17: {  	s4 =	simm.s32 $0x1BF5;
	[smem:$0x3FB4] =	sst s0  }
0x18: {  	s0 =	sld [smem:$0x3F97];
	_ =	swait.ge [sflag:s4], $0x0  }
0x19: {  	s7 =	sld [smem:$0x3F98]  }
0x1a: {  	s8 =	sadd.s32 $0xFFFFE003, lr  }
0x1b: {  	s9 =	sadd.s32 $0xFFFFFEF7, lr;
	s5 =	simm.s32 $0xFFFFFFFF;
	p2 =	slt.u32 s8, $0xFFFFF086  }
0x1c: {  	p1 =	slt.u32 s9, $0xF7A;
	s5 =	simm.s32 @!p2 $0x0  }
0x1d: {  	s5 =	simm.s32 @p1 $0x1;
	p0 =	seq.s32 s7, s2  }
0x1e: {  	s7 =	smul.u32 @!p0 $0xF7A, s2;
	p2 =	seq.s32 @!p0 s5, $0x0  }
0x1f: {  	s9 =	smul.u32 $0xF7A, s1;
	s8 =	simm.s32 @!p0 $0x1BF5;
	p2 =	por !p2, p0  }
0x20: {  	[sflag:s8] =	ssyncset.s32 @!p0 $0xFFFFF086;
	s6 =	sadd.s32 @!p0 s3, s7;
	s7 =	simm.s32 @!p0 $0x108  }
0x21: {  	s3 =	sadd.s32 s3, s9;
	s6 =	sadd.s32 @!p0 $0x88, s6;
	s7 =	simm.s32 @p2 $0x1082  }
0x22: {  	[simem:s7], [sflag:s8] =	dma.local @!p0 [hbm:s6], $0xF7A  }
0x23: {  	s9 =	sor.u32 $0xD0000000, s2;
	s6 =	simm.s32 $0x108;
	_ =	swait.ge @!p0 [sflag:s8], $0x0  }
0x24: {  	s3 =	sadd.s32 $0x88, s3;
	s6 =	simm.s32 @!p1 $0x1082;
	[sflag:s4] =	ssyncset.s32 $0xFFFFF086  }
0x25: {  	[simem:s6], [sflag:s4] =	dma.local [hbm:s3], $0xF7A  }
0x26: {  	[smem:$0x3F98] =	sst s1;
	(tag) =	ssettag s2;
	_ =	strace s9  }
0x27: {  	s1 =	sld [smem:$0x3FA8]  }
0x28: {  	s2 =	sld [smem:$0x3FA9]  }
0x29: {  	s4 =	sld [smem:$0x3FAB]  }
0x2a: {  	p0 =	seq.s32 s5, $0x0;
	s5 =	sld [smem:$0x3FAC]  }
0x2b: {  	s6 =	sld [smem:$0x3FAD]  }
0x2c: {  	s7 =	sld [smem:$0x3FAE]  }
0x2d: {  	s3 =	simm.s32 $0x108;
	s8 =	sld [smem:$0x3FAF]  }
0x2e: {  	s3 =	simm.s32 @!p0 $0x1082;
	s9 =	sld [smem:$0x3FB0]  }
0x2f: {  	lr =	sadd.s32 s0, s3;
	s0 =	sld [smem:$0x3FA7]  }
0x30: {  	s3 =	sld [smem:$0x3FAA]  }
0x31: {  	[smem:$0x3FB3] =	sst s10  }
0x32: {  	s10 =	sld [smem:$0x3FB1];
	_ =	sdelay $0x3  }
0x33: {  	p0 =	seq.s32 s10, $0x1;
	s10 =	sld [smem:$0x3FB3];
	_ =	sdelay $0x3  }
0x34: {  	[smem:$0x3FB3] =	sst s10  }
0x35: {  	s10 =	sld [smem:$0x3FB2];
	_ =	sdelay $0x3  }
0x36: {  	p1 =	seq.s32 s10, $0x1;
	s10 =	sld [smem:$0x3FB3];
	_ =	sdelay $0x3  }
0x37: {  	[smem:$0x3FB3] =	sst s10  }
0x38: {  	s10 =	sld [smem:$0x3FB4]  }
0x39: {  	_ = 	snop;
	(pc) =	sbr.ind lr, $3  }
0x3a: {  	_ = 	snop  }
0x3b: {  	_ = 	snop  }
0x3c: {  	p2 =	seq.s32 s10, $0x1;
	s10 =	sld [smem:$0x3FB3]  }
0x3d: {  	_ =	shalt  }
0x3e: {  	_ =	shalt  }
0x3f: {  	_ =	shalt  }
0x40: {  	_ =	shalt  }
0x41: {  	_ =	shalt  }
0x42: {  	_ =	shalt  }
0x43: {  	_ =	shalt  }
0x44: {  	_ =	shalt  }
0x45: {  	_ =	shalt  }
0x46: {  	_ =	shalt  }
0x47: {  	_ =	shalt  }
0x48: {  	_ =	shalt  }
0x49: {  	_ =	shalt  }
0x4a: {  	_ =	shalt  }
0x4b: {  	_ =	shalt  }
0x4c: {  	_ =	shalt  }
0x4d: {  	_ =	shalt  }
0x4e: {  	_ =	shalt  }
0x4f: {  	_ =	shalt  }
0x50: {  	_ =	shalt  }
0x51: {  	_ =	shalt  }
0x52: {  	_ =	shalt  }
0x53: {  	_ =	shalt  }
0x54: {  	_ =	shalt  }
0x55: {  	_ =	shalt  }
0x56: {  	_ =	shalt  }
0x57: {  	_ =	shalt  }
0x58: {  	_ =	shalt  }
0x59: {  	_ =	shalt  }
0x5a: {  	_ =	shalt  }
0x5b: {  	_ =	shalt  }
0x5c: {  	_ =	shalt  }
0x5d: {  	_ =	shalt  }
0x5e: {  	_ =	shalt  }
0x5f: {  	_ =	shalt  }
0x60: {  	_ =	shalt  }
0x61: {  	_ =	shalt  }
0x62: {  	_ =	shalt  }
0x63: {  	_ =	shalt  }
0x64: {  	_ =	shalt  }
0x65: {  	_ =	shalt  }
0x66: {  	_ =	shalt  }
0x67: {  	_ =	shalt  }
0x68: {  	_ =	shalt  }
0x69: {  	_ =	shalt  }
0x6a: {  	_ =	shalt  }
0x6b: {  	_ =	shalt  }
0x6c: {  	_ =	shalt  }
0x6d: {  	_ =	shalt  }
0x6e: {  	_ =	shalt  }
0x6f: {  	_ =	shalt  }
0x70: {  	_ =	shalt  }
0x71: {  	_ =	shalt  }
0x72: {  	_ =	shalt  }
0x73: {  	_ =	shalt  }
0x74: {  	_ =	shalt  }
0x75: {  	_ =	shalt  }
0x76: {  	_ =	shalt  }
0x77: {  	_ =	shalt  }
0x78: {  	_ =	shalt  }
0x79: {  	_ =	shalt  }
0x7a: {  	_ =	shalt  }
0x7b: {  	_ =	shalt  }
0x7c: {  	_ =	shalt  }
0x7d: {  	_ =	shalt  }
0x7e: {  	_ =	shalt  }
0x7f: {  	_ =	shalt  }
0x80: {  	_ =	shalt  }
0x81: {  	_ =	shalt  }
0x82: {  	_ =	shalt  }
0x83: {  	_ =	shalt  }
0x84: {  	_ =	shalt  }
0x85: {  	_ =	shalt  }
0x86: {  	_ =	shalt  }
0x87: {  	_ =	shalt  }
.Lfunc_end0:
.L_simem_size_0:
called_computation_lowered:
.L_overlay_start_0:
0x88: {  	s2 =	sld [smem:$0x3FD9]  }
0x89: {  	s3 =	sld [smem:$0x3FFE];
	_ =	sdelay $0x1  }
0x8a: {  	s1 =	srdreg.scid  }
0x8b: {  	s0 =	sand.u32 $0x1, s1  }
0x8c: {  	s17 =	sshll.u32 s0, $0xA;
	s2 =	sadd.s32 s3, s2  }
0x8d: {  	s2 =	sadd.s32 s2, s17  }
0x8e: {  	[smem:$0x3FBF] =	sst s2  }
0x8f: {  	_ = 	snop  }
0x90: {  	s2 =	sld [smem:$0x3FD0];
	(tm) =	ssettm $0x1  }
0x91: {  	s18 =	sld [smem:$0x3FFB];
	_ =	sdelay $0x3  }
0x92: {  	_ =	strace s18  }
0x93: {  	s3 =	sld [smem:$0x3FFC];
	_ =	sdelay $0x3  }
0x94: {  	_ =	strace s3  }
0x95: {  	s3 =	sld [smem:$0x3FFD];
	_ =	sdelay $0x3  }
0x96: {  	_ =	strace s3  }
0x97: {  	_ =	strace $0x8FFFFFFF  }
0x98: {  	s19 =	sld [smem:$0x3FDB];
	_ =	sdelay $0x1  }
0x99: {  	s4 =	simm.s32 $_scs_section_size  }
0x9a: {  	s5 =	simm.s32 $_size__tile_overlayer_lowered;
	s6 =	simm.s32 $_tile_overlayer_lowered  }
0x9b: {  	s22 =	simm.s32 $0x1BFF;
	s21 =	sshll.u32 s6, $0x1;
	s3 =	sadd.s32 s4, s19  }
0x9c: {  	s7 =	simm.s32 $0x0;
	s20 =	sshll.u32 s5, $0x1;
	s5 =	sadd.s32 s21, s3  }
0x9d: {  	[timem:s7], [sflag:s22] =	dma.local [hbm:s5], s20  }
0x9e: {  	_ =	swait.ge [sflag:s22], s20  }
0x9f: {  	s4 =	ssub.s32 $0x0, s20;
	[sflag:s22] =	ssyncset.done $0x0  }
0xa0: {  	[sflag:s22] =	ssyncadd.s32 s4;
	_ =	sdelay $0x1  }
0xa1: {  	s23 =	simm.s32 $0x1B8B  }
0xa2: {  	_ =	swait.ge [sflag:s23], $0x1  }
0xa3: {  	[sflag:s23] =	ssyncset.done $0x0  }
0xa4: {  	s25 =	simm.s32 $0x1B8E;
	s24 =	sld [smem:$0x3FFE];
	[sflag:s23] =	ssyncadd.s32 $0xFFFFFFFF  }
0xa5: {  	s26 =	simm.s32 $execute0_lowered;
	[smem:$0x3FD2] =	sst s25  }
0xa6: {  	s5 =	sshll.u32 s26, $0x1;
	_ =	strace $0x80000046;
	[dreg:$0x1] =	wrdreg $0xFFFFFFFF  }
0xa7: {  	s28 =	simm.s32 $_size_execute0_lowered;
	s3 =	sadd.s32 s3, s5;
	[dreg:$0x0] =	wrdreg $0x0  }
0xa8: {  	s5 =	sshll.u32 s28, $0x1;
	[dreg:$0x2] =	wrdreg s3  }
0xa9: {  	[dreg:$0x3] =	wrdreg s5  }
0xaa: {  	[dreg:$0x4] =	wrdreg $0xC0  }
0xab: {  	_ =	task [dreg:s7], $0x5FFFF  }
0xac: {  	[dreg:$0x1] =	wrdreg $0xFFFFFFFF  }
0xad: {  	[dreg:$0x0] =	wrdreg $0x60  }
0xae: {  	[dreg:$0x2] =	wrdreg s2  }
0xaf: {  	[dreg:$0x3] =	wrdreg s24  }
0xb0: {  	[dreg:$0x4] =	wrdreg $0x9  }
0xb1: {  	_ =	task.clear_ibuf [dreg:s7], $0x5FFFF;
	_ =	strace $0x90000046  }
0xb2: {  	s29 =	simm.s32 $0x9;
	_ =	strace $0x80000048  }
0xb3: {  	_ =	swait.ge [sflag:s29], $0x1  }
0xb4: {  	[sflag:s29] =	ssyncadd.s32 $0xFFFFFFFF  }
0xb5: {  	_ =	strace $0x90000048  }
0xb6: {  	_ =	sfence  }
0xb7: {  	s30 =	sld [smem:$0x0];
	_ =	sdelay $0x2  }
0xb8: {  	s31 =	sshll.u32 s1, $0xD;
	s1 =	sshrl.u32 s1, $0x2  }
0xb9: {  	s3 =	sand.u32 $0x4000, s31;
	s1 =	sadd.s32 s1, s30  }
0xba: {  	s0 =	sor.u32 s3, s0;
	s1 =	sshll.u32 s1, $0x11  }
0xbb: {  	s0 =	sor.u32 s1, s0  }
0xbc: {  	s0 =	sadd.s32 $0x8F2B, s0  }
0xbd: {  	[sflag:s0] =	ssyncadd.remote.s32 $0x1  }
0xbe: {  	_ =	sfence.sel $0xFFFF  }
0xbf: {  	[dreg:$0x0] =	wrdreg $0xFFFFFFFF;
	(pc) =	sbr.abs _section_cstart, $3  }
0xc0: {  	[dreg:$0x1] =	wrdreg $0xFFFFFFFF  }
0xc1: {  	_ =	task.clear_ibuf [dreg:s7], $0x2FFFF;
	_ =	strace $0x9FFFFFFF  }
0xc2: {  	(tm) =	ssettm $0x7FFFFFFF  }
0xc3: {  	_ =	shalt  }
tec
execute0_lowered:
.L_overlay_start_1:
0x0: {  	(tag) =	ssettag $0x1  }
0x1: {  	s0 =	rddreg [dreg:$0x0];
	s1 =	srdreg.scid  }
0x2: {  	s2 =	stileid.u32;
	s3 =	rddreg [dreg:$0x1]  }
0x3: {  	s11 =	simm.s32 $0x3;
	s12 =	simm.s32 $0x400;
	s13 =	simm.s32 $0x800  }
0x4: {  	s14 =	simm.s32 $0xC00;
	s15 =	simm.s32 $0x8D00;
	s17 =	simm.s32 $0x8D80  }
0x5: {  	s18 =	simm.s32 $0xD00;
	s19 =	simm.s32 $0x4D00;
	s20 =	simm.s32 $0x10D80  }
0x6: {  	s21 =	simm.s32 $0x0;
	s28 =	simm.s32 $0x4;
	s29 =	simm.s32 $0x5  }
0x7: {  	s30 =	simm.s32 $0x6;
	s4 =	sshll.u32 s2, $0x1;
	s2 =	simm.s32 $0x0  }
0x8: {  	s31 =	simm.s32 $0x7;
	s6 =	sadd.s32 $0xC00, s3;
	[smem:$0x7FF] =	sst s2  }
0x9: {  	s22 =	sadd.s32 $0xE00, s3;
	_ =	strace $0x80000047;
	[dreg:$0x3] =	wrdreg s6  }
0xa: {  	s1 =	sand.u32 $0x1, s1;
	s23 =	sadd.s32 $0x1000, s3;
	[dreg:$0x4] =	wrdreg s22  }
0xb: {  	s24 =	sadd.s32 $0x1200, s3;
	s4 =	sor.u32 s1, s4;
	[dreg:$0x5] =	wrdreg s23  }
0xc: {  	s1 =	ssub.s32 $0x2, s1;
	s5 =	sshll.u32 s4, $0x4;
	[dreg:$0x6] =	wrdreg s24  }
.Ltmp0:
0xd: {  	s25 =	sshll.u32 s4, $0xA;
	s4 =	sshll.u32 s4, $0x7;
	(pc) =	sbr.rel .LBB2_1-.Ltmp0, $4  }
0xe: {  	v0 =	vlaneseq.u32;
	v1 =	vimm.s32 $0x0;
	vm0 =	vcmask $0x300;
	s7 =	sshrl.u32 s1, $0x1;
	s5 =	sadd.s32 s5, s3;
	s0 =	sadd.s32 s0, s4  }
0xf: {  	v1 =	vsel vm0, $0x7, v1;
	v2 =	vor.u32 $0x10, v0;
	v3 =	vor.u32 $0x20, v0;
	s1 =	ssub.s32 s1, s7;
	s5 =	sadd.s32 $0xA00, s5;
	[dreg:$0x8] =	wrdreg s0  }
0x10: {  	v4 =	vor.u32 $0x30, v0;
	v5 =	vor.u32 $0x40, v0;
	v6 =	vor.u32 $0x50, v0;
	s3 =	sadd.s32 s25, s3;
	s26 =	smax.u32 s1, $0x1;
	[dreg:$0x7] =	wrdreg s5  }
0x11: {  	s16 =	simm.s32 $0xA;
	v7 =	vor.u32 $0x60, v0;
	v8 =	vor.u32 $0x70, v0;
	v9 =	vmul.u32 $0x10, v0;
	s9 =	sadd.s32 $0x1400, s3;
	[dreg:$0x9] =	wrdreg s26  }
.LBB2_21:
0x12: {  	s21 =	sadd.s32 $0x1, s21;
	s0 =	rddreg [dreg:$0x9]  }
0x13: {  	p0 =	sne.s32 s21, s0  }
.Ltmp1:
0x14: {  	_ = 	snop;
	(pc) =	sbr.rel @!p0 .LBB2_22-.Ltmp1, $1  }
0x15: {  	_ =	sdelay $0x3  }
.LBB2_1:
0x16: {  	s0 =	rddreg [dreg:$0x3]  }
0x17: {  	[tilespmem:s2], [sflag:$0x3] =	stream.linear.gather [hbm4b:s0+s2], $0x400, $0x38;
	[tilespmem:$0x14D80] =	vst v63  }
0x18: {  	_ =	swait.ge [sflag:s11], $0x400  }
0x19: {  	[sflag:s11] =	ssyncset.done $0x0  }
0x1a: {  	s3 =	rddreg [dreg:$0x4];
	[sflag:s11] =	ssyncadd.s32 $0xFFFFFC00  }
0x1b: {  	[tilespmem:s12], [sflag:$0x3] =	stream.linear.gather [hbm4b:s3+s2], $0x400, $0x38;
	[tilespmem:$0x14D80] =	vst v63  }
0x1c: {  	_ =	swait.ge [sflag:s11], $0x400  }
0x1d: {  	[sflag:s11] =	ssyncset.done $0x0  }
0x1e: {  	s4 =	rddreg [dreg:$0x5];
	[sflag:s11] =	ssyncadd.s32 $0xFFFFFC00  }
0x1f: {  	[tilespmem:s13], [sflag:$0x3] =	stream.linear.gather [hbm4b:s4+s2], $0x400, $0x38;
	[tilespmem:$0x14D80] =	vst v63  }
0x20: {  	_ =	swait.ge [sflag:s11], $0x400  }
0x21: {  	[sflag:s11] =	ssyncset.done $0x0  }
0x22: {  	s5 =	rddreg [dreg:$0x6];
	[sflag:s11] =	ssyncadd.s32 $0xFFFFFC00  }
0x23: {  	[tilespmem:s14], [sflag:$0x3] =	stream.linear.gather [hbm4b:s5+s2], $0x100, $0x38;
	[tilespmem:$0x14D80] =	vst v63  }
0x24: {  	_ =	swait.ge [sflag:s11], $0x100  }
0x25: {  	[sflag:s11] =	ssyncset.done $0x0  }
0x26: {  	s6 =	rddreg [dreg:$0x7];
	[sflag:s11] =	ssyncadd.s32 $0xFFFFFF00  }
0x27: {  	[tilespmem:s15], [sflag:$0x3] =	stream.linear.gather [hbm4b:s6+s2], $0x80, $0x38;
	[tilespmem:$0x14D80] =	vst v63  }
0x28: {  	_ =	swait.ge [sflag:s11], $0x80  }
0x29: {  	s23 =	simm.s32 $0x0;
	[sflag:s11] =	ssyncset.done $0x0  }
0x2a: {  	s1 =	simm.s32 $0x8000;
	v10 =	vor.u32 s23, v0;
	s7 =	rddreg [dreg:$0x8];
	[sflag:s11] =	ssyncadd.s32 $0xFFFFFF80  }
0x2b: {  	v11 =	vmov s23;
	[tilespmem:s17], [sflag:$0x3] =	stream.strided.gather [hbm4b:s7+s12], $0x8000, s1, s12, $0x38;
	[tilespmem:$0x14D80] =	vst v63  }
0x2c: {  	s8 =	simm.s32 $0x0;
	_ =	swait.ge [sflag:s11], $0x8000  }
0x2d: {  	v12 =	vmov s8;
	[sflag:s11] =	ssyncset.done $0x0  }
0x2e: {  	v12 =	vshrl.u32 v12, $0x7;
	[sflag:s11] =	ssyncadd.s32 $0xFFFF8000  }
0x2f: {  	s10 =	simm.s32 $0x1;
	v12 =	vshll.u32 v12, v1;
	v10 =	vld.idx.msk [tilespmem:v10+s12+$0x0], $0xffff  }
0x30: {  	v13 =	vmov s10;
	v12 =	vbroadcast v12, $0x0;
	v11 =	vld.idx.msk [tilespmem:v11+s2+$0x0], $0xffff  }
0x31: {  	v13 =	vand.u32 $0xFFFFFFF1, v13  }
0x32: {  	v13 =	vbroadcast v13, $0x0;
	v14 =	vor.u32 v0, v12;
	_ =	sdelay $0x2  }
0x33: {  	v11 =	vadd.f32 v11, v10;
	_ =	sdelay $0x1  }
0x34: {  	s22 =	simm.s32 $0x2;
	[tilespmem:v14+s18+$0x0] =	vst.idx.msk $0xffff, v11  }
0x35: {  	v11 =	vld.idx.msk [tilespmem:v13+s2+$0x0], $0xffff;
	v13 =	vmov s22  }
0x36: {  	v13 =	vand.u32 $0xFFFFFFF2, v13  }
0x37: {  	v14 =	vor.u32 v2, v12;
	v13 =	vbroadcast v13, $0x0;
	_ =	sdelay $0x2  }
0x38: {  	v11 =	vadd.f32 v11, v10;
	_ =	sdelay $0x1  }
0x39: {  	s24 =	simm.s32 $0x3;
	[tilespmem:v14+s18+$0x0] =	vst.idx.msk $0xffff, v11  }
0x3a: {  	v11 =	vld.idx.msk [tilespmem:v13+s2+$0x0], $0xffff;
	v13 =	vmov s24  }
0x3b: {  	v13 =	vand.u32 $0xFFFFFFF3, v13  }
0x3c: {  	v14 =	vor.u32 v3, v12;
	v13 =	vbroadcast v13, $0x0;
	_ =	sdelay $0x2  }
0x3d: {  	v11 =	vadd.f32 v11, v10;
	_ =	sdelay $0x1  }
0x3e: {  	[tilespmem:v14+s18+$0x0] =	vst.idx.msk $0xffff, v11  }
0x3f: {  	v11 =	vld.idx.msk [tilespmem:v13+s2+$0x0], $0xffff;
	v13 =	vmov s28  }
0x40: {  	v13 =	vand.u32 $0xFFFFFFF4, v13  }
0x41: {  	v14 =	vor.u32 v4, v12;
	v13 =	vbroadcast v13, $0x0;
	_ =	sdelay $0x2  }
0x42: {  	v11 =	vadd.f32 v11, v10;
	_ =	sdelay $0x1  }
0x43: {  	[tilespmem:v14+s18+$0x0] =	vst.idx.msk $0xffff, v11  }
0x44: {  	v11 =	vld.idx.msk [tilespmem:v13+s2+$0x0], $0xffff;
	v13 =	vmov s29  }
0x45: {  	v13 =	vand.u32 $0xFFFFFFF5, v13  }
0x46: {  	v14 =	vor.u32 v5, v12;
	v13 =	vbroadcast v13, $0x0;
	_ =	sdelay $0x2  }
0x47: {  	v11 =	vadd.f32 v11, v10;
	_ =	sdelay $0x1  }
0x48: {  	[tilespmem:v14+s18+$0x0] =	vst.idx.msk $0xffff, v11  }
0x49: {  	v11 =	vld.idx.msk [tilespmem:v13+s2+$0x0], $0xffff;
	v13 =	vmov s30  }
0x4a: {  	v13 =	vand.u32 $0xFFFFFFF6, v13  }
0x4b: {  	v14 =	vor.u32 v6, v12;
	v13 =	vbroadcast v13, $0x0;
	_ =	sdelay $0x2  }
0x4c: {  	v11 =	vadd.f32 v11, v10;
	_ =	sdelay $0x1  }
0x4d: {  	[tilespmem:v14+s18+$0x0] =	vst.idx.msk $0xffff, v11  }
0x4e: {  	v11 =	vld.idx.msk [tilespmem:v13+s2+$0x0], $0xffff;
	v13 =	vmov s31  }
0x4f: {  	v13 =	vand.u32 $0xFFFFFFF7, v13  }
0x50: {  	v14 =	vor.u32 v7, v12;
	v13 =	vbroadcast v13, $0x0;
	_ =	sdelay $0x2  }
0x51: {  	v11 =	vadd.f32 v11, v10;
	_ =	sdelay $0x1  }
0x52: {  	s1 =	simm.s32 $0x8;
	[tilespmem:v14+s18+$0x0] =	vst.idx.msk $0xffff, v11  }
0x53: {  	v11 =	vld.idx.msk [tilespmem:v13+s2+$0x0], $0xffff;
	v13 =	vmov s1  }
0x54: {  	v13 =	vand.u32 $0xFFFFFFF8, v13  }
0x55: {  	v12 =	vor.u32 v8, v12;
	v13 =	vbroadcast v13, $0x0;
	_ =	sdelay $0x1  }
0x56: {  	s25 =	simm.s32 $0x80  }
0x57: {  	v14 =	vmov s25;
	v11 =	vadd.f32 v11, v10  }
0x58: {  	v14 =	vshrl.u32 v14, $0x7  }
0x59: {  	s0 =	simm.s32 $0x9;
	[tilespmem:v12+s18+$0x0] =	vst.idx.msk $0xffff, v11;
	v11 =	vshll.u32 v14, v1  }
0x5a: {  	v12 =	vld.idx.msk [tilespmem:v13+s2+$0x0], $0xffff;
	v11 =	vbroadcast v11, $0x0;
	v13 =	vmov s0  }
0x5b: {  	v13 =	vand.u32 $0xFFFFFFF9, v13  }
0x5c: {  	v11 =	vor.u32 v0, v11;
	v13 =	vbroadcast v13, $0x0;
	_ =	sdelay $0x1  }
0x5d: {  	s3 =	simm.s32 $0x90  }
0x5e: {  	v14 =	vmov s3;
	v12 =	vadd.f32 v12, v10  }
0x5f: {  	v14 =	vshrl.u32 v14, $0x7  }
0x60: {  	[tilespmem:v11+s18+$0x0] =	vst.idx.msk $0xffff, v12;
	v11 =	vshll.u32 v14, v1  }
0x61: {  	v12 =	vld.idx.msk [tilespmem:v13+s2+$0x0], $0xffff;
	v11 =	vbroadcast v11, $0x0;
	v13 =	vmov s16  }
0x62: {  	v13 =	vand.u32 $0xFFFFFFFA, v13  }
0x63: {  	v11 =	vor.u32 v2, v11;
	v13 =	vbroadcast v13, $0x0;
	_ =	sdelay $0x1  }
0x64: {  	s26 =	simm.s32 $0xA0  }
0x65: {  	v14 =	vmov s26;
	v12 =	vadd.f32 v12, v10  }
0x66: {  	v14 =	vshrl.u32 v14, $0x7  }
0x67: {  	s3 =	simm.s32 $0xB;
	[tilespmem:v11+s18+$0x0] =	vst.idx.msk $0xffff, v12;
	v11 =	vshll.u32 v14, v1  }
0x68: {  	v12 =	vld.idx.msk [tilespmem:v13+s2+$0x0], $0xffff;
	v11 =	vbroadcast v11, $0x0;
	v13 =	vmov s3  }
0x69: {  	v13 =	vand.u32 $0xFFFFFFFB, v13  }
0x6a: {  	v11 =	vor.u32 v3, v11;
	v13 =	vbroadcast v13, $0x0;
	_ =	sdelay $0x1  }
0x6b: {  	s4 =	simm.s32 $0xB0  }
0x6c: {  	v14 =	vmov s4;
	v12 =	vadd.f32 v12, v10  }
0x6d: {  	v14 =	vshrl.u32 v14, $0x7  }
0x6e: {  	s4 =	simm.s32 $0xC;
	[tilespmem:v11+s18+$0x0] =	vst.idx.msk $0xffff, v12;
	v11 =	vshll.u32 v14, v1  }
0x6f: {  	v12 =	vld.idx.msk [tilespmem:v13+s2+$0x0], $0xffff;
	v11 =	vbroadcast v11, $0x0;
	v13 =	vmov s4  }
0x70: {  	v13 =	vand.u32 $0xFFFFFFFC, v13  }
0x71: {  	v11 =	vor.u32 v4, v11;
	v13 =	vbroadcast v13, $0x0;
	_ =	sdelay $0x1  }
0x72: {  	s5 =	simm.s32 $0xC0  }
0x73: {  	v14 =	vmov s5;
	v12 =	vadd.f32 v12, v10  }
0x74: {  	v14 =	vshrl.u32 v14, $0x7  }
0x75: {  	s5 =	simm.s32 $0xD;
	[tilespmem:v11+s18+$0x0] =	vst.idx.msk $0xffff, v12;
	v11 =	vshll.u32 v14, v1  }
0x76: {  	v12 =	vld.idx.msk [tilespmem:v13+s2+$0x0], $0xffff;
	v11 =	vbroadcast v11, $0x0;
	v13 =	vmov s5  }
0x77: {  	v13 =	vand.u32 $0xFFFFFFFD, v13  }
0x78: {  	v11 =	vor.u32 v5, v11;
	v13 =	vbroadcast v13, $0x0;
	_ =	sdelay $0x1  }
0x79: {  	s6 =	simm.s32 $0xD0  }
0x7a: {  	v14 =	vmov s6;
	v12 =	vadd.f32 v12, v10  }
0x7b: {  	v14 =	vshrl.u32 v14, $0x7  }
0x7c: {  	s6 =	simm.s32 $0xE;
	[tilespmem:v11+s18+$0x0] =	vst.idx.msk $0xffff, v12;
	v11 =	vshll.u32 v14, v1  }
0x7d: {  	v12 =	vld.idx.msk [tilespmem:v13+s2+$0x0], $0xffff;
	v11 =	vbroadcast v11, $0x0;
	v13 =	vmov s6  }
0x7e: {  	v13 =	vand.u32 $0xFFFFFFFE, v13  }
0x7f: {  	v11 =	vor.u32 v6, v11;
	v13 =	vbroadcast v13, $0x0;
	_ =	sdelay $0x1  }
0x80: {  	s7 =	simm.s32 $0xE0  }
0x81: {  	v14 =	vmov s7;
	v12 =	vadd.f32 v12, v10  }
0x82: {  	v14 =	vshrl.u32 v14, $0x7  }
0x83: {  	[tilespmem:v11+s18+$0x0] =	vst.idx.msk $0xffff, v12;
	v11 =	vshll.u32 v14, v1  }
0x84: {  	v12 =	vld.idx.msk [tilespmem:v13+s2+$0x0], $0xffff;
	v11 =	vbroadcast v11, $0x0;
	_ =	sdelay $0x1  }
0x85: {  	v11 =	vor.u32 v7, v11  }
0x86: {  	s7 =	simm.s32 $0xF  }
0x87: {  	v13 =	vmov s7  }
0x88: {  	s8 =	simm.s32 $0xF0;
	v12 =	vadd.f32 v12, v10  }
0x89: {  	v14 =	vmov s8  }
0x8a: {  	[tilespmem:v11+s18+$0x0] =	vst.idx.msk $0xffff, v12;
	v11 =	vshrl.u32 v14, $0x7  }
0x8b: {  	v11 =	vshll.u32 v11, v1  }
0x8c: {  	v14 =	vld.idx.msk [tilespmem:v13+s2+$0x0], $0xffff;
	v11 =	vbroadcast v11, $0x0;
	_ =	sdelay $0x1  }
0x8d: {  	s10 =	simm.s32 $0x10;
	v12 =	vor.u32 v8, v11  }
0x8e: {  	v13 =	vor.u32 s10, v0  }
0x8f: {  	s24 =	simm.s32 $0x2F;
	v11 =	vmov s10  }
0x90: {  	s25 =	simm.s32 $0x100;
	s8 =	simm.s32 $0x1F;
	s10 =	simm.s32 $0x1F0;
	v10 =	vadd.f32 v14, v10  }
.LBB2_2:
0x91: {  	p0 =	sne.s32 s24, $0x3FF;
	v14 =	vmov s25;
	s25 =	smov.u32 s24;
	s24 =	sadd.s32 $0x10, s24  }
0x92: {  	s22 =	simm.s32 $0x0;
	v14 =	vshrl.u32 v14, $0x7;
	[tilespmem:v12+s18+$0x0] =	vst.idx.msk $0xffff, v10  }
0x93: {  	s26 =	sadd.s32 $0xFFFFFFF2, s8;
	v10 =	vld.idx.msk [tilespmem:v13+s12+$0x0], $0xffff;
	v12 =	vshll.u32 v14, v1  }
0x94: {  	v13 =	vmov s26;
	v11 =	vld.idx.msk [tilespmem:v11+s22+$0x0], $0xffff;
	v12 =	vbroadcast v12, $0x0  }
0x95: {  	v13 =	vand.u32 $0xFFFFFFF1, v13  }
0x96: {  	v13 =	vbroadcast v13, $0x0;
	v14 =	vor.u32 v0, v12;
	_ =	sdelay $0x3  }
0x97: {  	v11 =	vadd.f32 v11, v10;
	_ =	sdelay $0x1  }
0x98: {  	s26 =	sadd.s32 $0xFFFFFFF3, s8;
	[tilespmem:v14+s18+$0x0] =	vst.idx.msk $0xffff, v11  }
0x99: {  	v11 =	vld.idx.msk [tilespmem:v13+s22+$0x0], $0xffff;
	v13 =	vmov s26  }
0x9a: {  	v13 =	vand.u32 $0xFFFFFFF2, v13  }
0x9b: {  	v14 =	vor.u32 v2, v12;
	v13 =	vbroadcast v13, $0x0;
	_ =	sdelay $0x3  }
0x9c: {  	v11 =	vadd.f32 v11, v10;
	_ =	sdelay $0x1  }
0x9d: {  	s26 =	sadd.s32 $0xFFFFFFF4, s8;
	[tilespmem:v14+s18+$0x0] =	vst.idx.msk $0xffff, v11  }
0x9e: {  	v11 =	vld.idx.msk [tilespmem:v13+s22+$0x0], $0xffff;
	v13 =	vmov s26  }
0x9f: {  	v13 =	vand.u32 $0xFFFFFFF3, v13  }
0xa0: {  	v14 =	vor.u32 v3, v12;
	v13 =	vbroadcast v13, $0x0;
	_ =	sdelay $0x3  }
0xa1: {  	v11 =	vadd.f32 v11, v10;
	_ =	sdelay $0x1  }
0xa2: {  	s26 =	sadd.s32 $0xFFFFFFF5, s8;
	[tilespmem:v14+s18+$0x0] =	vst.idx.msk $0xffff, v11  }
0xa3: {  	v11 =	vld.idx.msk [tilespmem:v13+s22+$0x0], $0xffff;
	v13 =	vmov s26  }
0xa4: {  	v13 =	vand.u32 $0xFFFFFFF4, v13  }
0xa5: {  	v14 =	vor.u32 v4, v12;
	v13 =	vbroadcast v13, $0x0;
	_ =	sdelay $0x3  }
0xa6: {  	v11 =	vadd.f32 v11, v10;
	_ =	sdelay $0x1  }
0xa7: {  	s26 =	sadd.s32 $0xFFFFFFF6, s8;
	[tilespmem:v14+s18+$0x0] =	vst.idx.msk $0xffff, v11  }
0xa8: {  	v11 =	vld.idx.msk [tilespmem:v13+s22+$0x0], $0xffff;
	v13 =	vmov s26  }
0xa9: {  	v13 =	vand.u32 $0xFFFFFFF5, v13  }
0xaa: {  	v14 =	vor.u32 v5, v12;
	v13 =	vbroadcast v13, $0x0;
	_ =	sdelay $0x3  }
0xab: {  	v11 =	vadd.f32 v11, v10;
	_ =	sdelay $0x1  }
0xac: {  	s26 =	sadd.s32 $0xFFFFFFF7, s8;
	[tilespmem:v14+s18+$0x0] =	vst.idx.msk $0xffff, v11  }
0xad: {  	v11 =	vld.idx.msk [tilespmem:v13+s22+$0x0], $0xffff;
	v13 =	vmov s26  }
0xae: {  	v13 =	vand.u32 $0xFFFFFFF6, v13  }
0xaf: {  	v14 =	vor.u32 v6, v12;
	v13 =	vbroadcast v13, $0x0;
	_ =	sdelay $0x3  }
0xb0: {  	v11 =	vadd.f32 v11, v10;
	_ =	sdelay $0x1  }
0xb1: {  	s26 =	sadd.s32 $0xFFFFFFF8, s8;
	[tilespmem:v14+s18+$0x0] =	vst.idx.msk $0xffff, v11  }
0xb2: {  	v11 =	vld.idx.msk [tilespmem:v13+s22+$0x0], $0xffff;
	v13 =	vmov s26  }
0xb3: {  	v13 =	vand.u32 $0xFFFFFFF7, v13  }
0xb4: {  	v14 =	vor.u32 v7, v12;
	v13 =	vbroadcast v13, $0x0;
	_ =	sdelay $0x3  }
0xb5: {  	v11 =	vadd.f32 v11, v10;
	_ =	sdelay $0x1  }
0xb6: {  	s26 =	sadd.s32 $0xFFFFFFF9, s8;
	[tilespmem:v14+s18+$0x0] =	vst.idx.msk $0xffff, v11  }
0xb7: {  	v11 =	vld.idx.msk [tilespmem:v13+s22+$0x0], $0xffff;
	v13 =	vmov s26  }
0xb8: {  	v13 =	vand.u32 $0xFFFFFFF8, v13  }
0xb9: {  	v12 =	vor.u32 v8, v12;
	v13 =	vbroadcast v13, $0x0;
	_ =	sdelay $0x2  }
0xba: {  	s26 =	sadd.s32 $0xFFFFFF90, s10  }
0xbb: {  	v14 =	vmov s26;
	v11 =	vadd.f32 v11, v10  }
0xbc: {  	v14 =	vshrl.u32 v14, $0x7  }
0xbd: {  	s26 =	sadd.s32 $0xFFFFFFFA, s8;
	[tilespmem:v12+s18+$0x0] =	vst.idx.msk $0xffff, v11;
	v11 =	vshll.u32 v14, v1  }
0xbe: {  	v12 =	vld.idx.msk [tilespmem:v13+s22+$0x0], $0xffff;
	v11 =	vbroadcast v11, $0x0;
	v13 =	vmov s26  }
0xbf: {  	v13 =	vand.u32 $0xFFFFFFF9, v13  }
0xc0: {  	v11 =	vor.u32 v0, v11;
	v13 =	vbroadcast v13, $0x0;
	_ =	sdelay $0x2  }
0xc1: {  	s26 =	sadd.s32 $0xFFFFFFA0, s10  }
0xc2: {  	v14 =	vmov s26;
	v12 =	vadd.f32 v12, v10  }
0xc3: {  	v14 =	vshrl.u32 v14, $0x7  }
0xc4: {  	s26 =	sadd.s32 $0xFFFFFFFB, s8;
	[tilespmem:v11+s18+$0x0] =	vst.idx.msk $0xffff, v12;
	v11 =	vshll.u32 v14, v1  }
0xc5: {  	v12 =	vld.idx.msk [tilespmem:v13+s22+$0x0], $0xffff;
	v11 =	vbroadcast v11, $0x0;
	v13 =	vmov s26  }
0xc6: {  	v13 =	vand.u32 $0xFFFFFFFA, v13  }
0xc7: {  	v11 =	vor.u32 v2, v11;
	v13 =	vbroadcast v13, $0x0;
	_ =	sdelay $0x2  }
0xc8: {  	s26 =	sadd.s32 $0xFFFFFFB0, s10  }
0xc9: {  	v14 =	vmov s26;
	v12 =	vadd.f32 v12, v10  }
0xca: {  	v14 =	vshrl.u32 v14, $0x7  }
0xcb: {  	s26 =	sadd.s32 $0xFFFFFFFC, s8;
	[tilespmem:v11+s18+$0x0] =	vst.idx.msk $0xffff, v12;
	v11 =	vshll.u32 v14, v1  }
0xcc: {  	v12 =	vld.idx.msk [tilespmem:v13+s22+$0x0], $0xffff;
	v11 =	vbroadcast v11, $0x0;
	v13 =	vmov s26  }
0xcd: {  	v13 =	vand.u32 $0xFFFFFFFB, v13  }
0xce: {  	v11 =	vor.u32 v3, v11;
	v13 =	vbroadcast v13, $0x0;
	_ =	sdelay $0x2  }
0xcf: {  	s26 =	sadd.s32 $0xFFFFFFC0, s10  }
0xd0: {  	v14 =	vmov s26;
	v12 =	vadd.f32 v12, v10  }
0xd1: {  	v14 =	vshrl.u32 v14, $0x7  }
0xd2: {  	s26 =	sadd.s32 $0xFFFFFFFD, s8;
	[tilespmem:v11+s18+$0x0] =	vst.idx.msk $0xffff, v12;
	v11 =	vshll.u32 v14, v1  }
0xd3: {  	v12 =	vld.idx.msk [tilespmem:v13+s22+$0x0], $0xffff;
	v11 =	vbroadcast v11, $0x0;
	v13 =	vmov s26  }
0xd4: {  	v13 =	vand.u32 $0xFFFFFFFC, v13  }
0xd5: {  	v11 =	vor.u32 v4, v11;
	v13 =	vbroadcast v13, $0x0;
	_ =	sdelay $0x2  }
0xd6: {  	s26 =	sadd.s32 $0xFFFFFFD0, s10  }
0xd7: {  	v14 =	vmov s26;
	v12 =	vadd.f32 v12, v10  }
0xd8: {  	v14 =	vshrl.u32 v14, $0x7  }
0xd9: {  	s26 =	sadd.s32 $0xFFFFFFFE, s8;
	[tilespmem:v11+s18+$0x0] =	vst.idx.msk $0xffff, v12;
	v11 =	vshll.u32 v14, v1  }
0xda: {  	v12 =	vld.idx.msk [tilespmem:v13+s22+$0x0], $0xffff;
	v11 =	vbroadcast v11, $0x0;
	v13 =	vmov s26  }
0xdb: {  	v13 =	vand.u32 $0xFFFFFFFD, v13  }
0xdc: {  	v11 =	vor.u32 v5, v11;
	v13 =	vbroadcast v13, $0x0;
	_ =	sdelay $0x2  }
0xdd: {  	s26 =	sadd.s32 $0xFFFFFFE0, s10  }
0xde: {  	v14 =	vmov s26;
	v12 =	vadd.f32 v12, v10  }
0xdf: {  	v14 =	vshrl.u32 v14, $0x7  }
0xe0: {  	s26 =	sadd.s32 $0xFFFFFFFF, s8;
	[tilespmem:v11+s18+$0x0] =	vst.idx.msk $0xffff, v12;
	v11 =	vshll.u32 v14, v1  }
0xe1: {  	v12 =	vld.idx.msk [tilespmem:v13+s22+$0x0], $0xffff;
	v11 =	vbroadcast v11, $0x0;
	v13 =	vmov s26  }
0xe2: {  	v13 =	vand.u32 $0xFFFFFFFE, v13  }
0xe3: {  	v11 =	vor.u32 v6, v11;
	v13 =	vbroadcast v13, $0x0;
	_ =	sdelay $0x2  }
0xe4: {  	s26 =	sadd.s32 $0xFFFFFFF0, s10  }
0xe5: {  	v14 =	vmov s26;
	v12 =	vadd.f32 v12, v10  }
0xe6: {  	v14 =	vshrl.u32 v14, $0x7  }
0xe7: {  	[tilespmem:v11+s18+$0x0] =	vst.idx.msk $0xffff, v12;
	v11 =	vshll.u32 v14, v1  }
0xe8: {  	v12 =	vld.idx.msk [tilespmem:v13+s22+$0x0], $0xffff;
	v11 =	vbroadcast v11, $0x0;
	_ =	sdelay $0x1  }
0xe9: {  	v11 =	vor.u32 v7, v11  }
0xea: {  	v13 =	vmov s8;
	s8 =	smov.u32 s25;
	_ =	sdelay $0x2  }
0xeb: {  	v14 =	vmov s10;
	v12 =	vadd.f32 v12, v10  }
0xec: {  	v14 =	vshrl.u32 v14, $0x7  }
0xed: {  	[tilespmem:v11+s18+$0x0] =	vst.idx.msk $0xffff, v12;
	v11 =	vshll.u32 v14, v1  }
0xee: {  	v14 =	vld.idx.msk [tilespmem:v13+s22+$0x0], $0xffff;
	v11 =	vbroadcast v11, $0x0;
	_ =	sdelay $0x1  }
.Ltmp2:
0xef: {  	v12 =	vor.u32 v8, v11;
	(pc) =	sbr.rel @p0 .LBB2_2-.Ltmp2, $4  }
0xf0: {  	s25 =	sadd.s32 $0xFFFFFFF1, s8  }
0xf1: {  	v13 =	vor.u32 s25, v0;
	v11 =	vmov s25  }
0xf2: {  	s10 =	sadd.s32 $0x100, s10  }
0xf3: {  	s25 =	sadd.s32 $0xFFFFFF10, s10;
	v10 =	vadd.f32 v14, v10  }
0xf4: {  	_ =	sdelay $0x2  }
0xf5: {  	v14 =	vmov s25  }
0xf6: {  	v14 =	vshrl.u32 v14, $0x7;
	[tilespmem:v12+s18+$0x0] =	vst.idx.msk $0xffff, v10  }
0xf7: {  	s24 =	sadd.s32 $0xFFFFFFF2, s8;
	v10 =	vld.idx.msk [tilespmem:v13+s12+$0x0], $0xffff;
	v12 =	vshll.u32 v14, v1  }
0xf8: {  	v11 =	vld.idx.msk [tilespmem:v11+s22+$0x0], $0xffff;
	v13 =	vmov s24;
	v12 =	vbroadcast v12, $0x0  }
0xf9: {  	v13 =	vand.u32 $0xFFFFFFF1, v13  }
0xfa: {  	v13 =	vbroadcast v13, $0x0;
	v14 =	vor.u32 v0, v12;
	_ =	sdelay $0x2  }
0xfb: {  	v11 =	vadd.f32 v11, v10;
	_ =	sdelay $0x1  }
0xfc: {  	s25 =	sadd.s32 $0xFFFFFFF3, s8;
	[tilespmem:v14+s18+$0x0] =	vst.idx.msk $0xffff, v11  }
0xfd: {  	v11 =	vld.idx.msk [tilespmem:v13+s22+$0x0], $0xffff;
	v13 =	vmov s25  }
0xfe: {  	v13 =	vand.u32 $0xFFFFFFF2, v13  }
0xff: {  	v14 =	vor.u32 v2, v12;
	v13 =	vbroadcast v13, $0x0;
	_ =	sdelay $0x2  }
0x100: {  	v11 =	vadd.f32 v11, v10;
	_ =	sdelay $0x1  }
0x101: {  	s26 =	sadd.s32 $0xFFFFFFF4, s8;
	[tilespmem:v14+s18+$0x0] =	vst.idx.msk $0xffff, v11  }
0x102: {  	v11 =	vld.idx.msk [tilespmem:v13+s22+$0x0], $0xffff;
	v13 =	vmov s26  }
0x103: {  	v13 =	vand.u32 $0xFFFFFFF3, v13  }
0x104: {  	v14 =	vor.u32 v3, v12;
	v13 =	vbroadcast v13, $0x0;
	_ =	sdelay $0x2  }
0x105: {  	v11 =	vadd.f32 v11, v10;
	_ =	sdelay $0x1  }
0x106: {  	s25 =	sadd.s32 $0xFFFFFFF5, s8;
	[tilespmem:v14+s18+$0x0] =	vst.idx.msk $0xffff, v11  }
0x107: {  	v11 =	vld.idx.msk [tilespmem:v13+s22+$0x0], $0xffff;
	v13 =	vmov s25  }
0x108: {  	v13 =	vand.u32 $0xFFFFFFF4, v13  }
0x109: {  	v14 =	vor.u32 v4, v12;
	v13 =	vbroadcast v13, $0x0;
	_ =	sdelay $0x2  }
0x10a: {  	v11 =	vadd.f32 v11, v10;
	_ =	sdelay $0x1  }
0x10b: {  	s26 =	sadd.s32 $0xFFFFFFF6, s8;
	[tilespmem:v14+s18+$0x0] =	vst.idx.msk $0xffff, v11  }
0x10c: {  	v11 =	vld.idx.msk [tilespmem:v13+s22+$0x0], $0xffff;
	v13 =	vmov s26  }
0x10d: {  	v13 =	vand.u32 $0xFFFFFFF5, v13  }
0x10e: {  	v14 =	vor.u32 v5, v12;
	v13 =	vbroadcast v13, $0x0;
	_ =	sdelay $0x2  }
0x10f: {  	v11 =	vadd.f32 v11, v10;
	_ =	sdelay $0x1  }
0x110: {  	s25 =	sadd.s32 $0xFFFFFFF7, s8;
	[tilespmem:v14+s18+$0x0] =	vst.idx.msk $0xffff, v11  }
0x111: {  	v11 =	vld.idx.msk [tilespmem:v13+s22+$0x0], $0xffff;
	v13 =	vmov s25  }
0x112: {  	v13 =	vand.u32 $0xFFFFFFF6, v13  }
0x113: {  	v14 =	vor.u32 v6, v12;
	v13 =	vbroadcast v13, $0x0;
	_ =	sdelay $0x2  }
0x114: {  	v11 =	vadd.f32 v11, v10;
	_ =	sdelay $0x1  }
0x115: {  	s26 =	sadd.s32 $0xFFFFFFF8, s8;
	[tilespmem:v14+s18+$0x0] =	vst.idx.msk $0xffff, v11  }
0x116: {  	v11 =	vld.idx.msk [tilespmem:v13+s22+$0x0], $0xffff;
	v13 =	vmov s26  }
0x117: {  	v13 =	vand.u32 $0xFFFFFFF7, v13  }
0x118: {  	v14 =	vor.u32 v7, v12;
	v13 =	vbroadcast v13, $0x0;
	_ =	sdelay $0x2  }
0x119: {  	v11 =	vadd.f32 v11, v10;
	_ =	sdelay $0x1  }
0x11a: {  	s25 =	sadd.s32 $0xFFFFFFF9, s8;
	[tilespmem:v14+s18+$0x0] =	vst.idx.msk $0xffff, v11  }
0x11b: {  	v11 =	vld.idx.msk [tilespmem:v13+s22+$0x0], $0xffff;
	v13 =	vmov s25  }
0x11c: {  	v13 =	vand.u32 $0xFFFFFFF8, v13  }
0x11d: {  	v12 =	vor.u32 v8, v12;
	v13 =	vbroadcast v13, $0x0;
	_ =	sdelay $0x1  }
0x11e: {  	s26 =	sadd.s32 $0xFFFFFF90, s10  }
0x11f: {  	v14 =	vmov s26;
	v11 =	vadd.f32 v11, v10  }
0x120: {  	v14 =	vshrl.u32 v14, $0x7  }
0x121: {  	s25 =	sadd.s32 $0xFFFFFFFA, s8;
	[tilespmem:v12+s18+$0x0] =	vst.idx.msk $0xffff, v11;
	v11 =	vshll.u32 v14, v1  }
0x122: {  	v12 =	vld.idx.msk [tilespmem:v13+s22+$0x0], $0xffff;
	v11 =	vbroadcast v11, $0x0;
	v13 =	vmov s25  }
0x123: {  	v13 =	vand.u32 $0xFFFFFFF9, v13  }
0x124: {  	v11 =	vor.u32 v0, v11;
	v13 =	vbroadcast v13, $0x0;
	_ =	sdelay $0x1  }
0x125: {  	s26 =	sadd.s32 $0xFFFFFFA0, s10  }
0x126: {  	v14 =	vmov s26;
	v12 =	vadd.f32 v12, v10  }
0x127: {  	v14 =	vshrl.u32 v14, $0x7  }
0x128: {  	s25 =	sadd.s32 $0xFFFFFFFB, s8;
	[tilespmem:v11+s18+$0x0] =	vst.idx.msk $0xffff, v12;
	v11 =	vshll.u32 v14, v1  }
0x129: {  	v12 =	vld.idx.msk [tilespmem:v13+s22+$0x0], $0xffff;
	v11 =	vbroadcast v11, $0x0;
	v13 =	vmov s25  }
0x12a: {  	v13 =	vand.u32 $0xFFFFFFFA, v13  }
0x12b: {  	v11 =	vor.u32 v2, v11;
	v13 =	vbroadcast v13, $0x0;
	_ =	sdelay $0x1  }
0x12c: {  	s26 =	sadd.s32 $0xFFFFFFB0, s10  }
0x12d: {  	v14 =	vmov s26;
	v12 =	vadd.f32 v12, v10  }
0x12e: {  	v14 =	vshrl.u32 v14, $0x7  }
0x12f: {  	s25 =	sadd.s32 $0xFFFFFFFC, s8;
	[tilespmem:v11+s18+$0x0] =	vst.idx.msk $0xffff, v12;
	v11 =	vshll.u32 v14, v1  }
0x130: {  	v12 =	vld.idx.msk [tilespmem:v13+s22+$0x0], $0xffff;
	v11 =	vbroadcast v11, $0x0;
	v13 =	vmov s25  }
0x131: {  	v13 =	vand.u32 $0xFFFFFFFB, v13  }
0x132: {  	v11 =	vor.u32 v3, v11;
	v13 =	vbroadcast v13, $0x0;
	_ =	sdelay $0x1  }
0x133: {  	s26 =	sadd.s32 $0xFFFFFFC0, s10  }
0x134: {  	v14 =	vmov s26;
	v12 =	vadd.f32 v12, v10  }
0x135: {  	v14 =	vshrl.u32 v14, $0x7  }
0x136: {  	s25 =	sadd.s32 $0xFFFFFFFD, s8;
	[tilespmem:v11+s18+$0x0] =	vst.idx.msk $0xffff, v12;
	v11 =	vshll.u32 v14, v1  }
0x137: {  	v12 =	vld.idx.msk [tilespmem:v13+s22+$0x0], $0xffff;
	v11 =	vbroadcast v11, $0x0;
	v13 =	vmov s25  }
0x138: {  	v13 =	vand.u32 $0xFFFFFFFC, v13  }
0x139: {  	v11 =	vor.u32 v4, v11;
	v13 =	vbroadcast v13, $0x0;
	_ =	sdelay $0x1  }
0x13a: {  	s26 =	sadd.s32 $0xFFFFFFD0, s10  }
0x13b: {  	v14 =	vmov s26;
	v12 =	vadd.f32 v12, v10  }
0x13c: {  	v14 =	vshrl.u32 v14, $0x7  }
0x13d: {  	s25 =	sadd.s32 $0xFFFFFFFE, s8;
	[tilespmem:v11+s18+$0x0] =	vst.idx.msk $0xffff, v12;
	v11 =	vshll.u32 v14, v1  }
0x13e: {  	v12 =	vld.idx.msk [tilespmem:v13+s22+$0x0], $0xffff;
	v11 =	vbroadcast v11, $0x0;
	v13 =	vmov s25  }
0x13f: {  	v13 =	vand.u32 $0xFFFFFFFD, v13  }
0x140: {  	v11 =	vor.u32 v5, v11;
	v13 =	vbroadcast v13, $0x0;
	_ =	sdelay $0x1  }
0x141: {  	s26 =	sadd.s32 $0xFFFFFFE0, s10  }
0x142: {  	v14 =	vmov s26;
	v12 =	vadd.f32 v12, v10  }
0x143: {  	v14 =	vshrl.u32 v14, $0x7  }
0x144: {  	s25 =	sadd.s32 $0xFFFFFFFF, s8;
	[tilespmem:v11+s18+$0x0] =	vst.idx.msk $0xffff, v12;
	v11 =	vshll.u32 v14, v1  }
0x145: {  	v12 =	vld.idx.msk [tilespmem:v13+s22+$0x0], $0xffff;
	v11 =	vbroadcast v11, $0x0;
	v13 =	vmov s25  }
0x146: {  	v13 =	vand.u32 $0xFFFFFFFE, v13  }
0x147: {  	v11 =	vor.u32 v6, v11;
	v13 =	vbroadcast v13, $0x0;
	_ =	sdelay $0x1  }
0x148: {  	s26 =	sadd.s32 $0xFFFFFFF0, s10  }
0x149: {  	v14 =	vmov s26;
	v12 =	vadd.f32 v12, v10  }
0x14a: {  	v14 =	vshrl.u32 v14, $0x7  }
0x14b: {  	[tilespmem:v11+s18+$0x0] =	vst.idx.msk $0xffff, v12;
	v11 =	vshll.u32 v14, v1  }
0x14c: {  	v12 =	vld.idx.msk [tilespmem:v13+s22+$0x0], $0xffff;
	v11 =	vbroadcast v11, $0x0;
	_ =	sdelay $0x1  }
0x14d: {  	v11 =	vor.u32 v7, v11  }
0x14e: {  	v13 =	vmov s8;
	_ =	sdelay $0x1  }
0x14f: {  	v14 =	vmov s10;
	v12 =	vadd.f32 v12, v10  }
0x150: {  	v14 =	vshrl.u32 v14, $0x7  }
0x151: {  	[tilespmem:v11+s18+$0x0] =	vst.idx.msk $0xffff, v12;
	v11 =	vshll.u32 v14, v1  }
0x152: {  	v12 =	vld.idx.msk [tilespmem:v13+s22+$0x0], $0xffff;
	v11 =	vbroadcast v11, $0x0;
	_ =	sdelay $0x1  }
0x153: {  	v11 =	vor.u32 v8, v11  }
0x154: {  	v13 =	vor.u32 s22, v0;
	_ =	sdelay $0x1  }
0x155: {  	v10 =	vadd.f32 v12, v10;
	_ =	sdelay $0x1  }
0x156: {  	[tilespmem:v11+s18+$0x0] =	vst.idx.msk $0xffff, v10  }
0x157: {  	s24 =	simm.s32 $0x1;
	v11 =	vor.u32 s23, v9;
	v10 =	vld.idx.msk [tilespmem:v13+s13+$0x0], $0xffff  }
0x158: {  	s25 =	simm.s32 $0x2;
	v12 =	vor.u32 s24, v9  }
0x159: {  	s26 =	simm.s32 $0x3;
	v13 =	vor.u32 s25, v9  }
0x15a: {  	v14 =	vor.u32 s26, v9  }
0x15b: {  	v15 =	vor.u32 s28, v9  }
0x15c: {  	[tilespmem:v11+s19+$0x0] =	vst.idx.msk $0xffff, v10;
	v11 =	vor.u32 s29, v9  }
0x15d: {  	[tilespmem:v12+s19+$0x0] =	vst.idx.msk $0xffff, v10;
	v12 =	vor.u32 s30, v9  }
0x15e: {  	[tilespmem:v13+s19+$0x0] =	vst.idx.msk $0xffff, v10;
	v13 =	vor.u32 s31, v9  }
0x15f: {  	[tilespmem:v14+s19+$0x0] =	vst.idx.msk $0xffff, v10;
	v14 =	vor.u32 s1, v9  }
0x160: {  	[tilespmem:v15+s19+$0x0] =	vst.idx.msk $0xffff, v10;
	v15 =	vor.u32 s0, v9  }
0x161: {  	[tilespmem:v11+s19+$0x0] =	vst.idx.msk $0xffff, v10;
	v11 =	vor.u32 s16, v9  }
0x162: {  	[tilespmem:v12+s19+$0x0] =	vst.idx.msk $0xffff, v10;
	v12 =	vor.u32 s3, v9  }
0x163: {  	[tilespmem:v13+s19+$0x0] =	vst.idx.msk $0xffff, v10  }
0x164: {  	v13 =	vor.u32 s4, v9;
	[tilespmem:v14+s19+$0x0] =	vst.idx.msk $0xffff, v10  }
0x165: {  	v14 =	vor.u32 s5, v9;
	[tilespmem:v15+s19+$0x0] =	vst.idx.msk $0xffff, v10  }
0x166: {  	v15 =	vor.u32 s6, v9;
	[tilespmem:v11+s19+$0x0] =	vst.idx.msk $0xffff, v10  }
0x167: {  	s1 =	simm.s32 $0x10;
	[tilespmem:v12+s19+$0x0] =	vst.idx.msk $0xffff, v10;
	v12 =	vor.u32 s7, v9  }
0x168: {  	v11 =	vor.u32 s1, v0  }
0x169: {  	[tilespmem:v13+s19+$0x0] =	vst.idx.msk $0xffff, v10  }
0x16a: {  	[tilespmem:v14+s19+$0x0] =	vst.idx.msk $0xffff, v10  }
0x16b: {  	s0 =	simm.s32 $0x10F;
	s3 =	simm.s32 $0x20F;
	[tilespmem:v15+s19+$0x0] =	vst.idx.msk $0xffff, v10  }
.LBB2_4:
0x16c: {  	p0 =	sne.s32 s3, $0x3F0F;
	[tilespmem:v12+s19+$0x0] =	vst.idx.msk $0xffff, v10;
	s4 =	smov.u32 s3;
	s3 =	sadd.s32 $0x100, s3  }
0x16d: {  	s5 =	sadd.s32 $0xFFFFFFF1, s0;
	v10 =	vld.idx.msk [tilespmem:v11+s13+$0x0], $0xffff  }
0x16e: {  	v11 =	vor.u32 s5, v9;
	s5 =	sadd.s32 $0xFFFFFFF2, s0  }
0x16f: {  	v12 =	vor.u32 s5, v9;
	s5 =	sadd.s32 $0xFFFFFFF3, s0  }
0x170: {  	v13 =	vor.u32 s5, v9;
	s5 =	sadd.s32 $0xFFFFFFF4, s0  }
0x171: {  	v14 =	vor.u32 s5, v9;
	s5 =	sadd.s32 $0xFFFFFFF5, s0  }
0x172: {  	v15 =	vor.u32 s5, v9;
	s5 =	sadd.s32 $0xFFFFFFF6, s0  }
0x173: {  	[tilespmem:v11+s19+$0x0] =	vst.idx.msk $0xffff, v10;
	v11 =	vor.u32 s5, v9;
	s5 =	sadd.s32 $0xFFFFFFF7, s0  }
0x174: {  	[tilespmem:v12+s19+$0x0] =	vst.idx.msk $0xffff, v10;
	v12 =	vor.u32 s5, v9;
	s5 =	sadd.s32 $0xFFFFFFF8, s0  }
0x175: {  	[tilespmem:v13+s19+$0x0] =	vst.idx.msk $0xffff, v10;
	v13 =	vor.u32 s5, v9;
	s5 =	sadd.s32 $0xFFFFFFF9, s0  }
0x176: {  	[tilespmem:v14+s19+$0x0] =	vst.idx.msk $0xffff, v10;
	v14 =	vor.u32 s5, v9;
	s5 =	sadd.s32 $0xFFFFFFFA, s0  }
0x177: {  	[tilespmem:v15+s19+$0x0] =	vst.idx.msk $0xffff, v10;
	v15 =	vor.u32 s5, v9;
	s5 =	sadd.s32 $0xFFFFFFFB, s0  }
0x178: {  	[tilespmem:v11+s19+$0x0] =	vst.idx.msk $0xffff, v10;
	v11 =	vor.u32 s5, v9;
	s5 =	sadd.s32 $0xFFFFFFFC, s0  }
0x179: {  	[tilespmem:v12+s19+$0x0] =	vst.idx.msk $0xffff, v10;
	v16 =	vor.u32 s5, v9;
	s5 =	sadd.s32 $0xFFFFFFFD, s0  }
0x17a: {  	[tilespmem:v13+s19+$0x0] =	vst.idx.msk $0xffff, v10;
	v13 =	vor.u32 s5, v9;
	s5 =	sadd.s32 $0xFFFFFFFE, s0  }
0x17b: {  	[tilespmem:v14+s19+$0x0] =	vst.idx.msk $0xffff, v10;
	v14 =	vor.u32 s5, v9;
	s5 =	sadd.s32 $0xFFFFFFFF, s0  }
0x17c: {  	[tilespmem:v15+s19+$0x0] =	vst.idx.msk $0xffff, v10;
	v15 =	vor.u32 s5, v9  }
.Ltmp3:
0x17d: {  	s1 =	sadd.s32 $0x10, s1;
	v12 =	vor.u32 s0, v9;
	s0 =	smov.u32 s4;
	[tilespmem:v11+s19+$0x0] =	vst.idx.msk $0xffff, v10;
	(pc) =	sbr.rel @p0 .LBB2_4-.Ltmp3, $4  }
0x17e: {  	v11 =	vor.u32 s1, v0;
	[tilespmem:v16+s19+$0x0] =	vst.idx.msk $0xffff, v10  }
0x17f: {  	[tilespmem:v13+s19+$0x0] =	vst.idx.msk $0xffff, v10  }
0x180: {  	[tilespmem:v14+s19+$0x0] =	vst.idx.msk $0xffff, v10  }
0x181: {  	[tilespmem:v15+s19+$0x0] =	vst.idx.msk $0xffff, v10  }
0x182: {  	_ =	sdelay $0x3  }
0x183: {  	[tilespmem:v12+s19+$0x0] =	vst.idx.msk $0xffff, v10;
	s1 =	sadd.s32 $0xFFFFFFF1, s0  }
0x184: {  	s24 =	sadd.s32 $0xFFFFFFF2, s0;
	v10 =	vld.idx.msk [tilespmem:v11+s13+$0x0], $0xffff;
	v11 =	vor.u32 s1, v9  }
0x185: {  	s25 =	sadd.s32 $0xFFFFFFF3, s0;
	v55 =	vor.u32 s24, v9  }
0x186: {  	s26 =	sadd.s32 $0xFFFFFFF4, s0;
	v13 =	vor.u32 s25, v9  }
0x187: {  	s3 =	sadd.s32 $0xFFFFFFF5, s0;
	v14 =	vor.u32 s26, v9  }
0x188: {  	s4 =	sadd.s32 $0xFFFFFFF6, s0;
	v15 =	vor.u32 s3, v9  }
0x189: {  	s5 =	sadd.s32 $0xFFFFFFF7, s0;
	[tilespmem:v11+s19+$0x0] =	vst.idx.msk $0xffff, v10;
	v11 =	vor.u32 s4, v9  }
0x18a: {  	s6 =	sadd.s32 $0xFFFFFFF8, s0;
	v56 =	vor.u32 s5, v9;
	[tilespmem:v55+s19+$0x0] =	vst.idx.msk $0xffff, v10  }
0x18b: {  	s7 =	sadd.s32 $0xFFFFFFF9, s0;
	v57 =	vor.u32 s6, v9;
	[tilespmem:v13+s19+$0x0] =	vst.idx.msk $0xffff, v10  }
0x18c: {  	s8 =	sadd.s32 $0xFFFFFFFA, s0;
	v58 =	vor.u32 s7, v9;
	[tilespmem:v14+s19+$0x0] =	vst.idx.msk $0xffff, v10  }
0x18d: {  	s10 =	sadd.s32 $0xFFFFFFFB, s0;
	v59 =	vor.u32 s8, v9;
	[tilespmem:v15+s19+$0x0] =	vst.idx.msk $0xffff, v10  }
0x18e: {  	s23 =	sadd.s32 $0xFFFFFFFC, s0;
	[tilespmem:v11+s19+$0x0] =	vst.idx.msk $0xffff, v10;
	v11 =	vor.u32 s10, v9  }
0x18f: {  	v60 =	vor.u32 s23, v9;
	s24 =	sadd.s32 $0xFFFFFFFD, s0;
	[tilespmem:v56+s19+$0x0] =	vst.idx.msk $0xffff, v10  }
0x190: {  	s25 =	sadd.s32 $0xFFFFFFFE, s0;
	v61 =	vor.u32 s24, v9;
	[tilespmem:v57+s19+$0x0] =	vst.idx.msk $0xffff, v10  }
0x191: {  	s26 =	sadd.s32 $0xFFFFFFFF, s0;
	v62 =	vor.u32 s25, v9;
	[tilespmem:v58+s19+$0x0] =	vst.idx.msk $0xffff, v10  }
0x192: {  	v63 =	vor.u32 s26, v9;
	[tilespmem:v59+s19+$0x0] =	vst.idx.msk $0xffff, v10  }
0x193: {  	[tilespmem:v11+s19+$0x0] =	vst.idx.msk $0xffff, v10;
	v11 =	vor.u32 s0, v9  }
.Ltmp4:
0x194: {  	[tilespmem:v60+s19+$0x0] =	vst.idx.msk $0xffff, v10;
	(pc) =	sbr.rel .LBB2_6-.Ltmp4, $4  }
0x195: {  	[tilespmem:v61+s19+$0x0] =	vst.idx.msk $0xffff, v10  }
0x196: {  	[tilespmem:v62+s19+$0x0] =	vst.idx.msk $0xffff, v10  }
0x197: {  	[tilespmem:v63+s19+$0x0] =	vst.idx.msk $0xffff, v10  }
0x198: {  	[tilespmem:v11+s19+$0x0] =	vst.idx.msk $0xffff, v10  }
.LBB2_20:
0x199: {  	p0 =	sgt.u32 s0, $0x100  }
0x19a: {  	s22 =	sadd.s32 $0x1, s22;
	s0 =	sshll.u32 @!p0 s0, $0xF  }
0x19b: {  	s1 =	simm.s32 @!p0 $0x0;
	s3 =	simm.s32 @!p0 $0x12D80;
	s0 =	sadd.s32 @!p0 s0, s9  }
0x19c: {  	[hbm4b:s0+s1] =	stream.linear.scatter @!p0 [tilespmem:s3], [sflag:$0x2], $0x2000, $0x38;
	[tilespmem:$0x14D80] =	vst v63  }
0x19d: {  	p0 =	sne.s32 s22, $0x82  }
.Ltmp5:
0x19e: {  	_ = 	snop;
	(pc) =	sbr.rel @!p0 .LBB2_21-.Ltmp5, $1  }
0x19f: {  	_ =	sdelay $0x3  }
.LBB2_6:
0x1a0: {  	p0 =	seq.s32 s22, $0x0  }
0x1a1: {  	p1 =	sgt.u32 @!p0 s22, $0x7F  }
0x1a2: {  	p2 =	por p0, !p1  }
.Ltmp6:
0x1a3: {  	_ = 	snop;
	(pc) =	sbr.rel @!p2 .LBB2_10-.Ltmp6, $4  }
0x1a4: {  	s0 =	simm.s32 @!p0 $0x1  }
0x1a5: {  	_ =	swait.ge @!p0 [sflag:s0], $0x2000  }
0x1a6: {  	[sflag:s0] =	ssyncset.done @!p0 $0x0  }
0x1a7: {  	s23 =	sshll.u32 s22, $0x1;
	p1 =	por @!p0 $0x0, $0x0;
	[sflag:s0] =	ssyncadd.s32 @!p0 $0xFFFFE000  }
0x1a8: {  	s0 =	sshll.u32 s23, $0x7  }
0x1a9: {  	v10 =	vor.u32 s0, v0  }
0x1aa: {  	v11 =	vor.u32 s0, v2  }
0x1ab: {  	v12 =	vor.u32 s0, v3  }
0x1ac: {  	v13 =	vor.u32 s0, v4  }
0x1ad: {  	v14 =	vor.u32 s0, v5  }
0x1ae: {  	v18 =	vld.idx.msk [tilespmem:v10+s17+$0x0], $0xffff  }
0x1af: {  	v19 =	vld.idx.msk [tilespmem:v11+s17+$0x0], $0xffff  }
0x1b0: {  	v10 =	vor.u32 s0, v6;
	v20 =	vld.idx.msk [tilespmem:v12+s17+$0x0], $0xffff  }
0x1b1: {  	v11 =	vor.u32 s0, v7;
	v21 =	vld.idx.msk [tilespmem:v13+s17+$0x0], $0xffff  }
0x1b2: {  	v12 =	vor.u32 s0, v8;
	v22 =	vld.idx.msk [tilespmem:v14+s17+$0x0], $0xffff;
	_ =	sdelay $0x2  }
0x1b3: {  	v23 =	vld.idx.msk [tilespmem:v10+s17+$0x0], $0xffff  }
0x1b4: {  	v10 =	vshrl.u32 v18, $0x4;
	v24 =	vld.idx.msk [tilespmem:v11+s17+$0x0], $0xffff;
	v11 =	vshrl.u32 v19, $0x4  }
0x1b5: {  	v25 =	vld.idx.msk [tilespmem:v12+s17+$0x0], $0xffff;
	v12 =	vshrl.u32 v20, $0x4;
	v13 =	vshrl.u32 v21, $0x4;
	v14 =	vshrl.u32 v22, $0x4  }
0x1b6: {  	v18 =	vand.u32 $0xFF, v18;
	v19 =	vand.u32 $0xFF, v19;
	v20 =	vand.u32 $0xFF, v20  }
0x1b7: {  	v21 =	vand.u32 $0xFF, v21;
	v22 =	vand.u32 $0xFF, v22;
	v10 =	vand.u32 $0xFFFFFF0, v10  }
0x1b8: {  	v11 =	vand.u32 $0xFFFFFF0, v11;
	v12 =	vand.u32 $0xFFFFFF0, v12;
	v13 =	vand.u32 $0xFFFFFF0, v13  }
0x1b9: {  	v14 =	vand.u32 $0xFFFFFF0, v14;
	v10 =	vor.u32 v0, v10;
	v11 =	vor.u32 v0, v11  }
0x1ba: {  	v12 =	vor.u32 v0, v12;
	v13 =	vor.u32 v0, v13;
	v14 =	vor.u32 v0, v14  }
0x1bb: {  	v15 =	vshrl.u32 v23, $0x4;
	v16 =	vshrl.u32 v24, $0x4;
	v17 =	vshrl.u32 v25, $0x4  }
0x1bc: {  	v23 =	vand.u32 $0xFF, v23;
	v24 =	vand.u32 $0xFF, v24;
	v25 =	vand.u32 $0xFF, v25  }
0x1bd: {  	v15 =	vand.u32 $0xFFFFFF0, v15;
	v16 =	vand.u32 $0xFFFFFF0, v16;
	v17 =	vand.u32 $0xFFFFFF0, v17  }
0x1be: {  	s1 =	simm.s32 $0x10F80;
	s0 =	simm.s32 $0x700;
	v15 =	vor.u32 v0, v15;
	v16 =	vor.u32 v0, v16;
	v17 =	vor.u32 v0, v17  }
.LBB2_8:
0x1bf: {  	s3 =	sadd.s32 $0xFFFFF900, s0  }
0x1c0: {  	v26 =	vor.u32 s3, v18  }
0x1c1: {  	v27 =	vadd.s32 s3, v10;
	_ =	sdelay $0x3  }
0x1c2: {  	v26 =	vld.idx.msk [tilespmem:v26+s18+$0x0], $0xffff  }
0x1c3: {  	v27 =	vld.idx.msk [tilespmem:v27+s19+$0x0], $0xffff;
	_ =	sdelay $0x2  }
0x1c4: {  	v28 =	vor.u32 s3, v19  }
0x1c5: {  	v29 =	vadd.s32 s3, v11  }
0x1c6: {  	v26 =	vadd.f32 v27, v26;
	_ =	sdelay $0x1  }
0x1c7: {  	[tilespmem:s1+$0xFFFFFE00] =	vst v26  }
0x1c8: {  	v26 =	vld.idx.msk [tilespmem:v28+s18+$0x0], $0xffff  }
0x1c9: {  	v27 =	vld.idx.msk [tilespmem:v29+s19+$0x0], $0xffff;
	_ =	sdelay $0x2  }
0x1ca: {  	v36 =	vor.u32 s3, v20  }
0x1cb: {  	v37 =	vadd.s32 s3, v12  }
0x1cc: {  	v26 =	vadd.f32 v27, v26;
	_ =	sdelay $0x1  }
0x1cd: {  	[tilespmem:s1+$0xFFFFFE10] =	vst v26  }
0x1ce: {  	v26 =	vld.idx.msk [tilespmem:v36+s18+$0x0], $0xffff  }
0x1cf: {  	v27 =	vld.idx.msk [tilespmem:v37+s19+$0x0], $0xffff;
	_ =	sdelay $0x2  }
0x1d0: {  	v38 =	vor.u32 s3, v21  }
0x1d1: {  	v39 =	vadd.s32 s3, v13  }
0x1d2: {  	v26 =	vadd.f32 v27, v26;
	_ =	sdelay $0x1  }
0x1d3: {  	[tilespmem:s1+$0xFFFFFE20] =	vst v26  }
0x1d4: {  	v26 =	vld.idx.msk [tilespmem:v38+s18+$0x0], $0xffff  }
0x1d5: {  	v27 =	vld.idx.msk [tilespmem:v39+s19+$0x0], $0xffff;
	_ =	sdelay $0x2  }
0x1d6: {  	v40 =	vor.u32 s3, v22  }
0x1d7: {  	v41 =	vadd.s32 s3, v14  }
0x1d8: {  	v26 =	vadd.f32 v27, v26;
	_ =	sdelay $0x1  }
0x1d9: {  	[tilespmem:s1+$0xFFFFFE30] =	vst v26  }
0x1da: {  	v26 =	vld.idx.msk [tilespmem:v40+s18+$0x0], $0xffff  }
0x1db: {  	v27 =	vld.idx.msk [tilespmem:v41+s19+$0x0], $0xffff;
	_ =	sdelay $0x2  }
0x1dc: {  	v42 =	vor.u32 s3, v23  }
0x1dd: {  	v43 =	vadd.s32 s3, v15  }
0x1de: {  	v26 =	vadd.f32 v27, v26;
	_ =	sdelay $0x1  }
0x1df: {  	[tilespmem:s1+$0xFFFFFE40] =	vst v26  }
0x1e0: {  	v26 =	vld.idx.msk [tilespmem:v42+s18+$0x0], $0xffff  }
0x1e1: {  	v27 =	vld.idx.msk [tilespmem:v43+s19+$0x0], $0xffff;
	_ =	sdelay $0x2  }
0x1e2: {  	v44 =	vor.u32 s3, v24  }
0x1e3: {  	v45 =	vadd.s32 s3, v16  }
0x1e4: {  	v26 =	vadd.f32 v27, v26;
	_ =	sdelay $0x1  }
0x1e5: {  	[tilespmem:s1+$0xFFFFFE50] =	vst v26  }
0x1e6: {  	v26 =	vld.idx.msk [tilespmem:v44+s18+$0x0], $0xffff  }
0x1e7: {  	v27 =	vld.idx.msk [tilespmem:v45+s19+$0x0], $0xffff;
	_ =	sdelay $0x2  }
0x1e8: {  	v46 =	vor.u32 s3, v25  }
0x1e9: {  	v47 =	vadd.s32 s3, v17  }
0x1ea: {  	v26 =	vadd.f32 v27, v26;
	_ =	sdelay $0x1  }
0x1eb: {  	[tilespmem:s1+$0xFFFFFE60] =	vst v26  }
0x1ec: {  	v26 =	vld.idx.msk [tilespmem:v46+s18+$0x0], $0xffff  }
0x1ed: {  	v27 =	vld.idx.msk [tilespmem:v47+s19+$0x0], $0xffff;
	_ =	sdelay $0x1  }
0x1ee: {  	s7 =	sadd.s32 $0xFFFFFA00, s0  }
0x1ef: {  	v48 =	vor.u32 s7, v18  }
0x1f0: {  	v49 =	vadd.s32 s7, v10  }
0x1f1: {  	v26 =	vadd.f32 v27, v26;
	_ =	sdelay $0x1  }
0x1f2: {  	[tilespmem:s1+$0xFFFFFE70] =	vst v26  }
0x1f3: {  	v26 =	vld.idx.msk [tilespmem:v48+s18+$0x0], $0xffff  }
0x1f4: {  	v27 =	vld.idx.msk [tilespmem:v49+s19+$0x0], $0xffff;
	_ =	sdelay $0x2  }
0x1f5: {  	v50 =	vor.u32 s7, v19  }
0x1f6: {  	v51 =	vadd.s32 s7, v11  }
0x1f7: {  	v26 =	vadd.f32 v27, v26;
	_ =	sdelay $0x1  }
0x1f8: {  	[tilespmem:s1+$0xFFFFFE80] =	vst v26  }
0x1f9: {  	v26 =	vld.idx.msk [tilespmem:v50+s18+$0x0], $0xffff  }
0x1fa: {  	v27 =	vld.idx.msk [tilespmem:v51+s19+$0x0], $0xffff;
	_ =	sdelay $0x2  }
0x1fb: {  	v52 =	vor.u32 s7, v20  }
0x1fc: {  	v53 =	vadd.s32 s7, v12  }
0x1fd: {  	v26 =	vadd.f32 v27, v26;
	_ =	sdelay $0x1  }
0x1fe: {  	[tilespmem:s1+$0xFFFFFE90] =	vst v26  }
0x1ff: {  	v26 =	vld.idx.msk [tilespmem:v52+s18+$0x0], $0xffff  }
0x200: {  	v27 =	vld.idx.msk [tilespmem:v53+s19+$0x0], $0xffff;
	_ =	sdelay $0x2  }
0x201: {  	v54 =	vor.u32 s7, v21  }
0x202: {  	v55 =	vadd.s32 s7, v13  }
0x203: {  	v26 =	vadd.f32 v27, v26;
	_ =	sdelay $0x1  }
0x204: {  	[tilespmem:s1+$0xFFFFFEA0] =	vst v26  }
0x205: {  	v26 =	vld.idx.msk [tilespmem:v54+s18+$0x0], $0xffff  }
0x206: {  	v27 =	vld.idx.msk [tilespmem:v55+s19+$0x0], $0xffff;
	_ =	sdelay $0x2  }
0x207: {  	v56 =	vor.u32 s7, v22  }
0x208: {  	v57 =	vadd.s32 s7, v14  }
0x209: {  	v26 =	vadd.f32 v27, v26;
	_ =	sdelay $0x1  }
0x20a: {  	[tilespmem:s1+$0xFFFFFEB0] =	vst v26  }
0x20b: {  	v26 =	vld.idx.msk [tilespmem:v56+s18+$0x0], $0xffff  }
0x20c: {  	v27 =	vld.idx.msk [tilespmem:v57+s19+$0x0], $0xffff;
	_ =	sdelay $0x2  }
0x20d: {  	v58 =	vor.u32 s7, v23  }
0x20e: {  	v59 =	vadd.s32 s7, v15  }
0x20f: {  	v26 =	vadd.f32 v27, v26;
	_ =	sdelay $0x1  }
0x210: {  	[tilespmem:s1+$0xFFFFFEC0] =	vst v26  }
0x211: {  	v26 =	vld.idx.msk [tilespmem:v58+s18+$0x0], $0xffff  }
0x212: {  	v27 =	vld.idx.msk [tilespmem:v59+s19+$0x0], $0xffff;
	_ =	sdelay $0x2  }
0x213: {  	v60 =	vor.u32 s7, v24  }
0x214: {  	v61 =	vadd.s32 s7, v16  }
0x215: {  	v26 =	vadd.f32 v27, v26;
	_ =	sdelay $0x1  }
0x216: {  	[tilespmem:s1+$0xFFFFFED0] =	vst v26  }
0x217: {  	v26 =	vld.idx.msk [tilespmem:v60+s18+$0x0], $0xffff  }
0x218: {  	v27 =	vld.idx.msk [tilespmem:v61+s19+$0x0], $0xffff;
	_ =	sdelay $0x2  }
0x219: {  	v62 =	vor.u32 s7, v25  }
0x21a: {  	v63 =	vadd.s32 s7, v17  }
0x21b: {  	v26 =	vadd.f32 v27, v26;
	_ =	sdelay $0x1  }
0x21c: {  	[tilespmem:s1+$0xFFFFFEE0] =	vst v26  }
0x21d: {  	v26 =	vld.idx.msk [tilespmem:v62+s18+$0x0], $0xffff  }
0x21e: {  	v27 =	vld.idx.msk [tilespmem:v63+s19+$0x0], $0xffff;
	_ =	sdelay $0x1  }
0x21f: {  	s8 =	sadd.s32 $0xFFFFFB00, s0  }
0x220: {  	v32 =	vor.u32 s8, v18  }
0x221: {  	v33 =	vadd.s32 s8, v10  }
0x222: {  	v26 =	vadd.f32 v27, v26;
	_ =	sdelay $0x1  }
0x223: {  	[tilespmem:s1+$0xFFFFFEF0] =	vst v26  }
0x224: {  	v26 =	vld.idx.msk [tilespmem:v32+s18+$0x0], $0xffff  }
0x225: {  	v27 =	vld.idx.msk [tilespmem:v33+s19+$0x0], $0xffff;
	_ =	sdelay $0x2  }
0x226: {  	v34 =	vor.u32 s8, v19  }
0x227: {  	v35 =	vadd.s32 s8, v11  }
0x228: {  	v26 =	vadd.f32 v27, v26;
	_ =	sdelay $0x1  }
0x229: {  	[tilespmem:s1+$0xFFFFFF00] =	vst v26  }
0x22a: {  	v26 =	vld.idx.msk [tilespmem:v34+s18+$0x0], $0xffff  }
0x22b: {  	v27 =	vld.idx.msk [tilespmem:v35+s19+$0x0], $0xffff;
	_ =	sdelay $0x2  }
0x22c: {  	v36 =	vor.u32 s8, v20  }
0x22d: {  	v37 =	vadd.s32 s8, v12  }
0x22e: {  	v26 =	vadd.f32 v27, v26;
	_ =	sdelay $0x1  }
0x22f: {  	[tilespmem:s1+$0xFFFFFF10] =	vst v26  }
0x230: {  	v26 =	vld.idx.msk [tilespmem:v36+s18+$0x0], $0xffff  }
0x231: {  	v27 =	vld.idx.msk [tilespmem:v37+s19+$0x0], $0xffff;
	_ =	sdelay $0x2  }
0x232: {  	v38 =	vor.u32 s8, v21  }
0x233: {  	v39 =	vadd.s32 s8, v13  }
0x234: {  	v26 =	vadd.f32 v27, v26;
	_ =	sdelay $0x1  }
0x235: {  	[tilespmem:s1+$0xFFFFFF20] =	vst v26  }
0x236: {  	v26 =	vld.idx.msk [tilespmem:v38+s18+$0x0], $0xffff  }
0x237: {  	v27 =	vld.idx.msk [tilespmem:v39+s19+$0x0], $0xffff;
	_ =	sdelay $0x2  }
0x238: {  	v40 =	vor.u32 s8, v22  }
0x239: {  	v41 =	vadd.s32 s8, v14  }
0x23a: {  	v26 =	vadd.f32 v27, v26;
	_ =	sdelay $0x1  }
0x23b: {  	[tilespmem:s1+$0xFFFFFF30] =	vst v26  }
0x23c: {  	v26 =	vld.idx.msk [tilespmem:v40+s18+$0x0], $0xffff  }
0x23d: {  	v27 =	vld.idx.msk [tilespmem:v41+s19+$0x0], $0xffff;
	_ =	sdelay $0x2  }
0x23e: {  	v42 =	vor.u32 s8, v23  }
0x23f: {  	v43 =	vadd.s32 s8, v15  }
0x240: {  	v26 =	vadd.f32 v27, v26;
	_ =	sdelay $0x1  }
0x241: {  	[tilespmem:s1+$0xFFFFFF40] =	vst v26  }
0x242: {  	v26 =	vld.idx.msk [tilespmem:v42+s18+$0x0], $0xffff  }
0x243: {  	v27 =	vld.idx.msk [tilespmem:v43+s19+$0x0], $0xffff;
	_ =	sdelay $0x2  }
0x244: {  	v44 =	vor.u32 s8, v24  }
0x245: {  	v45 =	vadd.s32 s8, v16  }
0x246: {  	v26 =	vadd.f32 v27, v26;
	_ =	sdelay $0x1  }
0x247: {  	[tilespmem:s1+$0xFFFFFF50] =	vst v26  }
0x248: {  	v26 =	vld.idx.msk [tilespmem:v44+s18+$0x0], $0xffff  }
0x249: {  	v27 =	vld.idx.msk [tilespmem:v45+s19+$0x0], $0xffff;
	_ =	sdelay $0x2  }
0x24a: {  	v46 =	vor.u32 s8, v25  }
0x24b: {  	v47 =	vadd.s32 s8, v17  }
0x24c: {  	v26 =	vadd.f32 v27, v26;
	_ =	sdelay $0x1  }
0x24d: {  	[tilespmem:s1+$0xFFFFFF60] =	vst v26  }
0x24e: {  	v26 =	vld.idx.msk [tilespmem:v46+s18+$0x0], $0xffff  }
0x24f: {  	v27 =	vld.idx.msk [tilespmem:v47+s19+$0x0], $0xffff;
	_ =	sdelay $0x1  }
0x250: {  	s10 =	sadd.s32 $0xFFFFFC00, s0  }
0x251: {  	v48 =	vor.u32 s10, v18  }
0x252: {  	v49 =	vadd.s32 s10, v10  }
0x253: {  	v26 =	vadd.f32 v27, v26;
	_ =	sdelay $0x1  }
0x254: {  	[tilespmem:s1+$0xFFFFFF70] =	vst v26  }
0x255: {  	v26 =	vld.idx.msk [tilespmem:v48+s18+$0x0], $0xffff  }
0x256: {  	v27 =	vld.idx.msk [tilespmem:v49+s19+$0x0], $0xffff;
	_ =	sdelay $0x2  }
0x257: {  	v50 =	vor.u32 s10, v19  }
0x258: {  	v51 =	vadd.s32 s10, v11  }
0x259: {  	v26 =	vadd.f32 v27, v26;
	_ =	sdelay $0x1  }
0x25a: {  	[tilespmem:s1+$0xFFFFFF80] =	vst v26  }
0x25b: {  	v26 =	vld.idx.msk [tilespmem:v50+s18+$0x0], $0xffff  }
0x25c: {  	v27 =	vld.idx.msk [tilespmem:v51+s19+$0x0], $0xffff;
	_ =	sdelay $0x2  }
0x25d: {  	v52 =	vor.u32 s10, v20  }
0x25e: {  	v53 =	vadd.s32 s10, v12  }
0x25f: {  	v26 =	vadd.f32 v27, v26;
	_ =	sdelay $0x1  }
0x260: {  	[tilespmem:s1+$0xFFFFFF90] =	vst v26  }
0x261: {  	v26 =	vld.idx.msk [tilespmem:v52+s18+$0x0], $0xffff  }
0x262: {  	v27 =	vld.idx.msk [tilespmem:v53+s19+$0x0], $0xffff;
	_ =	sdelay $0x2  }
0x263: {  	v54 =	vor.u32 s10, v21  }
0x264: {  	v55 =	vadd.s32 s10, v13  }
0x265: {  	v26 =	vadd.f32 v27, v26;
	_ =	sdelay $0x1  }
0x266: {  	[tilespmem:s1+$0xFFFFFFA0] =	vst v26  }
0x267: {  	v26 =	vld.idx.msk [tilespmem:v54+s18+$0x0], $0xffff  }
0x268: {  	v27 =	vld.idx.msk [tilespmem:v55+s19+$0x0], $0xffff;
	_ =	sdelay $0x2  }
0x269: {  	v56 =	vor.u32 s10, v22  }
0x26a: {  	v57 =	vadd.s32 s10, v14  }
0x26b: {  	v26 =	vadd.f32 v27, v26;
	_ =	sdelay $0x1  }
0x26c: {  	[tilespmem:s1+$0xFFFFFFB0] =	vst v26  }
0x26d: {  	v26 =	vld.idx.msk [tilespmem:v56+s18+$0x0], $0xffff  }
0x26e: {  	v27 =	vld.idx.msk [tilespmem:v57+s19+$0x0], $0xffff;
	_ =	sdelay $0x2  }
0x26f: {  	v58 =	vor.u32 s10, v23  }
0x270: {  	v59 =	vadd.s32 s10, v15  }
0x271: {  	v26 =	vadd.f32 v27, v26;
	_ =	sdelay $0x1  }
0x272: {  	[tilespmem:s1+$0xFFFFFFC0] =	vst v26  }
0x273: {  	v26 =	vld.idx.msk [tilespmem:v58+s18+$0x0], $0xffff  }
0x274: {  	v27 =	vld.idx.msk [tilespmem:v59+s19+$0x0], $0xffff;
	_ =	sdelay $0x2  }
0x275: {  	v60 =	vor.u32 s10, v24  }
0x276: {  	v61 =	vadd.s32 s10, v16  }
0x277: {  	v26 =	vadd.f32 v27, v26;
	_ =	sdelay $0x1  }
0x278: {  	[tilespmem:s1+$0xFFFFFFD0] =	vst v26  }
0x279: {  	v26 =	vld.idx.msk [tilespmem:v60+s18+$0x0], $0xffff  }
0x27a: {  	v27 =	vld.idx.msk [tilespmem:v61+s19+$0x0], $0xffff;
	_ =	sdelay $0x2  }
0x27b: {  	v62 =	vor.u32 s10, v25  }
0x27c: {  	v63 =	vadd.s32 s10, v17  }
0x27d: {  	v26 =	vadd.f32 v27, v26;
	_ =	sdelay $0x1  }
0x27e: {  	[tilespmem:s1+$0xFFFFFFE0] =	vst v26  }
0x27f: {  	v26 =	vld.idx.msk [tilespmem:v62+s18+$0x0], $0xffff  }
0x280: {  	v27 =	vld.idx.msk [tilespmem:v63+s19+$0x0], $0xffff;
	_ =	sdelay $0x1  }
0x281: {  	s24 =	sadd.s32 $0xFFFFFD00, s0  }
0x282: {  	v32 =	vor.u32 s24, v18  }
0x283: {  	v33 =	vadd.s32 s24, v10  }
0x284: {  	v26 =	vadd.f32 v27, v26;
	_ =	sdelay $0x1  }
0x285: {  	[tilespmem:s1+$0xFFFFFFF0] =	vst v26  }
0x286: {  	v26 =	vld.idx.msk [tilespmem:v32+s18+$0x0], $0xffff  }
0x287: {  	v27 =	vld.idx.msk [tilespmem:v33+s19+$0x0], $0xffff;
	_ =	sdelay $0x2  }
0x288: {  	v34 =	vor.u32 s24, v19  }
0x289: {  	v35 =	vadd.s32 s24, v11  }
0x28a: {  	v26 =	vadd.f32 v27, v26;
	_ =	sdelay $0x1  }
0x28b: {  	[tilespmem:s1+$0x0] =	vst v26  }
0x28c: {  	v26 =	vld.idx.msk [tilespmem:v34+s18+$0x0], $0xffff  }
0x28d: {  	v27 =	vld.idx.msk [tilespmem:v35+s19+$0x0], $0xffff;
	_ =	sdelay $0x2  }
0x28e: {  	v36 =	vor.u32 s24, v20  }
0x28f: {  	v37 =	vadd.s32 s24, v12  }
0x290: {  	v26 =	vadd.f32 v27, v26;
	_ =	sdelay $0x1  }
0x291: {  	[tilespmem:s1+$0x10] =	vst v26  }
0x292: {  	v26 =	vld.idx.msk [tilespmem:v36+s18+$0x0], $0xffff  }
0x293: {  	v27 =	vld.idx.msk [tilespmem:v37+s19+$0x0], $0xffff;
	_ =	sdelay $0x2  }
0x294: {  	v38 =	vor.u32 s24, v21  }
0x295: {  	v39 =	vadd.s32 s24, v13  }
0x296: {  	v26 =	vadd.f32 v27, v26;
	_ =	sdelay $0x1  }
0x297: {  	[tilespmem:s1+$0x20] =	vst v26  }
0x298: {  	v26 =	vld.idx.msk [tilespmem:v38+s18+$0x0], $0xffff  }
0x299: {  	v27 =	vld.idx.msk [tilespmem:v39+s19+$0x0], $0xffff;
	_ =	sdelay $0x2  }
0x29a: {  	v40 =	vor.u32 s24, v22  }
0x29b: {  	v41 =	vadd.s32 s24, v14  }
0x29c: {  	v26 =	vadd.f32 v27, v26;
	_ =	sdelay $0x1  }
0x29d: {  	[tilespmem:s1+$0x30] =	vst v26  }
0x29e: {  	v26 =	vld.idx.msk [tilespmem:v40+s18+$0x0], $0xffff  }
0x29f: {  	v27 =	vld.idx.msk [tilespmem:v41+s19+$0x0], $0xffff;
	_ =	sdelay $0x2  }
0x2a0: {  	v42 =	vor.u32 s24, v23  }
0x2a1: {  	v43 =	vadd.s32 s24, v15  }
0x2a2: {  	v26 =	vadd.f32 v27, v26;
	_ =	sdelay $0x1  }
0x2a3: {  	[tilespmem:s1+$0x40] =	vst v26  }
0x2a4: {  	v26 =	vld.idx.msk [tilespmem:v42+s18+$0x0], $0xffff  }
0x2a5: {  	v27 =	vld.idx.msk [tilespmem:v43+s19+$0x0], $0xffff;
	_ =	sdelay $0x2  }
0x2a6: {  	v44 =	vor.u32 s24, v24  }
0x2a7: {  	v45 =	vadd.s32 s24, v16  }
0x2a8: {  	v26 =	vadd.f32 v27, v26;
	_ =	sdelay $0x1  }
0x2a9: {  	[tilespmem:s1+$0x50] =	vst v26  }
0x2aa: {  	v26 =	vld.idx.msk [tilespmem:v44+s18+$0x0], $0xffff  }
0x2ab: {  	v27 =	vld.idx.msk [tilespmem:v45+s19+$0x0], $0xffff;
	_ =	sdelay $0x2  }
0x2ac: {  	v46 =	vor.u32 s24, v25  }
0x2ad: {  	v47 =	vadd.s32 s24, v17  }
0x2ae: {  	v26 =	vadd.f32 v27, v26;
	_ =	sdelay $0x1  }
0x2af: {  	[tilespmem:s1+$0x60] =	vst v26  }
0x2b0: {  	v26 =	vld.idx.msk [tilespmem:v46+s18+$0x0], $0xffff  }
0x2b1: {  	v27 =	vld.idx.msk [tilespmem:v47+s19+$0x0], $0xffff;
	_ =	sdelay $0x1  }
0x2b2: {  	s25 =	sadd.s32 $0xFFFFFE00, s0  }
0x2b3: {  	v48 =	vor.u32 s25, v18  }
0x2b4: {  	v49 =	vadd.s32 s25, v10  }
0x2b5: {  	v26 =	vadd.f32 v27, v26;
	_ =	sdelay $0x1  }
0x2b6: {  	[tilespmem:s1+$0x70] =	vst v26  }
0x2b7: {  	v26 =	vld.idx.msk [tilespmem:v48+s18+$0x0], $0xffff  }
0x2b8: {  	v27 =	vld.idx.msk [tilespmem:v49+s19+$0x0], $0xffff;
	_ =	sdelay $0x2  }
0x2b9: {  	v50 =	vor.u32 s25, v19  }
0x2ba: {  	v51 =	vadd.s32 s25, v11  }
0x2bb: {  	v26 =	vadd.f32 v27, v26;
	_ =	sdelay $0x1  }
0x2bc: {  	[tilespmem:s1+$0x80] =	vst v26  }
0x2bd: {  	v26 =	vld.idx.msk [tilespmem:v50+s18+$0x0], $0xffff  }
0x2be: {  	v27 =	vld.idx.msk [tilespmem:v51+s19+$0x0], $0xffff;
	_ =	sdelay $0x2  }
0x2bf: {  	v52 =	vor.u32 s25, v20  }
0x2c0: {  	v53 =	vadd.s32 s25, v12  }
0x2c1: {  	v26 =	vadd.f32 v27, v26;
	_ =	sdelay $0x1  }
0x2c2: {  	[tilespmem:s1+$0x90] =	vst v26  }
0x2c3: {  	v26 =	vld.idx.msk [tilespmem:v52+s18+$0x0], $0xffff  }
0x2c4: {  	v27 =	vld.idx.msk [tilespmem:v53+s19+$0x0], $0xffff;
	_ =	sdelay $0x2  }
0x2c5: {  	v54 =	vor.u32 s25, v21  }
0x2c6: {  	v55 =	vadd.s32 s25, v13  }
0x2c7: {  	v26 =	vadd.f32 v27, v26;
	_ =	sdelay $0x1  }
0x2c8: {  	[tilespmem:s1+$0xA0] =	vst v26  }
0x2c9: {  	v26 =	vld.idx.msk [tilespmem:v54+s18+$0x0], $0xffff  }
0x2ca: {  	v27 =	vld.idx.msk [tilespmem:v55+s19+$0x0], $0xffff;
	_ =	sdelay $0x2  }
0x2cb: {  	v56 =	vor.u32 s25, v22  }
0x2cc: {  	v57 =	vadd.s32 s25, v14  }
0x2cd: {  	v26 =	vadd.f32 v27, v26;
	_ =	sdelay $0x1  }
0x2ce: {  	[tilespmem:s1+$0xB0] =	vst v26  }
0x2cf: {  	v26 =	vld.idx.msk [tilespmem:v56+s18+$0x0], $0xffff  }
0x2d0: {  	v27 =	vld.idx.msk [tilespmem:v57+s19+$0x0], $0xffff;
	_ =	sdelay $0x2  }
0x2d1: {  	v58 =	vor.u32 s25, v23  }
0x2d2: {  	v59 =	vadd.s32 s25, v15  }
0x2d3: {  	v26 =	vadd.f32 v27, v26;
	_ =	sdelay $0x1  }
0x2d4: {  	[tilespmem:s1+$0xC0] =	vst v26  }
0x2d5: {  	v26 =	vld.idx.msk [tilespmem:v58+s18+$0x0], $0xffff  }
0x2d6: {  	v27 =	vld.idx.msk [tilespmem:v59+s19+$0x0], $0xffff;
	_ =	sdelay $0x2  }
0x2d7: {  	v60 =	vor.u32 s25, v24  }
0x2d8: {  	v61 =	vadd.s32 s25, v16  }
0x2d9: {  	v26 =	vadd.f32 v27, v26;
	_ =	sdelay $0x1  }
0x2da: {  	[tilespmem:s1+$0xD0] =	vst v26  }
0x2db: {  	v26 =	vld.idx.msk [tilespmem:v60+s18+$0x0], $0xffff  }
0x2dc: {  	v27 =	vld.idx.msk [tilespmem:v61+s19+$0x0], $0xffff;
	_ =	sdelay $0x2  }
0x2dd: {  	v62 =	vor.u32 s25, v25  }
0x2de: {  	v63 =	vadd.s32 s25, v17  }
0x2df: {  	v26 =	vadd.f32 v27, v26;
	_ =	sdelay $0x1  }
0x2e0: {  	[tilespmem:s1+$0xE0] =	vst v26  }
0x2e1: {  	v26 =	vld.idx.msk [tilespmem:v62+s18+$0x0], $0xffff  }
0x2e2: {  	v27 =	vld.idx.msk [tilespmem:v63+s19+$0x0], $0xffff;
	_ =	sdelay $0x1  }
0x2e3: {  	s26 =	sadd.s32 $0xFFFFFF00, s0  }
0x2e4: {  	v32 =	vor.u32 s26, v18  }
0x2e5: {  	v33 =	vadd.s32 s26, v10  }
0x2e6: {  	v26 =	vadd.f32 v27, v26;
	_ =	sdelay $0x1  }
0x2e7: {  	[tilespmem:s1+$0xF0] =	vst v26  }
0x2e8: {  	v26 =	vld.idx.msk [tilespmem:v32+s18+$0x0], $0xffff  }
0x2e9: {  	v27 =	vld.idx.msk [tilespmem:v33+s19+$0x0], $0xffff;
	_ =	sdelay $0x2  }
0x2ea: {  	v34 =	vor.u32 s26, v19  }
0x2eb: {  	v35 =	vadd.s32 s26, v11  }
0x2ec: {  	v26 =	vadd.f32 v27, v26;
	_ =	sdelay $0x1  }
0x2ed: {  	[tilespmem:s1+$0x100] =	vst v26  }
0x2ee: {  	v26 =	vld.idx.msk [tilespmem:v34+s18+$0x0], $0xffff  }
0x2ef: {  	v27 =	vld.idx.msk [tilespmem:v35+s19+$0x0], $0xffff;
	_ =	sdelay $0x2  }
0x2f0: {  	v36 =	vor.u32 s26, v20  }
0x2f1: {  	v37 =	vadd.s32 s26, v12  }
0x2f2: {  	v26 =	vadd.f32 v27, v26;
	_ =	sdelay $0x1  }
0x2f3: {  	[tilespmem:s1+$0x110] =	vst v26  }
0x2f4: {  	v26 =	vld.idx.msk [tilespmem:v36+s18+$0x0], $0xffff  }
0x2f5: {  	v27 =	vld.idx.msk [tilespmem:v37+s19+$0x0], $0xffff;
	_ =	sdelay $0x2  }
0x2f6: {  	v38 =	vor.u32 s26, v21  }
0x2f7: {  	v39 =	vadd.s32 s26, v13  }
0x2f8: {  	v26 =	vadd.f32 v27, v26;
	_ =	sdelay $0x1  }
0x2f9: {  	[tilespmem:s1+$0x120] =	vst v26  }
0x2fa: {  	v26 =	vld.idx.msk [tilespmem:v38+s18+$0x0], $0xffff  }
0x2fb: {  	v27 =	vld.idx.msk [tilespmem:v39+s19+$0x0], $0xffff;
	_ =	sdelay $0x2  }
0x2fc: {  	v40 =	vor.u32 s26, v22  }
0x2fd: {  	v41 =	vadd.s32 s26, v14  }
0x2fe: {  	v26 =	vadd.f32 v27, v26;
	_ =	sdelay $0x1  }
0x2ff: {  	[tilespmem:s1+$0x130] =	vst v26  }
0x300: {  	v26 =	vld.idx.msk [tilespmem:v40+s18+$0x0], $0xffff  }
0x301: {  	v27 =	vld.idx.msk [tilespmem:v41+s19+$0x0], $0xffff;
	_ =	sdelay $0x2  }
0x302: {  	v42 =	vor.u32 s26, v23  }
0x303: {  	v43 =	vadd.s32 s26, v15  }
0x304: {  	v26 =	vadd.f32 v27, v26;
	_ =	sdelay $0x1  }
0x305: {  	[tilespmem:s1+$0x140] =	vst v26  }
0x306: {  	v26 =	vld.idx.msk [tilespmem:v42+s18+$0x0], $0xffff  }
0x307: {  	v27 =	vld.idx.msk [tilespmem:v43+s19+$0x0], $0xffff;
	_ =	sdelay $0x2  }
0x308: {  	v44 =	vor.u32 s26, v24  }
0x309: {  	v45 =	vadd.s32 s26, v16  }
0x30a: {  	v26 =	vadd.f32 v27, v26;
	_ =	sdelay $0x1  }
0x30b: {  	[tilespmem:s1+$0x150] =	vst v26  }
0x30c: {  	v26 =	vld.idx.msk [tilespmem:v44+s18+$0x0], $0xffff  }
0x30d: {  	v27 =	vld.idx.msk [tilespmem:v45+s19+$0x0], $0xffff;
	_ =	sdelay $0x2  }
0x30e: {  	v46 =	vor.u32 s26, v25  }
0x30f: {  	v47 =	vadd.s32 s26, v17  }
0x310: {  	v26 =	vadd.f32 v27, v26;
	_ =	sdelay $0x1  }
0x311: {  	[tilespmem:s1+$0x160] =	vst v26  }
0x312: {  	v26 =	vld.idx.msk [tilespmem:v46+s18+$0x0], $0xffff  }
0x313: {  	v27 =	vld.idx.msk [tilespmem:v47+s19+$0x0], $0xffff;
	_ =	sdelay $0x2  }
0x314: {  	v48 =	vor.u32 s0, v18  }
0x315: {  	v49 =	vadd.s32 s0, v10  }
0x316: {  	v26 =	vadd.f32 v27, v26;
	_ =	sdelay $0x1  }
0x317: {  	[tilespmem:s1+$0x170] =	vst v26  }
0x318: {  	v26 =	vld.idx.msk [tilespmem:v48+s18+$0x0], $0xffff  }
0x319: {  	v27 =	vld.idx.msk [tilespmem:v49+s19+$0x0], $0xffff;
	_ =	sdelay $0x2  }
0x31a: {  	v50 =	vor.u32 s0, v19  }
0x31b: {  	v51 =	vadd.s32 s0, v11  }
0x31c: {  	v26 =	vadd.f32 v27, v26;
	_ =	sdelay $0x1  }
0x31d: {  	[tilespmem:s1+$0x180] =	vst v26  }
0x31e: {  	v26 =	vld.idx.msk [tilespmem:v50+s18+$0x0], $0xffff  }
0x31f: {  	v27 =	vld.idx.msk [tilespmem:v51+s19+$0x0], $0xffff;
	_ =	sdelay $0x2  }
0x320: {  	v52 =	vor.u32 s0, v20  }
0x321: {  	v53 =	vadd.s32 s0, v12  }
0x322: {  	v26 =	vadd.f32 v27, v26;
	_ =	sdelay $0x1  }
0x323: {  	[tilespmem:s1+$0x190] =	vst v26  }
0x324: {  	v26 =	vld.idx.msk [tilespmem:v52+s18+$0x0], $0xffff  }
0x325: {  	v27 =	vld.idx.msk [tilespmem:v53+s19+$0x0], $0xffff;
	_ =	sdelay $0x2  }
0x326: {  	v54 =	vor.u32 s0, v21  }
0x327: {  	v55 =	vadd.s32 s0, v13  }
0x328: {  	v26 =	vadd.f32 v27, v26;
	_ =	sdelay $0x1  }
0x329: {  	[tilespmem:s1+$0x1A0] =	vst v26  }
0x32a: {  	v26 =	vld.idx.msk [tilespmem:v54+s18+$0x0], $0xffff  }
0x32b: {  	v27 =	vld.idx.msk [tilespmem:v55+s19+$0x0], $0xffff;
	_ =	sdelay $0x2  }
0x32c: {  	v56 =	vor.u32 s0, v22  }
0x32d: {  	v57 =	vadd.s32 s0, v14  }
0x32e: {  	v26 =	vadd.f32 v27, v26;
	_ =	sdelay $0x1  }
0x32f: {  	[tilespmem:s1+$0x1B0] =	vst v26  }
0x330: {  	v26 =	vld.idx.msk [tilespmem:v56+s18+$0x0], $0xffff  }
0x331: {  	v27 =	vld.idx.msk [tilespmem:v57+s19+$0x0], $0xffff;
	_ =	sdelay $0x2  }
0x332: {  	v58 =	vor.u32 s0, v23  }
0x333: {  	v59 =	vadd.s32 s0, v15  }
0x334: {  	v26 =	vadd.f32 v27, v26;
	_ =	sdelay $0x1  }
0x335: {  	[tilespmem:s1+$0x1C0] =	vst v26  }
0x336: {  	v26 =	vld.idx.msk [tilespmem:v58+s18+$0x0], $0xffff  }
0x337: {  	v27 =	vld.idx.msk [tilespmem:v59+s19+$0x0], $0xffff;
	_ =	sdelay $0x2  }
0x338: {  	v60 =	vor.u32 s0, v24  }
0x339: {  	v61 =	vadd.s32 s0, v16  }
0x33a: {  	v26 =	vadd.f32 v27, v26;
	_ =	sdelay $0x1  }
0x33b: {  	[tilespmem:s1+$0x1D0] =	vst v26  }
0x33c: {  	v26 =	vld.idx.msk [tilespmem:v60+s18+$0x0], $0xffff  }
0x33d: {  	v27 =	vld.idx.msk [tilespmem:v61+s19+$0x0], $0xffff;
	_ =	sdelay $0x2  }
0x33e: {  	v62 =	vor.u32 s0, v25  }
0x33f: {  	v63 =	vadd.s32 s0, v17  }
0x340: {  	v26 =	vadd.f32 v27, v26;
	_ =	sdelay $0x1  }
0x341: {  	[tilespmem:s1+$0x1E0] =	vst v26  }
0x342: {  	v26 =	vld.idx.msk [tilespmem:v62+s18+$0x0], $0xffff  }
0x343: {  	v27 =	vld.idx.msk [tilespmem:v63+s19+$0x0], $0xffff;
	_ =	sdelay $0x1  }
0x344: {  	p1 =	sne.s32 s0, $0x3F00  }
.Ltmp7:
0x345: {  	_ = 	snop;
	(pc) =	sbr.rel @p1 .LBB2_8-.Ltmp7, $3  }
0x346: {  	_ = 	snop  }
0x347: {  	v26 =	vadd.f32 v27, v26;
	_ =	sdelay $0x1  }
0x348: {  	s0 =	sadd.s32 $0x800, s0;
	[tilespmem:s1+$0x1F0] =	vst v26;
	s1 =	sadd.s32 $0x400, s1  }
0x349: {  	p1 =	por $0x1, $0x1  }
.LBB2_10:
0x34a: {  	p2 =	seq.s32 s22, $0x81  }
.Ltmp8:
0x34b: {  	_ = 	snop;
	(pc) =	sbr.rel @p2 .LBB2_11-.Ltmp8, $1  }
0x34c: {  	_ =	sdelay $0x3  }
0x34d: {  	p2 =	sne.s32 s22, $0x80  }
.Ltmp9:
0x34e: {  	_ = 	snop;
	(pc) =	sbr.rel @p2 .LBB2_16-.Ltmp9, $1  }
0x34f: {  	_ =	sdelay $0x3  }
0x350: {  	_ =	sdelay $0x3  }
0x351: {  	v17 =	vld.idx.msk [tilespmem:v0+s15+$0x0], $0xffff;
	_ =	sdelay $0x5  }
0x352: {  	v16 =	vld.idx.msk [tilespmem:v2+s15+$0x0], $0xffff  }
0x353: {  	v15 =	vld.idx.msk [tilespmem:v3+s15+$0x0], $0xffff  }
0x354: {  	v18 =	vld.idx.msk [tilespmem:v17+s14+$0x0], $0xffff  }
0x355: {  	v14 =	vld.idx.msk [tilespmem:v4+s15+$0x0], $0xffff  }
0x356: {  	v13 =	vld.idx.msk [tilespmem:v5+s15+$0x0], $0xffff  }
0x357: {  	v12 =	vld.idx.msk [tilespmem:v6+s15+$0x0], $0xffff  }
0x358: {  	v11 =	vld.idx.msk [tilespmem:v7+s15+$0x0], $0xffff;
	s0 =	simm.s32 $0x10E80  }
0x359: {  	v10 =	vld.idx.msk [tilespmem:v8+s15+$0x0], $0xffff;
	[tilespmem:s0+$0xFFFFFF00] =	vst v18  }
0x35a: {  	v18 =	vld.idx.msk [tilespmem:v16+s14+$0x0], $0xffff;
	_ =	sdelay $0x4  }
0x35b: {  	[tilespmem:s0+$0xFFFFFF10] =	vst v18  }
0x35c: {  	v18 =	vld.idx.msk [tilespmem:v15+s14+$0x0], $0xffff;
	_ =	sdelay $0x4  }
0x35d: {  	[tilespmem:s0+$0xFFFFFF20] =	vst v18  }
0x35e: {  	v18 =	vld.idx.msk [tilespmem:v14+s14+$0x0], $0xffff;
	_ =	sdelay $0x4  }
0x35f: {  	[tilespmem:s0+$0xFFFFFF30] =	vst v18  }
0x360: {  	v18 =	vld.idx.msk [tilespmem:v13+s14+$0x0], $0xffff;
	_ =	sdelay $0x4  }
0x361: {  	[tilespmem:s0+$0xFFFFFF40] =	vst v18  }
0x362: {  	v18 =	vld.idx.msk [tilespmem:v12+s14+$0x0], $0xffff;
	_ =	sdelay $0x4  }
0x363: {  	[tilespmem:s0+$0xFFFFFF50] =	vst v18  }
0x364: {  	v18 =	vld.idx.msk [tilespmem:v11+s14+$0x0], $0xffff;
	_ =	sdelay $0x4  }
0x365: {  	[tilespmem:s0+$0xFFFFFF60] =	vst v18  }
0x366: {  	s1 =	simm.s32 $0x4;
	v18 =	vld.idx.msk [tilespmem:v10+s14+$0x0], $0xffff  }
0x367: {  	v19 =	vadd.s32 s1, v17;
	_ =	sdelay $0x3  }
0x368: {  	[tilespmem:s0+$0xFFFFFF70] =	vst v18  }
0x369: {  	v18 =	vld.idx.msk [tilespmem:v19+s14+$0x0], $0xffff  }
0x36a: {  	v19 =	vadd.s32 s1, v16;
	_ =	sdelay $0x3  }
0x36b: {  	[tilespmem:s0+$0xFFFFFF80] =	vst v18  }
0x36c: {  	v18 =	vld.idx.msk [tilespmem:v19+s14+$0x0], $0xffff  }
0x36d: {  	v19 =	vadd.s32 s1, v15;
	_ =	sdelay $0x3  }
0x36e: {  	[tilespmem:s0+$0xFFFFFF90] =	vst v18  }
0x36f: {  	v18 =	vld.idx.msk [tilespmem:v19+s14+$0x0], $0xffff  }
0x370: {  	v19 =	vadd.s32 s1, v14;
	_ =	sdelay $0x3  }
0x371: {  	[tilespmem:s0+$0xFFFFFFA0] =	vst v18  }
0x372: {  	v18 =	vld.idx.msk [tilespmem:v19+s14+$0x0], $0xffff  }
0x373: {  	v19 =	vadd.s32 s1, v13;
	_ =	sdelay $0x3  }
0x374: {  	[tilespmem:s0+$0xFFFFFFB0] =	vst v18  }
0x375: {  	v18 =	vld.idx.msk [tilespmem:v19+s14+$0x0], $0xffff  }
0x376: {  	v19 =	vadd.s32 s1, v12;
	_ =	sdelay $0x3  }
0x377: {  	[tilespmem:s0+$0xFFFFFFC0] =	vst v18  }
0x378: {  	v18 =	vld.idx.msk [tilespmem:v19+s14+$0x0], $0xffff  }
0x379: {  	v19 =	vadd.s32 s1, v11;
	_ =	sdelay $0x3  }
0x37a: {  	[tilespmem:s0+$0xFFFFFFD0] =	vst v18  }
0x37b: {  	v18 =	vld.idx.msk [tilespmem:v19+s14+$0x0], $0xffff  }
0x37c: {  	v19 =	vadd.s32 s1, v10;
	_ =	sdelay $0x3  }
0x37d: {  	[tilespmem:s0+$0xFFFFFFE0] =	vst v18  }
0x37e: {  	s25 =	simm.s32 $0x8;
	v18 =	vld.idx.msk [tilespmem:v19+s14+$0x0], $0xffff  }
0x37f: {  	v19 =	vadd.s32 s25, v17;
	_ =	sdelay $0x3  }
0x380: {  	[tilespmem:s0+$0xFFFFFFF0] =	vst v18  }
0x381: {  	v18 =	vld.idx.msk [tilespmem:v19+s14+$0x0], $0xffff  }
0x382: {  	v19 =	vadd.s32 s25, v16;
	_ =	sdelay $0x3  }
0x383: {  	[tilespmem:s0+$0x0] =	vst v18  }
0x384: {  	v18 =	vld.idx.msk [tilespmem:v19+s14+$0x0], $0xffff  }
0x385: {  	v19 =	vadd.s32 s25, v15;
	_ =	sdelay $0x3  }
0x386: {  	[tilespmem:s0+$0x10] =	vst v18  }
0x387: {  	v18 =	vld.idx.msk [tilespmem:v19+s14+$0x0], $0xffff  }
0x388: {  	v19 =	vadd.s32 s25, v14;
	_ =	sdelay $0x3  }
0x389: {  	[tilespmem:s0+$0x20] =	vst v18  }
0x38a: {  	v18 =	vld.idx.msk [tilespmem:v19+s14+$0x0], $0xffff  }
0x38b: {  	v19 =	vadd.s32 s25, v13;
	_ =	sdelay $0x3  }
0x38c: {  	[tilespmem:s0+$0x30] =	vst v18  }
0x38d: {  	v18 =	vld.idx.msk [tilespmem:v19+s14+$0x0], $0xffff  }
0x38e: {  	v19 =	vadd.s32 s25, v12;
	_ =	sdelay $0x3  }
0x38f: {  	[tilespmem:s0+$0x40] =	vst v18  }
0x390: {  	v18 =	vld.idx.msk [tilespmem:v19+s14+$0x0], $0xffff  }
0x391: {  	v19 =	vadd.s32 s25, v11;
	_ =	sdelay $0x3  }
0x392: {  	[tilespmem:s0+$0x50] =	vst v18  }
0x393: {  	v18 =	vld.idx.msk [tilespmem:v19+s14+$0x0], $0xffff  }
0x394: {  	v19 =	vadd.s32 s25, v10;
	_ =	sdelay $0x3  }
0x395: {  	[tilespmem:s0+$0x60] =	vst v18  }
0x396: {  	s26 =	simm.s32 $0xC;
	v18 =	vld.idx.msk [tilespmem:v19+s14+$0x0], $0xffff  }
0x397: {  	v19 =	vadd.s32 s26, v17;
	_ =	sdelay $0x3  }
0x398: {  	[tilespmem:s0+$0x70] =	vst v18  }
0x399: {  	v18 =	vld.idx.msk [tilespmem:v19+s14+$0x0], $0xffff  }
0x39a: {  	v19 =	vadd.s32 s26, v16;
	_ =	sdelay $0x3  }
0x39b: {  	[tilespmem:s0+$0x80] =	vst v18  }
0x39c: {  	v18 =	vld.idx.msk [tilespmem:v19+s14+$0x0], $0xffff  }
0x39d: {  	v19 =	vadd.s32 s26, v15;
	_ =	sdelay $0x3  }
0x39e: {  	[tilespmem:s0+$0x90] =	vst v18  }
0x39f: {  	v18 =	vld.idx.msk [tilespmem:v19+s14+$0x0], $0xffff  }
0x3a0: {  	v19 =	vadd.s32 s26, v14;
	_ =	sdelay $0x3  }
0x3a1: {  	[tilespmem:s0+$0xA0] =	vst v18  }
0x3a2: {  	v18 =	vld.idx.msk [tilespmem:v19+s14+$0x0], $0xffff  }
0x3a3: {  	v19 =	vadd.s32 s26, v13;
	_ =	sdelay $0x3  }
0x3a4: {  	[tilespmem:s0+$0xB0] =	vst v18  }
0x3a5: {  	v18 =	vld.idx.msk [tilespmem:v19+s14+$0x0], $0xffff  }
0x3a6: {  	v19 =	vadd.s32 s26, v12;
	_ =	sdelay $0x3  }
0x3a7: {  	[tilespmem:s0+$0xC0] =	vst v18  }
0x3a8: {  	v18 =	vld.idx.msk [tilespmem:v19+s14+$0x0], $0xffff  }
0x3a9: {  	v19 =	vadd.s32 s26, v11;
	_ =	sdelay $0x3  }
0x3aa: {  	[tilespmem:s0+$0xD0] =	vst v18  }
0x3ab: {  	v18 =	vld.idx.msk [tilespmem:v19+s14+$0x0], $0xffff  }
0x3ac: {  	v19 =	vadd.s32 s26, v10;
	_ =	sdelay $0x3  }
0x3ad: {  	[tilespmem:s0+$0xE0] =	vst v18  }
0x3ae: {  	s3 =	simm.s32 $0x0;
	v24 =	vadd.s32 $0x10, v17;
	v18 =	vld.idx.msk [tilespmem:v19+s14+$0x0], $0xffff  }
0x3af: {  	v26 =	vadd.s32 s3, v24;
	_ =	sdelay $0x2  }
0x3b0: {  	v25 =	vadd.s32 $0x10, v16  }
0x3b1: {  	v23 =	vadd.s32 $0x10, v15;
	v22 =	vadd.s32 $0x10, v14;
	v21 =	vadd.s32 $0x10, v13;
	[tilespmem:s0+$0xF0] =	vst v18  }
0x3b2: {  	s4 =	simm.s32 $0x20;
	v20 =	vadd.s32 $0x10, v12;
	s1 =	simm.s32 $0x10;
	v19 =	vadd.s32 $0x10, v11;
	v18 =	vadd.s32 $0x10, v10;
	v26 =	vld.idx.msk [tilespmem:v26+s14+$0x0], $0xffff  }
.LBB2_14:
0x3b3: {  	p2 =	sne.s32 s4, $0xF0  }
0x3b4: {  	v27 =	vadd.s32 s3, v25;
	_ =	sdelay $0x2  }
0x3b5: {  	s0 =	sadd.s32 $0x200, s0  }
0x3b6: {  	[tilespmem:s0+$0xFFFFFF00] =	vst v26  }
0x3b7: {  	v26 =	vld.idx.msk [tilespmem:v27+s14+$0x0], $0xffff;
	_ =	sdelay $0x1  }
0x3b8: {  	v27 =	vadd.s32 s3, v23;
	_ =	sdelay $0x3  }
0x3b9: {  	[tilespmem:s0+$0xFFFFFF10] =	vst v26  }
0x3ba: {  	v26 =	vld.idx.msk [tilespmem:v27+s14+$0x0], $0xffff;
	_ =	sdelay $0x1  }
0x3bb: {  	v27 =	vadd.s32 s3, v22;
	_ =	sdelay $0x3  }
0x3bc: {  	[tilespmem:s0+$0xFFFFFF20] =	vst v26  }
0x3bd: {  	v26 =	vld.idx.msk [tilespmem:v27+s14+$0x0], $0xffff;
	_ =	sdelay $0x1  }
0x3be: {  	v27 =	vadd.s32 s3, v21;
	_ =	sdelay $0x3  }
0x3bf: {  	[tilespmem:s0+$0xFFFFFF30] =	vst v26  }
0x3c0: {  	v26 =	vld.idx.msk [tilespmem:v27+s14+$0x0], $0xffff;
	_ =	sdelay $0x1  }
0x3c1: {  	v27 =	vadd.s32 s3, v20;
	_ =	sdelay $0x3  }
0x3c2: {  	[tilespmem:s0+$0xFFFFFF40] =	vst v26  }
0x3c3: {  	v26 =	vld.idx.msk [tilespmem:v27+s14+$0x0], $0xffff;
	_ =	sdelay $0x1  }
0x3c4: {  	v27 =	vadd.s32 s3, v19;
	_ =	sdelay $0x3  }
0x3c5: {  	[tilespmem:s0+$0xFFFFFF50] =	vst v26  }
0x3c6: {  	v26 =	vld.idx.msk [tilespmem:v27+s14+$0x0], $0xffff;
	_ =	sdelay $0x1  }
0x3c7: {  	v27 =	vadd.s32 s3, v18;
	s3 =	smov.u32 s1;
	s1 =	smov.u32 s4;
	_ =	sdelay $0x3  }
0x3c8: {  	[tilespmem:s0+$0xFFFFFF60] =	vst v26  }
0x3c9: {  	v26 =	vld.idx.msk [tilespmem:v27+s14+$0x0], $0xffff  }
0x3ca: {  	s5 =	sadd.s32 $0x4, s3  }
0x3cb: {  	v27 =	vadd.s32 s5, v17;
	_ =	sdelay $0x3  }
0x3cc: {  	[tilespmem:s0+$0xFFFFFF70] =	vst v26  }
0x3cd: {  	v26 =	vld.idx.msk [tilespmem:v27+s14+$0x0], $0xffff;
	_ =	sdelay $0x1  }
0x3ce: {  	v27 =	vadd.s32 s5, v16;
	_ =	sdelay $0x3  }
0x3cf: {  	[tilespmem:s0+$0xFFFFFF80] =	vst v26  }
0x3d0: {  	v26 =	vld.idx.msk [tilespmem:v27+s14+$0x0], $0xffff;
	_ =	sdelay $0x1  }
0x3d1: {  	v27 =	vadd.s32 s5, v15;
	_ =	sdelay $0x3  }
0x3d2: {  	[tilespmem:s0+$0xFFFFFF90] =	vst v26  }
0x3d3: {  	v26 =	vld.idx.msk [tilespmem:v27+s14+$0x0], $0xffff;
	_ =	sdelay $0x1  }
0x3d4: {  	v27 =	vadd.s32 s5, v14;
	_ =	sdelay $0x3  }
0x3d5: {  	[tilespmem:s0+$0xFFFFFFA0] =	vst v26  }
0x3d6: {  	v26 =	vld.idx.msk [tilespmem:v27+s14+$0x0], $0xffff;
	_ =	sdelay $0x1  }
0x3d7: {  	v27 =	vadd.s32 s5, v13;
	_ =	sdelay $0x3  }
0x3d8: {  	[tilespmem:s0+$0xFFFFFFB0] =	vst v26  }
0x3d9: {  	v26 =	vld.idx.msk [tilespmem:v27+s14+$0x0], $0xffff;
	_ =	sdelay $0x1  }
0x3da: {  	v27 =	vadd.s32 s5, v12;
	_ =	sdelay $0x3  }
0x3db: {  	[tilespmem:s0+$0xFFFFFFC0] =	vst v26  }
0x3dc: {  	v26 =	vld.idx.msk [tilespmem:v27+s14+$0x0], $0xffff;
	_ =	sdelay $0x1  }
0x3dd: {  	v27 =	vadd.s32 s5, v11;
	_ =	sdelay $0x3  }
0x3de: {  	[tilespmem:s0+$0xFFFFFFD0] =	vst v26  }
0x3df: {  	v26 =	vld.idx.msk [tilespmem:v27+s14+$0x0], $0xffff;
	_ =	sdelay $0x1  }
0x3e0: {  	v27 =	vadd.s32 s5, v10;
	_ =	sdelay $0x3  }
0x3e1: {  	[tilespmem:s0+$0xFFFFFFE0] =	vst v26  }
0x3e2: {  	v26 =	vld.idx.msk [tilespmem:v27+s14+$0x0], $0xffff  }
0x3e3: {  	s5 =	sadd.s32 $0x8, s3  }
0x3e4: {  	v27 =	vadd.s32 s5, v17;
	_ =	sdelay $0x3  }
0x3e5: {  	[tilespmem:s0+$0xFFFFFFF0] =	vst v26  }
0x3e6: {  	v26 =	vld.idx.msk [tilespmem:v27+s14+$0x0], $0xffff;
	_ =	sdelay $0x1  }
0x3e7: {  	v27 =	vadd.s32 s5, v16;
	_ =	sdelay $0x3  }
0x3e8: {  	[tilespmem:s0+$0x0] =	vst v26  }
0x3e9: {  	v26 =	vld.idx.msk [tilespmem:v27+s14+$0x0], $0xffff;
	_ =	sdelay $0x1  }
0x3ea: {  	v27 =	vadd.s32 s5, v15;
	_ =	sdelay $0x3  }
0x3eb: {  	[tilespmem:s0+$0x10] =	vst v26  }
0x3ec: {  	v26 =	vld.idx.msk [tilespmem:v27+s14+$0x0], $0xffff;
	_ =	sdelay $0x1  }
0x3ed: {  	v27 =	vadd.s32 s5, v14;
	_ =	sdelay $0x3  }
0x3ee: {  	[tilespmem:s0+$0x20] =	vst v26  }
0x3ef: {  	v26 =	vld.idx.msk [tilespmem:v27+s14+$0x0], $0xffff;
	_ =	sdelay $0x1  }
0x3f0: {  	v27 =	vadd.s32 s5, v13;
	_ =	sdelay $0x3  }
0x3f1: {  	[tilespmem:s0+$0x30] =	vst v26  }
0x3f2: {  	v26 =	vld.idx.msk [tilespmem:v27+s14+$0x0], $0xffff;
	_ =	sdelay $0x1  }
0x3f3: {  	v27 =	vadd.s32 s5, v12;
	_ =	sdelay $0x3  }
0x3f4: {  	[tilespmem:s0+$0x40] =	vst v26  }
0x3f5: {  	v26 =	vld.idx.msk [tilespmem:v27+s14+$0x0], $0xffff;
	_ =	sdelay $0x1  }
0x3f6: {  	v27 =	vadd.s32 s5, v11;
	_ =	sdelay $0x3  }
0x3f7: {  	[tilespmem:s0+$0x50] =	vst v26  }
0x3f8: {  	v26 =	vld.idx.msk [tilespmem:v27+s14+$0x0], $0xffff;
	_ =	sdelay $0x1  }
0x3f9: {  	v27 =	vadd.s32 s5, v10;
	_ =	sdelay $0x3  }
0x3fa: {  	[tilespmem:s0+$0x60] =	vst v26  }
0x3fb: {  	v26 =	vld.idx.msk [tilespmem:v27+s14+$0x0], $0xffff  }
0x3fc: {  	s5 =	sadd.s32 $0xC, s3  }
0x3fd: {  	v27 =	vadd.s32 s5, v17;
	_ =	sdelay $0x3  }
0x3fe: {  	[tilespmem:s0+$0x70] =	vst v26  }
0x3ff: {  	v26 =	vld.idx.msk [tilespmem:v27+s14+$0x0], $0xffff;
	_ =	sdelay $0x1  }
0x400: {  	v27 =	vadd.s32 s5, v16;
	_ =	sdelay $0x3  }
0x401: {  	[tilespmem:s0+$0x80] =	vst v26  }
0x402: {  	v26 =	vld.idx.msk [tilespmem:v27+s14+$0x0], $0xffff;
	_ =	sdelay $0x1  }
0x403: {  	v27 =	vadd.s32 s5, v15;
	_ =	sdelay $0x3  }
0x404: {  	[tilespmem:s0+$0x90] =	vst v26  }
0x405: {  	v26 =	vld.idx.msk [tilespmem:v27+s14+$0x0], $0xffff;
	_ =	sdelay $0x1  }
0x406: {  	v27 =	vadd.s32 s5, v14;
	_ =	sdelay $0x3  }
0x407: {  	[tilespmem:s0+$0xA0] =	vst v26  }
0x408: {  	v26 =	vld.idx.msk [tilespmem:v27+s14+$0x0], $0xffff;
	_ =	sdelay $0x1  }
0x409: {  	v27 =	vadd.s32 s5, v13;
	_ =	sdelay $0x3  }
0x40a: {  	[tilespmem:s0+$0xB0] =	vst v26  }
0x40b: {  	v26 =	vld.idx.msk [tilespmem:v27+s14+$0x0], $0xffff;
	_ =	sdelay $0x1  }
0x40c: {  	v27 =	vadd.s32 s5, v12;
	_ =	sdelay $0x3  }
0x40d: {  	[tilespmem:s0+$0xC0] =	vst v26  }
0x40e: {  	v26 =	vld.idx.msk [tilespmem:v27+s14+$0x0], $0xffff;
	_ =	sdelay $0x1  }
0x40f: {  	v27 =	vadd.s32 s5, v11;
	_ =	sdelay $0x3  }
0x410: {  	[tilespmem:s0+$0xD0] =	vst v26  }
0x411: {  	v26 =	vld.idx.msk [tilespmem:v27+s14+$0x0], $0xffff;
	_ =	sdelay $0x1  }
0x412: {  	v27 =	vadd.s32 s5, v10;
	_ =	sdelay $0x3  }
0x413: {  	[tilespmem:s0+$0xE0] =	vst v26  }
0x414: {  	v26 =	vld.idx.msk [tilespmem:v27+s14+$0x0], $0xffff;
	_ =	sdelay $0x1  }
0x415: {  	v27 =	vadd.s32 s3, v24  }
.Ltmp10:
0x416: {  	(pc) =	sbr.rel @p2 .LBB2_14-.Ltmp10, $3  }
0x417: {  	_ =	sdelay $0x1  }
0x418: {  	[tilespmem:s0+$0xF0] =	vst v26  }
0x419: {  	s4 =	sadd.s32 $0x10, s4;
	v26 =	vld.idx.msk [tilespmem:v27+s14+$0x0], $0xffff  }
0x41a: {  	v24 =	vadd.s32 s3, v25;
	_ =	sdelay $0x2  }
0x41b: {  	s0 =	sadd.s32 $0x200, s0  }
0x41c: {  	[tilespmem:s0+$0xFFFFFF00] =	vst v26  }
0x41d: {  	v24 =	vld.idx.msk [tilespmem:v24+s14+$0x0], $0xffff  }
0x41e: {  	v23 =	vadd.s32 s3, v23;
	_ =	sdelay $0x3  }
0x41f: {  	[tilespmem:s0+$0xFFFFFF10] =	vst v24  }
0x420: {  	v23 =	vld.idx.msk [tilespmem:v23+s14+$0x0], $0xffff  }
0x421: {  	v22 =	vadd.s32 s3, v22;
	_ =	sdelay $0x3  }
0x422: {  	[tilespmem:s0+$0xFFFFFF20] =	vst v23  }
0x423: {  	v22 =	vld.idx.msk [tilespmem:v22+s14+$0x0], $0xffff  }
0x424: {  	v21 =	vadd.s32 s3, v21;
	_ =	sdelay $0x3  }
0x425: {  	[tilespmem:s0+$0xFFFFFF30] =	vst v22  }
0x426: {  	v21 =	vld.idx.msk [tilespmem:v21+s14+$0x0], $0xffff  }
0x427: {  	v20 =	vadd.s32 s3, v20;
	_ =	sdelay $0x3  }
0x428: {  	[tilespmem:s0+$0xFFFFFF40] =	vst v21  }
0x429: {  	v20 =	vld.idx.msk [tilespmem:v20+s14+$0x0], $0xffff  }
0x42a: {  	v19 =	vadd.s32 s3, v19;
	_ =	sdelay $0x3  }
0x42b: {  	[tilespmem:s0+$0xFFFFFF50] =	vst v20  }
0x42c: {  	v19 =	vld.idx.msk [tilespmem:v19+s14+$0x0], $0xffff  }
0x42d: {  	v18 =	vadd.s32 s3, v18;
	_ =	sdelay $0x3  }
0x42e: {  	[tilespmem:s0+$0xFFFFFF60] =	vst v19  }
0x42f: {  	s24 =	sadd.s32 $0x4, s1;
	v18 =	vld.idx.msk [tilespmem:v18+s14+$0x0], $0xffff  }
0x430: {  	v42 =	vadd.s32 s24, v17;
	_ =	sdelay $0x3  }
0x431: {  	[tilespmem:s0+$0xFFFFFF70] =	vst v18  }
0x432: {  	v18 =	vld.idx.msk [tilespmem:v42+s14+$0x0], $0xffff  }
0x433: {  	v43 =	vadd.s32 s24, v16;
	_ =	sdelay $0x3  }
0x434: {  	[tilespmem:s0+$0xFFFFFF80] =	vst v18  }
0x435: {  	v18 =	vld.idx.msk [tilespmem:v43+s14+$0x0], $0xffff  }
0x436: {  	v44 =	vadd.s32 s24, v15;
	_ =	sdelay $0x3  }
0x437: {  	[tilespmem:s0+$0xFFFFFF90] =	vst v18  }
0x438: {  	v18 =	vld.idx.msk [tilespmem:v44+s14+$0x0], $0xffff  }
0x439: {  	v45 =	vadd.s32 s24, v14;
	_ =	sdelay $0x3  }
0x43a: {  	[tilespmem:s0+$0xFFFFFFA0] =	vst v18  }
0x43b: {  	v18 =	vld.idx.msk [tilespmem:v45+s14+$0x0], $0xffff  }
0x43c: {  	v46 =	vadd.s32 s24, v13;
	_ =	sdelay $0x3  }
0x43d: {  	[tilespmem:s0+$0xFFFFFFB0] =	vst v18  }
0x43e: {  	v18 =	vld.idx.msk [tilespmem:v46+s14+$0x0], $0xffff  }
0x43f: {  	v47 =	vadd.s32 s24, v12;
	_ =	sdelay $0x3  }
0x440: {  	[tilespmem:s0+$0xFFFFFFC0] =	vst v18  }
0x441: {  	v18 =	vld.idx.msk [tilespmem:v47+s14+$0x0], $0xffff  }
0x442: {  	v48 =	vadd.s32 s24, v11;
	_ =	sdelay $0x3  }
0x443: {  	[tilespmem:s0+$0xFFFFFFD0] =	vst v18  }
0x444: {  	v18 =	vld.idx.msk [tilespmem:v48+s14+$0x0], $0xffff  }
0x445: {  	v49 =	vadd.s32 s24, v10;
	_ =	sdelay $0x3  }
0x446: {  	[tilespmem:s0+$0xFFFFFFE0] =	vst v18  }
0x447: {  	s25 =	sadd.s32 $0x8, s1;
	v18 =	vld.idx.msk [tilespmem:v49+s14+$0x0], $0xffff  }
0x448: {  	v50 =	vadd.s32 s25, v17;
	_ =	sdelay $0x3  }
0x449: {  	[tilespmem:s0+$0xFFFFFFF0] =	vst v18  }
0x44a: {  	v18 =	vld.idx.msk [tilespmem:v50+s14+$0x0], $0xffff  }
0x44b: {  	v51 =	vadd.s32 s25, v16;
	_ =	sdelay $0x3  }
0x44c: {  	[tilespmem:s0+$0x0] =	vst v18  }
0x44d: {  	v18 =	vld.idx.msk [tilespmem:v51+s14+$0x0], $0xffff  }
0x44e: {  	v52 =	vadd.s32 s25, v15;
	_ =	sdelay $0x3  }
0x44f: {  	[tilespmem:s0+$0x10] =	vst v18  }
0x450: {  	v18 =	vld.idx.msk [tilespmem:v52+s14+$0x0], $0xffff  }
0x451: {  	v53 =	vadd.s32 s25, v14;
	_ =	sdelay $0x3  }
0x452: {  	[tilespmem:s0+$0x20] =	vst v18  }
0x453: {  	v18 =	vld.idx.msk [tilespmem:v53+s14+$0x0], $0xffff  }
0x454: {  	v54 =	vadd.s32 s25, v13;
	_ =	sdelay $0x3  }
0x455: {  	[tilespmem:s0+$0x30] =	vst v18  }
0x456: {  	v18 =	vld.idx.msk [tilespmem:v54+s14+$0x0], $0xffff  }
0x457: {  	v55 =	vadd.s32 s25, v12;
	_ =	sdelay $0x3  }
0x458: {  	[tilespmem:s0+$0x40] =	vst v18  }
0x459: {  	v18 =	vld.idx.msk [tilespmem:v55+s14+$0x0], $0xffff  }
0x45a: {  	v56 =	vadd.s32 s25, v11;
	_ =	sdelay $0x3  }
0x45b: {  	[tilespmem:s0+$0x50] =	vst v18  }
0x45c: {  	v18 =	vld.idx.msk [tilespmem:v56+s14+$0x0], $0xffff  }
0x45d: {  	v57 =	vadd.s32 s25, v10;
	_ =	sdelay $0x3  }
0x45e: {  	[tilespmem:s0+$0x60] =	vst v18  }
0x45f: {  	s26 =	sadd.s32 $0xC, s1;
	v18 =	vld.idx.msk [tilespmem:v57+s14+$0x0], $0xffff  }
0x460: {  	v58 =	vadd.s32 s26, v17;
	_ =	sdelay $0x3  }
0x461: {  	[tilespmem:s0+$0x70] =	vst v18  }
0x462: {  	v17 =	vld.idx.msk [tilespmem:v58+s14+$0x0], $0xffff  }
0x463: {  	v59 =	vadd.s32 s26, v16;
	_ =	sdelay $0x3  }
0x464: {  	[tilespmem:s0+$0x80] =	vst v17  }
0x465: {  	v16 =	vld.idx.msk [tilespmem:v59+s14+$0x0], $0xffff  }
0x466: {  	v60 =	vadd.s32 s26, v15;
	_ =	sdelay $0x3  }
0x467: {  	[tilespmem:s0+$0x90] =	vst v16  }
0x468: {  	v15 =	vld.idx.msk [tilespmem:v60+s14+$0x0], $0xffff  }
0x469: {  	v61 =	vadd.s32 s26, v14;
	_ =	sdelay $0x3  }
0x46a: {  	[tilespmem:s0+$0xA0] =	vst v15  }
0x46b: {  	v14 =	vld.idx.msk [tilespmem:v61+s14+$0x0], $0xffff  }
0x46c: {  	v62 =	vadd.s32 s26, v13;
	_ =	sdelay $0x3  }
0x46d: {  	[tilespmem:s0+$0xB0] =	vst v14  }
0x46e: {  	v13 =	vld.idx.msk [tilespmem:v62+s14+$0x0], $0xffff  }
0x46f: {  	v63 =	vadd.s32 s26, v12;
	_ =	sdelay $0x3  }
0x470: {  	[tilespmem:s0+$0xC0] =	vst v13  }
0x471: {  	v12 =	vld.idx.msk [tilespmem:v63+s14+$0x0], $0xffff  }
0x472: {  	v11 =	vadd.s32 s26, v11;
	_ =	sdelay $0x3  }
0x473: {  	[tilespmem:s0+$0xD0] =	vst v12  }
0x474: {  	v11 =	vld.idx.msk [tilespmem:v11+s14+$0x0], $0xffff  }
0x475: {  	v10 =	vadd.s32 s26, v10;
	_ =	sdelay $0x3  }
0x476: {  	[tilespmem:s0+$0xE0] =	vst v11  }
0x477: {  	v10 =	vld.idx.msk [tilespmem:v10+s14+$0x0], $0xffff;
	_ =	sdelay $0x4  }
0x478: {  	[tilespmem:s0+$0xF0] =	vst v10  }
.LBB2_16:
0x479: {  	s0 =	sshll.u32 s22, $0x10  }
.Ltmp11:
0x47a: {  	s1 =	simm.s32 @!p0 $0x2;
	s0 =	sadd.s32 s0, s9;
	(pc) =	sbr.rel .LBB2_17-.Ltmp11, $4  }
0x47b: {  	[hbm4b:s0+s2] =	stream.linear.scatter [tilespmem:s20], [sflag:$0x1], $0x2000, $0x38;
	[tilespmem:$0x14D80] =	vst v63  }
0x47c: {  	_ =	swait.ge @!p0 [sflag:s1], $0x2000  }
0x47d: {  	[sflag:s1] =	ssyncset.done @!p0 $0x0  }
0x47e: {  	s0 =	sor.u32 $0x1, s23;
	[sflag:s1] =	ssyncadd.s32 @!p0 $0xFFFFE000  }
.LBB2_11:
0x47f: {  	s0 =	simm.s32 $0x103  }
.LBB2_17:
.Ltmp12:
0x480: {  	(pc) =	sbr.rel @!p1 .LBB2_20-.Ltmp12, $1  }
0x481: {  	_ =	sdelay $0x3  }
0x482: {  	s1 =	sshll.u32 s0, $0x7  }
0x483: {  	v10 =	vor.u32 s1, v0  }
0x484: {  	v11 =	vor.u32 s1, v2  }
0x485: {  	v12 =	vor.u32 s1, v3  }
0x486: {  	v13 =	vor.u32 s1, v4  }
0x487: {  	v14 =	vor.u32 s1, v5  }
0x488: {  	v18 =	vld.idx.msk [tilespmem:v10+s17+$0x0], $0xffff  }
0x489: {  	v19 =	vld.idx.msk [tilespmem:v11+s17+$0x0], $0xffff  }
0x48a: {  	v10 =	vor.u32 s1, v6;
	v20 =	vld.idx.msk [tilespmem:v12+s17+$0x0], $0xffff  }
0x48b: {  	v11 =	vor.u32 s1, v7;
	v21 =	vld.idx.msk [tilespmem:v13+s17+$0x0], $0xffff  }
0x48c: {  	v12 =	vor.u32 s1, v8;
	v22 =	vld.idx.msk [tilespmem:v14+s17+$0x0], $0xffff;
	_ =	sdelay $0x2  }
0x48d: {  	v23 =	vld.idx.msk [tilespmem:v10+s17+$0x0], $0xffff  }
0x48e: {  	v10 =	vshrl.u32 v18, $0x4;
	v24 =	vld.idx.msk [tilespmem:v11+s17+$0x0], $0xffff;
	v11 =	vshrl.u32 v19, $0x4  }
0x48f: {  	v25 =	vld.idx.msk [tilespmem:v12+s17+$0x0], $0xffff;
	v12 =	vshrl.u32 v20, $0x4;
	v13 =	vshrl.u32 v21, $0x4;
	v14 =	vshrl.u32 v22, $0x4  }
0x490: {  	v18 =	vand.u32 $0xFF, v18;
	v19 =	vand.u32 $0xFF, v19;
	v20 =	vand.u32 $0xFF, v20  }
0x491: {  	v21 =	vand.u32 $0xFF, v21;
	v22 =	vand.u32 $0xFF, v22;
	v10 =	vand.u32 $0xFFFFFF0, v10  }
0x492: {  	v11 =	vand.u32 $0xFFFFFF0, v11;
	v12 =	vand.u32 $0xFFFFFF0, v12;
	v13 =	vand.u32 $0xFFFFFF0, v13  }
0x493: {  	v14 =	vand.u32 $0xFFFFFF0, v14;
	v10 =	vor.u32 v0, v10;
	v11 =	vor.u32 v0, v11  }
0x494: {  	v12 =	vor.u32 v0, v12;
	v13 =	vor.u32 v0, v13;
	v14 =	vor.u32 v0, v14  }
0x495: {  	v15 =	vshrl.u32 v23, $0x4;
	v16 =	vshrl.u32 v24, $0x4;
	v17 =	vshrl.u32 v25, $0x4  }
0x496: {  	v23 =	vand.u32 $0xFF, v23;
	v24 =	vand.u32 $0xFF, v24;
	v25 =	vand.u32 $0xFF, v25  }
0x497: {  	v15 =	vand.u32 $0xFFFFFF0, v15;
	v16 =	vand.u32 $0xFFFFFF0, v16;
	v17 =	vand.u32 $0xFFFFFF0, v17  }
0x498: {  	s3 =	simm.s32 $0x13170;
	s1 =	simm.s32 $0x700;
	v15 =	vor.u32 v0, v15;
	v16 =	vor.u32 v0, v16;
	v17 =	vor.u32 v0, v17  }
.LBB2_19:
0x499: {  	s4 =	sadd.s32 $0xFFFFF900, s1  }
0x49a: {  	v26 =	vor.u32 s4, v18  }
0x49b: {  	v27 =	vadd.s32 s4, v10;
	_ =	sdelay $0x3  }
0x49c: {  	v26 =	vld.idx.msk [tilespmem:v26+s18+$0x0], $0xffff  }
0x49d: {  	v27 =	vld.idx.msk [tilespmem:v27+s19+$0x0], $0xffff;
	_ =	sdelay $0x2  }
0x49e: {  	v28 =	vor.u32 s4, v19  }
0x49f: {  	v29 =	vadd.s32 s4, v11  }
0x4a0: {  	v26 =	vadd.f32 v27, v26;
	_ =	sdelay $0x1  }
0x4a1: {  	[tilespmem:s3+$0xFFFFFC10] =	vst v26  }
0x4a2: {  	v26 =	vld.idx.msk [tilespmem:v28+s18+$0x0], $0xffff  }
0x4a3: {  	v27 =	vld.idx.msk [tilespmem:v29+s19+$0x0], $0xffff;
	_ =	sdelay $0x2  }
0x4a4: {  	v36 =	vor.u32 s4, v20  }
0x4a5: {  	v37 =	vadd.s32 s4, v12  }
0x4a6: {  	v26 =	vadd.f32 v27, v26;
	_ =	sdelay $0x1  }
0x4a7: {  	[tilespmem:s3+$0xFFFFFC20] =	vst v26  }
0x4a8: {  	v26 =	vld.idx.msk [tilespmem:v36+s18+$0x0], $0xffff  }
0x4a9: {  	v27 =	vld.idx.msk [tilespmem:v37+s19+$0x0], $0xffff;
	_ =	sdelay $0x2  }
0x4aa: {  	v38 =	vor.u32 s4, v21  }
0x4ab: {  	v39 =	vadd.s32 s4, v13  }
0x4ac: {  	v26 =	vadd.f32 v27, v26;
	_ =	sdelay $0x1  }
0x4ad: {  	[tilespmem:s3+$0xFFFFFC30] =	vst v26  }
0x4ae: {  	v26 =	vld.idx.msk [tilespmem:v38+s18+$0x0], $0xffff  }
0x4af: {  	v27 =	vld.idx.msk [tilespmem:v39+s19+$0x0], $0xffff;
	_ =	sdelay $0x2  }
0x4b0: {  	v40 =	vor.u32 s4, v22  }
0x4b1: {  	v41 =	vadd.s32 s4, v14  }
0x4b2: {  	v26 =	vadd.f32 v27, v26;
	_ =	sdelay $0x1  }
0x4b3: {  	[tilespmem:s3+$0xFFFFFC40] =	vst v26  }
0x4b4: {  	v26 =	vld.idx.msk [tilespmem:v40+s18+$0x0], $0xffff  }
0x4b5: {  	v27 =	vld.idx.msk [tilespmem:v41+s19+$0x0], $0xffff;
	_ =	sdelay $0x2  }
0x4b6: {  	v42 =	vor.u32 s4, v23  }
0x4b7: {  	v43 =	vadd.s32 s4, v15  }
0x4b8: {  	v26 =	vadd.f32 v27, v26;
	_ =	sdelay $0x1  }
0x4b9: {  	[tilespmem:s3+$0xFFFFFC50] =	vst v26  }
0x4ba: {  	v26 =	vld.idx.msk [tilespmem:v42+s18+$0x0], $0xffff  }
0x4bb: {  	v27 =	vld.idx.msk [tilespmem:v43+s19+$0x0], $0xffff;
	_ =	sdelay $0x2  }
0x4bc: {  	v44 =	vor.u32 s4, v24  }
0x4bd: {  	v45 =	vadd.s32 s4, v16  }
0x4be: {  	v26 =	vadd.f32 v27, v26;
	_ =	sdelay $0x1  }
0x4bf: {  	[tilespmem:s3+$0xFFFFFC60] =	vst v26  }
0x4c0: {  	v26 =	vld.idx.msk [tilespmem:v44+s18+$0x0], $0xffff  }
0x4c1: {  	v27 =	vld.idx.msk [tilespmem:v45+s19+$0x0], $0xffff;
	_ =	sdelay $0x2  }
0x4c2: {  	v46 =	vor.u32 s4, v25  }
0x4c3: {  	v47 =	vadd.s32 s4, v17  }
0x4c4: {  	v26 =	vadd.f32 v27, v26;
	_ =	sdelay $0x1  }
0x4c5: {  	[tilespmem:s3+$0xFFFFFC70] =	vst v26  }
0x4c6: {  	v26 =	vld.idx.msk [tilespmem:v46+s18+$0x0], $0xffff  }
0x4c7: {  	v27 =	vld.idx.msk [tilespmem:v47+s19+$0x0], $0xffff;
	_ =	sdelay $0x1  }
0x4c8: {  	s8 =	sadd.s32 $0xFFFFFA00, s1  }
0x4c9: {  	v48 =	vor.u32 s8, v18  }
0x4ca: {  	v49 =	vadd.s32 s8, v10  }
0x4cb: {  	v26 =	vadd.f32 v27, v26;
	_ =	sdelay $0x1  }
0x4cc: {  	[tilespmem:s3+$0xFFFFFC80] =	vst v26  }
0x4cd: {  	v26 =	vld.idx.msk [tilespmem:v48+s18+$0x0], $0xffff  }
0x4ce: {  	v27 =	vld.idx.msk [tilespmem:v49+s19+$0x0], $0xffff;
	_ =	sdelay $0x2  }
0x4cf: {  	v50 =	vor.u32 s8, v19  }
0x4d0: {  	v51 =	vadd.s32 s8, v11  }
0x4d1: {  	v26 =	vadd.f32 v27, v26;
	_ =	sdelay $0x1  }
0x4d2: {  	[tilespmem:s3+$0xFFFFFC90] =	vst v26  }
0x4d3: {  	v26 =	vld.idx.msk [tilespmem:v50+s18+$0x0], $0xffff  }
0x4d4: {  	v27 =	vld.idx.msk [tilespmem:v51+s19+$0x0], $0xffff;
	_ =	sdelay $0x2  }
0x4d5: {  	v52 =	vor.u32 s8, v20  }
0x4d6: {  	v53 =	vadd.s32 s8, v12  }
0x4d7: {  	v26 =	vadd.f32 v27, v26;
	_ =	sdelay $0x1  }
0x4d8: {  	[tilespmem:s3+$0xFFFFFCA0] =	vst v26  }
0x4d9: {  	v26 =	vld.idx.msk [tilespmem:v52+s18+$0x0], $0xffff  }
0x4da: {  	v27 =	vld.idx.msk [tilespmem:v53+s19+$0x0], $0xffff;
	_ =	sdelay $0x2  }
0x4db: {  	v54 =	vor.u32 s8, v21  }
0x4dc: {  	v55 =	vadd.s32 s8, v13  }
0x4dd: {  	v26 =	vadd.f32 v27, v26;
	_ =	sdelay $0x1  }
0x4de: {  	[tilespmem:s3+$0xFFFFFCB0] =	vst v26  }
0x4df: {  	v26 =	vld.idx.msk [tilespmem:v54+s18+$0x0], $0xffff  }
0x4e0: {  	v27 =	vld.idx.msk [tilespmem:v55+s19+$0x0], $0xffff;
	_ =	sdelay $0x2  }
0x4e1: {  	v56 =	vor.u32 s8, v22  }
0x4e2: {  	v57 =	vadd.s32 s8, v14  }
0x4e3: {  	v26 =	vadd.f32 v27, v26;
	_ =	sdelay $0x1  }
0x4e4: {  	[tilespmem:s3+$0xFFFFFCC0] =	vst v26  }
0x4e5: {  	v26 =	vld.idx.msk [tilespmem:v56+s18+$0x0], $0xffff  }
0x4e6: {  	v27 =	vld.idx.msk [tilespmem:v57+s19+$0x0], $0xffff;
	_ =	sdelay $0x2  }
0x4e7: {  	v58 =	vor.u32 s8, v23  }
0x4e8: {  	v59 =	vadd.s32 s8, v15  }
0x4e9: {  	v26 =	vadd.f32 v27, v26;
	_ =	sdelay $0x1  }
0x4ea: {  	[tilespmem:s3+$0xFFFFFCD0] =	vst v26  }
0x4eb: {  	v26 =	vld.idx.msk [tilespmem:v58+s18+$0x0], $0xffff  }
0x4ec: {  	v27 =	vld.idx.msk [tilespmem:v59+s19+$0x0], $0xffff;
	_ =	sdelay $0x2  }
0x4ed: {  	v60 =	vor.u32 s8, v24  }
0x4ee: {  	v61 =	vadd.s32 s8, v16  }
0x4ef: {  	v26 =	vadd.f32 v27, v26;
	_ =	sdelay $0x1  }
0x4f0: {  	[tilespmem:s3+$0xFFFFFCE0] =	vst v26  }
0x4f1: {  	v26 =	vld.idx.msk [tilespmem:v60+s18+$0x0], $0xffff  }
0x4f2: {  	v27 =	vld.idx.msk [tilespmem:v61+s19+$0x0], $0xffff;
	_ =	sdelay $0x2  }
0x4f3: {  	v62 =	vor.u32 s8, v25  }
0x4f4: {  	v63 =	vadd.s32 s8, v17  }
0x4f5: {  	v26 =	vadd.f32 v27, v26;
	_ =	sdelay $0x1  }
0x4f6: {  	[tilespmem:s3+$0xFFFFFCF0] =	vst v26  }
0x4f7: {  	v26 =	vld.idx.msk [tilespmem:v62+s18+$0x0], $0xffff  }
0x4f8: {  	v27 =	vld.idx.msk [tilespmem:v63+s19+$0x0], $0xffff;
	_ =	sdelay $0x1  }
0x4f9: {  	s10 =	sadd.s32 $0xFFFFFB00, s1  }
0x4fa: {  	v32 =	vor.u32 s10, v18  }
0x4fb: {  	v33 =	vadd.s32 s10, v10  }
0x4fc: {  	v26 =	vadd.f32 v27, v26;
	_ =	sdelay $0x1  }
0x4fd: {  	[tilespmem:s3+$0xFFFFFD00] =	vst v26  }
0x4fe: {  	v26 =	vld.idx.msk [tilespmem:v32+s18+$0x0], $0xffff  }
0x4ff: {  	v27 =	vld.idx.msk [tilespmem:v33+s19+$0x0], $0xffff;
	_ =	sdelay $0x2  }
0x500: {  	v34 =	vor.u32 s10, v19  }
0x501: {  	v35 =	vadd.s32 s10, v11  }
0x502: {  	v26 =	vadd.f32 v27, v26;
	_ =	sdelay $0x1  }
0x503: {  	[tilespmem:s3+$0xFFFFFD10] =	vst v26  }
0x504: {  	v26 =	vld.idx.msk [tilespmem:v34+s18+$0x0], $0xffff  }
0x505: {  	v27 =	vld.idx.msk [tilespmem:v35+s19+$0x0], $0xffff;
	_ =	sdelay $0x2  }
0x506: {  	v36 =	vor.u32 s10, v20  }
0x507: {  	v37 =	vadd.s32 s10, v12  }
0x508: {  	v26 =	vadd.f32 v27, v26;
	_ =	sdelay $0x1  }
0x509: {  	[tilespmem:s3+$0xFFFFFD20] =	vst v26  }
0x50a: {  	v26 =	vld.idx.msk [tilespmem:v36+s18+$0x0], $0xffff  }
0x50b: {  	v27 =	vld.idx.msk [tilespmem:v37+s19+$0x0], $0xffff;
	_ =	sdelay $0x2  }
0x50c: {  	v38 =	vor.u32 s10, v21  }
0x50d: {  	v39 =	vadd.s32 s10, v13  }
0x50e: {  	v26 =	vadd.f32 v27, v26;
	_ =	sdelay $0x1  }
0x50f: {  	[tilespmem:s3+$0xFFFFFD30] =	vst v26  }
0x510: {  	v26 =	vld.idx.msk [tilespmem:v38+s18+$0x0], $0xffff  }
0x511: {  	v27 =	vld.idx.msk [tilespmem:v39+s19+$0x0], $0xffff;
	_ =	sdelay $0x2  }
0x512: {  	v40 =	vor.u32 s10, v22  }
0x513: {  	v41 =	vadd.s32 s10, v14  }
0x514: {  	v26 =	vadd.f32 v27, v26;
	_ =	sdelay $0x1  }
0x515: {  	[tilespmem:s3+$0xFFFFFD40] =	vst v26  }
0x516: {  	v26 =	vld.idx.msk [tilespmem:v40+s18+$0x0], $0xffff  }
0x517: {  	v27 =	vld.idx.msk [tilespmem:v41+s19+$0x0], $0xffff;
	_ =	sdelay $0x2  }
0x518: {  	v42 =	vor.u32 s10, v23  }
0x519: {  	v43 =	vadd.s32 s10, v15  }
0x51a: {  	v26 =	vadd.f32 v27, v26;
	_ =	sdelay $0x1  }
0x51b: {  	[tilespmem:s3+$0xFFFFFD50] =	vst v26  }
0x51c: {  	v26 =	vld.idx.msk [tilespmem:v42+s18+$0x0], $0xffff  }
0x51d: {  	v27 =	vld.idx.msk [tilespmem:v43+s19+$0x0], $0xffff;
	_ =	sdelay $0x2  }
0x51e: {  	v44 =	vor.u32 s10, v24  }
0x51f: {  	v45 =	vadd.s32 s10, v16  }
0x520: {  	v26 =	vadd.f32 v27, v26;
	_ =	sdelay $0x1  }
0x521: {  	[tilespmem:s3+$0xFFFFFD60] =	vst v26  }
0x522: {  	v26 =	vld.idx.msk [tilespmem:v44+s18+$0x0], $0xffff  }
0x523: {  	v27 =	vld.idx.msk [tilespmem:v45+s19+$0x0], $0xffff;
	_ =	sdelay $0x2  }
0x524: {  	v46 =	vor.u32 s10, v25  }
0x525: {  	v47 =	vadd.s32 s10, v17  }
0x526: {  	v26 =	vadd.f32 v27, v26;
	_ =	sdelay $0x1  }
0x527: {  	[tilespmem:s3+$0xFFFFFD70] =	vst v26  }
0x528: {  	v26 =	vld.idx.msk [tilespmem:v46+s18+$0x0], $0xffff  }
0x529: {  	v27 =	vld.idx.msk [tilespmem:v47+s19+$0x0], $0xffff;
	_ =	sdelay $0x1  }
0x52a: {  	s23 =	sadd.s32 $0xFFFFFC00, s1  }
0x52b: {  	v48 =	vor.u32 s23, v18  }
0x52c: {  	v49 =	vadd.s32 s23, v10  }
0x52d: {  	v26 =	vadd.f32 v27, v26;
	_ =	sdelay $0x1  }
0x52e: {  	[tilespmem:s3+$0xFFFFFD80] =	vst v26  }
0x52f: {  	v26 =	vld.idx.msk [tilespmem:v48+s18+$0x0], $0xffff  }
0x530: {  	v27 =	vld.idx.msk [tilespmem:v49+s19+$0x0], $0xffff;
	_ =	sdelay $0x2  }
0x531: {  	v50 =	vor.u32 s23, v19  }
0x532: {  	v51 =	vadd.s32 s23, v11  }
0x533: {  	v26 =	vadd.f32 v27, v26;
	_ =	sdelay $0x1  }
0x534: {  	[tilespmem:s3+$0xFFFFFD90] =	vst v26  }
0x535: {  	v26 =	vld.idx.msk [tilespmem:v50+s18+$0x0], $0xffff  }
0x536: {  	v27 =	vld.idx.msk [tilespmem:v51+s19+$0x0], $0xffff;
	_ =	sdelay $0x2  }
0x537: {  	v52 =	vor.u32 s23, v20  }
0x538: {  	v53 =	vadd.s32 s23, v12  }
0x539: {  	v26 =	vadd.f32 v27, v26;
	_ =	sdelay $0x1  }
0x53a: {  	[tilespmem:s3+$0xFFFFFDA0] =	vst v26  }
0x53b: {  	v26 =	vld.idx.msk [tilespmem:v52+s18+$0x0], $0xffff  }
0x53c: {  	v27 =	vld.idx.msk [tilespmem:v53+s19+$0x0], $0xffff;
	_ =	sdelay $0x2  }
0x53d: {  	v54 =	vor.u32 s23, v21  }
0x53e: {  	v55 =	vadd.s32 s23, v13  }
0x53f: {  	v26 =	vadd.f32 v27, v26;
	_ =	sdelay $0x1  }
0x540: {  	[tilespmem:s3+$0xFFFFFDB0] =	vst v26  }
0x541: {  	v26 =	vld.idx.msk [tilespmem:v54+s18+$0x0], $0xffff  }
0x542: {  	v27 =	vld.idx.msk [tilespmem:v55+s19+$0x0], $0xffff;
	_ =	sdelay $0x2  }
0x543: {  	v56 =	vor.u32 s23, v22  }
0x544: {  	v57 =	vadd.s32 s23, v14  }
0x545: {  	v26 =	vadd.f32 v27, v26;
	_ =	sdelay $0x1  }
0x546: {  	[tilespmem:s3+$0xFFFFFDC0] =	vst v26  }
0x547: {  	v26 =	vld.idx.msk [tilespmem:v56+s18+$0x0], $0xffff  }
0x548: {  	v27 =	vld.idx.msk [tilespmem:v57+s19+$0x0], $0xffff;
	_ =	sdelay $0x2  }
0x549: {  	v58 =	vor.u32 s23, v23  }
0x54a: {  	v59 =	vadd.s32 s23, v15  }
0x54b: {  	v26 =	vadd.f32 v27, v26;
	_ =	sdelay $0x1  }
0x54c: {  	[tilespmem:s3+$0xFFFFFDD0] =	vst v26  }
0x54d: {  	v26 =	vld.idx.msk [tilespmem:v58+s18+$0x0], $0xffff  }
0x54e: {  	v27 =	vld.idx.msk [tilespmem:v59+s19+$0x0], $0xffff;
	_ =	sdelay $0x2  }
0x54f: {  	v60 =	vor.u32 s23, v24  }
0x550: {  	v61 =	vadd.s32 s23, v16  }
0x551: {  	v26 =	vadd.f32 v27, v26;
	_ =	sdelay $0x1  }
0x552: {  	[tilespmem:s3+$0xFFFFFDE0] =	vst v26  }
0x553: {  	v26 =	vld.idx.msk [tilespmem:v60+s18+$0x0], $0xffff  }
0x554: {  	v27 =	vld.idx.msk [tilespmem:v61+s19+$0x0], $0xffff;
	_ =	sdelay $0x2  }
0x555: {  	v62 =	vor.u32 s23, v25  }
0x556: {  	v63 =	vadd.s32 s23, v17  }
0x557: {  	v26 =	vadd.f32 v27, v26;
	_ =	sdelay $0x1  }
0x558: {  	[tilespmem:s3+$0xFFFFFDF0] =	vst v26  }
0x559: {  	v26 =	vld.idx.msk [tilespmem:v62+s18+$0x0], $0xffff  }
0x55a: {  	v27 =	vld.idx.msk [tilespmem:v63+s19+$0x0], $0xffff;
	_ =	sdelay $0x1  }
0x55b: {  	s24 =	sadd.s32 $0xFFFFFD00, s1  }
0x55c: {  	v32 =	vor.u32 s24, v18  }
0x55d: {  	v33 =	vadd.s32 s24, v10  }
0x55e: {  	v26 =	vadd.f32 v27, v26;
	_ =	sdelay $0x1  }
0x55f: {  	[tilespmem:s3+$0xFFFFFE00] =	vst v26  }
0x560: {  	v26 =	vld.idx.msk [tilespmem:v32+s18+$0x0], $0xffff  }
0x561: {  	v27 =	vld.idx.msk [tilespmem:v33+s19+$0x0], $0xffff;
	_ =	sdelay $0x2  }
0x562: {  	v34 =	vor.u32 s24, v19  }
0x563: {  	v35 =	vadd.s32 s24, v11  }
0x564: {  	v26 =	vadd.f32 v27, v26;
	_ =	sdelay $0x1  }
0x565: {  	[tilespmem:s3+$0xFFFFFE10] =	vst v26  }
0x566: {  	v26 =	vld.idx.msk [tilespmem:v34+s18+$0x0], $0xffff  }
0x567: {  	v27 =	vld.idx.msk [tilespmem:v35+s19+$0x0], $0xffff;
	_ =	sdelay $0x2  }
0x568: {  	v36 =	vor.u32 s24, v20  }
0x569: {  	v37 =	vadd.s32 s24, v12  }
0x56a: {  	v26 =	vadd.f32 v27, v26;
	_ =	sdelay $0x1  }
0x56b: {  	[tilespmem:s3+$0xFFFFFE20] =	vst v26  }
0x56c: {  	v26 =	vld.idx.msk [tilespmem:v36+s18+$0x0], $0xffff  }
0x56d: {  	v27 =	vld.idx.msk [tilespmem:v37+s19+$0x0], $0xffff;
	_ =	sdelay $0x2  }
0x56e: {  	v38 =	vor.u32 s24, v21  }
0x56f: {  	v39 =	vadd.s32 s24, v13  }
0x570: {  	v26 =	vadd.f32 v27, v26;
	_ =	sdelay $0x1  }
0x571: {  	[tilespmem:s3+$0xFFFFFE30] =	vst v26  }
0x572: {  	v26 =	vld.idx.msk [tilespmem:v38+s18+$0x0], $0xffff  }
0x573: {  	v27 =	vld.idx.msk [tilespmem:v39+s19+$0x0], $0xffff;
	_ =	sdelay $0x2  }
0x574: {  	v40 =	vor.u32 s24, v22  }
0x575: {  	v41 =	vadd.s32 s24, v14  }
0x576: {  	v26 =	vadd.f32 v27, v26;
	_ =	sdelay $0x1  }
0x577: {  	[tilespmem:s3+$0xFFFFFE40] =	vst v26  }
0x578: {  	v26 =	vld.idx.msk [tilespmem:v40+s18+$0x0], $0xffff  }
0x579: {  	v27 =	vld.idx.msk [tilespmem:v41+s19+$0x0], $0xffff;
	_ =	sdelay $0x2  }
0x57a: {  	v42 =	vor.u32 s24, v23  }
0x57b: {  	v43 =	vadd.s32 s24, v15  }
0x57c: {  	v26 =	vadd.f32 v27, v26;
	_ =	sdelay $0x1  }
0x57d: {  	[tilespmem:s3+$0xFFFFFE50] =	vst v26  }
0x57e: {  	v26 =	vld.idx.msk [tilespmem:v42+s18+$0x0], $0xffff  }
0x57f: {  	v27 =	vld.idx.msk [tilespmem:v43+s19+$0x0], $0xffff;
	_ =	sdelay $0x2  }
0x580: {  	v44 =	vor.u32 s24, v24  }
0x581: {  	v45 =	vadd.s32 s24, v16  }
0x582: {  	v26 =	vadd.f32 v27, v26;
	_ =	sdelay $0x1  }
0x583: {  	[tilespmem:s3+$0xFFFFFE60] =	vst v26  }
0x584: {  	v26 =	vld.idx.msk [tilespmem:v44+s18+$0x0], $0xffff  }
0x585: {  	v27 =	vld.idx.msk [tilespmem:v45+s19+$0x0], $0xffff;
	_ =	sdelay $0x2  }
0x586: {  	v46 =	vor.u32 s24, v25  }
0x587: {  	v47 =	vadd.s32 s24, v17  }
0x588: {  	v26 =	vadd.f32 v27, v26;
	_ =	sdelay $0x1  }
0x589: {  	[tilespmem:s3+$0xFFFFFE70] =	vst v26  }
0x58a: {  	v26 =	vld.idx.msk [tilespmem:v46+s18+$0x0], $0xffff  }
0x58b: {  	v27 =	vld.idx.msk [tilespmem:v47+s19+$0x0], $0xffff;
	_ =	sdelay $0x1  }
0x58c: {  	s25 =	sadd.s32 $0xFFFFFE00, s1  }
0x58d: {  	v48 =	vor.u32 s25, v18  }
0x58e: {  	v49 =	vadd.s32 s25, v10  }
0x58f: {  	v26 =	vadd.f32 v27, v26;
	_ =	sdelay $0x1  }
0x590: {  	[tilespmem:s3+$0xFFFFFE80] =	vst v26  }
0x591: {  	v26 =	vld.idx.msk [tilespmem:v48+s18+$0x0], $0xffff  }
0x592: {  	v27 =	vld.idx.msk [tilespmem:v49+s19+$0x0], $0xffff;
	_ =	sdelay $0x2  }
0x593: {  	v50 =	vor.u32 s25, v19  }
0x594: {  	v51 =	vadd.s32 s25, v11  }
0x595: {  	v26 =	vadd.f32 v27, v26;
	_ =	sdelay $0x1  }
0x596: {  	[tilespmem:s3+$0xFFFFFE90] =	vst v26  }
0x597: {  	v26 =	vld.idx.msk [tilespmem:v50+s18+$0x0], $0xffff  }
0x598: {  	v27 =	vld.idx.msk [tilespmem:v51+s19+$0x0], $0xffff;
	_ =	sdelay $0x2  }
0x599: {  	v52 =	vor.u32 s25, v20  }
0x59a: {  	v53 =	vadd.s32 s25, v12  }
0x59b: {  	v26 =	vadd.f32 v27, v26;
	_ =	sdelay $0x1  }
0x59c: {  	[tilespmem:s3+$0xFFFFFEA0] =	vst v26  }
0x59d: {  	v26 =	vld.idx.msk [tilespmem:v52+s18+$0x0], $0xffff  }
0x59e: {  	v27 =	vld.idx.msk [tilespmem:v53+s19+$0x0], $0xffff;
	_ =	sdelay $0x2  }
0x59f: {  	v54 =	vor.u32 s25, v21  }
0x5a0: {  	v55 =	vadd.s32 s25, v13  }
0x5a1: {  	v26 =	vadd.f32 v27, v26;
	_ =	sdelay $0x1  }
0x5a2: {  	[tilespmem:s3+$0xFFFFFEB0] =	vst v26  }
0x5a3: {  	v26 =	vld.idx.msk [tilespmem:v54+s18+$0x0], $0xffff  }
0x5a4: {  	v27 =	vld.idx.msk [tilespmem:v55+s19+$0x0], $0xffff;
	_ =	sdelay $0x2  }
0x5a5: {  	v56 =	vor.u32 s25, v22  }
0x5a6: {  	v57 =	vadd.s32 s25, v14  }
0x5a7: {  	v26 =	vadd.f32 v27, v26;
	_ =	sdelay $0x1  }
0x5a8: {  	[tilespmem:s3+$0xFFFFFEC0] =	vst v26  }
0x5a9: {  	v26 =	vld.idx.msk [tilespmem:v56+s18+$0x0], $0xffff  }
0x5aa: {  	v27 =	vld.idx.msk [tilespmem:v57+s19+$0x0], $0xffff;
	_ =	sdelay $0x2  }
0x5ab: {  	v58 =	vor.u32 s25, v23  }
0x5ac: {  	v59 =	vadd.s32 s25, v15  }
0x5ad: {  	v26 =	vadd.f32 v27, v26;
	_ =	sdelay $0x1  }
0x5ae: {  	[tilespmem:s3+$0xFFFFFED0] =	vst v26  }
0x5af: {  	v26 =	vld.idx.msk [tilespmem:v58+s18+$0x0], $0xffff  }
0x5b0: {  	v27 =	vld.idx.msk [tilespmem:v59+s19+$0x0], $0xffff;
	_ =	sdelay $0x2  }
0x5b1: {  	v60 =	vor.u32 s25, v24  }
0x5b2: {  	v61 =	vadd.s32 s25, v16  }
0x5b3: {  	v26 =	vadd.f32 v27, v26;
	_ =	sdelay $0x1  }
0x5b4: {  	[tilespmem:s3+$0xFFFFFEE0] =	vst v26  }
0x5b5: {  	v26 =	vld.idx.msk [tilespmem:v60+s18+$0x0], $0xffff  }
0x5b6: {  	v27 =	vld.idx.msk [tilespmem:v61+s19+$0x0], $0xffff;
	_ =	sdelay $0x2  }
0x5b7: {  	v62 =	vor.u32 s25, v25  }
0x5b8: {  	v63 =	vadd.s32 s25, v17  }
0x5b9: {  	v26 =	vadd.f32 v27, v26;
	_ =	sdelay $0x1  }
0x5ba: {  	[tilespmem:s3+$0xFFFFFEF0] =	vst v26  }
0x5bb: {  	v26 =	vld.idx.msk [tilespmem:v62+s18+$0x0], $0xffff  }
0x5bc: {  	v27 =	vld.idx.msk [tilespmem:v63+s19+$0x0], $0xffff;
	_ =	sdelay $0x1  }
0x5bd: {  	s26 =	sadd.s32 $0xFFFFFF00, s1  }
0x5be: {  	v32 =	vor.u32 s26, v18  }
0x5bf: {  	v33 =	vadd.s32 s26, v10  }
0x5c0: {  	v26 =	vadd.f32 v27, v26;
	_ =	sdelay $0x1  }
0x5c1: {  	[tilespmem:s3+$0xFFFFFF00] =	vst v26  }
0x5c2: {  	v26 =	vld.idx.msk [tilespmem:v32+s18+$0x0], $0xffff  }
0x5c3: {  	v27 =	vld.idx.msk [tilespmem:v33+s19+$0x0], $0xffff;
	_ =	sdelay $0x2  }
0x5c4: {  	v34 =	vor.u32 s26, v19  }
0x5c5: {  	v35 =	vadd.s32 s26, v11  }
0x5c6: {  	v26 =	vadd.f32 v27, v26;
	_ =	sdelay $0x1  }
0x5c7: {  	[tilespmem:s3+$0xFFFFFF10] =	vst v26  }
0x5c8: {  	v26 =	vld.idx.msk [tilespmem:v34+s18+$0x0], $0xffff  }
0x5c9: {  	v27 =	vld.idx.msk [tilespmem:v35+s19+$0x0], $0xffff;
	_ =	sdelay $0x2  }
0x5ca: {  	v36 =	vor.u32 s26, v20  }
0x5cb: {  	v37 =	vadd.s32 s26, v12  }
0x5cc: {  	v26 =	vadd.f32 v27, v26;
	_ =	sdelay $0x1  }
0x5cd: {  	[tilespmem:s3+$0xFFFFFF20] =	vst v26  }
0x5ce: {  	v26 =	vld.idx.msk [tilespmem:v36+s18+$0x0], $0xffff  }
0x5cf: {  	v27 =	vld.idx.msk [tilespmem:v37+s19+$0x0], $0xffff;
	_ =	sdelay $0x2  }
0x5d0: {  	v38 =	vor.u32 s26, v21  }
0x5d1: {  	v39 =	vadd.s32 s26, v13  }
0x5d2: {  	v26 =	vadd.f32 v27, v26;
	_ =	sdelay $0x1  }
0x5d3: {  	[tilespmem:s3+$0xFFFFFF30] =	vst v26  }
0x5d4: {  	v26 =	vld.idx.msk [tilespmem:v38+s18+$0x0], $0xffff  }
0x5d5: {  	v27 =	vld.idx.msk [tilespmem:v39+s19+$0x0], $0xffff;
	_ =	sdelay $0x2  }
0x5d6: {  	v40 =	vor.u32 s26, v22  }
0x5d7: {  	v41 =	vadd.s32 s26, v14  }
0x5d8: {  	v26 =	vadd.f32 v27, v26;
	_ =	sdelay $0x1  }
0x5d9: {  	[tilespmem:s3+$0xFFFFFF40] =	vst v26  }
0x5da: {  	v26 =	vld.idx.msk [tilespmem:v40+s18+$0x0], $0xffff  }
0x5db: {  	v27 =	vld.idx.msk [tilespmem:v41+s19+$0x0], $0xffff;
	_ =	sdelay $0x2  }
0x5dc: {  	v42 =	vor.u32 s26, v23  }
0x5dd: {  	v43 =	vadd.s32 s26, v15  }
0x5de: {  	v26 =	vadd.f32 v27, v26;
	_ =	sdelay $0x1  }
0x5df: {  	[tilespmem:s3+$0xFFFFFF50] =	vst v26  }
0x5e0: {  	v26 =	vld.idx.msk [tilespmem:v42+s18+$0x0], $0xffff  }
0x5e1: {  	v27 =	vld.idx.msk [tilespmem:v43+s19+$0x0], $0xffff;
	_ =	sdelay $0x2  }
0x5e2: {  	v44 =	vor.u32 s26, v24  }
0x5e3: {  	v45 =	vadd.s32 s26, v16  }
0x5e4: {  	v26 =	vadd.f32 v27, v26;
	_ =	sdelay $0x1  }
0x5e5: {  	[tilespmem:s3+$0xFFFFFF60] =	vst v26  }
0x5e6: {  	v26 =	vld.idx.msk [tilespmem:v44+s18+$0x0], $0xffff  }
0x5e7: {  	v27 =	vld.idx.msk [tilespmem:v45+s19+$0x0], $0xffff;
	_ =	sdelay $0x2  }
0x5e8: {  	v46 =	vor.u32 s26, v25  }
0x5e9: {  	v47 =	vadd.s32 s26, v17  }
0x5ea: {  	v26 =	vadd.f32 v27, v26;
	_ =	sdelay $0x1  }
0x5eb: {  	[tilespmem:s3+$0xFFFFFF70] =	vst v26  }
0x5ec: {  	v26 =	vld.idx.msk [tilespmem:v46+s18+$0x0], $0xffff  }
0x5ed: {  	v27 =	vld.idx.msk [tilespmem:v47+s19+$0x0], $0xffff;
	_ =	sdelay $0x2  }
0x5ee: {  	v48 =	vor.u32 s1, v18  }
0x5ef: {  	v49 =	vadd.s32 s1, v10  }
0x5f0: {  	v26 =	vadd.f32 v27, v26;
	_ =	sdelay $0x1  }
0x5f1: {  	[tilespmem:s3+$0xFFFFFF80] =	vst v26  }
0x5f2: {  	v26 =	vld.idx.msk [tilespmem:v48+s18+$0x0], $0xffff  }
0x5f3: {  	v27 =	vld.idx.msk [tilespmem:v49+s19+$0x0], $0xffff;
	_ =	sdelay $0x2  }
0x5f4: {  	v50 =	vor.u32 s1, v19  }
0x5f5: {  	v51 =	vadd.s32 s1, v11  }
0x5f6: {  	v26 =	vadd.f32 v27, v26;
	_ =	sdelay $0x1  }
0x5f7: {  	[tilespmem:s3+$0xFFFFFF90] =	vst v26  }
0x5f8: {  	v26 =	vld.idx.msk [tilespmem:v50+s18+$0x0], $0xffff  }
0x5f9: {  	v27 =	vld.idx.msk [tilespmem:v51+s19+$0x0], $0xffff;
	_ =	sdelay $0x2  }
0x5fa: {  	v52 =	vor.u32 s1, v20  }
0x5fb: {  	v53 =	vadd.s32 s1, v12  }
0x5fc: {  	v26 =	vadd.f32 v27, v26;
	_ =	sdelay $0x1  }
0x5fd: {  	[tilespmem:s3+$0xFFFFFFA0] =	vst v26  }
0x5fe: {  	v26 =	vld.idx.msk [tilespmem:v52+s18+$0x0], $0xffff  }
0x5ff: {  	v27 =	vld.idx.msk [tilespmem:v53+s19+$0x0], $0xffff;
	_ =	sdelay $0x2  }
0x600: {  	v54 =	vor.u32 s1, v21  }
0x601: {  	v55 =	vadd.s32 s1, v13  }
0x602: {  	v26 =	vadd.f32 v27, v26;
	_ =	sdelay $0x1  }
0x603: {  	[tilespmem:s3+$0xFFFFFFB0] =	vst v26  }
0x604: {  	v26 =	vld.idx.msk [tilespmem:v54+s18+$0x0], $0xffff  }
0x605: {  	v27 =	vld.idx.msk [tilespmem:v55+s19+$0x0], $0xffff;
	_ =	sdelay $0x2  }
0x606: {  	v56 =	vor.u32 s1, v22  }
0x607: {  	v57 =	vadd.s32 s1, v14  }
0x608: {  	v26 =	vadd.f32 v27, v26;
	_ =	sdelay $0x1  }
0x609: {  	[tilespmem:s3+$0xFFFFFFC0] =	vst v26  }
0x60a: {  	v26 =	vld.idx.msk [tilespmem:v56+s18+$0x0], $0xffff  }
0x60b: {  	v27 =	vld.idx.msk [tilespmem:v57+s19+$0x0], $0xffff;
	_ =	sdelay $0x2  }
0x60c: {  	v58 =	vor.u32 s1, v23  }
0x60d: {  	v59 =	vadd.s32 s1, v15  }
0x60e: {  	v26 =	vadd.f32 v27, v26;
	_ =	sdelay $0x1  }
0x60f: {  	[tilespmem:s3+$0xFFFFFFD0] =	vst v26  }
0x610: {  	v26 =	vld.idx.msk [tilespmem:v58+s18+$0x0], $0xffff  }
0x611: {  	v27 =	vld.idx.msk [tilespmem:v59+s19+$0x0], $0xffff;
	_ =	sdelay $0x2  }
0x612: {  	v60 =	vor.u32 s1, v24  }
0x613: {  	v61 =	vadd.s32 s1, v16  }
0x614: {  	v26 =	vadd.f32 v27, v26;
	_ =	sdelay $0x1  }
0x615: {  	[tilespmem:s3+$0xFFFFFFE0] =	vst v26  }
0x616: {  	v26 =	vld.idx.msk [tilespmem:v60+s18+$0x0], $0xffff  }
0x617: {  	v27 =	vld.idx.msk [tilespmem:v61+s19+$0x0], $0xffff;
	_ =	sdelay $0x2  }
0x618: {  	v62 =	vor.u32 s1, v25  }
0x619: {  	v63 =	vadd.s32 s1, v17  }
0x61a: {  	v26 =	vadd.f32 v27, v26;
	_ =	sdelay $0x1  }
0x61b: {  	[tilespmem:s3+$0xFFFFFFF0] =	vst v26  }
0x61c: {  	v26 =	vld.idx.msk [tilespmem:v62+s18+$0x0], $0xffff  }
0x61d: {  	v27 =	vld.idx.msk [tilespmem:v63+s19+$0x0], $0xffff;
	_ =	sdelay $0x1  }
0x61e: {  	p0 =	sne.s32 s1, $0x3F00  }
.Ltmp13:
0x61f: {  	_ = 	snop;
	(pc) =	sbr.rel @p0 .LBB2_19-.Ltmp13, $3  }
0x620: {  	_ = 	snop  }
0x621: {  	v26 =	vadd.f32 v27, v26;
	_ =	sdelay $0x1  }
0x622: {  	s1 =	sadd.s32 $0x800, s1;
	[tilespmem:s3+$0x0] =	vst v26;
	s3 =	sadd.s32 $0x400, s3  }
.Ltmp14:
0x623: {  	_ = 	snop;
	(pc) =	sbr.rel .LBB2_20-.Ltmp14, $1  }
0x624: {  	_ =	sdelay $0x3  }
.LBB2_22:
0x625: {  	_ =	sfence.sel $0x180000  }
0x626: {  	[bflag:$0x0] =	sbarrier.arrive $0xFFFF  }
0x627: {  	_ =	strace $0x90000047  }
0x628: {  	s0 =	stileid.u32;
	[bflag:$0x2] =	sbarrier.arrive $0xFFFF  }
0x629: {  	p0 =	sne.s32 s0, $0x0;
	s0 =	rddreg [dreg:$0x2]  }
0x62a: {  	s0 =	sadd.s32 @!p0 $0x100000, s0  }
0x62b: {  	[sflag:s0] =	ssyncadd.tile.s32 @!p0 $0x1;
	_ =	shalt  }
.Lfunc_end2:
_tile_overlayer_lowered:
.L_overlay_start_2:
0x62c: {  	(tag) =	ssettag $0x2  }
0x62d: {  	s0 =	rddreg [dreg:$0x0];
	s2 =	stileid.u32  }
0x62e: {  	s1 =	rddreg [dreg:$0x1];
	p0 =	sne.s32 s2, $0x0  }
0x62f: {  	s3 =	rddreg [dreg:$0x2];
	[bflag:$0x3] =	sbarrier.arrive $0xFFFF;
	s2 =	simm.s32 @!p0 $0x1C03  }
0x630: {  	[timem:s3], [sflag:s2] =	dma.local @!p0 [hbm:s0], s1  }
0x631: {  	s0 =	simm.s32 @!p0 $0x3  }
0x632: {  	_ =	swait.ge @!p0 [sflag:s0], s1  }
0x633: {  	s1 =	ssub.s32 @!p0 $0x0, s1;
	[sflag:s0] =	ssyncset.done @!p0 $0x0  }
0x634: {  	[sflag:s0] =	ssyncadd.s32 @!p0 s1  }
0x635: {  	[bflag:$0x3] =	sbarrier.arrive $0xFFFF  }
0x636: {  	_ =	shalt  }

</sc_bundles>
